<compile_context>
chip_gen: v7x
topology: tpu7x:2x2x1
jax: 0.10.2.dev20260603
libtpu: 0.0.44.dev20260713+nightly
codegen_flags: <defaults>
</compile_context>

<pallas_src>
import functools

import jax
import jax.numpy as jnp
from jax import lax
from jax.experimental import pallas as pl
from jax.experimental.pallas import tpu as pltpu
from jax.experimental.pallas import tpu_sc as plsc

NC = 2
NS = 16
NW = NC * NS

SLABS = 32


def _sc_gather(table, idx2d, *, b0, b1, d):
    spw = b0 // NW
    nch = spw // SLABS
    mesh = plsc.VectorSubcoreMesh(
        core_axis_name="c", subcore_axis_name="s", num_cores=NC, num_subcores=NS
    )

    @functools.partial(
        pl.kernel,
        out_type=jax.ShapeDtypeStruct((b0, b1, d), jnp.float32),
        mesh=mesh,
        compiler_params=pltpu.CompilerParams(use_tc_tiling_on_sc=False),
        scratch_types=[
            pltpu.VMEM((spw, b1), jnp.int32),
            pltpu.VMEM((SLABS, b1, d), jnp.float32),
            pltpu.VMEM((SLABS, b1, d), jnp.float32),
            pltpu.SemaphoreType.DMA,
            pltpu.SemaphoreType.DMA,
            pltpu.SemaphoreType.DMA,
            pltpu.SemaphoreType.DMA,
        ],
    )
    def grab(
        table_hbm, idx_hbm, out_hbm, idx_v, buf0, buf1, gs0, gs1, ss0, ss1
    ):
        wid = lax.axis_index("s") * NC + lax.axis_index("c")
        base = wid * spw
        pltpu.sync_copy(idx_hbm.at[pl.ds(base, spw)], idx_v)

        bufs = (buf0, buf1)
        gsems = (gs0, gs1)
        ssems = (ss0, ss1)

        def store_copy(j, b):
            return pltpu.make_async_copy(
                bufs[b], out_hbm.at[pl.ds(base + j * SLABS, SLABS)], ssems[b]
            )

        def gather_start(j, b):
            for g in range(SLABS):
                pltpu.make_async_copy(
                    table_hbm.at[idx_v.at[j * SLABS + g]], bufs[b].at[g], gsems[b]
                ).start()

        def gather_wait(b):
            for g in range(SLABS):
                pltpu.make_async_copy(
                    table_hbm.at[idx_v.at[0]], bufs[b].at[g], gsems[b]
                ).wait()

        gather_start(0, 0)

        def outer(g, carry):
            for b in range(2):
                j = g * 2 + b

                @pl.when(j + 1 < nch)
                def _():
                    @pl.when(j >= 1)
                    def _():
                        store_copy(0, 1 - b).wait()

                    gather_start(j + 1, 1 - b)

                gather_wait(b)
                store_copy(j, b).start()
            return carry

        lax.fori_loop(0, nch // 2, outer, 0, unroll=False)
        store_copy(0, 0).wait()
        store_copy(0, 1).wait()

    return grab(table, idx2d)


def kernel(arg0_1, arg1_1):
    b0, b1 = arg0_1.shape
    v, d = arg1_1.shape
    idx2d = arg0_1.astype(jnp.int32)
    return (_sc_gather(arg1_1, idx2d, b0=b0, b1=b1, d=d),)

# --- scband reference (transcript-rebuilt; emitter-appended) ---
"""Pipeline reference for scband-repro-11879879542541 (READ-ONLY COPY).

The authoritative reference and input builder live on the scoring server;
editing this copy changes nothing except your own understanding.
"""

import jax, jax.numpy as jnp
import numpy as np


def setup_inputs(seed: int = 0) -> dict:
    key = jax.random.key(seed)
    k0, k1 = jax.random.split(key)
    arg0_1 = jax.random.randint(k0, (16384, 26), 0, 1000000, dtype=jnp.int64)
    arg1_1 = jax.random.normal(k1, (1000000, 64), dtype=jnp.float32)
    return {"arg0_1": arg0_1, "arg1_1": arg1_1}


def reference(arg0_1, arg1_1):
    # aten.index.Tensor(arg1_1, [arg0_1]) == advanced indexing on dim 0 == gather rows
    index_tensor = jnp.take(arg1_1, arg0_1, axis=0)
    return (index_tensor,)

if __name__ == "__main__":
    import jax
    _d = setup_inputs()
    print(jax.jit(kernel)(*tuple(_d.values())))

</pallas_src>

<mosaic_0001>
#map = affine_map<(d0, d1) -> (0, 0)>
#map1 = affine_map<(d0, d1) -> (0, 0, 0)>
module attributes {stable_mosaic.version = 14 : i64} {
  func.func @grab(%arg0: i32, %arg1: i32, %arg2: memref<1000000x64xf32, #tpu.memory_space<hbm>>, %arg3: memref<16384x26xi32, #tpu.memory_space<hbm>>, %arg4: memref<16384x26x64xf32, #tpu.memory_space<hbm>>, %arg5: memref<512x26xi32, #tpu.memory_space<vmem>>, %arg6: memref<32x26x64xf32, #tpu.memory_space<vmem>>, %arg7: memref<32x26x64xf32, #tpu.memory_space<vmem>>, %arg8: memref<!tpu.dma_semaphore, #tpu.memory_space<semaphore_mem>>, %arg9: memref<!tpu.dma_semaphore, #tpu.memory_space<semaphore_mem>>, %arg10: memref<!tpu.dma_semaphore, #tpu.memory_space<semaphore_mem>>, %arg11: memref<!tpu.dma_semaphore, #tpu.memory_space<semaphore_mem>>) attributes {dimension_semantics = [#tpu.dimension_semantics<core_parallel>, #tpu.dimension_semantics<subcore_parallel>], iteration_bounds = array<i64: 2, 16>, scalar_prefetch = 0 : i64, scratch_operands = 7 : i64, tpu.core_type = #tpu.core_type<sc_vector_subcore>, window_params = [{transform_indices = #map}, {transform_indices = #map}, {transform_indices = #map1}]} {
    %mul3A = arith.constant 2 : i32
    %mul3A_0 = arith.muli %arg1, %mul3A : i32
    %add3A = arith.addi %mul3A_0, %arg0 : i32
    %mul3A_1 = arith.constant 512 : i32
    %mul3A_2 = arith.muli %add3A, %mul3A_1 : i32
    "tpu.region"() ({
      %run_scoped3A = tpu.sem_alloc : memref<!tpu.dma_semaphore, #tpu.memory_space<semaphore_mem>>
      %dma_start3A_406 = arith.constant 0 : i32
      %dma_start3A_407 = tpu.memref_slice %arg3[%mul3A_2, %dma_start3A_406] : memref<16384x26xi32, #tpu.memory_space<hbm>> -> memref<512x26xi32, #tpu.memory_space<hbm>>
      %dma_start3A_408 = arith.constant 0 : i32
      %dma_start3A_409 = tpu.memref_slice %arg3[%mul3A_2, %dma_start3A_408] : memref<16384x26xi32, #tpu.memory_space<hbm>> -> memref<512x26xi32, #tpu.memory_space<hbm>>
      tpu.enqueue_dma source(%dma_start3A_409 : memref<512x26xi32, #tpu.memory_space<hbm>>) target(%arg5 : memref<512x26xi32, #tpu.memory_space<vmem>>) target_semaphore(%run_scoped3A : memref<!tpu.dma_semaphore, #tpu.memory_space<semaphore_mem>>)
      %dma_wait3A_410 = arith.constant 0 : i32
      %dma_wait3A_411 = tpu.memref_slice %arg3[%mul3A_2, %dma_wait3A_410] : memref<16384x26xi32, #tpu.memory_space<hbm>> -> memref<512x26xi32, #tpu.memory_space<hbm>>
      %dma_wait3A_412 = arith.constant 0 : i32
      %dma_wait3A_413 = tpu.memref_slice %arg3[%mul3A_2, %dma_wait3A_412] : memref<16384x26xi32, #tpu.memory_space<hbm>> -> memref<512x26xi32, #tpu.memory_space<hbm>>
      tpu.wait_dma2 semaphore(%run_scoped3A : memref<!tpu.dma_semaphore, #tpu.memory_space<semaphore_mem>>) src(%dma_wait3A_413 : memref<512x26xi32, #tpu.memory_space<hbm>>) dst(%arg5 : memref<512x26xi32, #tpu.memory_space<vmem>>)
      tpu.yield
    }) : () -> ()
    %dma_start3A = arith.constant 0 : i32
    %dma_start3A_3 = arith.constant 0 : i32
    %dma_start3A_4 = arith.constant 0 : i32
    %dma_start3A_5 = arith.constant 0 : i32
    %dma_start3A_6 = tpu.memref_slice %arg6[%dma_start3A_3, %dma_start3A_4, %dma_start3A_5] : memref<32x26x64xf32, #tpu.memory_space<vmem>> -> memref<1x26x64xf32, #tpu.memory_space<vmem>>
    %dma_start3A_7 = tpu.memref_squeeze %dma_start3A_6 : memref<1x26x64xf32, #tpu.memory_space<vmem>> -> memref<26x64xf32, #tpu.memory_space<vmem>>
    %dma_start3A_8 = arith.constant 0 : i32
    %dma_start3A_9 = tpu.memref_slice %arg5[%dma_start3A, %dma_start3A_8] : memref<512x26xi32, #tpu.memory_space<vmem>> -> memref<1x26xi32, #tpu.memory_space<vmem>>
    %dma_start3A_10 = tpu.memref_squeeze %dma_start3A_9 : memref<1x26xi32, #tpu.memory_space<vmem>> -> memref<26xi32, #tpu.memory_space<vmem>>
    %dma_start3A_11 = arith.constant 0 : i32
    %dma_start3A_12 = arith.constant 0 : i32
    %dma_start3A_13 = tpu.memref_slice %arg2[%dma_start3A_11, %dma_start3A_12] : memref<1000000x64xf32, #tpu.memory_space<hbm>> -> memref<1000000x64xf32, #tpu.memory_space<hbm>>
    tpu.enqueue_indirect_dma source(%dma_start3A_13 : memref<1000000x64xf32, #tpu.memory_space<hbm>>) target(%dma_start3A_7 : memref<26x64xf32, #tpu.memory_space<vmem>>) offsets(%dma_start3A_10 : memref<26xi32, #tpu.memory_space<vmem>>) semaphore(%arg8 : memref<!tpu.dma_semaphore, #tpu.memory_space<semaphore_mem>>)
    %dma_start3A_14 = arith.constant 1 : i32
    %dma_start3A_15 = arith.constant 1 : i32
    %dma_start3A_16 = arith.constant 0 : i32
    %dma_start3A_17 = arith.constant 0 : i32
    %dma_start3A_18 = tpu.memref_slice %arg6[%dma_start3A_15, %dma_start3A_16, %dma_start3A_17] : memref<32x26x64xf32, #tpu.memory_space<vmem>> -> memref<1x26x64xf32, #tpu.memory_space<vmem>>
    %dma_start3A_19 = tpu.memref_squeeze %dma_start3A_18 : memref<1x26x64xf32, #tpu.memory_space<vmem>> -> memref<26x64xf32, #tpu.memory_space<vmem>>
    %dma_start3A_20 = arith.constant 0 : i32
    %dma_start3A_21 = tpu.memref_slice %arg5[%dma_start3A_14, %dma_start3A_20] : memref<512x26xi32, #tpu.memory_space<vmem>> -> memref<1x26xi32, #tpu.memory_space<vmem>>
    %dma_start3A_22 = tpu.memref_squeeze %dma_start3A_21 : memref<1x26xi32, #tpu.memory_space<vmem>> -> memref<26xi32, #tpu.memory_space<vmem>>
    %dma_start3A_23 = arith.constant 0 : i32
    %dma_start3A_24 = arith.constant 0 : i32
    %dma_start3A_25 = tpu.memref_slice %arg2[%dma_start3A_23, %dma_start3A_24] : memref<1000000x64xf32, #tpu.memory_space<hbm>> -> memref<1000000x64xf32, #tpu.memory_space<hbm>>
    tpu.enqueue_indirect_dma source(%dma_start3A_25 : memref<1000000x64xf32, #tpu.memory_space<hbm>>) target(%dma_start3A_19 : memref<26x64xf32, #tpu.memory_space<vmem>>) offsets(%dma_start3A_22 : memref<26xi32, #tpu.memory_space<vmem>>) semaphore(%arg8 : memref<!tpu.dma_semaphore, #tpu.memory_space<semaphore_mem>>)
    %dma_start3A_26 = arith.constant 2 : i32
    %dma_start3A_27 = arith.constant 2 : i32
    %dma_start3A_28 = arith.constant 0 : i32
    %dma_start3A_29 = arith.constant 0 : i32
    %dma_start3A_30 = tpu.memref_slice %arg6[%dma_start3A_27, %dma_start3A_28, %dma_start3A_29] : memref<32x26x64xf32, #tpu.memory_space<vmem>> -> memref<1x26x64xf32, #tpu.memory_space<vmem>>
    %dma_start3A_31 = tpu.memref_squeeze %dma_start3A_30 : memref<1x26x64xf32, #tpu.memory_space<vmem>> -> memref<26x64xf32, #tpu.memory_space<vmem>>
    %dma_start3A_32 = arith.constant 0 : i32
    %dma_start3A_33 = tpu.memref_slice %arg5[%dma_start3A_26, %dma_start3A_32] : memref<512x26xi32, #tpu.memory_space<vmem>> -> memref<1x26xi32, #tpu.memory_space<vmem>>
    %dma_start3A_34 = tpu.memref_squeeze %dma_start3A_33 : memref<1x26xi32, #tpu.memory_space<vmem>> -> memref<26xi32, #tpu.memory_space<vmem>>
    %dma_start3A_35 = arith.constant 0 : i32
    %dma_start3A_36 = arith.constant 0 : i32
    %dma_start3A_37 = tpu.memref_slice %arg2[%dma_start3A_35, %dma_start3A_36] : memref<1000000x64xf32, #tpu.memory_space<hbm>> -> memref<1000000x64xf32, #tpu.memory_space<hbm>>
    tpu.enqueue_indirect_dma source(%dma_start3A_37 : memref<1000000x64xf32, #tpu.memory_space<hbm>>) target(%dma_start3A_31 : memref<26x64xf32, #tpu.memory_space<vmem>>) offsets(%dma_start3A_34 : memref<26xi32, #tpu.memory_space<vmem>>) semaphore(%arg8 : memref<!tpu.dma_semaphore, #tpu.memory_space<semaphore_mem>>)
    %dma_start3A_38 = arith.constant 3 : i32
    %dma_start3A_39 = arith.constant 3 : i32
    %dma_start3A_40 = arith.constant 0 : i32
    %dma_start3A_41 = arith.constant 0 : i32
    %dma_start3A_42 = tpu.memref_slice %arg6[%dma_start3A_39, %dma_start3A_40, %dma_start3A_41] : memref<32x26x64xf32, #tpu.memory_space<vmem>> -> memref<1x26x64xf32, #tpu.memory_space<vmem>>
    %dma_start3A_43 = tpu.memref_squeeze %dma_start3A_42 : memref<1x26x64xf32, #tpu.memory_space<vmem>> -> memref<26x64xf32, #tpu.memory_space<vmem>>
    %dma_start3A_44 = arith.constant 0 : i32
    %dma_start3A_45 = tpu.memref_slice %arg5[%dma_start3A_38, %dma_start3A_44] : memref<512x26xi32, #tpu.memory_space<vmem>> -> memref<1x26xi32, #tpu.memory_space<vmem>>
    %dma_start3A_46 = tpu.memref_squeeze %dma_start3A_45 : memref<1x26xi32, #tpu.memory_space<vmem>> -> memref<26xi32, #tpu.memory_space<vmem>>
    %dma_start3A_47 = arith.constant 0 : i32
    %dma_start3A_48 = arith.constant 0 : i32
    %dma_start3A_49 = tpu.memref_slice %arg2[%dma_start3A_47, %dma_start3A_48] : memref<1000000x64xf32, #tpu.memory_space<hbm>> -> memref<1000000x64xf32, #tpu.memory_space<hbm>>
    tpu.enqueue_indirect_dma source(%dma_start3A_49 : memref<1000000x64xf32, #tpu.memory_space<hbm>>) target(%dma_start3A_43 : memref<26x64xf32, #tpu.memory_space<vmem>>) offsets(%dma_start3A_46 : memref<26xi32, #tpu.memory_space<vmem>>) semaphore(%arg8 : memref<!tpu.dma_semaphore, #tpu.memory_space<semaphore_mem>>)
    %dma_start3A_50 = arith.constant 4 : i32
    %dma_start3A_51 = arith.constant 4 : i32
    %dma_start3A_52 = arith.constant 0 : i32
    %dma_start3A_53 = arith.constant 0 : i32
    %dma_start3A_54 = tpu.memref_slice %arg6[%dma_start3A_51, %dma_start3A_52, %dma_start3A_53] : memref<32x26x64xf32, #tpu.memory_space<vmem>> -> memref<1x26x64xf32, #tpu.memory_space<vmem>>
    %dma_start3A_55 = tpu.memref_squeeze %dma_start3A_54 : memref<1x26x64xf32, #tpu.memory_space<vmem>> -> memref<26x64xf32, #tpu.memory_space<vmem>>
    %dma_start3A_56 = arith.constant 0 : i32
    %dma_start3A_57 = tpu.memref_slice %arg5[%dma_start3A_50, %dma_start3A_56] : memref<512x26xi32, #tpu.memory_space<vmem>> -> memref<1x26xi32, #tpu.memory_space<vmem>>
    %dma_start3A_58 = tpu.memref_squeeze %dma_start3A_57 : memref<1x26xi32, #tpu.memory_space<vmem>> -> memref<26xi32, #tpu.memory_space<vmem>>
    %dma_start3A_59 = arith.constant 0 : i32
    %dma_start3A_60 = arith.constant 0 : i32
    %dma_start3A_61 = tpu.memref_slice %arg2[%dma_start3A_59, %dma_start3A_60] : memref<1000000x64xf32, #tpu.memory_space<hbm>> -> memref<1000000x64xf32, #tpu.memory_space<hbm>>
    tpu.enqueue_indirect_dma source(%dma_start3A_61 : memref<1000000x64xf32, #tpu.memory_space<hbm>>) target(%dma_start3A_55 : memref<26x64xf32, #tpu.memory_space<vmem>>) offsets(%dma_start3A_58 : memref<26xi32, #tpu.memory_space<vmem>>) semaphore(%arg8 : memref<!tpu.dma_semaphore, #tpu.memory_space<semaphore_mem>>)
    %dma_start3A_62 = arith.constant 5 : i32
    %dma_start3A_63 = arith.constant 5 : i32
    %dma_start3A_64 = arith.constant 0 : i32
    %dma_start3A_65 = arith.constant 0 : i32
    %dma_start3A_66 = tpu.memref_slice %arg6[%dma_start3A_63, %dma_start3A_64, %dma_start3A_65] : memref<32x26x64xf32, #tpu.memory_space<vmem>> -> memref<1x26x64xf32, #tpu.memory_space<vmem>>
    %dma_start3A_67 = tpu.memref_squeeze %dma_start3A_66 : memref<1x26x64xf32, #tpu.memory_space<vmem>> -> memref<26x64xf32, #tpu.memory_space<vmem>>
    %dma_start3A_68 = arith.constant 0 : i32
    %dma_start3A_69 = tpu.memref_slice %arg5[%dma_start3A_62, %dma_start3A_68] : memref<512x26xi32, #tpu.memory_space<vmem>> -> memref<1x26xi32, #tpu.memory_space<vmem>>
    %dma_start3A_70 = tpu.memref_squeeze %dma_start3A_69 : memref<1x26xi32, #tpu.memory_space<vmem>> -> memref<26xi32, #tpu.memory_space<vmem>>
    %dma_start3A_71 = arith.constant 0 : i32
    %dma_start3A_72 = arith.constant 0 : i32
    %dma_start3A_73 = tpu.memref_slice %arg2[%dma_start3A_71, %dma_start3A_72] : memref<1000000x64xf32, #tpu.memory_space<hbm>> -> memref<1000000x64xf32, #tpu.memory_space<hbm>>
    tpu.enqueue_indirect_dma source(%dma_start3A_73 : memref<1000000x64xf32, #tpu.memory_space<hbm>>) target(%dma_start3A_67 : memref<26x64xf32, #tpu.memory_space<vmem>>) offsets(%dma_start3A_70 : memref<26xi32, #tpu.memory_space<vmem>>) semaphore(%arg8 : memref<!tpu.dma_semaphore, #tpu.memory_space<semaphore_mem>>)
    %dma_start3A_74 = arith.constant 6 : i32
    %dma_start3A_75 = arith.constant 6 : i32
    %dma_start3A_76 = arith.constant 0 : i32
    %dma_start3A_77 = arith.constant 0 : i32
    %dma_start3A_78 = tpu.memref_slice %arg6[%dma_start3A_75, %dma_start3A_76, %dma_start3A_77] : memref<32x26x64xf32, #tpu.memory_space<vmem>> -> memref<1x26x64xf32, #tpu.memory_space<vmem>>
    %dma_start3A_79 = tpu.memref_squeeze %dma_start3A_78 : memref<1x26x64xf32, #tpu.memory_space<vmem>> -> memref<26x64xf32, #tpu.memory_space<vmem>>
    %dma_start3A_80 = arith.constant 0 : i32
    %dma_start3A_81 = tpu.memref_slice %arg5[%dma_start3A_74, %dma_start3A_80] : memref<512x26xi32, #tpu.memory_space<vmem>> -> memref<1x26xi32, #tpu.memory_space<vmem>>
    %dma_start3A_82 = tpu.memref_squeeze %dma_start3A_81 : memref<1x26xi32, #tpu.memory_space<vmem>> -> memref<26xi32, #tpu.memory_space<vmem>>
    %dma_start3A_83 = arith.constant 0 : i32
    %dma_start3A_84 = arith.constant 0 : i32
    %dma_start3A_85 = tpu.memref_slice %arg2[%dma_start3A_83, %dma_start3A_84] : memref<1000000x64xf32, #tpu.memory_space<hbm>> -> memref<1000000x64xf32, #tpu.memory_space<hbm>>
    tpu.enqueue_indirect_dma source(%dma_start3A_85 : memref<1000000x64xf32, #tpu.memory_space<hbm>>) target(%dma_start3A_79 : memref<26x64xf32, #tpu.memory_space<vmem>>) offsets(%dma_start3A_82 : memref<26xi32, #tpu.memory_space<vmem>>) semaphore(%arg8 : memref<!tpu.dma_semaphore, #tpu.memory_space<semaphore_mem>>)
    %dma_start3A_86 = arith.constant 7 : i32
    %dma_start3A_87 = arith.constant 7 : i32
    %dma_start3A_88 = arith.constant 0 : i32
    %dma_start3A_89 = arith.constant 0 : i32
    %dma_start3A_90 = tpu.memref_slice %arg6[%dma_start3A_87, %dma_start3A_88, %dma_start3A_89] : memref<32x26x64xf32, #tpu.memory_space<vmem>> -> memref<1x26x64xf32, #tpu.memory_space<vmem>>
    %dma_start3A_91 = tpu.memref_squeeze %dma_start3A_90 : memref<1x26x64xf32, #tpu.memory_space<vmem>> -> memref<26x64xf32, #tpu.memory_space<vmem>>
    %dma_start3A_92 = arith.constant 0 : i32
    %dma_start3A_93 = tpu.memref_slice %arg5[%dma_start3A_86, %dma_start3A_92] : memref<512x26xi32, #tpu.memory_space<vmem>> -> memref<1x26xi32, #tpu.memory_space<vmem>>
    %dma_start3A_94 = tpu.memref_squeeze %dma_start3A_93 : memref<1x26xi32, #tpu.memory_space<vmem>> -> memref<26xi32, #tpu.memory_space<vmem>>
    %dma_start3A_95 = arith.constant 0 : i32
    %dma_start3A_96 = arith.constant 0 : i32
    %dma_start3A_97 = tpu.memref_slice %arg2[%dma_start3A_95, %dma_start3A_96] : memref<1000000x64xf32, #tpu.memory_space<hbm>> -> memref<1000000x64xf32, #tpu.memory_space<hbm>>
    tpu.enqueue_indirect_dma source(%dma_start3A_97 : memref<1000000x64xf32, #tpu.memory_space<hbm>>) target(%dma_start3A_91 : memref<26x64xf32, #tpu.memory_space<vmem>>) offsets(%dma_start3A_94 : memref<26xi32, #tpu.memory_space<vmem>>) semaphore(%arg8 : memref<!tpu.dma_semaphore, #tpu.memory_space<semaphore_mem>>)
    %dma_start3A_98 = arith.constant 8 : i32
    %dma_start3A_99 = arith.constant 8 : i32
    %dma_start3A_100 = arith.constant 0 : i32
    %dma_start3A_101 = arith.constant 0 : i32
    %dma_start3A_102 = tpu.memref_slice %arg6[%dma_start3A_99, %dma_start3A_100, %dma_start3A_101] : memref<32x26x64xf32, #tpu.memory_space<vmem>> -> memref<1x26x64xf32, #tpu.memory_space<vmem>>
    %dma_start3A_103 = tpu.memref_squeeze %dma_start3A_102 : memref<1x26x64xf32, #tpu.memory_space<vmem>> -> memref<26x64xf32, #tpu.memory_space<vmem>>
    %dma_start3A_104 = arith.constant 0 : i32
    %dma_start3A_105 = tpu.memref_slice %arg5[%dma_start3A_98, %dma_start3A_104] : memref<512x26xi32, #tpu.memory_space<vmem>> -> memref<1x26xi32, #tpu.memory_space<vmem>>
    %dma_start3A_106 = tpu.memref_squeeze %dma_start3A_105 : memref<1x26xi32, #tpu.memory_space<vmem>> -> memref<26xi32, #tpu.memory_space<vmem>>
    %dma_start3A_107 = arith.constant 0 : i32
    %dma_start3A_108 = arith.constant 0 : i32
    %dma_start3A_109 = tpu.memref_slice %arg2[%dma_start3A_107, %dma_start3A_108] : memref<1000000x64xf32, #tpu.memory_space<hbm>> -> memref<1000000x64xf32, #tpu.memory_space<hbm>>
    tpu.enqueue_indirect_dma source(%dma_start3A_109 : memref<1000000x64xf32, #tpu.memory_space<hbm>>) target(%dma_start3A_103 : memref<26x64xf32, #tpu.memory_space<vmem>>) offsets(%dma_start3A_106 : memref<26xi32, #tpu.memory_space<vmem>>) semaphore(%arg8 : memref<!tpu.dma_semaphore, #tpu.memory_space<semaphore_mem>>)
    %dma_start3A_110 = arith.constant 9 : i32
    %dma_start3A_111 = arith.constant 9 : i32
    %dma_start3A_112 = arith.constant 0 : i32
    %dma_start3A_113 = arith.constant 0 : i32
    %dma_start3A_114 = tpu.memref_slice %arg6[%dma_start3A_111, %dma_start3A_112, %dma_start3A_113] : memref<32x26x64xf32, #tpu.memory_space<vmem>> -> memref<1x26x64xf32, #tpu.memory_space<vmem>>
    %dma_start3A_115 = tpu.memref_squeeze %dma_start3A_114 : memref<1x26x64xf32, #tpu.memory_space<vmem>> -> memref<26x64xf32, #tpu.memory_space<vmem>>
    %dma_start3A_116 = arith.constant 0 : i32
    %dma_start3A_117 = tpu.memref_slice %arg5[%dma_start3A_110, %dma_start3A_116] : memref<512x26xi32, #tpu.memory_space<vmem>> -> memref<1x26xi32, #tpu.memory_space<vmem>>
    %dma_start3A_118 = tpu.memref_squeeze %dma_start3A_117 : memref<1x26xi32, #tpu.memory_space<vmem>> -> memref<26xi32, #tpu.memory_space<vmem>>
    %dma_start3A_119 = arith.constant 0 : i32
    %dma_start3A_120 = arith.constant 0 : i32
    %dma_start3A_121 = tpu.memref_slice %arg2[%dma_start3A_119, %dma_start3A_120] : memref<1000000x64xf32, #tpu.memory_space<hbm>> -> memref<1000000x64xf32, #tpu.memory_space<hbm>>
    tpu.enqueue_indirect_dma source(%dma_start3A_121 : memref<1000000x64xf32, #tpu.memory_space<hbm>>) target(%dma_start3A_115 : memref<26x64xf32, #tpu.memory_space<vmem>>) offsets(%dma_start3A_118 : memref<26xi32, #tpu.memory_space<vmem>>) semaphore(%arg8 : memref<!tpu.dma_semaphore, #tpu.memory_space<semaphore_mem>>)
    %dma_start3A_122 = arith.constant 10 : i32
    %dma_start3A_123 = arith.constant 10 : i32
    %dma_start3A_124 = arith.constant 0 : i32
    %dma_start3A_125 = arith.constant 0 : i32
    %dma_start3A_126 = tpu.memref_slice %arg6[%dma_start3A_123, %dma_start3A_124, %dma_start3A_125] : memref<32x26x64xf32, #tpu.memory_space<vmem>> -> memref<1x26x64xf32, #tpu.memory_space<vmem>>
    %dma_start3A_127 = tpu.memref_squeeze %dma_start3A_126 : memref<1x26x64xf32, #tpu.memory_space<vmem>> -> memref<26x64xf32, #tpu.memory_space<vmem>>
    %dma_start3A_128 = arith.constant 0 : i32
    %dma_start3A_129 = tpu.memref_slice %arg5[%dma_start3A_122, %dma_start3A_128] : memref<512x26xi32, #tpu.memory_space<vmem>> -> memref<1x26xi32, #tpu.memory_space<vmem>>
    %dma_start3A_130 = tpu.memref_squeeze %dma_start3A_129 : memref<1x26xi32, #tpu.memory_space<vmem>> -> memref<26xi32, #tpu.memory_space<vmem>>
    %dma_start3A_131 = arith.constant 0 : i32
    %dma_start3A_132 = arith.constant 0 : i32
    %dma_start3A_133 = tpu.memref_slice %arg2[%dma_start3A_131, %dma_start3A_132] : memref<1000000x64xf32, #tpu.memory_space<hbm>> -> memref<1000000x64xf32, #tpu.memory_space<hbm>>
    tpu.enqueue_indirect_dma source(%dma_start3A_133 : memref<1000000x64xf32, #tpu.memory_space<hbm>>) target(%dma_start3A_127 : memref<26x64xf32, #tpu.memory_space<vmem>>) offsets(%dma_start3A_130 : memref<26xi32, #tpu.memory_space<vmem>>) semaphore(%arg8 : memref<!tpu.dma_semaphore, #tpu.memory_space<semaphore_mem>>)
    %dma_start3A_134 = arith.constant 11 : i32
    %dma_start3A_135 = arith.constant 11 : i32
    %dma_start3A_136 = arith.constant 0 : i32
    %dma_start3A_137 = arith.constant 0 : i32
    %dma_start3A_138 = tpu.memref_slice %arg6[%dma_start3A_135, %dma_start3A_136, %dma_start3A_137] : memref<32x26x64xf32, #tpu.memory_space<vmem>> -> memref<1x26x64xf32, #tpu.memory_space<vmem>>
    %dma_start3A_139 = tpu.memref_squeeze %dma_start3A_138 : memref<1x26x64xf32, #tpu.memory_space<vmem>> -> memref<26x64xf32, #tpu.memory_space<vmem>>
    %dma_start3A_140 = arith.constant 0 : i32
    %dma_start3A_141 = tpu.memref_slice %arg5[%dma_start3A_134, %dma_start3A_140] : memref<512x26xi32, #tpu.memory_space<vmem>> -> memref<1x26xi32, #tpu.memory_space<vmem>>
    %dma_start3A_142 = tpu.memref_squeeze %dma_start3A_141 : memref<1x26xi32, #tpu.memory_space<vmem>> -> memref<26xi32, #tpu.memory_space<vmem>>
    %dma_start3A_143 = arith.constant 0 : i32
    %dma_start3A_144 = arith.constant 0 : i32
    %dma_start3A_145 = tpu.memref_slice %arg2[%dma_start3A_143, %dma_start3A_144] : memref<1000000x64xf32, #tpu.memory_space<hbm>> -> memref<1000000x64xf32, #tpu.memory_space<hbm>>
    tpu.enqueue_indirect_dma source(%dma_start3A_145 : memref<1000000x64xf32, #tpu.memory_space<hbm>>) target(%dma_start3A_139 : memref<26x64xf32, #tpu.memory_space<vmem>>) offsets(%dma_start3A_142 : memref<26xi32, #tpu.memory_space<vmem>>) semaphore(%arg8 : memref<!tpu.dma_semaphore, #tpu.memory_space<semaphore_mem>>)
    %dma_start3A_146 = arith.constant 12 : i32
    %dma_start3A_147 = arith.constant 12 : i32
    %dma_start3A_148 = arith.constant 0 : i32
    %dma_start3A_149 = arith.constant 0 : i32
    %dma_start3A_150 = tpu.memref_slice %arg6[%dma_start3A_147, %dma_start3A_148, %dma_start3A_149] : memref<32x26x64xf32, #tpu.memory_space<vmem>> -> memref<1x26x64xf32, #tpu.memory_space<vmem>>
    %dma_start3A_151 = tpu.memref_squeeze %dma_start3A_150 : memref<1x26x64xf32, #tpu.memory_space<vmem>> -> memref<26x64xf32, #tpu.memory_space<vmem>>
    %dma_start3A_152 = arith.constant 0 : i32
    %dma_start3A_153 = tpu.memref_slice %arg5[%dma_start3A_146, %dma_start3A_152] : memref<512x26xi32, #tpu.memory_space<vmem>> -> memref<1x26xi32, #tpu.memory_space<vmem>>
    %dma_start3A_154 = tpu.memref_squeeze %dma_start3A_153 : memref<1x26xi32, #tpu.memory_space<vmem>> -> memref<26xi32, #tpu.memory_space<vmem>>
    %dma_start3A_155 = arith.constant 0 : i32
    %dma_start3A_156 = arith.constant 0 : i32
    %dma_start3A_157 = tpu.memref_slice %arg2[%dma_start3A_155, %dma_start3A_156] : memref<1000000x64xf32, #tpu.memory_space<hbm>> -> memref<1000000x64xf32, #tpu.memory_space<hbm>>
    tpu.enqueue_indirect_dma source(%dma_start3A_157 : memref<1000000x64xf32, #tpu.memory_space<hbm>>) target(%dma_start3A_151 : memref<26x64xf32, #tpu.memory_space<vmem>>) offsets(%dma_start3A_154 : memref<26xi32, #tpu.memory_space<vmem>>) semaphore(%arg8 : memref<!tpu.dma_semaphore, #tpu.memory_space<semaphore_mem>>)
    %dma_start3A_158 = arith.constant 13 : i32
    %dma_start3A_159 = arith.constant 13 : i32
    %dma_start3A_160 = arith.constant 0 : i32
    %dma_start3A_161 = arith.constant 0 : i32
    %dma_start3A_162 = tpu.memref_slice %arg6[%dma_start3A_159, %dma_start3A_160, %dma_start3A_161] : memref<32x26x64xf32, #tpu.memory_space<vmem>> -> memref<1x26x64xf32, #tpu.memory_space<vmem>>
    %dma_start3A_163 = tpu.memref_squeeze %dma_start3A_162 : memref<1x26x64xf32, #tpu.memory_space<vmem>> -> memref<26x64xf32, #tpu.memory_space<vmem>>
    %dma_start3A_164 = arith.constant 0 : i32
    %dma_start3A_165 = tpu.memref_slice %arg5[%dma_start3A_158, %dma_start3A_164] : memref<512x26xi32, #tpu.memory_space<vmem>> -> memref<1x26xi32, #tpu.memory_space<vmem>>
    %dma_start3A_166 = tpu.memref_squeeze %dma_start3A_165 : memref<1x26xi32, #tpu.memory_space<vmem>> -> memref<26xi32, #tpu.memory_space<vmem>>
    %dma_start3A_167 = arith.constant 0 : i32
    %dma_start3A_168 = arith.constant 0 : i32
    %dma_start3A_169 = tpu.memref_slice %arg2[%dma_start3A_167, %dma_start3A_168] : memref<1000000x64xf32, #tpu.memory_space<hbm>> -> memref<1000000x64xf32, #tpu.memory_space<hbm>>
    tpu.enqueue_indirect_dma source(%dma_start3A_169 : memref<1000000x64xf32, #tpu.memory_space<hbm>>) target(%dma_start3A_163 : memref<26x64xf32, #tpu.memory_space<vmem>>) offsets(%dma_start3A_166 : memref<26xi32, #tpu.memory_space<vmem>>) semaphore(%arg8 : memref<!tpu.dma_semaphore, #tpu.memory_space<semaphore_mem>>)
    %dma_start3A_170 = arith.constant 14 : i32
    %dma_start3A_171 = arith.constant 14 : i32
    %dma_start3A_172 = arith.constant 0 : i32
    %dma_start3A_173 = arith.constant 0 : i32
    %dma_start3A_174 = tpu.memref_slice %arg6[%dma_start3A_171, %dma_start3A_172, %dma_start3A_173] : memref<32x26x64xf32, #tpu.memory_space<vmem>> -> memref<1x26x64xf32, #tpu.memory_space<vmem>>
    %dma_start3A_175 = tpu.memref_squeeze %dma_start3A_174 : memref<1x26x64xf32, #tpu.memory_space<vmem>> -> memref<26x64xf32, #tpu.memory_space<vmem>>
    %dma_start3A_176 = arith.constant 0 : i32
    %dma_start3A_177 = tpu.memref_slice %arg5[%dma_start3A_170, %dma_start3A_176] : memref<512x26xi32, #tpu.memory_space<vmem>> -> memref<1x26xi32, #tpu.memory_space<vmem>>
    %dma_start3A_178 = tpu.memref_squeeze %dma_start3A_177 : memref<1x26xi32, #tpu.memory_space<vmem>> -> memref<26xi32, #tpu.memory_space<vmem>>
    %dma_start3A_179 = arith.constant 0 : i32
    %dma_start3A_180 = arith.constant 0 : i32
    %dma_start3A_181 = tpu.memref_slice %arg2[%dma_start3A_179, %dma_start3A_180] : memref<1000000x64xf32, #tpu.memory_space<hbm>> -> memref<1000000x64xf32, #tpu.memory_space<hbm>>
    tpu.enqueue_indirect_dma source(%dma_start3A_181 : memref<1000000x64xf32, #tpu.memory_space<hbm>>) target(%dma_start3A_175 : memref<26x64xf32, #tpu.memory_space<vmem>>) offsets(%dma_start3A_178 : memref<26xi32, #tpu.memory_space<vmem>>) semaphore(%arg8 : memref<!tpu.dma_semaphore, #tpu.memory_space<semaphore_mem>>)
    %dma_start3A_182 = arith.constant 15 : i32
    %dma_start3A_183 = arith.constant 15 : i32
    %dma_start3A_184 = arith.constant 0 : i32
    %dma_start3A_185 = arith.constant 0 : i32
    %dma_start3A_186 = tpu.memref_slice %arg6[%dma_start3A_183, %dma_start3A_184, %dma_start3A_185] : memref<32x26x64xf32, #tpu.memory_space<vmem>> -> memref<1x26x64xf32, #tpu.memory_space<vmem>>
    %dma_start3A_187 = tpu.memref_squeeze %dma_start3A_186 : memref<1x26x64xf32, #tpu.memory_space<vmem>> -> memref<26x64xf32, #tpu.memory_space<vmem>>
    %dma_start3A_188 = arith.constant 0 : i32
    %dma_start3A_189 = tpu.memref_slice %arg5[%dma_start3A_182, %dma_start3A_188] : memref<512x26xi32, #tpu.memory_space<vmem>> -> memref<1x26xi32, #tpu.memory_space<vmem>>
    %dma_start3A_190 = tpu.memref_squeeze %dma_start3A_189 : memref<1x26xi32, #tpu.memory_space<vmem>> -> memref<26xi32, #tpu.memory_space<vmem>>
    %dma_start3A_191 = arith.constant 0 : i32
    %dma_start3A_192 = arith.constant 0 : i32
    %dma_start3A_193 = tpu.memref_slice %arg2[%dma_start3A_191, %dma_start3A_192] : memref<1000000x64xf32, #tpu.memory_space<hbm>> -> memref<1000000x64xf32, #tpu.memory_space<hbm>>
    tpu.enqueue_indirect_dma source(%dma_start3A_193 : memref<1000000x64xf32, #tpu.memory_space<hbm>>) target(%dma_start3A_187 : memref<26x64xf32, #tpu.memory_space<vmem>>) offsets(%dma_start3A_190 : memref<26xi32, #tpu.memory_space<vmem>>) semaphore(%arg8 : memref<!tpu.dma_semaphore, #tpu.memory_space<semaphore_mem>>)
    %dma_start3A_194 = arith.constant 16 : i32
    %dma_start3A_195 = arith.constant 16 : i32
    %dma_start3A_196 = arith.constant 0 : i32
    %dma_start3A_197 = arith.constant 0 : i32
    %dma_start3A_198 = tpu.memref_slice %arg6[%dma_start3A_195, %dma_start3A_196, %dma_start3A_197] : memref<32x26x64xf32, #tpu.memory_space<vmem>> -> memref<1x26x64xf32, #tpu.memory_space<vmem>>
    %dma_start3A_199 = tpu.memref_squeeze %dma_start3A_198 : memref<1x26x64xf32, #tpu.memory_space<vmem>> -> memref<26x64xf32, #tpu.memory_space<vmem>>
    %dma_start3A_200 = arith.constant 0 : i32
    %dma_start3A_201 = tpu.memref_slice %arg5[%dma_start3A_194, %dma_start3A_200] : memref<512x26xi32, #tpu.memory_space<vmem>> -> memref<1x26xi32, #tpu.memory_space<vmem>>
    %dma_start3A_202 = tpu.memref_squeeze %dma_start3A_201 : memref<1x26xi32, #tpu.memory_space<vmem>> -> memref<26xi32, #tpu.memory_space<vmem>>
    %dma_start3A_203 = arith.constant 0 : i32
    %dma_start3A_204 = arith.constant 0 : i32
    %dma_start3A_205 = tpu.memref_slice %arg2[%dma_start3A_203, %dma_start3A_204] : memref<1000000x64xf32, #tpu.memory_space<hbm>> -> memref<1000000x64xf32, #tpu.memory_space<hbm>>
    tpu.enqueue_indirect_dma source(%dma_start3A_205 : memref<1000000x64xf32, #tpu.memory_space<hbm>>) target(%dma_start3A_199 : memref<26x64xf32, #tpu.memory_space<vmem>>) offsets(%dma_start3A_202 : memref<26xi32, #tpu.memory_space<vmem>>) semaphore(%arg8 : memref<!tpu.dma_semaphore, #tpu.memory_space<semaphore_mem>>)
    %dma_start3A_206 = arith.constant 17 : i32
    %dma_start3A_207 = arith.constant 17 : i32
    %dma_start3A_208 = arith.constant 0 : i32
    %dma_start3A_209 = arith.constant 0 : i32
    %dma_start3A_210 = tpu.memref_slice %arg6[%dma_start3A_207, %dma_start3A_208, %dma_start3A_209] : memref<32x26x64xf32, #tpu.memory_space<vmem>> -> memref<1x26x64xf32, #tpu.memory_space<vmem>>
    %dma_start3A_211 = tpu.memref_squeeze %dma_start3A_210 : memref<1x26x64xf32, #tpu.memory_space<vmem>> -> memref<26x64xf32, #tpu.memory_space<vmem>>
    %dma_start3A_212 = arith.constant 0 : i32
    %dma_start3A_213 = tpu.memref_slice %arg5[%dma_start3A_206, %dma_start3A_212] : memref<512x26xi32, #tpu.memory_space<vmem>> -> memref<1x26xi32, #tpu.memory_space<vmem>>
    %dma_start3A_214 = tpu.memref_squeeze %dma_start3A_213 : memref<1x26xi32, #tpu.memory_space<vmem>> -> memref<26xi32, #tpu.memory_space<vmem>>
    %dma_start3A_215 = arith.constant 0 : i32
    %dma_start3A_216 = arith.constant 0 : i32
    %dma_start3A_217 = tpu.memref_slice %arg2[%dma_start3A_215, %dma_start3A_216] : memref<1000000x64xf32, #tpu.memory_space<hbm>> -> memref<1000000x64xf32, #tpu.memory_space<hbm>>
    tpu.enqueue_indirect_dma source(%dma_start3A_217 : memref<1000000x64xf32, #tpu.memory_space<hbm>>) target(%dma_start3A_211 : memref<26x64xf32, #tpu.memory_space<vmem>>) offsets(%dma_start3A_214 : memref<26xi32, #tpu.memory_space<vmem>>) semaphore(%arg8 : memref<!tpu.dma_semaphore, #tpu.memory_space<semaphore_mem>>)
    %dma_start3A_218 = arith.constant 18 : i32
    %dma_start3A_219 = arith.constant 18 : i32
    %dma_start3A_220 = arith.constant 0 : i32
    %dma_start3A_221 = arith.constant 0 : i32
    %dma_start3A_222 = tpu.memref_slice %arg6[%dma_start3A_219, %dma_start3A_220, %dma_start3A_221] : memref<32x26x64xf32, #tpu.memory_space<vmem>> -> memref<1x26x64xf32, #tpu.memory_space<vmem>>
    %dma_start3A_223 = tpu.memref_squeeze %dma_start3A_222 : memref<1x26x64xf32, #tpu.memory_space<vmem>> -> memref<26x64xf32, #tpu.memory_space<vmem>>
    %dma_start3A_224 = arith.constant 0 : i32
    %dma_start3A_225 = tpu.memref_slice %arg5[%dma_start3A_218, %dma_start3A_224] : memref<512x26xi32, #tpu.memory_space<vmem>> -> memref<1x26xi32, #tpu.memory_space<vmem>>
    %dma_start3A_226 = tpu.memref_squeeze %dma_start3A_225 : memref<1x26xi32, #tpu.memory_space<vmem>> -> memref<26xi32, #tpu.memory_space<vmem>>
    %dma_start3A_227 = arith.constant 0 : i32
    %dma_start3A_228 = arith.constant 0 : i32
    %dma_start3A_229 = tpu.memref_slice %arg2[%dma_start3A_227, %dma_start3A_228] : memref<1000000x64xf32, #tpu.memory_space<hbm>> -> memref<1000000x64xf32, #tpu.memory_space<hbm>>
    tpu.enqueue_indirect_dma source(%dma_start3A_229 : memref<1000000x64xf32, #tpu.memory_space<hbm>>) target(%dma_start3A_223 : memref<26x64xf32, #tpu.memory_space<vmem>>) offsets(%dma_start3A_226 : memref<26xi32, #tpu.memory_space<vmem>>) semaphore(%arg8 : memref<!tpu.dma_semaphore, #tpu.memory_space<semaphore_mem>>)
    %dma_start3A_230 = arith.constant 19 : i32
    %dma_start3A_231 = arith.constant 19 : i32
    %dma_start3A_232 = arith.constant 0 : i32
    %dma_start3A_233 = arith.constant 0 : i32
    %dma_start3A_234 = tpu.memref_slice %arg6[%dma_start3A_231, %dma_start3A_232, %dma_start3A_233] : memref<32x26x64xf32, #tpu.memory_space<vmem>> -> memref<1x26x64xf32, #tpu.memory_space<vmem>>
    %dma_start3A_235 = tpu.memref_squeeze %dma_start3A_234 : memref<1x26x64xf32, #tpu.memory_space<vmem>> -> memref<26x64xf32, #tpu.memory_space<vmem>>
    %dma_start3A_236 = arith.constant 0 : i32
    %dma_start3A_237 = tpu.memref_slice %arg5[%dma_start3A_230, %dma_start3A_236] : memref<512x26xi32, #tpu.memory_space<vmem>> -> memref<1x26xi32, #tpu.memory_space<vmem>>
    %dma_start3A_238 = tpu.memref_squeeze %dma_start3A_237 : memref<1x26xi32, #tpu.memory_space<vmem>> -> memref<26xi32, #tpu.memory_space<vmem>>
    %dma_start3A_239 = arith.constant 0 : i32
    %dma_start3A_240 = arith.constant 0 : i32
    %dma_start3A_241 = tpu.memref_slice %arg2[%dma_start3A_239, %dma_start3A_240] : memref<1000000x64xf32, #tpu.memory_space<hbm>> -> memref<1000000x64xf32, #tpu.memory_space<hbm>>
    tpu.enqueue_indirect_dma source(%dma_start3A_241 : memref<1000000x64xf32, #tpu.memory_space<hbm>>) target(%dma_start3A_235 : memref<26x64xf32, #tpu.memory_space<vmem>>) offsets(%dma_start3A_238 : memref<26xi32, #tpu.memory_space<vmem>>) semaphore(%arg8 : memref<!tpu.dma_semaphore, #tpu.memory_space<semaphore_mem>>)
    %dma_start3A_242 = arith.constant 20 : i32
    %dma_start3A_243 = arith.constant 20 : i32
    %dma_start3A_244 = arith.constant 0 : i32
    %dma_start3A_245 = arith.constant 0 : i32
    %dma_start3A_246 = tpu.memref_slice %arg6[%dma_start3A_243, %dma_start3A_244, %dma_start3A_245] : memref<32x26x64xf32, #tpu.memory_space<vmem>> -> memref<1x26x64xf32, #tpu.memory_space<vmem>>
    %dma_start3A_247 = tpu.memref_squeeze %dma_start3A_246 : memref<1x26x64xf32, #tpu.memory_space<vmem>> -> memref<26x64xf32, #tpu.memory_space<vmem>>
    %dma_start3A_248 = arith.constant 0 : i32
    %dma_start3A_249 = tpu.memref_slice %arg5[%dma_start3A_242, %dma_start3A_248] : memref<512x26xi32, #tpu.memory_space<vmem>> -> memref<1x26xi32, #tpu.memory_space<vmem>>
    %dma_start3A_250 = tpu.memref_squeeze %dma_start3A_249 : memref<1x26xi32, #tpu.memory_space<vmem>> -> memref<26xi32, #tpu.memory_space<vmem>>
    %dma_start3A_251 = arith.constant 0 : i32
    %dma_start3A_252 = arith.constant 0 : i32
    %dma_start3A_253 = tpu.memref_slice %arg2[%dma_start3A_251, %dma_start3A_252] : memref<1000000x64xf32, #tpu.memory_space<hbm>> -> memref<1000000x64xf32, #tpu.memory_space<hbm>>
    tpu.enqueue_indirect_dma source(%dma_start3A_253 : memref<1000000x64xf32, #tpu.memory_space<hbm>>) target(%dma_start3A_247 : memref<26x64xf32, #tpu.memory_space<vmem>>) offsets(%dma_start3A_250 : memref<26xi32, #tpu.memory_space<vmem>>) semaphore(%arg8 : memref<!tpu.dma_semaphore, #tpu.memory_space<semaphore_mem>>)
    %dma_start3A_254 = arith.constant 21 : i32
    %dma_start3A_255 = arith.constant 21 : i32
    %dma_start3A_256 = arith.constant 0 : i32
    %dma_start3A_257 = arith.constant 0 : i32
    %dma_start3A_258 = tpu.memref_slice %arg6[%dma_start3A_255, %dma_start3A_256, %dma_start3A_257] : memref<32x26x64xf32, #tpu.memory_space<vmem>> -> memref<1x26x64xf32, #tpu.memory_space<vmem>>
    %dma_start3A_259 = tpu.memref_squeeze %dma_start3A_258 : memref<1x26x64xf32, #tpu.memory_space<vmem>> -> memref<26x64xf32, #tpu.memory_space<vmem>>
    %dma_start3A_260 = arith.constant 0 : i32
    %dma_start3A_261 = tpu.memref_slice %arg5[%dma_start3A_254, %dma_start3A_260] : memref<512x26xi32, #tpu.memory_space<vmem>> -> memref<1x26xi32, #tpu.memory_space<vmem>>
    %dma_start3A_262 = tpu.memref_squeeze %dma_start3A_261 : memref<1x26xi32, #tpu.memory_space<vmem>> -> memref<26xi32, #tpu.memory_space<vmem>>
    %dma_start3A_263 = arith.constant 0 : i32
    %dma_start3A_264 = arith.constant 0 : i32
    %dma_start3A_265 = tpu.memref_slice %arg2[%dma_start3A_263, %dma_start3A_264] : memref<1000000x64xf32, #tpu.memory_space<hbm>> -> memref<1000000x64xf32, #tpu.memory_space<hbm>>
    tpu.enqueue_indirect_dma source(%dma_start3A_265 : memref<1000000x64xf32, #tpu.memory_space<hbm>>) target(%dma_start3A_259 : memref<26x64xf32, #tpu.memory_space<vmem>>) offsets(%dma_start3A_262 : memref<26xi32, #tpu.memory_space<vmem>>) semaphore(%arg8 : memref<!tpu.dma_semaphore, #tpu.memory_space<semaphore_mem>>)
    %dma_start3A_266 = arith.constant 22 : i32
    %dma_start3A_267 = arith.constant 22 : i32
    %dma_start3A_268 = arith.constant 0 : i32
    %dma_start3A_269 = arith.constant 0 : i32
    %dma_start3A_270 = tpu.memref_slice %arg6[%dma_start3A_267, %dma_start3A_268, %dma_start3A_269] : memref<32x26x64xf32, #tpu.memory_space<vmem>> -> memref<1x26x64xf32, #tpu.memory_space<vmem>>
    %dma_start3A_271 = tpu.memref_squeeze %dma_start3A_270 : memref<1x26x64xf32, #tpu.memory_space<vmem>> -> memref<26x64xf32, #tpu.memory_space<vmem>>
    %dma_start3A_272 = arith.constant 0 : i32
    %dma_start3A_273 = tpu.memref_slice %arg5[%dma_start3A_266, %dma_start3A_272] : memref<512x26xi32, #tpu.memory_space<vmem>> -> memref<1x26xi32, #tpu.memory_space<vmem>>
    %dma_start3A_274 = tpu.memref_squeeze %dma_start3A_273 : memref<1x26xi32, #tpu.memory_space<vmem>> -> memref<26xi32, #tpu.memory_space<vmem>>
    %dma_start3A_275 = arith.constant 0 : i32
    %dma_start3A_276 = arith.constant 0 : i32
    %dma_start3A_277 = tpu.memref_slice %arg2[%dma_start3A_275, %dma_start3A_276] : memref<1000000x64xf32, #tpu.memory_space<hbm>> -> memref<1000000x64xf32, #tpu.memory_space<hbm>>
    tpu.enqueue_indirect_dma source(%dma_start3A_277 : memref<1000000x64xf32, #tpu.memory_space<hbm>>) target(%dma_start3A_271 : memref<26x64xf32, #tpu.memory_space<vmem>>) offsets(%dma_start3A_274 : memref<26xi32, #tpu.memory_space<vmem>>) semaphore(%arg8 : memref<!tpu.dma_semaphore, #tpu.memory_space<semaphore_mem>>)
    %dma_start3A_278 = arith.constant 23 : i32
    %dma_start3A_279 = arith.constant 23 : i32
    %dma_start3A_280 = arith.constant 0 : i32
    %dma_start3A_281 = arith.constant 0 : i32
    %dma_start3A_282 = tpu.memref_slice %arg6[%dma_start3A_279, %dma_start3A_280, %dma_start3A_281] : memref<32x26x64xf32, #tpu.memory_space<vmem>> -> memref<1x26x64xf32, #tpu.memory_space<vmem>>
    %dma_start3A_283 = tpu.memref_squeeze %dma_start3A_282 : memref<1x26x64xf32, #tpu.memory_space<vmem>> -> memref<26x64xf32, #tpu.memory_space<vmem>>
    %dma_start3A_284 = arith.constant 0 : i32
    %dma_start3A_285 = tpu.memref_slice %arg5[%dma_start3A_278, %dma_start3A_284] : memref<512x26xi32, #tpu.memory_space<vmem>> -> memref<1x26xi32, #tpu.memory_space<vmem>>
    %dma_start3A_286 = tpu.memref_squeeze %dma_start3A_285 : memref<1x26xi32, #tpu.memory_space<vmem>> -> memref<26xi32, #tpu.memory_space<vmem>>
    %dma_start3A_287 = arith.constant 0 : i32
    %dma_start3A_288 = arith.constant 0 : i32
    %dma_start3A_289 = tpu.memref_slice %arg2[%dma_start3A_287, %dma_start3A_288] : memref<1000000x64xf32, #tpu.memory_space<hbm>> -> memref<1000000x64xf32, #tpu.memory_space<hbm>>
    tpu.enqueue_indirect_dma source(%dma_start3A_289 : memref<1000000x64xf32, #tpu.memory_space<hbm>>) target(%dma_start3A_283 : memref<26x64xf32, #tpu.memory_space<vmem>>) offsets(%dma_start3A_286 : memref<26xi32, #tpu.memory_space<vmem>>) semaphore(%arg8 : memref<!tpu.dma_semaphore, #tpu.memory_space<semaphore_mem>>)
    %dma_start3A_290 = arith.constant 24 : i32
    %dma_start3A_291 = arith.constant 24 : i32
    %dma_start3A_292 = arith.constant 0 : i32
    %dma_start3A_293 = arith.constant 0 : i32
    %dma_start3A_294 = tpu.memref_slice %arg6[%dma_start3A_291, %dma_start3A_292, %dma_start3A_293] : memref<32x26x64xf32, #tpu.memory_space<vmem>> -> memref<1x26x64xf32, #tpu.memory_space<vmem>>
    %dma_start3A_295 = tpu.memref_squeeze %dma_start3A_294 : memref<1x26x64xf32, #tpu.memory_space<vmem>> -> memref<26x64xf32, #tpu.memory_space<vmem>>
    %dma_start3A_296 = arith.constant 0 : i32
    %dma_start3A_297 = tpu.memref_slice %arg5[%dma_start3A_290, %dma_start3A_296] : memref<512x26xi32, #tpu.memory_space<vmem>> -> memref<1x26xi32, #tpu.memory_space<vmem>>
    %dma_start3A_298 = tpu.memref_squeeze %dma_start3A_297 : memref<1x26xi32, #tpu.memory_space<vmem>> -> memref<26xi32, #tpu.memory_space<vmem>>
    %dma_start3A_299 = arith.constant 0 : i32
    %dma_start3A_300 = arith.constant 0 : i32
    %dma_start3A_301 = tpu.memref_slice %arg2[%dma_start3A_299, %dma_start3A_300] : memref<1000000x64xf32, #tpu.memory_space<hbm>> -> memref<1000000x64xf32, #tpu.memory_space<hbm>>
    tpu.enqueue_indirect_dma source(%dma_start3A_301 : memref<1000000x64xf32, #tpu.memory_space<hbm>>) target(%dma_start3A_295 : memref<26x64xf32, #tpu.memory_space<vmem>>) offsets(%dma_start3A_298 : memref<26xi32, #tpu.memory_space<vmem>>) semaphore(%arg8 : memref<!tpu.dma_semaphore, #tpu.memory_space<semaphore_mem>>)
    %dma_start3A_302 = arith.constant 25 : i32
    %dma_start3A_303 = arith.constant 25 : i32
    %dma_start3A_304 = arith.constant 0 : i32
    %dma_start3A_305 = arith.constant 0 : i32
    %dma_start3A_306 = tpu.memref_slice %arg6[%dma_start3A_303, %dma_start3A_304, %dma_start3A_305] : memref<32x26x64xf32, #tpu.memory_space<vmem>> -> memref<1x26x64xf32, #tpu.memory_space<vmem>>
    %dma_start3A_307 = tpu.memref_squeeze %dma_start3A_306 : memref<1x26x64xf32, #tpu.memory_space<vmem>> -> memref<26x64xf32, #tpu.memory_space<vmem>>
    %dma_start3A_308 = arith.constant 0 : i32
    %dma_start3A_309 = tpu.memref_slice %arg5[%dma_start3A_302, %dma_start3A_308] : memref<512x26xi32, #tpu.memory_space<vmem>> -> memref<1x26xi32, #tpu.memory_space<vmem>>
    %dma_start3A_310 = tpu.memref_squeeze %dma_start3A_309 : memref<1x26xi32, #tpu.memory_space<vmem>> -> memref<26xi32, #tpu.memory_space<vmem>>
    %dma_start3A_311 = arith.constant 0 : i32
    %dma_start3A_312 = arith.constant 0 : i32
    %dma_start3A_313 = tpu.memref_slice %arg2[%dma_start3A_311, %dma_start3A_312] : memref<1000000x64xf32, #tpu.memory_space<hbm>> -> memref<1000000x64xf32, #tpu.memory_space<hbm>>
    tpu.enqueue_indirect_dma source(%dma_start3A_313 : memref<1000000x64xf32, #tpu.memory_space<hbm>>) target(%dma_start3A_307 : memref<26x64xf32, #tpu.memory_space<vmem>>) offsets(%dma_start3A_310 : memref<26xi32, #tpu.memory_space<vmem>>) semaphore(%arg8 : memref<!tpu.dma_semaphore, #tpu.memory_space<semaphore_mem>>)
    %dma_start3A_314 = arith.constant 26 : i32
    %dma_start3A_315 = arith.constant 26 : i32
    %dma_start3A_316 = arith.constant 0 : i32
    %dma_start3A_317 = arith.constant 0 : i32
    %dma_start3A_318 = tpu.memref_slice %arg6[%dma_start3A_315, %dma_start3A_316, %dma_start3A_317] : memref<32x26x64xf32, #tpu.memory_space<vmem>> -> memref<1x26x64xf32, #tpu.memory_space<vmem>>
    %dma_start3A_319 = tpu.memref_squeeze %dma_start3A_318 : memref<1x26x64xf32, #tpu.memory_space<vmem>> -> memref<26x64xf32, #tpu.memory_space<vmem>>
    %dma_start3A_320 = arith.constant 0 : i32
    %dma_start3A_321 = tpu.memref_slice %arg5[%dma_start3A_314, %dma_start3A_320] : memref<512x26xi32, #tpu.memory_space<vmem>> -> memref<1x26xi32, #tpu.memory_space<vmem>>
    %dma_start3A_322 = tpu.memref_squeeze %dma_start3A_321 : memref<1x26xi32, #tpu.memory_space<vmem>> -> memref<26xi32, #tpu.memory_space<vmem>>
    %dma_start3A_323 = arith.constant 0 : i32
    %dma_start3A_324 = arith.constant 0 : i32
    %dma_start3A_325 = tpu.memref_slice %arg2[%dma_start3A_323, %dma_start3A_324] : memref<1000000x64xf32, #tpu.memory_space<hbm>> -> memref<1000000x64xf32, #tpu.memory_space<hbm>>
    tpu.enqueue_indirect_dma source(%dma_start3A_325 : memref<1000000x64xf32, #tpu.memory_space<hbm>>) target(%dma_start3A_319 : memref<26x64xf32, #tpu.memory_space<vmem>>) offsets(%dma_start3A_322 : memref<26xi32, #tpu.memory_space<vmem>>) semaphore(%arg8 : memref<!tpu.dma_semaphore, #tpu.memory_space<semaphore_mem>>)
    %dma_start3A_326 = arith.constant 27 : i32
    %dma_start3A_327 = arith.constant 27 : i32
    %dma_start3A_328 = arith.constant 0 : i32
    %dma_start3A_329 = arith.constant 0 : i32
    %dma_start3A_330 = tpu.memref_slice %arg6[%dma_start3A_327, %dma_start3A_328, %dma_start3A_329] : memref<32x26x64xf32, #tpu.memory_space<vmem>> -> memref<1x26x64xf32, #tpu.memory_space<vmem>>
    %dma_start3A_331 = tpu.memref_squeeze %dma_start3A_330 : memref<1x26x64xf32, #tpu.memory_space<vmem>> -> memref<26x64xf32, #tpu.memory_space<vmem>>
    %dma_start3A_332 = arith.constant 0 : i32
    %dma_start3A_333 = tpu.memref_slice %arg5[%dma_start3A_326, %dma_start3A_332] : memref<512x26xi32, #tpu.memory_space<vmem>> -> memref<1x26xi32, #tpu.memory_space<vmem>>
    %dma_start3A_334 = tpu.memref_squeeze %dma_start3A_333 : memref<1x26xi32, #tpu.memory_space<vmem>> -> memref<26xi32, #tpu.memory_space<vmem>>
    %dma_start3A_335 = arith.constant 0 : i32
    %dma_start3A_336 = arith.constant 0 : i32
    %dma_start3A_337 = tpu.memref_slice %arg2[%dma_start3A_335, %dma_start3A_336] : memref<1000000x64xf32, #tpu.memory_space<hbm>> -> memref<1000000x64xf32, #tpu.memory_space<hbm>>
    tpu.enqueue_indirect_dma source(%dma_start3A_337 : memref<1000000x64xf32, #tpu.memory_space<hbm>>) target(%dma_start3A_331 : memref<26x64xf32, #tpu.memory_space<vmem>>) offsets(%dma_start3A_334 : memref<26xi32, #tpu.memory_space<vmem>>) semaphore(%arg8 : memref<!tpu.dma_semaphore, #tpu.memory_space<semaphore_mem>>)
    %dma_start3A_338 = arith.constant 28 : i32
    %dma_start3A_339 = arith.constant 28 : i32
    %dma_start3A_340 = arith.constant 0 : i32
    %dma_start3A_341 = arith.constant 0 : i32
    %dma_start3A_342 = tpu.memref_slice %arg6[%dma_start3A_339, %dma_start3A_340, %dma_start3A_341] : memref<32x26x64xf32, #tpu.memory_space<vmem>> -> memref<1x26x64xf32, #tpu.memory_space<vmem>>
    %dma_start3A_343 = tpu.memref_squeeze %dma_start3A_342 : memref<1x26x64xf32, #tpu.memory_space<vmem>> -> memref<26x64xf32, #tpu.memory_space<vmem>>
    %dma_start3A_344 = arith.constant 0 : i32
    %dma_start3A_345 = tpu.memref_slice %arg5[%dma_start3A_338, %dma_start3A_344] : memref<512x26xi32, #tpu.memory_space<vmem>> -> memref<1x26xi32, #tpu.memory_space<vmem>>
    %dma_start3A_346 = tpu.memref_squeeze %dma_start3A_345 : memref<1x26xi32, #tpu.memory_space<vmem>> -> memref<26xi32, #tpu.memory_space<vmem>>
    %dma_start3A_347 = arith.constant 0 : i32
    %dma_start3A_348 = arith.constant 0 : i32
    %dma_start3A_349 = tpu.memref_slice %arg2[%dma_start3A_347, %dma_start3A_348] : memref<1000000x64xf32, #tpu.memory_space<hbm>> -> memref<1000000x64xf32, #tpu.memory_space<hbm>>
    tpu.enqueue_indirect_dma source(%dma_start3A_349 : memref<1000000x64xf32, #tpu.memory_space<hbm>>) target(%dma_start3A_343 : memref<26x64xf32, #tpu.memory_space<vmem>>) offsets(%dma_start3A_346 : memref<26xi32, #tpu.memory_space<vmem>>) semaphore(%arg8 : memref<!tpu.dma_semaphore, #tpu.memory_space<semaphore_mem>>)
    %dma_start3A_350 = arith.constant 29 : i32
    %dma_start3A_351 = arith.constant 29 : i32
    %dma_start3A_352 = arith.constant 0 : i32
    %dma_start3A_353 = arith.constant 0 : i32
    %dma_start3A_354 = tpu.memref_slice %arg6[%dma_start3A_351, %dma_start3A_352, %dma_start3A_353] : memref<32x26x64xf32, #tpu.memory_space<vmem>> -> memref<1x26x64xf32, #tpu.memory_space<vmem>>
    %dma_start3A_355 = tpu.memref_squeeze %dma_start3A_354 : memref<1x26x64xf32, #tpu.memory_space<vmem>> -> memref<26x64xf32, #tpu.memory_space<vmem>>
    %dma_start3A_356 = arith.constant 0 : i32
    %dma_start3A_357 = tpu.memref_slice %arg5[%dma_start3A_350, %dma_start3A_356] : memref<512x26xi32, #tpu.memory_space<vmem>> -> memref<1x26xi32, #tpu.memory_space<vmem>>
    %dma_start3A_358 = tpu.memref_squeeze %dma_start3A_357 : memref<1x26xi32, #tpu.memory_space<vmem>> -> memref<26xi32, #tpu.memory_space<vmem>>
    %dma_start3A_359 = arith.constant 0 : i32
    %dma_start3A_360 = arith.constant 0 : i32
    %dma_start3A_361 = tpu.memref_slice %arg2[%dma_start3A_359, %dma_start3A_360] : memref<1000000x64xf32, #tpu.memory_space<hbm>> -> memref<1000000x64xf32, #tpu.memory_space<hbm>>
    tpu.enqueue_indirect_dma source(%dma_start3A_361 : memref<1000000x64xf32, #tpu.memory_space<hbm>>) target(%dma_start3A_355 : memref<26x64xf32, #tpu.memory_space<vmem>>) offsets(%dma_start3A_358 : memref<26xi32, #tpu.memory_space<vmem>>) semaphore(%arg8 : memref<!tpu.dma_semaphore, #tpu.memory_space<semaphore_mem>>)
    %dma_start3A_362 = arith.constant 30 : i32
    %dma_start3A_363 = arith.constant 30 : i32
    %dma_start3A_364 = arith.constant 0 : i32
    %dma_start3A_365 = arith.constant 0 : i32
    %dma_start3A_366 = tpu.memref_slice %arg6[%dma_start3A_363, %dma_start3A_364, %dma_start3A_365] : memref<32x26x64xf32, #tpu.memory_space<vmem>> -> memref<1x26x64xf32, #tpu.memory_space<vmem>>
    %dma_start3A_367 = tpu.memref_squeeze %dma_start3A_366 : memref<1x26x64xf32, #tpu.memory_space<vmem>> -> memref<26x64xf32, #tpu.memory_space<vmem>>
    %dma_start3A_368 = arith.constant 0 : i32
    %dma_start3A_369 = tpu.memref_slice %arg5[%dma_start3A_362, %dma_start3A_368] : memref<512x26xi32, #tpu.memory_space<vmem>> -> memref<1x26xi32, #tpu.memory_space<vmem>>
    %dma_start3A_370 = tpu.memref_squeeze %dma_start3A_369 : memref<1x26xi32, #tpu.memory_space<vmem>> -> memref<26xi32, #tpu.memory_space<vmem>>
    %dma_start3A_371 = arith.constant 0 : i32
    %dma_start3A_372 = arith.constant 0 : i32
    %dma_start3A_373 = tpu.memref_slice %arg2[%dma_start3A_371, %dma_start3A_372] : memref<1000000x64xf32, #tpu.memory_space<hbm>> -> memref<1000000x64xf32, #tpu.memory_space<hbm>>
    tpu.enqueue_indirect_dma source(%dma_start3A_373 : memref<1000000x64xf32, #tpu.memory_space<hbm>>) target(%dma_start3A_367 : memref<26x64xf32, #tpu.memory_space<vmem>>) offsets(%dma_start3A_370 : memref<26xi32, #tpu.memory_space<vmem>>) semaphore(%arg8 : memref<!tpu.dma_semaphore, #tpu.memory_space<semaphore_mem>>)
    %dma_start3A_374 = arith.constant 31 : i32
    %dma_start3A_375 = arith.constant 31 : i32
    %dma_start3A_376 = arith.constant 0 : i32
    %dma_start3A_377 = arith.constant 0 : i32
    %dma_start3A_378 = tpu.memref_slice %arg6[%dma_start3A_375, %dma_start3A_376, %dma_start3A_377] : memref<32x26x64xf32, #tpu.memory_space<vmem>> -> memref<1x26x64xf32, #tpu.memory_space<vmem>>
    %dma_start3A_379 = tpu.memref_squeeze %dma_start3A_378 : memref<1x26x64xf32, #tpu.memory_space<vmem>> -> memref<26x64xf32, #tpu.memory_space<vmem>>
    %dma_start3A_380 = arith.constant 0 : i32
    %dma_start3A_381 = tpu.memref_slice %arg5[%dma_start3A_374, %dma_start3A_380] : memref<512x26xi32, #tpu.memory_space<vmem>> -> memref<1x26xi32, #tpu.memory_space<vmem>>
    %dma_start3A_382 = tpu.memref_squeeze %dma_start3A_381 : memref<1x26xi32, #tpu.memory_space<vmem>> -> memref<26xi32, #tpu.memory_space<vmem>>
    %dma_start3A_383 = arith.constant 0 : i32
    %dma_start3A_384 = arith.constant 0 : i32
    %dma_start3A_385 = tpu.memref_slice %arg2[%dma_start3A_383, %dma_start3A_384] : memref<1000000x64xf32, #tpu.memory_space<hbm>> -> memref<1000000x64xf32, #tpu.memory_space<hbm>>
    tpu.enqueue_indirect_dma source(%dma_start3A_385 : memref<1000000x64xf32, #tpu.memory_space<hbm>>) target(%dma_start3A_379 : memref<26x64xf32, #tpu.memory_space<vmem>>) offsets(%dma_start3A_382 : memref<26xi32, #tpu.memory_space<vmem>>) semaphore(%arg8 : memref<!tpu.dma_semaphore, #tpu.memory_space<semaphore_mem>>)
    %scan3A = arith.constant 0 : i32
    %scan3A_386 = arith.constant 0 : i32
    %scan3A_387 = arith.constant 8 : i32
    %scan3A_388 = arith.addi %scan3A_386, %scan3A_387 : i32
    %scan3A_389 = arith.constant 1 : i32
    scf.for %scan3A_406 = %scan3A_386 to %scan3A_388 step %scan3A_389  : i32 {
      %mul3A_407 = arith.constant 2 : i32
      %mul3A_408 = arith.muli %scan3A_406, %mul3A_407 : i32
      %add3A_409 = arith.constant 0 : i32
      %add3A_410 = arith.addi %mul3A_408, %add3A_409 : i32
      %add3A_411 = arith.constant 1 : i32
      %add3A_412 = arith.addi %add3A_410, %add3A_411 : i32
      %lt3A = arith.constant 16 : i32
      %lt3A_413 = arith.cmpi slt, %add3A_412, %lt3A : i32
      %convert_element_type3A = arith.extui %lt3A_413 : i1 to i32
      %cond3A = arith.constant 0 : i32
      %cond3A_414 = arith.cmpi ne, %convert_element_type3A, %cond3A : i32
      scf.if %cond3A_414 {
        %ge3A = arith.constant 1 : i32
        %ge3A_1212 = arith.cmpi sge, %add3A_410, %ge3A : i32
        %convert_element_type3A_1213 = arith.extui %ge3A_1212 : i1 to i32
        %cond3A_1214 = arith.constant 0 : i32
        %cond3A_1215 = arith.cmpi ne, %convert_element_type3A_1213, %cond3A_1214 : i32
        scf.if %cond3A_1215 {
          %add3A_1698 = arith.constant 0 : i32
          %add3A_1699 = arith.addi %mul3A_2, %add3A_1698 : i32
          %dma_wait3A_1700 = arith.constant 0 : i32
          %dma_wait3A_1701 = arith.constant 0 : i32
          %dma_wait3A_1702 = tpu.memref_slice %arg4[%add3A_1699, %dma_wait3A_1700, %dma_wait3A_1701] : memref<16384x26x64xf32, #tpu.memory_space<hbm>> -> memref<32x26x64xf32, #tpu.memory_space<hbm>>
          %dma_wait3A_1703 = arith.constant 0 : i32
          %dma_wait3A_1704 = arith.constant 0 : i32
          %dma_wait3A_1705 = tpu.memref_slice %arg4[%add3A_1699, %dma_wait3A_1703, %dma_wait3A_1704] : memref<16384x26x64xf32, #tpu.memory_space<hbm>> -> memref<32x26x64xf32, #tpu.memory_space<hbm>>
          tpu.wait_dma2 semaphore(%arg11 : memref<!tpu.dma_semaphore, #tpu.memory_space<semaphore_mem>>) src(%arg7 : memref<32x26x64xf32, #tpu.memory_space<vmem>>) dst(%dma_wait3A_1705 : memref<32x26x64xf32, #tpu.memory_space<hbm>>)
        } else {
        }
        %add3A_1216 = arith.constant 1 : i32
        %add3A_1217 = arith.addi %add3A_410, %add3A_1216 : i32
        %mul3A_1218 = arith.constant 32 : i32
        %mul3A_1219 = arith.muli %add3A_1217, %mul3A_1218 : i32
        %add3A_1220 = arith.constant 0 : i32
        %add3A_1221 = arith.addi %mul3A_1219, %add3A_1220 : i32
        %dma_start3A_1222 = arith.constant 0 : i32
        %dma_start3A_1223 = arith.constant 0 : i32
        %dma_start3A_1224 = arith.constant 0 : i32
        %dma_start3A_1225 = tpu.memref_slice %arg7[%dma_start3A_1222, %dma_start3A_1223, %dma_start3A_1224] : memref<32x26x64xf32, #tpu.memory_space<vmem>> -> memref<1x26x64xf32, #tpu.memory_space<vmem>>
        %dma_start3A_1226 = tpu.memref_squeeze %dma_start3A_1225 : memref<1x26x64xf32, #tpu.memory_space<vmem>> -> memref<26x64xf32, #tpu.memory_space<vmem>>
        %dma_start3A_1227 = arith.constant 0 : i32
        %dma_start3A_1228 = tpu.memref_slice %arg5[%add3A_1221, %dma_start3A_1227] : memref<512x26xi32, #tpu.memory_space<vmem>> -> memref<1x26xi32, #tpu.memory_space<vmem>>
        %dma_start3A_1229 = tpu.memref_squeeze %dma_start3A_1228 : memref<1x26xi32, #tpu.memory_space<vmem>> -> memref<26xi32, #tpu.memory_space<vmem>>
        %dma_start3A_1230 = arith.constant 0 : i32
        %dma_start3A_1231 = arith.constant 0 : i32
        %dma_start3A_1232 = tpu.memref_slice %arg2[%dma_start3A_1230, %dma_start3A_1231] : memref<1000000x64xf32, #tpu.memory_space<hbm>> -> memref<1000000x64xf32, #tpu.memory_space<hbm>>
        tpu.enqueue_indirect_dma source(%dma_start3A_1232 : memref<1000000x64xf32, #tpu.memory_space<hbm>>) target(%dma_start3A_1226 : memref<26x64xf32, #tpu.memory_space<vmem>>) offsets(%dma_start3A_1229 : memref<26xi32, #tpu.memory_space<vmem>>) semaphore(%arg9 : memref<!tpu.dma_semaphore, #tpu.memory_space<semaphore_mem>>)
        %mul3A_1233 = arith.constant 32 : i32
        %mul3A_1234 = arith.muli %add3A_1217, %mul3A_1233 : i32
        %add3A_1235 = arith.constant 1 : i32
        %add3A_1236 = arith.addi %mul3A_1234, %add3A_1235 : i32
        %dma_start3A_1237 = arith.constant 1 : i32
        %dma_start3A_1238 = arith.constant 0 : i32
        %dma_start3A_1239 = arith.constant 0 : i32
        %dma_start3A_1240 = tpu.memref_slice %arg7[%dma_start3A_1237, %dma_start3A_1238, %dma_start3A_1239] : memref<32x26x64xf32, #tpu.memory_space<vmem>> -> memref<1x26x64xf32, #tpu.memory_space<vmem>>
        %dma_start3A_1241 = tpu.memref_squeeze %dma_start3A_1240 : memref<1x26x64xf32, #tpu.memory_space<vmem>> -> memref<26x64xf32, #tpu.memory_space<vmem>>
        %dma_start3A_1242 = arith.constant 0 : i32
        %dma_start3A_1243 = tpu.memref_slice %arg5[%add3A_1236, %dma_start3A_1242] : memref<512x26xi32, #tpu.memory_space<vmem>> -> memref<1x26xi32, #tpu.memory_space<vmem>>
        %dma_start3A_1244 = tpu.memref_squeeze %dma_start3A_1243 : memref<1x26xi32, #tpu.memory_space<vmem>> -> memref<26xi32, #tpu.memory_space<vmem>>
        %dma_start3A_1245 = arith.constant 0 : i32
        %dma_start3A_1246 = arith.constant 0 : i32
        %dma_start3A_1247 = tpu.memref_slice %arg2[%dma_start3A_1245, %dma_start3A_1246] : memref<1000000x64xf32, #tpu.memory_space<hbm>> -> memref<1000000x64xf32, #tpu.memory_space<hbm>>
        tpu.enqueue_indirect_dma source(%dma_start3A_1247 : memref<1000000x64xf32, #tpu.memory_space<hbm>>) target(%dma_start3A_1241 : memref<26x64xf32, #tpu.memory_space<vmem>>) offsets(%dma_start3A_1244 : memref<26xi32, #tpu.memory_space<vmem>>) semaphore(%arg9 : memref<!tpu.dma_semaphore, #tpu.memory_space<semaphore_mem>>)
        %mul3A_1248 = arith.constant 32 : i32
        %mul3A_1249 = arith.muli %add3A_1217, %mul3A_1248 : i32
        %add3A_1250 = arith.constant 2 : i32
        %add3A_1251 = arith.addi %mul3A_1249, %add3A_1250 : i32
        %dma_start3A_1252 = arith.constant 2 : i32
        %dma_start3A_1253 = arith.constant 0 : i32
        %dma_start3A_1254 = arith.constant 0 : i32
        %dma_start3A_1255 = tpu.memref_slice %arg7[%dma_start3A_1252, %dma_start3A_1253, %dma_start3A_1254] : memref<32x26x64xf32, #tpu.memory_space<vmem>> -> memref<1x26x64xf32, #tpu.memory_space<vmem>>
        %dma_start3A_1256 = tpu.memref_squeeze %dma_start3A_1255 : memref<1x26x64xf32, #tpu.memory_space<vmem>> -> memref<26x64xf32, #tpu.memory_space<vmem>>
        %dma_start3A_1257 = arith.constant 0 : i32
        %dma_start3A_1258 = tpu.memref_slice %arg5[%add3A_1251, %dma_start3A_1257] : memref<512x26xi32, #tpu.memory_space<vmem>> -> memref<1x26xi32, #tpu.memory_space<vmem>>
        %dma_start3A_1259 = tpu.memref_squeeze %dma_start3A_1258 : memref<1x26xi32, #tpu.memory_space<vmem>> -> memref<26xi32, #tpu.memory_space<vmem>>
        %dma_start3A_1260 = arith.constant 0 : i32
        %dma_start3A_1261 = arith.constant 0 : i32
        %dma_start3A_1262 = tpu.memref_slice %arg2[%dma_start3A_1260, %dma_start3A_1261] : memref<1000000x64xf32, #tpu.memory_space<hbm>> -> memref<1000000x64xf32, #tpu.memory_space<hbm>>
        tpu.enqueue_indirect_dma source(%dma_start3A_1262 : memref<1000000x64xf32, #tpu.memory_space<hbm>>) target(%dma_start3A_1256 : memref<26x64xf32, #tpu.memory_space<vmem>>) offsets(%dma_start3A_1259 : memref<26xi32, #tpu.memory_space<vmem>>) semaphore(%arg9 : memref<!tpu.dma_semaphore, #tpu.memory_space<semaphore_mem>>)
        %mul3A_1263 = arith.constant 32 : i32
        %mul3A_1264 = arith.muli %add3A_1217, %mul3A_1263 : i32
        %add3A_1265 = arith.constant 3 : i32
        %add3A_1266 = arith.addi %mul3A_1264, %add3A_1265 : i32
        %dma_start3A_1267 = arith.constant 3 : i32
        %dma_start3A_1268 = arith.constant 0 : i32
        %dma_start3A_1269 = arith.constant 0 : i32
        %dma_start3A_1270 = tpu.memref_slice %arg7[%dma_start3A_1267, %dma_start3A_1268, %dma_start3A_1269] : memref<32x26x64xf32, #tpu.memory_space<vmem>> -> memref<1x26x64xf32, #tpu.memory_space<vmem>>
        %dma_start3A_1271 = tpu.memref_squeeze %dma_start3A_1270 : memref<1x26x64xf32, #tpu.memory_space<vmem>> -> memref<26x64xf32, #tpu.memory_space<vmem>>
        %dma_start3A_1272 = arith.constant 0 : i32
        %dma_start3A_1273 = tpu.memref_slice %arg5[%add3A_1266, %dma_start3A_1272] : memref<512x26xi32, #tpu.memory_space<vmem>> -> memref<1x26xi32, #tpu.memory_space<vmem>>
        %dma_start3A_1274 = tpu.memref_squeeze %dma_start3A_1273 : memref<1x26xi32, #tpu.memory_space<vmem>> -> memref<26xi32, #tpu.memory_space<vmem>>
        %dma_start3A_1275 = arith.constant 0 : i32
        %dma_start3A_1276 = arith.constant 0 : i32
        %dma_start3A_1277 = tpu.memref_slice %arg2[%dma_start3A_1275, %dma_start3A_1276] : memref<1000000x64xf32, #tpu.memory_space<hbm>> -> memref<1000000x64xf32, #tpu.memory_space<hbm>>
        tpu.enqueue_indirect_dma source(%dma_start3A_1277 : memref<1000000x64xf32, #tpu.memory_space<hbm>>) target(%dma_start3A_1271 : memref<26x64xf32, #tpu.memory_space<vmem>>) offsets(%dma_start3A_1274 : memref<26xi32, #tpu.memory_space<vmem>>) semaphore(%arg9 : memref<!tpu.dma_semaphore, #tpu.memory_space<semaphore_mem>>)
        %mul3A_1278 = arith.constant 32 : i32
        %mul3A_1279 = arith.muli %add3A_1217, %mul3A_1278 : i32
        %add3A_1280 = arith.constant 4 : i32
        %add3A_1281 = arith.addi %mul3A_1279, %add3A_1280 : i32
        %dma_start3A_1282 = arith.constant 4 : i32
        %dma_start3A_1283 = arith.constant 0 : i32
        %dma_start3A_1284 = arith.constant 0 : i32
        %dma_start3A_1285 = tpu.memref_slice %arg7[%dma_start3A_1282, %dma_start3A_1283, %dma_start3A_1284] : memref<32x26x64xf32, #tpu.memory_space<vmem>> -> memref<1x26x64xf32, #tpu.memory_space<vmem>>
        %dma_start3A_1286 = tpu.memref_squeeze %dma_start3A_1285 : memref<1x26x64xf32, #tpu.memory_space<vmem>> -> memref<26x64xf32, #tpu.memory_space<vmem>>
        %dma_start3A_1287 = arith.constant 0 : i32
        %dma_start3A_1288 = tpu.memref_slice %arg5[%add3A_1281, %dma_start3A_1287] : memref<512x26xi32, #tpu.memory_space<vmem>> -> memref<1x26xi32, #tpu.memory_space<vmem>>
        %dma_start3A_1289 = tpu.memref_squeeze %dma_start3A_1288 : memref<1x26xi32, #tpu.memory_space<vmem>> -> memref<26xi32, #tpu.memory_space<vmem>>
        %dma_start3A_1290 = arith.constant 0 : i32
        %dma_start3A_1291 = arith.constant 0 : i32
        %dma_start3A_1292 = tpu.memref_slice %arg2[%dma_start3A_1290, %dma_start3A_1291] : memref<1000000x64xf32, #tpu.memory_space<hbm>> -> memref<1000000x64xf32, #tpu.memory_space<hbm>>
        tpu.enqueue_indirect_dma source(%dma_start3A_1292 : memref<1000000x64xf32, #tpu.memory_space<hbm>>) target(%dma_start3A_1286 : memref<26x64xf32, #tpu.memory_space<vmem>>) offsets(%dma_start3A_1289 : memref<26xi32, #tpu.memory_space<vmem>>) semaphore(%arg9 : memref<!tpu.dma_semaphore, #tpu.memory_space<semaphore_mem>>)
        %mul3A_1293 = arith.constant 32 : i32
        %mul3A_1294 = arith.muli %add3A_1217, %mul3A_1293 : i32
        %add3A_1295 = arith.constant 5 : i32
        %add3A_1296 = arith.addi %mul3A_1294, %add3A_1295 : i32
        %dma_start3A_1297 = arith.constant 5 : i32
        %dma_start3A_1298 = arith.constant 0 : i32
        %dma_start3A_1299 = arith.constant 0 : i32
        %dma_start3A_1300 = tpu.memref_slice %arg7[%dma_start3A_1297, %dma_start3A_1298, %dma_start3A_1299] : memref<32x26x64xf32, #tpu.memory_space<vmem>> -> memref<1x26x64xf32, #tpu.memory_space<vmem>>
        %dma_start3A_1301 = tpu.memref_squeeze %dma_start3A_1300 : memref<1x26x64xf32, #tpu.memory_space<vmem>> -> memref<26x64xf32, #tpu.memory_space<vmem>>
        %dma_start3A_1302 = arith.constant 0 : i32
        %dma_start3A_1303 = tpu.memref_slice %arg5[%add3A_1296, %dma_start3A_1302] : memref<512x26xi32, #tpu.memory_space<vmem>> -> memref<1x26xi32, #tpu.memory_space<vmem>>
        %dma_start3A_1304 = tpu.memref_squeeze %dma_start3A_1303 : memref<1x26xi32, #tpu.memory_space<vmem>> -> memref<26xi32, #tpu.memory_space<vmem>>
        %dma_start3A_1305 = arith.constant 0 : i32
        %dma_start3A_1306 = arith.constant 0 : i32
        %dma_start3A_1307 = tpu.memref_slice %arg2[%dma_start3A_1305, %dma_start3A_1306] : memref<1000000x64xf32, #tpu.memory_space<hbm>> -> memref<1000000x64xf32, #tpu.memory_space<hbm>>
        tpu.enqueue_indirect_dma source(%dma_start3A_1307 : memref<1000000x64xf32, #tpu.memory_space<hbm>>) target(%dma_start3A_1301 : memref<26x64xf32, #tpu.memory_space<vmem>>) offsets(%dma_start3A_1304 : memref<26xi32, #tpu.memory_space<vmem>>) semaphore(%arg9 : memref<!tpu.dma_semaphore, #tpu.memory_space<semaphore_mem>>)
        %mul3A_1308 = arith.constant 32 : i32
        %mul3A_1309 = arith.muli %add3A_1217, %mul3A_1308 : i32
        %add3A_1310 = arith.constant 6 : i32
        %add3A_1311 = arith.addi %mul3A_1309, %add3A_1310 : i32
        %dma_start3A_1312 = arith.constant 6 : i32
        %dma_start3A_1313 = arith.constant 0 : i32
        %dma_start3A_1314 = arith.constant 0 : i32
        %dma_start3A_1315 = tpu.memref_slice %arg7[%dma_start3A_1312, %dma_start3A_1313, %dma_start3A_1314] : memref<32x26x64xf32, #tpu.memory_space<vmem>> -> memref<1x26x64xf32, #tpu.memory_space<vmem>>
        %dma_start3A_1316 = tpu.memref_squeeze %dma_start3A_1315 : memref<1x26x64xf32, #tpu.memory_space<vmem>> -> memref<26x64xf32, #tpu.memory_space<vmem>>
        %dma_start3A_1317 = arith.constant 0 : i32
        %dma_start3A_1318 = tpu.memref_slice %arg5[%add3A_1311, %dma_start3A_1317] : memref<512x26xi32, #tpu.memory_space<vmem>> -> memref<1x26xi32, #tpu.memory_space<vmem>>
        %dma_start3A_1319 = tpu.memref_squeeze %dma_start3A_1318 : memref<1x26xi32, #tpu.memory_space<vmem>> -> memref<26xi32, #tpu.memory_space<vmem>>
        %dma_start3A_1320 = arith.constant 0 : i32
        %dma_start3A_1321 = arith.constant 0 : i32
        %dma_start3A_1322 = tpu.memref_slice %arg2[%dma_start3A_1320, %dma_start3A_1321] : memref<1000000x64xf32, #tpu.memory_space<hbm>> -> memref<1000000x64xf32, #tpu.memory_space<hbm>>
        tpu.enqueue_indirect_dma source(%dma_start3A_1322 : memref<1000000x64xf32, #tpu.memory_space<hbm>>) target(%dma_start3A_1316 : memref<26x64xf32, #tpu.memory_space<vmem>>) offsets(%dma_start3A_1319 : memref<26xi32, #tpu.memory_space<vmem>>) semaphore(%arg9 : memref<!tpu.dma_semaphore, #tpu.memory_space<semaphore_mem>>)
        %mul3A_1323 = arith.constant 32 : i32
        %mul3A_1324 = arith.muli %add3A_1217, %mul3A_1323 : i32
        %add3A_1325 = arith.constant 7 : i32
        %add3A_1326 = arith.addi %mul3A_1324, %add3A_1325 : i32
        %dma_start3A_1327 = arith.constant 7 : i32
        %dma_start3A_1328 = arith.constant 0 : i32
        %dma_start3A_1329 = arith.constant 0 : i32
        %dma_start3A_1330 = tpu.memref_slice %arg7[%dma_start3A_1327, %dma_start3A_1328, %dma_start3A_1329] : memref<32x26x64xf32, #tpu.memory_space<vmem>> -> memref<1x26x64xf32, #tpu.memory_space<vmem>>
        %dma_start3A_1331 = tpu.memref_squeeze %dma_start3A_1330 : memref<1x26x64xf32, #tpu.memory_space<vmem>> -> memref<26x64xf32, #tpu.memory_space<vmem>>
        %dma_start3A_1332 = arith.constant 0 : i32
        %dma_start3A_1333 = tpu.memref_slice %arg5[%add3A_1326, %dma_start3A_1332] : memref<512x26xi32, #tpu.memory_space<vmem>> -> memref<1x26xi32, #tpu.memory_space<vmem>>
        %dma_start3A_1334 = tpu.memref_squeeze %dma_start3A_1333 : memref<1x26xi32, #tpu.memory_space<vmem>> -> memref<26xi32, #tpu.memory_space<vmem>>
        %dma_start3A_1335 = arith.constant 0 : i32
        %dma_start3A_1336 = arith.constant 0 : i32
        %dma_start3A_1337 = tpu.memref_slice %arg2[%dma_start3A_1335, %dma_start3A_1336] : memref<1000000x64xf32, #tpu.memory_space<hbm>> -> memref<1000000x64xf32, #tpu.memory_space<hbm>>
        tpu.enqueue_indirect_dma source(%dma_start3A_1337 : memref<1000000x64xf32, #tpu.memory_space<hbm>>) target(%dma_start3A_1331 : memref<26x64xf32, #tpu.memory_space<vmem>>) offsets(%dma_start3A_1334 : memref<26xi32, #tpu.memory_space<vmem>>) semaphore(%arg9 : memref<!tpu.dma_semaphore, #tpu.memory_space<semaphore_mem>>)
        %mul3A_1338 = arith.constant 32 : i32
        %mul3A_1339 = arith.muli %add3A_1217, %mul3A_1338 : i32
        %add3A_1340 = arith.constant 8 : i32
        %add3A_1341 = arith.addi %mul3A_1339, %add3A_1340 : i32
        %dma_start3A_1342 = arith.constant 8 : i32
        %dma_start3A_1343 = arith.constant 0 : i32
        %dma_start3A_1344 = arith.constant 0 : i32
        %dma_start3A_1345 = tpu.memref_slice %arg7[%dma_start3A_1342, %dma_start3A_1343, %dma_start3A_1344] : memref<32x26x64xf32, #tpu.memory_space<vmem>> -> memref<1x26x64xf32, #tpu.memory_space<vmem>>
        %dma_start3A_1346 = tpu.memref_squeeze %dma_start3A_1345 : memref<1x26x64xf32, #tpu.memory_space<vmem>> -> memref<26x64xf32, #tpu.memory_space<vmem>>
        %dma_start3A_1347 = arith.constant 0 : i32
        %dma_start3A_1348 = tpu.memref_slice %arg5[%add3A_1341, %dma_start3A_1347] : memref<512x26xi32, #tpu.memory_space<vmem>> -> memref<1x26xi32, #tpu.memory_space<vmem>>
        %dma_start3A_1349 = tpu.memref_squeeze %dma_start3A_1348 : memref<1x26xi32, #tpu.memory_space<vmem>> -> memref<26xi32, #tpu.memory_space<vmem>>
        %dma_start3A_1350 = arith.constant 0 : i32
        %dma_start3A_1351 = arith.constant 0 : i32
        %dma_start3A_1352 = tpu.memref_slice %arg2[%dma_start3A_1350, %dma_start3A_1351] : memref<1000000x64xf32, #tpu.memory_space<hbm>> -> memref<1000000x64xf32, #tpu.memory_space<hbm>>
        tpu.enqueue_indirect_dma source(%dma_start3A_1352 : memref<1000000x64xf32, #tpu.memory_space<hbm>>) target(%dma_start3A_1346 : memref<26x64xf32, #tpu.memory_space<vmem>>) offsets(%dma_start3A_1349 : memref<26xi32, #tpu.memory_space<vmem>>) semaphore(%arg9 : memref<!tpu.dma_semaphore, #tpu.memory_space<semaphore_mem>>)
        %mul3A_1353 = arith.constant 32 : i32
        %mul3A_1354 = arith.muli %add3A_1217, %mul3A_1353 : i32
        %add3A_1355 = arith.constant 9 : i32
        %add3A_1356 = arith.addi %mul3A_1354, %add3A_1355 : i32
        %dma_start3A_1357 = arith.constant 9 : i32
        %dma_start3A_1358 = arith.constant 0 : i32
        %dma_start3A_1359 = arith.constant 0 : i32
        %dma_start3A_1360 = tpu.memref_slice %arg7[%dma_start3A_1357, %dma_start3A_1358, %dma_start3A_1359] : memref<32x26x64xf32, #tpu.memory_space<vmem>> -> memref<1x26x64xf32, #tpu.memory_space<vmem>>
        %dma_start3A_1361 = tpu.memref_squeeze %dma_start3A_1360 : memref<1x26x64xf32, #tpu.memory_space<vmem>> -> memref<26x64xf32, #tpu.memory_space<vmem>>
        %dma_start3A_1362 = arith.constant 0 : i32
        %dma_start3A_1363 = tpu.memref_slice %arg5[%add3A_1356, %dma_start3A_1362] : memref<512x26xi32, #tpu.memory_space<vmem>> -> memref<1x26xi32, #tpu.memory_space<vmem>>
        %dma_start3A_1364 = tpu.memref_squeeze %dma_start3A_1363 : memref<1x26xi32, #tpu.memory_space<vmem>> -> memref<26xi32, #tpu.memory_space<vmem>>
        %dma_start3A_1365 = arith.constant 0 : i32
        %dma_start3A_1366 = arith.constant 0 : i32
        %dma_start3A_1367 = tpu.memref_slice %arg2[%dma_start3A_1365, %dma_start3A_1366] : memref<1000000x64xf32, #tpu.memory_space<hbm>> -> memref<1000000x64xf32, #tpu.memory_space<hbm>>
        tpu.enqueue_indirect_dma source(%dma_start3A_1367 : memref<1000000x64xf32, #tpu.memory_space<hbm>>) target(%dma_start3A_1361 : memref<26x64xf32, #tpu.memory_space<vmem>>) offsets(%dma_start3A_1364 : memref<26xi32, #tpu.memory_space<vmem>>) semaphore(%arg9 : memref<!tpu.dma_semaphore, #tpu.memory_space<semaphore_mem>>)
        %mul3A_1368 = arith.constant 32 : i32
        %mul3A_1369 = arith.muli %add3A_1217, %mul3A_1368 : i32
        %add3A_1370 = arith.constant 10 : i32
        %add3A_1371 = arith.addi %mul3A_1369, %add3A_1370 : i32
        %dma_start3A_1372 = arith.constant 10 : i32
        %dma_start3A_1373 = arith.constant 0 : i32
        %dma_start3A_1374 = arith.constant 0 : i32
        %dma_start3A_1375 = tpu.memref_slice %arg7[%dma_start3A_1372, %dma_start3A_1373, %dma_start3A_1374] : memref<32x26x64xf32, #tpu.memory_space<vmem>> -> memref<1x26x64xf32, #tpu.memory_space<vmem>>
        %dma_start3A_1376 = tpu.memref_squeeze %dma_start3A_1375 : memref<1x26x64xf32, #tpu.memory_space<vmem>> -> memref<26x64xf32, #tpu.memory_space<vmem>>
        %dma_start3A_1377 = arith.constant 0 : i32
        %dma_start3A_1378 = tpu.memref_slice %arg5[%add3A_1371, %dma_start3A_1377] : memref<512x26xi32, #tpu.memory_space<vmem>> -> memref<1x26xi32, #tpu.memory_space<vmem>>
        %dma_start3A_1379 = tpu.memref_squeeze %dma_start3A_1378 : memref<1x26xi32, #tpu.memory_space<vmem>> -> memref<26xi32, #tpu.memory_space<vmem>>
        %dma_start3A_1380 = arith.constant 0 : i32
        %dma_start3A_1381 = arith.constant 0 : i32
        %dma_start3A_1382 = tpu.memref_slice %arg2[%dma_start3A_1380, %dma_start3A_1381] : memref<1000000x64xf32, #tpu.memory_space<hbm>> -> memref<1000000x64xf32, #tpu.memory_space<hbm>>
        tpu.enqueue_indirect_dma source(%dma_start3A_1382 : memref<1000000x64xf32, #tpu.memory_space<hbm>>) target(%dma_start3A_1376 : memref<26x64xf32, #tpu.memory_space<vmem>>) offsets(%dma_start3A_1379 : memref<26xi32, #tpu.memory_space<vmem>>) semaphore(%arg9 : memref<!tpu.dma_semaphore, #tpu.memory_space<semaphore_mem>>)
        %mul3A_1383 = arith.constant 32 : i32
        %mul3A_1384 = arith.muli %add3A_1217, %mul3A_1383 : i32
        %add3A_1385 = arith.constant 11 : i32
        %add3A_1386 = arith.addi %mul3A_1384, %add3A_1385 : i32
        %dma_start3A_1387 = arith.constant 11 : i32
        %dma_start3A_1388 = arith.constant 0 : i32
        %dma_start3A_1389 = arith.constant 0 : i32
        %dma_start3A_1390 = tpu.memref_slice %arg7[%dma_start3A_1387, %dma_start3A_1388, %dma_start3A_1389] : memref<32x26x64xf32, #tpu.memory_space<vmem>> -> memref<1x26x64xf32, #tpu.memory_space<vmem>>
        %dma_start3A_1391 = tpu.memref_squeeze %dma_start3A_1390 : memref<1x26x64xf32, #tpu.memory_space<vmem>> -> memref<26x64xf32, #tpu.memory_space<vmem>>
        %dma_start3A_1392 = arith.constant 0 : i32
        %dma_start3A_1393 = tpu.memref_slice %arg5[%add3A_1386, %dma_start3A_1392] : memref<512x26xi32, #tpu.memory_space<vmem>> -> memref<1x26xi32, #tpu.memory_space<vmem>>
        %dma_start3A_1394 = tpu.memref_squeeze %dma_start3A_1393 : memref<1x26xi32, #tpu.memory_space<vmem>> -> memref<26xi32, #tpu.memory_space<vmem>>
        %dma_start3A_1395 = arith.constant 0 : i32
        %dma_start3A_1396 = arith.constant 0 : i32
        %dma_start3A_1397 = tpu.memref_slice %arg2[%dma_start3A_1395, %dma_start3A_1396] : memref<1000000x64xf32, #tpu.memory_space<hbm>> -> memref<1000000x64xf32, #tpu.memory_space<hbm>>
        tpu.enqueue_indirect_dma source(%dma_start3A_1397 : memref<1000000x64xf32, #tpu.memory_space<hbm>>) target(%dma_start3A_1391 : memref<26x64xf32, #tpu.memory_space<vmem>>) offsets(%dma_start3A_1394 : memref<26xi32, #tpu.memory_space<vmem>>) semaphore(%arg9 : memref<!tpu.dma_semaphore, #tpu.memory_space<semaphore_mem>>)
        %mul3A_1398 = arith.constant 32 : i32
        %mul3A_1399 = arith.muli %add3A_1217, %mul3A_1398 : i32
        %add3A_1400 = arith.constant 12 : i32
        %add3A_1401 = arith.addi %mul3A_1399, %add3A_1400 : i32
        %dma_start3A_1402 = arith.constant 12 : i32
        %dma_start3A_1403 = arith.constant 0 : i32
        %dma_start3A_1404 = arith.constant 0 : i32
        %dma_start3A_1405 = tpu.memref_slice %arg7[%dma_start3A_1402, %dma_start3A_1403, %dma_start3A_1404] : memref<32x26x64xf32, #tpu.memory_space<vmem>> -> memref<1x26x64xf32, #tpu.memory_space<vmem>>
        %dma_start3A_1406 = tpu.memref_squeeze %dma_start3A_1405 : memref<1x26x64xf32, #tpu.memory_space<vmem>> -> memref<26x64xf32, #tpu.memory_space<vmem>>
        %dma_start3A_1407 = arith.constant 0 : i32
        %dma_start3A_1408 = tpu.memref_slice %arg5[%add3A_1401, %dma_start3A_1407] : memref<512x26xi32, #tpu.memory_space<vmem>> -> memref<1x26xi32, #tpu.memory_space<vmem>>
        %dma_start3A_1409 = tpu.memref_squeeze %dma_start3A_1408 : memref<1x26xi32, #tpu.memory_space<vmem>> -> memref<26xi32, #tpu.memory_space<vmem>>
        %dma_start3A_1410 = arith.constant 0 : i32
        %dma_start3A_1411 = arith.constant 0 : i32
        %dma_start3A_1412 = tpu.memref_slice %arg2[%dma_start3A_1410, %dma_start3A_1411] : memref<1000000x64xf32, #tpu.memory_space<hbm>> -> memref<1000000x64xf32, #tpu.memory_space<hbm>>
        tpu.enqueue_indirect_dma source(%dma_start3A_1412 : memref<1000000x64xf32, #tpu.memory_space<hbm>>) target(%dma_start3A_1406 : memref<26x64xf32, #tpu.memory_space<vmem>>) offsets(%dma_start3A_1409 : memref<26xi32, #tpu.memory_space<vmem>>) semaphore(%arg9 : memref<!tpu.dma_semaphore, #tpu.memory_space<semaphore_mem>>)
        %mul3A_1413 = arith.constant 32 : i32
        %mul3A_1414 = arith.muli %add3A_1217, %mul3A_1413 : i32
        %add3A_1415 = arith.constant 13 : i32
        %add3A_1416 = arith.addi %mul3A_1414, %add3A_1415 : i32
        %dma_start3A_1417 = arith.constant 13 : i32
        %dma_start3A_1418 = arith.constant 0 : i32
        %dma_start3A_1419 = arith.constant 0 : i32
        %dma_start3A_1420 = tpu.memref_slice %arg7[%dma_start3A_1417, %dma_start3A_1418, %dma_start3A_1419] : memref<32x26x64xf32, #tpu.memory_space<vmem>> -> memref<1x26x64xf32, #tpu.memory_space<vmem>>
        %dma_start3A_1421 = tpu.memref_squeeze %dma_start3A_1420 : memref<1x26x64xf32, #tpu.memory_space<vmem>> -> memref<26x64xf32, #tpu.memory_space<vmem>>
        %dma_start3A_1422 = arith.constant 0 : i32
        %dma_start3A_1423 = tpu.memref_slice %arg5[%add3A_1416, %dma_start3A_1422] : memref<512x26xi32, #tpu.memory_space<vmem>> -> memref<1x26xi32, #tpu.memory_space<vmem>>
        %dma_start3A_1424 = tpu.memref_squeeze %dma_start3A_1423 : memref<1x26xi32, #tpu.memory_space<vmem>> -> memref<26xi32, #tpu.memory_space<vmem>>
        %dma_start3A_1425 = arith.constant 0 : i32
        %dma_start3A_1426 = arith.constant 0 : i32
        %dma_start3A_1427 = tpu.memref_slice %arg2[%dma_start3A_1425, %dma_start3A_1426] : memref<1000000x64xf32, #tpu.memory_space<hbm>> -> memref<1000000x64xf32, #tpu.memory_space<hbm>>
        tpu.enqueue_indirect_dma source(%dma_start3A_1427 : memref<1000000x64xf32, #tpu.memory_space<hbm>>) target(%dma_start3A_1421 : memref<26x64xf32, #tpu.memory_space<vmem>>) offsets(%dma_start3A_1424 : memref<26xi32, #tpu.memory_space<vmem>>) semaphore(%arg9 : memref<!tpu.dma_semaphore, #tpu.memory_space<semaphore_mem>>)
        %mul3A_1428 = arith.constant 32 : i32
        %mul3A_1429 = arith.muli %add3A_1217, %mul3A_1428 : i32
        %add3A_1430 = arith.constant 14 : i32
        %add3A_1431 = arith.addi %mul3A_1429, %add3A_1430 : i32
        %dma_start3A_1432 = arith.constant 14 : i32
        %dma_start3A_1433 = arith.constant 0 : i32
        %dma_start3A_1434 = arith.constant 0 : i32
        %dma_start3A_1435 = tpu.memref_slice %arg7[%dma_start3A_1432, %dma_start3A_1433, %dma_start3A_1434] : memref<32x26x64xf32, #tpu.memory_space<vmem>> -> memref<1x26x64xf32, #tpu.memory_space<vmem>>
        %dma_start3A_1436 = tpu.memref_squeeze %dma_start3A_1435 : memref<1x26x64xf32, #tpu.memory_space<vmem>> -> memref<26x64xf32, #tpu.memory_space<vmem>>
        %dma_start3A_1437 = arith.constant 0 : i32
        %dma_start3A_1438 = tpu.memref_slice %arg5[%add3A_1431, %dma_start3A_1437] : memref<512x26xi32, #tpu.memory_space<vmem>> -> memref<1x26xi32, #tpu.memory_space<vmem>>
        %dma_start3A_1439 = tpu.memref_squeeze %dma_start3A_1438 : memref<1x26xi32, #tpu.memory_space<vmem>> -> memref<26xi32, #tpu.memory_space<vmem>>
        %dma_start3A_1440 = arith.constant 0 : i32
        %dma_start3A_1441 = arith.constant 0 : i32
        %dma_start3A_1442 = tpu.memref_slice %arg2[%dma_start3A_1440, %dma_start3A_1441] : memref<1000000x64xf32, #tpu.memory_space<hbm>> -> memref<1000000x64xf32, #tpu.memory_space<hbm>>
        tpu.enqueue_indirect_dma source(%dma_start3A_1442 : memref<1000000x64xf32, #tpu.memory_space<hbm>>) target(%dma_start3A_1436 : memref<26x64xf32, #tpu.memory_space<vmem>>) offsets(%dma_start3A_1439 : memref<26xi32, #tpu.memory_space<vmem>>) semaphore(%arg9 : memref<!tpu.dma_semaphore, #tpu.memory_space<semaphore_mem>>)
        %mul3A_1443 = arith.constant 32 : i32
        %mul3A_1444 = arith.muli %add3A_1217, %mul3A_1443 : i32
        %add3A_1445 = arith.constant 15 : i32
        %add3A_1446 = arith.addi %mul3A_1444, %add3A_1445 : i32
        %dma_start3A_1447 = arith.constant 15 : i32
        %dma_start3A_1448 = arith.constant 0 : i32
        %dma_start3A_1449 = arith.constant 0 : i32
        %dma_start3A_1450 = tpu.memref_slice %arg7[%dma_start3A_1447, %dma_start3A_1448, %dma_start3A_1449] : memref<32x26x64xf32, #tpu.memory_space<vmem>> -> memref<1x26x64xf32, #tpu.memory_space<vmem>>
        %dma_start3A_1451 = tpu.memref_squeeze %dma_start3A_1450 : memref<1x26x64xf32, #tpu.memory_space<vmem>> -> memref<26x64xf32, #tpu.memory_space<vmem>>
        %dma_start3A_1452 = arith.constant 0 : i32
        %dma_start3A_1453 = tpu.memref_slice %arg5[%add3A_1446, %dma_start3A_1452] : memref<512x26xi32, #tpu.memory_space<vmem>> -> memref<1x26xi32, #tpu.memory_space<vmem>>
        %dma_start3A_1454 = tpu.memref_squeeze %dma_start3A_1453 : memref<1x26xi32, #tpu.memory_space<vmem>> -> memref<26xi32, #tpu.memory_space<vmem>>
        %dma_start3A_1455 = arith.constant 0 : i32
        %dma_start3A_1456 = arith.constant 0 : i32
        %dma_start3A_1457 = tpu.memref_slice %arg2[%dma_start3A_1455, %dma_start3A_1456] : memref<1000000x64xf32, #tpu.memory_space<hbm>> -> memref<1000000x64xf32, #tpu.memory_space<hbm>>
        tpu.enqueue_indirect_dma source(%dma_start3A_1457 : memref<1000000x64xf32, #tpu.memory_space<hbm>>) target(%dma_start3A_1451 : memref<26x64xf32, #tpu.memory_space<vmem>>) offsets(%dma_start3A_1454 : memref<26xi32, #tpu.memory_space<vmem>>) semaphore(%arg9 : memref<!tpu.dma_semaphore, #tpu.memory_space<semaphore_mem>>)
        %mul3A_1458 = arith.constant 32 : i32
        %mul3A_1459 = arith.muli %add3A_1217, %mul3A_1458 : i32
        %add3A_1460 = arith.constant 16 : i32
        %add3A_1461 = arith.addi %mul3A_1459, %add3A_1460 : i32
        %dma_start3A_1462 = arith.constant 16 : i32
        %dma_start3A_1463 = arith.constant 0 : i32
        %dma_start3A_1464 = arith.constant 0 : i32
        %dma_start3A_1465 = tpu.memref_slice %arg7[%dma_start3A_1462, %dma_start3A_1463, %dma_start3A_1464] : memref<32x26x64xf32, #tpu.memory_space<vmem>> -> memref<1x26x64xf32, #tpu.memory_space<vmem>>
        %dma_start3A_1466 = tpu.memref_squeeze %dma_start3A_1465 : memref<1x26x64xf32, #tpu.memory_space<vmem>> -> memref<26x64xf32, #tpu.memory_space<vmem>>
        %dma_start3A_1467 = arith.constant 0 : i32
        %dma_start3A_1468 = tpu.memref_slice %arg5[%add3A_1461, %dma_start3A_1467] : memref<512x26xi32, #tpu.memory_space<vmem>> -> memref<1x26xi32, #tpu.memory_space<vmem>>
        %dma_start3A_1469 = tpu.memref_squeeze %dma_start3A_1468 : memref<1x26xi32, #tpu.memory_space<vmem>> -> memref<26xi32, #tpu.memory_space<vmem>>
        %dma_start3A_1470 = arith.constant 0 : i32
        %dma_start3A_1471 = arith.constant 0 : i32
        %dma_start3A_1472 = tpu.memref_slice %arg2[%dma_start3A_1470, %dma_start3A_1471] : memref<1000000x64xf32, #tpu.memory_space<hbm>> -> memref<1000000x64xf32, #tpu.memory_space<hbm>>
        tpu.enqueue_indirect_dma source(%dma_start3A_1472 : memref<1000000x64xf32, #tpu.memory_space<hbm>>) target(%dma_start3A_1466 : memref<26x64xf32, #tpu.memory_space<vmem>>) offsets(%dma_start3A_1469 : memref<26xi32, #tpu.memory_space<vmem>>) semaphore(%arg9 : memref<!tpu.dma_semaphore, #tpu.memory_space<semaphore_mem>>)
        %mul3A_1473 = arith.constant 32 : i32
        %mul3A_1474 = arith.muli %add3A_1217, %mul3A_1473 : i32
        %add3A_1475 = arith.constant 17 : i32
        %add3A_1476 = arith.addi %mul3A_1474, %add3A_1475 : i32
        %dma_start3A_1477 = arith.constant 17 : i32
        %dma_start3A_1478 = arith.constant 0 : i32
        %dma_start3A_1479 = arith.constant 0 : i32
        %dma_start3A_1480 = tpu.memref_slice %arg7[%dma_start3A_1477, %dma_start3A_1478, %dma_start3A_1479] : memref<32x26x64xf32, #tpu.memory_space<vmem>> -> memref<1x26x64xf32, #tpu.memory_space<vmem>>
        %dma_start3A_1481 = tpu.memref_squeeze %dma_start3A_1480 : memref<1x26x64xf32, #tpu.memory_space<vmem>> -> memref<26x64xf32, #tpu.memory_space<vmem>>
        %dma_start3A_1482 = arith.constant 0 : i32
        %dma_start3A_1483 = tpu.memref_slice %arg5[%add3A_1476, %dma_start3A_1482] : memref<512x26xi32, #tpu.memory_space<vmem>> -> memref<1x26xi32, #tpu.memory_space<vmem>>
        %dma_start3A_1484 = tpu.memref_squeeze %dma_start3A_1483 : memref<1x26xi32, #tpu.memory_space<vmem>> -> memref<26xi32, #tpu.memory_space<vmem>>
        %dma_start3A_1485 = arith.constant 0 : i32
        %dma_start3A_1486 = arith.constant 0 : i32
        %dma_start3A_1487 = tpu.memref_slice %arg2[%dma_start3A_1485, %dma_start3A_1486] : memref<1000000x64xf32, #tpu.memory_space<hbm>> -> memref<1000000x64xf32, #tpu.memory_space<hbm>>
        tpu.enqueue_indirect_dma source(%dma_start3A_1487 : memref<1000000x64xf32, #tpu.memory_space<hbm>>) target(%dma_start3A_1481 : memref<26x64xf32, #tpu.memory_space<vmem>>) offsets(%dma_start3A_1484 : memref<26xi32, #tpu.memory_space<vmem>>) semaphore(%arg9 : memref<!tpu.dma_semaphore, #tpu.memory_space<semaphore_mem>>)
        %mul3A_1488 = arith.constant 32 : i32
        %mul3A_1489 = arith.muli %add3A_1217, %mul3A_1488 : i32
        %add3A_1490 = arith.constant 18 : i32
        %add3A_1491 = arith.addi %mul3A_1489, %add3A_1490 : i32
        %dma_start3A_1492 = arith.constant 18 : i32
        %dma_start3A_1493 = arith.constant 0 : i32
        %dma_start3A_1494 = arith.constant 0 : i32
        %dma_start3A_1495 = tpu.memref_slice %arg7[%dma_start3A_1492, %dma_start3A_1493, %dma_start3A_1494] : memref<32x26x64xf32, #tpu.memory_space<vmem>> -> memref<1x26x64xf32, #tpu.memory_space<vmem>>
        %dma_start3A_1496 = tpu.memref_squeeze %dma_start3A_1495 : memref<1x26x64xf32, #tpu.memory_space<vmem>> -> memref<26x64xf32, #tpu.memory_space<vmem>>
        %dma_start3A_1497 = arith.constant 0 : i32
        %dma_start3A_1498 = tpu.memref_slice %arg5[%add3A_1491, %dma_start3A_1497] : memref<512x26xi32, #tpu.memory_space<vmem>> -> memref<1x26xi32, #tpu.memory_space<vmem>>
        %dma_start3A_1499 = tpu.memref_squeeze %dma_start3A_1498 : memref<1x26xi32, #tpu.memory_space<vmem>> -> memref<26xi32, #tpu.memory_space<vmem>>
        %dma_start3A_1500 = arith.constant 0 : i32
        %dma_start3A_1501 = arith.constant 0 : i32
        %dma_start3A_1502 = tpu.memref_slice %arg2[%dma_start3A_1500, %dma_start3A_1501] : memref<1000000x64xf32, #tpu.memory_space<hbm>> -> memref<1000000x64xf32, #tpu.memory_space<hbm>>
        tpu.enqueue_indirect_dma source(%dma_start3A_1502 : memref<1000000x64xf32, #tpu.memory_space<hbm>>) target(%dma_start3A_1496 : memref<26x64xf32, #tpu.memory_space<vmem>>) offsets(%dma_start3A_1499 : memref<26xi32, #tpu.memory_space<vmem>>) semaphore(%arg9 : memref<!tpu.dma_semaphore, #tpu.memory_space<semaphore_mem>>)
        %mul3A_1503 = arith.constant 32 : i32
        %mul3A_1504 = arith.muli %add3A_1217, %mul3A_1503 : i32
        %add3A_1505 = arith.constant 19 : i32
        %add3A_1506 = arith.addi %mul3A_1504, %add3A_1505 : i32
        %dma_start3A_1507 = arith.constant 19 : i32
        %dma_start3A_1508 = arith.constant 0 : i32
        %dma_start3A_1509 = arith.constant 0 : i32
        %dma_start3A_1510 = tpu.memref_slice %arg7[%dma_start3A_1507, %dma_start3A_1508, %dma_start3A_1509] : memref<32x26x64xf32, #tpu.memory_space<vmem>> -> memref<1x26x64xf32, #tpu.memory_space<vmem>>
        %dma_start3A_1511 = tpu.memref_squeeze %dma_start3A_1510 : memref<1x26x64xf32, #tpu.memory_space<vmem>> -> memref<26x64xf32, #tpu.memory_space<vmem>>
        %dma_start3A_1512 = arith.constant 0 : i32
        %dma_start3A_1513 = tpu.memref_slice %arg5[%add3A_1506, %dma_start3A_1512] : memref<512x26xi32, #tpu.memory_space<vmem>> -> memref<1x26xi32, #tpu.memory_space<vmem>>
        %dma_start3A_1514 = tpu.memref_squeeze %dma_start3A_1513 : memref<1x26xi32, #tpu.memory_space<vmem>> -> memref<26xi32, #tpu.memory_space<vmem>>
        %dma_start3A_1515 = arith.constant 0 : i32
        %dma_start3A_1516 = arith.constant 0 : i32
        %dma_start3A_1517 = tpu.memref_slice %arg2[%dma_start3A_1515, %dma_start3A_1516] : memref<1000000x64xf32, #tpu.memory_space<hbm>> -> memref<1000000x64xf32, #tpu.memory_space<hbm>>
        tpu.enqueue_indirect_dma source(%dma_start3A_1517 : memref<1000000x64xf32, #tpu.memory_space<hbm>>) target(%dma_start3A_1511 : memref<26x64xf32, #tpu.memory_space<vmem>>) offsets(%dma_start3A_1514 : memref<26xi32, #tpu.memory_space<vmem>>) semaphore(%arg9 : memref<!tpu.dma_semaphore, #tpu.memory_space<semaphore_mem>>)
        %mul3A_1518 = arith.constant 32 : i32
        %mul3A_1519 = arith.muli %add3A_1217, %mul3A_1518 : i32
        %add3A_1520 = arith.constant 20 : i32
        %add3A_1521 = arith.addi %mul3A_1519, %add3A_1520 : i32
        %dma_start3A_1522 = arith.constant 20 : i32
        %dma_start3A_1523 = arith.constant 0 : i32
        %dma_start3A_1524 = arith.constant 0 : i32
        %dma_start3A_1525 = tpu.memref_slice %arg7[%dma_start3A_1522, %dma_start3A_1523, %dma_start3A_1524] : memref<32x26x64xf32, #tpu.memory_space<vmem>> -> memref<1x26x64xf32, #tpu.memory_space<vmem>>
        %dma_start3A_1526 = tpu.memref_squeeze %dma_start3A_1525 : memref<1x26x64xf32, #tpu.memory_space<vmem>> -> memref<26x64xf32, #tpu.memory_space<vmem>>
        %dma_start3A_1527 = arith.constant 0 : i32
        %dma_start3A_1528 = tpu.memref_slice %arg5[%add3A_1521, %dma_start3A_1527] : memref<512x26xi32, #tpu.memory_space<vmem>> -> memref<1x26xi32, #tpu.memory_space<vmem>>
        %dma_start3A_1529 = tpu.memref_squeeze %dma_start3A_1528 : memref<1x26xi32, #tpu.memory_space<vmem>> -> memref<26xi32, #tpu.memory_space<vmem>>
        %dma_start3A_1530 = arith.constant 0 : i32
        %dma_start3A_1531 = arith.constant 0 : i32
        %dma_start3A_1532 = tpu.memref_slice %arg2[%dma_start3A_1530, %dma_start3A_1531] : memref<1000000x64xf32, #tpu.memory_space<hbm>> -> memref<1000000x64xf32, #tpu.memory_space<hbm>>
        tpu.enqueue_indirect_dma source(%dma_start3A_1532 : memref<1000000x64xf32, #tpu.memory_space<hbm>>) target(%dma_start3A_1526 : memref<26x64xf32, #tpu.memory_space<vmem>>) offsets(%dma_start3A_1529 : memref<26xi32, #tpu.memory_space<vmem>>) semaphore(%arg9 : memref<!tpu.dma_semaphore, #tpu.memory_space<semaphore_mem>>)
        %mul3A_1533 = arith.constant 32 : i32
        %mul3A_1534 = arith.muli %add3A_1217, %mul3A_1533 : i32
        %add3A_1535 = arith.constant 21 : i32
        %add3A_1536 = arith.addi %mul3A_1534, %add3A_1535 : i32
        %dma_start3A_1537 = arith.constant 21 : i32
        %dma_start3A_1538 = arith.constant 0 : i32
        %dma_start3A_1539 = arith.constant 0 : i32
        %dma_start3A_1540 = tpu.memref_slice %arg7[%dma_start3A_1537, %dma_start3A_1538, %dma_start3A_1539] : memref<32x26x64xf32, #tpu.memory_space<vmem>> -> memref<1x26x64xf32, #tpu.memory_space<vmem>>
        %dma_start3A_1541 = tpu.memref_squeeze %dma_start3A_1540 : memref<1x26x64xf32, #tpu.memory_space<vmem>> -> memref<26x64xf32, #tpu.memory_space<vmem>>
        %dma_start3A_1542 = arith.constant 0 : i32
        %dma_start3A_1543 = tpu.memref_slice %arg5[%add3A_1536, %dma_start3A_1542] : memref<512x26xi32, #tpu.memory_space<vmem>> -> memref<1x26xi32, #tpu.memory_space<vmem>>
        %dma_start3A_1544 = tpu.memref_squeeze %dma_start3A_1543 : memref<1x26xi32, #tpu.memory_space<vmem>> -> memref<26xi32, #tpu.memory_space<vmem>>
        %dma_start3A_1545 = arith.constant 0 : i32
        %dma_start3A_1546 = arith.constant 0 : i32
        %dma_start3A_1547 = tpu.memref_slice %arg2[%dma_start3A_1545, %dma_start3A_1546] : memref<1000000x64xf32, #tpu.memory_space<hbm>> -> memref<1000000x64xf32, #tpu.memory_space<hbm>>
        tpu.enqueue_indirect_dma source(%dma_start3A_1547 : memref<1000000x64xf32, #tpu.memory_space<hbm>>) target(%dma_start3A_1541 : memref<26x64xf32, #tpu.memory_space<vmem>>) offsets(%dma_start3A_1544 : memref<26xi32, #tpu.memory_space<vmem>>) semaphore(%arg9 : memref<!tpu.dma_semaphore, #tpu.memory_space<semaphore_mem>>)
        %mul3A_1548 = arith.constant 32 : i32
        %mul3A_1549 = arith.muli %add3A_1217, %mul3A_1548 : i32
        %add3A_1550 = arith.constant 22 : i32
        %add3A_1551 = arith.addi %mul3A_1549, %add3A_1550 : i32
        %dma_start3A_1552 = arith.constant 22 : i32
        %dma_start3A_1553 = arith.constant 0 : i32
        %dma_start3A_1554 = arith.constant 0 : i32
        %dma_start3A_1555 = tpu.memref_slice %arg7[%dma_start3A_1552, %dma_start3A_1553, %dma_start3A_1554] : memref<32x26x64xf32, #tpu.memory_space<vmem>> -> memref<1x26x64xf32, #tpu.memory_space<vmem>>
        %dma_start3A_1556 = tpu.memref_squeeze %dma_start3A_1555 : memref<1x26x64xf32, #tpu.memory_space<vmem>> -> memref<26x64xf32, #tpu.memory_space<vmem>>
        %dma_start3A_1557 = arith.constant 0 : i32
        %dma_start3A_1558 = tpu.memref_slice %arg5[%add3A_1551, %dma_start3A_1557] : memref<512x26xi32, #tpu.memory_space<vmem>> -> memref<1x26xi32, #tpu.memory_space<vmem>>
        %dma_start3A_1559 = tpu.memref_squeeze %dma_start3A_1558 : memref<1x26xi32, #tpu.memory_space<vmem>> -> memref<26xi32, #tpu.memory_space<vmem>>
        %dma_start3A_1560 = arith.constant 0 : i32
        %dma_start3A_1561 = arith.constant 0 : i32
        %dma_start3A_1562 = tpu.memref_slice %arg2[%dma_start3A_1560, %dma_start3A_1561] : memref<1000000x64xf32, #tpu.memory_space<hbm>> -> memref<1000000x64xf32, #tpu.memory_space<hbm>>
        tpu.enqueue_indirect_dma source(%dma_start3A_1562 : memref<1000000x64xf32, #tpu.memory_space<hbm>>) target(%dma_start3A_1556 : memref<26x64xf32, #tpu.memory_space<vmem>>) offsets(%dma_start3A_1559 : memref<26xi32, #tpu.memory_space<vmem>>) semaphore(%arg9 : memref<!tpu.dma_semaphore, #tpu.memory_space<semaphore_mem>>)
        %mul3A_1563 = arith.constant 32 : i32
        %mul3A_1564 = arith.muli %add3A_1217, %mul3A_1563 : i32
        %add3A_1565 = arith.constant 23 : i32
        %add3A_1566 = arith.addi %mul3A_1564, %add3A_1565 : i32
        %dma_start3A_1567 = arith.constant 23 : i32
        %dma_start3A_1568 = arith.constant 0 : i32
        %dma_start3A_1569 = arith.constant 0 : i32
        %dma_start3A_1570 = tpu.memref_slice %arg7[%dma_start3A_1567, %dma_start3A_1568, %dma_start3A_1569] : memref<32x26x64xf32, #tpu.memory_space<vmem>> -> memref<1x26x64xf32, #tpu.memory_space<vmem>>
        %dma_start3A_1571 = tpu.memref_squeeze %dma_start3A_1570 : memref<1x26x64xf32, #tpu.memory_space<vmem>> -> memref<26x64xf32, #tpu.memory_space<vmem>>
        %dma_start3A_1572 = arith.constant 0 : i32
        %dma_start3A_1573 = tpu.memref_slice %arg5[%add3A_1566, %dma_start3A_1572] : memref<512x26xi32, #tpu.memory_space<vmem>> -> memref<1x26xi32, #tpu.memory_space<vmem>>
        %dma_start3A_1574 = tpu.memref_squeeze %dma_start3A_1573 : memref<1x26xi32, #tpu.memory_space<vmem>> -> memref<26xi32, #tpu.memory_space<vmem>>
        %dma_start3A_1575 = arith.constant 0 : i32
        %dma_start3A_1576 = arith.constant 0 : i32
        %dma_start3A_1577 = tpu.memref_slice %arg2[%dma_start3A_1575, %dma_start3A_1576] : memref<1000000x64xf32, #tpu.memory_space<hbm>> -> memref<1000000x64xf32, #tpu.memory_space<hbm>>
        tpu.enqueue_indirect_dma source(%dma_start3A_1577 : memref<1000000x64xf32, #tpu.memory_space<hbm>>) target(%dma_start3A_1571 : memref<26x64xf32, #tpu.memory_space<vmem>>) offsets(%dma_start3A_1574 : memref<26xi32, #tpu.memory_space<vmem>>) semaphore(%arg9 : memref<!tpu.dma_semaphore, #tpu.memory_space<semaphore_mem>>)
        %mul3A_1578 = arith.constant 32 : i32
        %mul3A_1579 = arith.muli %add3A_1217, %mul3A_1578 : i32
        %add3A_1580 = arith.constant 24 : i32
        %add3A_1581 = arith.addi %mul3A_1579, %add3A_1580 : i32
        %dma_start3A_1582 = arith.constant 24 : i32
        %dma_start3A_1583 = arith.constant 0 : i32
        %dma_start3A_1584 = arith.constant 0 : i32
        %dma_start3A_1585 = tpu.memref_slice %arg7[%dma_start3A_1582, %dma_start3A_1583, %dma_start3A_1584] : memref<32x26x64xf32, #tpu.memory_space<vmem>> -> memref<1x26x64xf32, #tpu.memory_space<vmem>>
        %dma_start3A_1586 = tpu.memref_squeeze %dma_start3A_1585 : memref<1x26x64xf32, #tpu.memory_space<vmem>> -> memref<26x64xf32, #tpu.memory_space<vmem>>
        %dma_start3A_1587 = arith.constant 0 : i32
        %dma_start3A_1588 = tpu.memref_slice %arg5[%add3A_1581, %dma_start3A_1587] : memref<512x26xi32, #tpu.memory_space<vmem>> -> memref<1x26xi32, #tpu.memory_space<vmem>>
        %dma_start3A_1589 = tpu.memref_squeeze %dma_start3A_1588 : memref<1x26xi32, #tpu.memory_space<vmem>> -> memref<26xi32, #tpu.memory_space<vmem>>
        %dma_start3A_1590 = arith.constant 0 : i32
        %dma_start3A_1591 = arith.constant 0 : i32
        %dma_start3A_1592 = tpu.memref_slice %arg2[%dma_start3A_1590, %dma_start3A_1591] : memref<1000000x64xf32, #tpu.memory_space<hbm>> -> memref<1000000x64xf32, #tpu.memory_space<hbm>>
        tpu.enqueue_indirect_dma source(%dma_start3A_1592 : memref<1000000x64xf32, #tpu.memory_space<hbm>>) target(%dma_start3A_1586 : memref<26x64xf32, #tpu.memory_space<vmem>>) offsets(%dma_start3A_1589 : memref<26xi32, #tpu.memory_space<vmem>>) semaphore(%arg9 : memref<!tpu.dma_semaphore, #tpu.memory_space<semaphore_mem>>)
        %mul3A_1593 = arith.constant 32 : i32
        %mul3A_1594 = arith.muli %add3A_1217, %mul3A_1593 : i32
        %add3A_1595 = arith.constant 25 : i32
        %add3A_1596 = arith.addi %mul3A_1594, %add3A_1595 : i32
        %dma_start3A_1597 = arith.constant 25 : i32
        %dma_start3A_1598 = arith.constant 0 : i32
        %dma_start3A_1599 = arith.constant 0 : i32
        %dma_start3A_1600 = tpu.memref_slice %arg7[%dma_start3A_1597, %dma_start3A_1598, %dma_start3A_1599] : memref<32x26x64xf32, #tpu.memory_space<vmem>> -> memref<1x26x64xf32, #tpu.memory_space<vmem>>
        %dma_start3A_1601 = tpu.memref_squeeze %dma_start3A_1600 : memref<1x26x64xf32, #tpu.memory_space<vmem>> -> memref<26x64xf32, #tpu.memory_space<vmem>>
        %dma_start3A_1602 = arith.constant 0 : i32
        %dma_start3A_1603 = tpu.memref_slice %arg5[%add3A_1596, %dma_start3A_1602] : memref<512x26xi32, #tpu.memory_space<vmem>> -> memref<1x26xi32, #tpu.memory_space<vmem>>
        %dma_start3A_1604 = tpu.memref_squeeze %dma_start3A_1603 : memref<1x26xi32, #tpu.memory_space<vmem>> -> memref<26xi32, #tpu.memory_space<vmem>>
        %dma_start3A_1605 = arith.constant 0 : i32
        %dma_start3A_1606 = arith.constant 0 : i32
        %dma_start3A_1607 = tpu.memref_slice %arg2[%dma_start3A_1605, %dma_start3A_1606] : memref<1000000x64xf32, #tpu.memory_space<hbm>> -> memref<1000000x64xf32, #tpu.memory_space<hbm>>
        tpu.enqueue_indirect_dma source(%dma_start3A_1607 : memref<1000000x64xf32, #tpu.memory_space<hbm>>) target(%dma_start3A_1601 : memref<26x64xf32, #tpu.memory_space<vmem>>) offsets(%dma_start3A_1604 : memref<26xi32, #tpu.memory_space<vmem>>) semaphore(%arg9 : memref<!tpu.dma_semaphore, #tpu.memory_space<semaphore_mem>>)
        %mul3A_1608 = arith.constant 32 : i32
        %mul3A_1609 = arith.muli %add3A_1217, %mul3A_1608 : i32
        %add3A_1610 = arith.constant 26 : i32
        %add3A_1611 = arith.addi %mul3A_1609, %add3A_1610 : i32
        %dma_start3A_1612 = arith.constant 26 : i32
        %dma_start3A_1613 = arith.constant 0 : i32
        %dma_start3A_1614 = arith.constant 0 : i32
        %dma_start3A_1615 = tpu.memref_slice %arg7[%dma_start3A_1612, %dma_start3A_1613, %dma_start3A_1614] : memref<32x26x64xf32, #tpu.memory_space<vmem>> -> memref<1x26x64xf32, #tpu.memory_space<vmem>>
        %dma_start3A_1616 = tpu.memref_squeeze %dma_start3A_1615 : memref<1x26x64xf32, #tpu.memory_space<vmem>> -> memref<26x64xf32, #tpu.memory_space<vmem>>
        %dma_start3A_1617 = arith.constant 0 : i32
        %dma_start3A_1618 = tpu.memref_slice %arg5[%add3A_1611, %dma_start3A_1617] : memref<512x26xi32, #tpu.memory_space<vmem>> -> memref<1x26xi32, #tpu.memory_space<vmem>>
        %dma_start3A_1619 = tpu.memref_squeeze %dma_start3A_1618 : memref<1x26xi32, #tpu.memory_space<vmem>> -> memref<26xi32, #tpu.memory_space<vmem>>
        %dma_start3A_1620 = arith.constant 0 : i32
        %dma_start3A_1621 = arith.constant 0 : i32
        %dma_start3A_1622 = tpu.memref_slice %arg2[%dma_start3A_1620, %dma_start3A_1621] : memref<1000000x64xf32, #tpu.memory_space<hbm>> -> memref<1000000x64xf32, #tpu.memory_space<hbm>>
        tpu.enqueue_indirect_dma source(%dma_start3A_1622 : memref<1000000x64xf32, #tpu.memory_space<hbm>>) target(%dma_start3A_1616 : memref<26x64xf32, #tpu.memory_space<vmem>>) offsets(%dma_start3A_1619 : memref<26xi32, #tpu.memory_space<vmem>>) semaphore(%arg9 : memref<!tpu.dma_semaphore, #tpu.memory_space<semaphore_mem>>)
        %mul3A_1623 = arith.constant 32 : i32
        %mul3A_1624 = arith.muli %add3A_1217, %mul3A_1623 : i32
        %add3A_1625 = arith.constant 27 : i32
        %add3A_1626 = arith.addi %mul3A_1624, %add3A_1625 : i32
        %dma_start3A_1627 = arith.constant 27 : i32
        %dma_start3A_1628 = arith.constant 0 : i32
        %dma_start3A_1629 = arith.constant 0 : i32
        %dma_start3A_1630 = tpu.memref_slice %arg7[%dma_start3A_1627, %dma_start3A_1628, %dma_start3A_1629] : memref<32x26x64xf32, #tpu.memory_space<vmem>> -> memref<1x26x64xf32, #tpu.memory_space<vmem>>
        %dma_start3A_1631 = tpu.memref_squeeze %dma_start3A_1630 : memref<1x26x64xf32, #tpu.memory_space<vmem>> -> memref<26x64xf32, #tpu.memory_space<vmem>>
        %dma_start3A_1632 = arith.constant 0 : i32
        %dma_start3A_1633 = tpu.memref_slice %arg5[%add3A_1626, %dma_start3A_1632] : memref<512x26xi32, #tpu.memory_space<vmem>> -> memref<1x26xi32, #tpu.memory_space<vmem>>
        %dma_start3A_1634 = tpu.memref_squeeze %dma_start3A_1633 : memref<1x26xi32, #tpu.memory_space<vmem>> -> memref<26xi32, #tpu.memory_space<vmem>>
        %dma_start3A_1635 = arith.constant 0 : i32
        %dma_start3A_1636 = arith.constant 0 : i32
        %dma_start3A_1637 = tpu.memref_slice %arg2[%dma_start3A_1635, %dma_start3A_1636] : memref<1000000x64xf32, #tpu.memory_space<hbm>> -> memref<1000000x64xf32, #tpu.memory_space<hbm>>
        tpu.enqueue_indirect_dma source(%dma_start3A_1637 : memref<1000000x64xf32, #tpu.memory_space<hbm>>) target(%dma_start3A_1631 : memref<26x64xf32, #tpu.memory_space<vmem>>) offsets(%dma_start3A_1634 : memref<26xi32, #tpu.memory_space<vmem>>) semaphore(%arg9 : memref<!tpu.dma_semaphore, #tpu.memory_space<semaphore_mem>>)
        %mul3A_1638 = arith.constant 32 : i32
        %mul3A_1639 = arith.muli %add3A_1217, %mul3A_1638 : i32
        %add3A_1640 = arith.constant 28 : i32
        %add3A_1641 = arith.addi %mul3A_1639, %add3A_1640 : i32
        %dma_start3A_1642 = arith.constant 28 : i32
        %dma_start3A_1643 = arith.constant 0 : i32
        %dma_start3A_1644 = arith.constant 0 : i32
        %dma_start3A_1645 = tpu.memref_slice %arg7[%dma_start3A_1642, %dma_start3A_1643, %dma_start3A_1644] : memref<32x26x64xf32, #tpu.memory_space<vmem>> -> memref<1x26x64xf32, #tpu.memory_space<vmem>>
        %dma_start3A_1646 = tpu.memref_squeeze %dma_start3A_1645 : memref<1x26x64xf32, #tpu.memory_space<vmem>> -> memref<26x64xf32, #tpu.memory_space<vmem>>
        %dma_start3A_1647 = arith.constant 0 : i32
        %dma_start3A_1648 = tpu.memref_slice %arg5[%add3A_1641, %dma_start3A_1647] : memref<512x26xi32, #tpu.memory_space<vmem>> -> memref<1x26xi32, #tpu.memory_space<vmem>>
        %dma_start3A_1649 = tpu.memref_squeeze %dma_start3A_1648 : memref<1x26xi32, #tpu.memory_space<vmem>> -> memref<26xi32, #tpu.memory_space<vmem>>
        %dma_start3A_1650 = arith.constant 0 : i32
        %dma_start3A_1651 = arith.constant 0 : i32
        %dma_start3A_1652 = tpu.memref_slice %arg2[%dma_start3A_1650, %dma_start3A_1651] : memref<1000000x64xf32, #tpu.memory_space<hbm>> -> memref<1000000x64xf32, #tpu.memory_space<hbm>>
        tpu.enqueue_indirect_dma source(%dma_start3A_1652 : memref<1000000x64xf32, #tpu.memory_space<hbm>>) target(%dma_start3A_1646 : memref<26x64xf32, #tpu.memory_space<vmem>>) offsets(%dma_start3A_1649 : memref<26xi32, #tpu.memory_space<vmem>>) semaphore(%arg9 : memref<!tpu.dma_semaphore, #tpu.memory_space<semaphore_mem>>)
        %mul3A_1653 = arith.constant 32 : i32
        %mul3A_1654 = arith.muli %add3A_1217, %mul3A_1653 : i32
        %add3A_1655 = arith.constant 29 : i32
        %add3A_1656 = arith.addi %mul3A_1654, %add3A_1655 : i32
        %dma_start3A_1657 = arith.constant 29 : i32
        %dma_start3A_1658 = arith.constant 0 : i32
        %dma_start3A_1659 = arith.constant 0 : i32
        %dma_start3A_1660 = tpu.memref_slice %arg7[%dma_start3A_1657, %dma_start3A_1658, %dma_start3A_1659] : memref<32x26x64xf32, #tpu.memory_space<vmem>> -> memref<1x26x64xf32, #tpu.memory_space<vmem>>
        %dma_start3A_1661 = tpu.memref_squeeze %dma_start3A_1660 : memref<1x26x64xf32, #tpu.memory_space<vmem>> -> memref<26x64xf32, #tpu.memory_space<vmem>>
        %dma_start3A_1662 = arith.constant 0 : i32
        %dma_start3A_1663 = tpu.memref_slice %arg5[%add3A_1656, %dma_start3A_1662] : memref<512x26xi32, #tpu.memory_space<vmem>> -> memref<1x26xi32, #tpu.memory_space<vmem>>
        %dma_start3A_1664 = tpu.memref_squeeze %dma_start3A_1663 : memref<1x26xi32, #tpu.memory_space<vmem>> -> memref<26xi32, #tpu.memory_space<vmem>>
        %dma_start3A_1665 = arith.constant 0 : i32
        %dma_start3A_1666 = arith.constant 0 : i32
        %dma_start3A_1667 = tpu.memref_slice %arg2[%dma_start3A_1665, %dma_start3A_1666] : memref<1000000x64xf32, #tpu.memory_space<hbm>> -> memref<1000000x64xf32, #tpu.memory_space<hbm>>
        tpu.enqueue_indirect_dma source(%dma_start3A_1667 : memref<1000000x64xf32, #tpu.memory_space<hbm>>) target(%dma_start3A_1661 : memref<26x64xf32, #tpu.memory_space<vmem>>) offsets(%dma_start3A_1664 : memref<26xi32, #tpu.memory_space<vmem>>) semaphore(%arg9 : memref<!tpu.dma_semaphore, #tpu.memory_space<semaphore_mem>>)
        %mul3A_1668 = arith.constant 32 : i32
        %mul3A_1669 = arith.muli %add3A_1217, %mul3A_1668 : i32
        %add3A_1670 = arith.constant 30 : i32
        %add3A_1671 = arith.addi %mul3A_1669, %add3A_1670 : i32
        %dma_start3A_1672 = arith.constant 30 : i32
        %dma_start3A_1673 = arith.constant 0 : i32
        %dma_start3A_1674 = arith.constant 0 : i32
        %dma_start3A_1675 = tpu.memref_slice %arg7[%dma_start3A_1672, %dma_start3A_1673, %dma_start3A_1674] : memref<32x26x64xf32, #tpu.memory_space<vmem>> -> memref<1x26x64xf32, #tpu.memory_space<vmem>>
        %dma_start3A_1676 = tpu.memref_squeeze %dma_start3A_1675 : memref<1x26x64xf32, #tpu.memory_space<vmem>> -> memref<26x64xf32, #tpu.memory_space<vmem>>
        %dma_start3A_1677 = arith.constant 0 : i32
        %dma_start3A_1678 = tpu.memref_slice %arg5[%add3A_1671, %dma_start3A_1677] : memref<512x26xi32, #tpu.memory_space<vmem>> -> memref<1x26xi32, #tpu.memory_space<vmem>>
        %dma_start3A_1679 = tpu.memref_squeeze %dma_start3A_1678 : memref<1x26xi32, #tpu.memory_space<vmem>> -> memref<26xi32, #tpu.memory_space<vmem>>
        %dma_start3A_1680 = arith.constant 0 : i32
        %dma_start3A_1681 = arith.constant 0 : i32
        %dma_start3A_1682 = tpu.memref_slice %arg2[%dma_start3A_1680, %dma_start3A_1681] : memref<1000000x64xf32, #tpu.memory_space<hbm>> -> memref<1000000x64xf32, #tpu.memory_space<hbm>>
        tpu.enqueue_indirect_dma source(%dma_start3A_1682 : memref<1000000x64xf32, #tpu.memory_space<hbm>>) target(%dma_start3A_1676 : memref<26x64xf32, #tpu.memory_space<vmem>>) offsets(%dma_start3A_1679 : memref<26xi32, #tpu.memory_space<vmem>>) semaphore(%arg9 : memref<!tpu.dma_semaphore, #tpu.memory_space<semaphore_mem>>)
        %mul3A_1683 = arith.constant 32 : i32
        %mul3A_1684 = arith.muli %add3A_1217, %mul3A_1683 : i32
        %add3A_1685 = arith.constant 31 : i32
        %add3A_1686 = arith.addi %mul3A_1684, %add3A_1685 : i32
        %dma_start3A_1687 = arith.constant 31 : i32
        %dma_start3A_1688 = arith.constant 0 : i32
        %dma_start3A_1689 = arith.constant 0 : i32
        %dma_start3A_1690 = tpu.memref_slice %arg7[%dma_start3A_1687, %dma_start3A_1688, %dma_start3A_1689] : memref<32x26x64xf32, #tpu.memory_space<vmem>> -> memref<1x26x64xf32, #tpu.memory_space<vmem>>
        %dma_start3A_1691 = tpu.memref_squeeze %dma_start3A_1690 : memref<1x26x64xf32, #tpu.memory_space<vmem>> -> memref<26x64xf32, #tpu.memory_space<vmem>>
        %dma_start3A_1692 = arith.constant 0 : i32
        %dma_start3A_1693 = tpu.memref_slice %arg5[%add3A_1686, %dma_start3A_1692] : memref<512x26xi32, #tpu.memory_space<vmem>> -> memref<1x26xi32, #tpu.memory_space<vmem>>
        %dma_start3A_1694 = tpu.memref_squeeze %dma_start3A_1693 : memref<1x26xi32, #tpu.memory_space<vmem>> -> memref<26xi32, #tpu.memory_space<vmem>>
        %dma_start3A_1695 = arith.constant 0 : i32
        %dma_start3A_1696 = arith.constant 0 : i32
        %dma_start3A_1697 = tpu.memref_slice %arg2[%dma_start3A_1695, %dma_start3A_1696] : memref<1000000x64xf32, #tpu.memory_space<hbm>> -> memref<1000000x64xf32, #tpu.memory_space<hbm>>
        tpu.enqueue_indirect_dma source(%dma_start3A_1697 : memref<1000000x64xf32, #tpu.memory_space<hbm>>) target(%dma_start3A_1691 : memref<26x64xf32, #tpu.memory_space<vmem>>) offsets(%dma_start3A_1694 : memref<26xi32, #tpu.memory_space<vmem>>) semaphore(%arg9 : memref<!tpu.dma_semaphore, #tpu.memory_space<semaphore_mem>>)
      } else {
      }
      %dma_wait3A_415 = arith.constant 0 : i32
      %dma_wait3A_416 = arith.constant 0 : i32
      %dma_wait3A_417 = arith.constant 0 : i32
      %dma_wait3A_418 = arith.constant 0 : i32
      %dma_wait3A_419 = tpu.memref_slice %arg6[%dma_wait3A_416, %dma_wait3A_417, %dma_wait3A_418] : memref<32x26x64xf32, #tpu.memory_space<vmem>> -> memref<1x26x64xf32, #tpu.memory_space<vmem>>
      %dma_wait3A_420 = tpu.memref_squeeze %dma_wait3A_419 : memref<1x26x64xf32, #tpu.memory_space<vmem>> -> memref<26x64xf32, #tpu.memory_space<vmem>>
      %dma_wait3A_421 = arith.constant 0 : i32
      %dma_wait3A_422 = tpu.memref_slice %arg5[%dma_wait3A_415, %dma_wait3A_421] : memref<512x26xi32, #tpu.memory_space<vmem>> -> memref<1x26xi32, #tpu.memory_space<vmem>>
      %dma_wait3A_423 = tpu.memref_squeeze %dma_wait3A_422 : memref<1x26xi32, #tpu.memory_space<vmem>> -> memref<26xi32, #tpu.memory_space<vmem>>
      %dma_wait3A_424 = arith.constant 0 : i32
      %dma_wait3A_425 = arith.constant 0 : i32
      %dma_wait3A_426 = tpu.memref_slice %arg2[%dma_wait3A_424, %dma_wait3A_425] : memref<1000000x64xf32, #tpu.memory_space<hbm>> -> memref<1000000x64xf32, #tpu.memory_space<hbm>>
      tpu.wait_indirect_dma semaphore(%arg8 : memref<!tpu.dma_semaphore, #tpu.memory_space<semaphore_mem>>) src(%dma_wait3A_426 : memref<1000000x64xf32, #tpu.memory_space<hbm>>) dst(%dma_wait3A_420 : memref<26x64xf32, #tpu.memory_space<vmem>>)
      %dma_wait3A_427 = arith.constant 0 : i32
      %dma_wait3A_428 = arith.constant 1 : i32
      %dma_wait3A_429 = arith.constant 0 : i32
      %dma_wait3A_430 = arith.constant 0 : i32
      %dma_wait3A_431 = tpu.memref_slice %arg6[%dma_wait3A_428, %dma_wait3A_429, %dma_wait3A_430] : memref<32x26x64xf32, #tpu.memory_space<vmem>> -> memref<1x26x64xf32, #tpu.memory_space<vmem>>
      %dma_wait3A_432 = tpu.memref_squeeze %dma_wait3A_431 : memref<1x26x64xf32, #tpu.memory_space<vmem>> -> memref<26x64xf32, #tpu.memory_space<vmem>>
      %dma_wait3A_433 = arith.constant 0 : i32
      %dma_wait3A_434 = tpu.memref_slice %arg5[%dma_wait3A_427, %dma_wait3A_433] : memref<512x26xi32, #tpu.memory_space<vmem>> -> memref<1x26xi32, #tpu.memory_space<vmem>>
      %dma_wait3A_435 = tpu.memref_squeeze %dma_wait3A_434 : memref<1x26xi32, #tpu.memory_space<vmem>> -> memref<26xi32, #tpu.memory_space<vmem>>
      %dma_wait3A_436 = arith.constant 0 : i32
      %dma_wait3A_437 = arith.constant 0 : i32
      %dma_wait3A_438 = tpu.memref_slice %arg2[%dma_wait3A_436, %dma_wait3A_437] : memref<1000000x64xf32, #tpu.memory_space<hbm>> -> memref<1000000x64xf32, #tpu.memory_space<hbm>>
      tpu.wait_indirect_dma semaphore(%arg8 : memref<!tpu.dma_semaphore, #tpu.memory_space<semaphore_mem>>) src(%dma_wait3A_438 : memref<1000000x64xf32, #tpu.memory_space<hbm>>) dst(%dma_wait3A_432 : memref<26x64xf32, #tpu.memory_space<vmem>>)
      %dma_wait3A_439 = arith.constant 0 : i32
      %dma_wait3A_440 = arith.constant 2 : i32
      %dma_wait3A_441 = arith.constant 0 : i32
      %dma_wait3A_442 = arith.constant 0 : i32
      %dma_wait3A_443 = tpu.memref_slice %arg6[%dma_wait3A_440, %dma_wait3A_441, %dma_wait3A_442] : memref<32x26x64xf32, #tpu.memory_space<vmem>> -> memref<1x26x64xf32, #tpu.memory_space<vmem>>
      %dma_wait3A_444 = tpu.memref_squeeze %dma_wait3A_443 : memref<1x26x64xf32, #tpu.memory_space<vmem>> -> memref<26x64xf32, #tpu.memory_space<vmem>>
      %dma_wait3A_445 = arith.constant 0 : i32
      %dma_wait3A_446 = tpu.memref_slice %arg5[%dma_wait3A_439, %dma_wait3A_445] : memref<512x26xi32, #tpu.memory_space<vmem>> -> memref<1x26xi32, #tpu.memory_space<vmem>>
      %dma_wait3A_447 = tpu.memref_squeeze %dma_wait3A_446 : memref<1x26xi32, #tpu.memory_space<vmem>> -> memref<26xi32, #tpu.memory_space<vmem>>
      %dma_wait3A_448 = arith.constant 0 : i32
      %dma_wait3A_449 = arith.constant 0 : i32
      %dma_wait3A_450 = tpu.memref_slice %arg2[%dma_wait3A_448, %dma_wait3A_449] : memref<1000000x64xf32, #tpu.memory_space<hbm>> -> memref<1000000x64xf32, #tpu.memory_space<hbm>>
      tpu.wait_indirect_dma semaphore(%arg8 : memref<!tpu.dma_semaphore, #tpu.memory_space<semaphore_mem>>) src(%dma_wait3A_450 : memref<1000000x64xf32, #tpu.memory_space<hbm>>) dst(%dma_wait3A_444 : memref<26x64xf32, #tpu.memory_space<vmem>>)
      %dma_wait3A_451 = arith.constant 0 : i32
      %dma_wait3A_452 = arith.constant 3 : i32
      %dma_wait3A_453 = arith.constant 0 : i32
      %dma_wait3A_454 = arith.constant 0 : i32
      %dma_wait3A_455 = tpu.memref_slice %arg6[%dma_wait3A_452, %dma_wait3A_453, %dma_wait3A_454] : memref<32x26x64xf32, #tpu.memory_space<vmem>> -> memref<1x26x64xf32, #tpu.memory_space<vmem>>
      %dma_wait3A_456 = tpu.memref_squeeze %dma_wait3A_455 : memref<1x26x64xf32, #tpu.memory_space<vmem>> -> memref<26x64xf32, #tpu.memory_space<vmem>>
      %dma_wait3A_457 = arith.constant 0 : i32
      %dma_wait3A_458 = tpu.memref_slice %arg5[%dma_wait3A_451, %dma_wait3A_457] : memref<512x26xi32, #tpu.memory_space<vmem>> -> memref<1x26xi32, #tpu.memory_space<vmem>>
      %dma_wait3A_459 = tpu.memref_squeeze %dma_wait3A_458 : memref<1x26xi32, #tpu.memory_space<vmem>> -> memref<26xi32, #tpu.memory_space<vmem>>
      %dma_wait3A_460 = arith.constant 0 : i32
      %dma_wait3A_461 = arith.constant 0 : i32
      %dma_wait3A_462 = tpu.memref_slice %arg2[%dma_wait3A_460, %dma_wait3A_461] : memref<1000000x64xf32, #tpu.memory_space<hbm>> -> memref<1000000x64xf32, #tpu.memory_space<hbm>>
      tpu.wait_indirect_dma semaphore(%arg8 : memref<!tpu.dma_semaphore, #tpu.memory_space<semaphore_mem>>) src(%dma_wait3A_462 : memref<1000000x64xf32, #tpu.memory_space<hbm>>) dst(%dma_wait3A_456 : memref<26x64xf32, #tpu.memory_space<vmem>>)
      %dma_wait3A_463 = arith.constant 0 : i32
      %dma_wait3A_464 = arith.constant 4 : i32
      %dma_wait3A_465 = arith.constant 0 : i32
      %dma_wait3A_466 = arith.constant 0 : i32
      %dma_wait3A_467 = tpu.memref_slice %arg6[%dma_wait3A_464, %dma_wait3A_465, %dma_wait3A_466] : memref<32x26x64xf32, #tpu.memory_space<vmem>> -> memref<1x26x64xf32, #tpu.memory_space<vmem>>
      %dma_wait3A_468 = tpu.memref_squeeze %dma_wait3A_467 : memref<1x26x64xf32, #tpu.memory_space<vmem>> -> memref<26x64xf32, #tpu.memory_space<vmem>>
      %dma_wait3A_469 = arith.constant 0 : i32
      %dma_wait3A_470 = tpu.memref_slice %arg5[%dma_wait3A_463, %dma_wait3A_469] : memref<512x26xi32, #tpu.memory_space<vmem>> -> memref<1x26xi32, #tpu.memory_space<vmem>>
      %dma_wait3A_471 = tpu.memref_squeeze %dma_wait3A_470 : memref<1x26xi32, #tpu.memory_space<vmem>> -> memref<26xi32, #tpu.memory_space<vmem>>
      %dma_wait3A_472 = arith.constant 0 : i32
      %dma_wait3A_473 = arith.constant 0 : i32
      %dma_wait3A_474 = tpu.memref_slice %arg2[%dma_wait3A_472, %dma_wait3A_473] : memref<1000000x64xf32, #tpu.memory_space<hbm>> -> memref<1000000x64xf32, #tpu.memory_space<hbm>>
      tpu.wait_indirect_dma semaphore(%arg8 : memref<!tpu.dma_semaphore, #tpu.memory_space<semaphore_mem>>) src(%dma_wait3A_474 : memref<1000000x64xf32, #tpu.memory_space<hbm>>) dst(%dma_wait3A_468 : memref<26x64xf32, #tpu.memory_space<vmem>>)
      %dma_wait3A_475 = arith.constant 0 : i32
      %dma_wait3A_476 = arith.constant 5 : i32
      %dma_wait3A_477 = arith.constant 0 : i32
      %dma_wait3A_478 = arith.constant 0 : i32
      %dma_wait3A_479 = tpu.memref_slice %arg6[%dma_wait3A_476, %dma_wait3A_477, %dma_wait3A_478] : memref<32x26x64xf32, #tpu.memory_space<vmem>> -> memref<1x26x64xf32, #tpu.memory_space<vmem>>
      %dma_wait3A_480 = tpu.memref_squeeze %dma_wait3A_479 : memref<1x26x64xf32, #tpu.memory_space<vmem>> -> memref<26x64xf32, #tpu.memory_space<vmem>>
      %dma_wait3A_481 = arith.constant 0 : i32
      %dma_wait3A_482 = tpu.memref_slice %arg5[%dma_wait3A_475, %dma_wait3A_481] : memref<512x26xi32, #tpu.memory_space<vmem>> -> memref<1x26xi32, #tpu.memory_space<vmem>>
      %dma_wait3A_483 = tpu.memref_squeeze %dma_wait3A_482 : memref<1x26xi32, #tpu.memory_space<vmem>> -> memref<26xi32, #tpu.memory_space<vmem>>
      %dma_wait3A_484 = arith.constant 0 : i32
      %dma_wait3A_485 = arith.constant 0 : i32
      %dma_wait3A_486 = tpu.memref_slice %arg2[%dma_wait3A_484, %dma_wait3A_485] : memref<1000000x64xf32, #tpu.memory_space<hbm>> -> memref<1000000x64xf32, #tpu.memory_space<hbm>>
      tpu.wait_indirect_dma semaphore(%arg8 : memref<!tpu.dma_semaphore, #tpu.memory_space<semaphore_mem>>) src(%dma_wait3A_486 : memref<1000000x64xf32, #tpu.memory_space<hbm>>) dst(%dma_wait3A_480 : memref<26x64xf32, #tpu.memory_space<vmem>>)
      %dma_wait3A_487 = arith.constant 0 : i32
      %dma_wait3A_488 = arith.constant 6 : i32
      %dma_wait3A_489 = arith.constant 0 : i32
      %dma_wait3A_490 = arith.constant 0 : i32
      %dma_wait3A_491 = tpu.memref_slice %arg6[%dma_wait3A_488, %dma_wait3A_489, %dma_wait3A_490] : memref<32x26x64xf32, #tpu.memory_space<vmem>> -> memref<1x26x64xf32, #tpu.memory_space<vmem>>
      %dma_wait3A_492 = tpu.memref_squeeze %dma_wait3A_491 : memref<1x26x64xf32, #tpu.memory_space<vmem>> -> memref<26x64xf32, #tpu.memory_space<vmem>>
      %dma_wait3A_493 = arith.constant 0 : i32
      %dma_wait3A_494 = tpu.memref_slice %arg5[%dma_wait3A_487, %dma_wait3A_493] : memref<512x26xi32, #tpu.memory_space<vmem>> -> memref<1x26xi32, #tpu.memory_space<vmem>>
      %dma_wait3A_495 = tpu.memref_squeeze %dma_wait3A_494 : memref<1x26xi32, #tpu.memory_space<vmem>> -> memref<26xi32, #tpu.memory_space<vmem>>
      %dma_wait3A_496 = arith.constant 0 : i32
      %dma_wait3A_497 = arith.constant 0 : i32
      %dma_wait3A_498 = tpu.memref_slice %arg2[%dma_wait3A_496, %dma_wait3A_497] : memref<1000000x64xf32, #tpu.memory_space<hbm>> -> memref<1000000x64xf32, #tpu.memory_space<hbm>>
      tpu.wait_indirect_dma semaphore(%arg8 : memref<!tpu.dma_semaphore, #tpu.memory_space<semaphore_mem>>) src(%dma_wait3A_498 : memref<1000000x64xf32, #tpu.memory_space<hbm>>) dst(%dma_wait3A_492 : memref<26x64xf32, #tpu.memory_space<vmem>>)
      %dma_wait3A_499 = arith.constant 0 : i32
      %dma_wait3A_500 = arith.constant 7 : i32
      %dma_wait3A_501 = arith.constant 0 : i32
      %dma_wait3A_502 = arith.constant 0 : i32
      %dma_wait3A_503 = tpu.memref_slice %arg6[%dma_wait3A_500, %dma_wait3A_501, %dma_wait3A_502] : memref<32x26x64xf32, #tpu.memory_space<vmem>> -> memref<1x26x64xf32, #tpu.memory_space<vmem>>
      %dma_wait3A_504 = tpu.memref_squeeze %dma_wait3A_503 : memref<1x26x64xf32, #tpu.memory_space<vmem>> -> memref<26x64xf32, #tpu.memory_space<vmem>>
      %dma_wait3A_505 = arith.constant 0 : i32
      %dma_wait3A_506 = tpu.memref_slice %arg5[%dma_wait3A_499, %dma_wait3A_505] : memref<512x26xi32, #tpu.memory_space<vmem>> -> memref<1x26xi32, #tpu.memory_space<vmem>>
      %dma_wait3A_507 = tpu.memref_squeeze %dma_wait3A_506 : memref<1x26xi32, #tpu.memory_space<vmem>> -> memref<26xi32, #tpu.memory_space<vmem>>
      %dma_wait3A_508 = arith.constant 0 : i32
      %dma_wait3A_509 = arith.constant 0 : i32
      %dma_wait3A_510 = tpu.memref_slice %arg2[%dma_wait3A_508, %dma_wait3A_509] : memref<1000000x64xf32, #tpu.memory_space<hbm>> -> memref<1000000x64xf32, #tpu.memory_space<hbm>>
      tpu.wait_indirect_dma semaphore(%arg8 : memref<!tpu.dma_semaphore, #tpu.memory_space<semaphore_mem>>) src(%dma_wait3A_510 : memref<1000000x64xf32, #tpu.memory_space<hbm>>) dst(%dma_wait3A_504 : memref<26x64xf32, #tpu.memory_space<vmem>>)
      %dma_wait3A_511 = arith.constant 0 : i32
      %dma_wait3A_512 = arith.constant 8 : i32
      %dma_wait3A_513 = arith.constant 0 : i32
      %dma_wait3A_514 = arith.constant 0 : i32
      %dma_wait3A_515 = tpu.memref_slice %arg6[%dma_wait3A_512, %dma_wait3A_513, %dma_wait3A_514] : memref<32x26x64xf32, #tpu.memory_space<vmem>> -> memref<1x26x64xf32, #tpu.memory_space<vmem>>
      %dma_wait3A_516 = tpu.memref_squeeze %dma_wait3A_515 : memref<1x26x64xf32, #tpu.memory_space<vmem>> -> memref<26x64xf32, #tpu.memory_space<vmem>>
      %dma_wait3A_517 = arith.constant 0 : i32
      %dma_wait3A_518 = tpu.memref_slice %arg5[%dma_wait3A_511, %dma_wait3A_517] : memref<512x26xi32, #tpu.memory_space<vmem>> -> memref<1x26xi32, #tpu.memory_space<vmem>>
      %dma_wait3A_519 = tpu.memref_squeeze %dma_wait3A_518 : memref<1x26xi32, #tpu.memory_space<vmem>> -> memref<26xi32, #tpu.memory_space<vmem>>
      %dma_wait3A_520 = arith.constant 0 : i32
      %dma_wait3A_521 = arith.constant 0 : i32
      %dma_wait3A_522 = tpu.memref_slice %arg2[%dma_wait3A_520, %dma_wait3A_521] : memref<1000000x64xf32, #tpu.memory_space<hbm>> -> memref<1000000x64xf32, #tpu.memory_space<hbm>>
      tpu.wait_indirect_dma semaphore(%arg8 : memref<!tpu.dma_semaphore, #tpu.memory_space<semaphore_mem>>) src(%dma_wait3A_522 : memref<1000000x64xf32, #tpu.memory_space<hbm>>) dst(%dma_wait3A_516 : memref<26x64xf32, #tpu.memory_space<vmem>>)
      %dma_wait3A_523 = arith.constant 0 : i32
      %dma_wait3A_524 = arith.constant 9 : i32
      %dma_wait3A_525 = arith.constant 0 : i32
      %dma_wait3A_526 = arith.constant 0 : i32
      %dma_wait3A_527 = tpu.memref_slice %arg6[%dma_wait3A_524, %dma_wait3A_525, %dma_wait3A_526] : memref<32x26x64xf32, #tpu.memory_space<vmem>> -> memref<1x26x64xf32, #tpu.memory_space<vmem>>
      %dma_wait3A_528 = tpu.memref_squeeze %dma_wait3A_527 : memref<1x26x64xf32, #tpu.memory_space<vmem>> -> memref<26x64xf32, #tpu.memory_space<vmem>>
      %dma_wait3A_529 = arith.constant 0 : i32
      %dma_wait3A_530 = tpu.memref_slice %arg5[%dma_wait3A_523, %dma_wait3A_529] : memref<512x26xi32, #tpu.memory_space<vmem>> -> memref<1x26xi32, #tpu.memory_space<vmem>>
      %dma_wait3A_531 = tpu.memref_squeeze %dma_wait3A_530 : memref<1x26xi32, #tpu.memory_space<vmem>> -> memref<26xi32, #tpu.memory_space<vmem>>
      %dma_wait3A_532 = arith.constant 0 : i32
      %dma_wait3A_533 = arith.constant 0 : i32
      %dma_wait3A_534 = tpu.memref_slice %arg2[%dma_wait3A_532, %dma_wait3A_533] : memref<1000000x64xf32, #tpu.memory_space<hbm>> -> memref<1000000x64xf32, #tpu.memory_space<hbm>>
      tpu.wait_indirect_dma semaphore(%arg8 : memref<!tpu.dma_semaphore, #tpu.memory_space<semaphore_mem>>) src(%dma_wait3A_534 : memref<1000000x64xf32, #tpu.memory_space<hbm>>) dst(%dma_wait3A_528 : memref<26x64xf32, #tpu.memory_space<vmem>>)
      %dma_wait3A_535 = arith.constant 0 : i32
      %dma_wait3A_536 = arith.constant 10 : i32
      %dma_wait3A_537 = arith.constant 0 : i32
      %dma_wait3A_538 = arith.constant 0 : i32
      %dma_wait3A_539 = tpu.memref_slice %arg6[%dma_wait3A_536, %dma_wait3A_537, %dma_wait3A_538] : memref<32x26x64xf32, #tpu.memory_space<vmem>> -> memref<1x26x64xf32, #tpu.memory_space<vmem>>
      %dma_wait3A_540 = tpu.memref_squeeze %dma_wait3A_539 : memref<1x26x64xf32, #tpu.memory_space<vmem>> -> memref<26x64xf32, #tpu.memory_space<vmem>>
      %dma_wait3A_541 = arith.constant 0 : i32
      %dma_wait3A_542 = tpu.memref_slice %arg5[%dma_wait3A_535, %dma_wait3A_541] : memref<512x26xi32, #tpu.memory_space<vmem>> -> memref<1x26xi32, #tpu.memory_space<vmem>>
      %dma_wait3A_543 = tpu.memref_squeeze %dma_wait3A_542 : memref<1x26xi32, #tpu.memory_space<vmem>> -> memref<26xi32, #tpu.memory_space<vmem>>
      %dma_wait3A_544 = arith.constant 0 : i32
      %dma_wait3A_545 = arith.constant 0 : i32
      %dma_wait3A_546 = tpu.memref_slice %arg2[%dma_wait3A_544, %dma_wait3A_545] : memref<1000000x64xf32, #tpu.memory_space<hbm>> -> memref<1000000x64xf32, #tpu.memory_space<hbm>>
      tpu.wait_indirect_dma semaphore(%arg8 : memref<!tpu.dma_semaphore, #tpu.memory_space<semaphore_mem>>) src(%dma_wait3A_546 : memref<1000000x64xf32, #tpu.memory_space<hbm>>) dst(%dma_wait3A_540 : memref<26x64xf32, #tpu.memory_space<vmem>>)
      %dma_wait3A_547 = arith.constant 0 : i32
      %dma_wait3A_548 = arith.constant 11 : i32
      %dma_wait3A_549 = arith.constant 0 : i32
      %dma_wait3A_550 = arith.constant 0 : i32
      %dma_wait3A_551 = tpu.memref_slice %arg6[%dma_wait3A_548, %dma_wait3A_549, %dma_wait3A_550] : memref<32x26x64xf32, #tpu.memory_space<vmem>> -> memref<1x26x64xf32, #tpu.memory_space<vmem>>
      %dma_wait3A_552 = tpu.memref_squeeze %dma_wait3A_551 : memref<1x26x64xf32, #tpu.memory_space<vmem>> -> memref<26x64xf32, #tpu.memory_space<vmem>>
      %dma_wait3A_553 = arith.constant 0 : i32
      %dma_wait3A_554 = tpu.memref_slice %arg5[%dma_wait3A_547, %dma_wait3A_553] : memref<512x26xi32, #tpu.memory_space<vmem>> -> memref<1x26xi32, #tpu.memory_space<vmem>>
      %dma_wait3A_555 = tpu.memref_squeeze %dma_wait3A_554 : memref<1x26xi32, #tpu.memory_space<vmem>> -> memref<26xi32, #tpu.memory_space<vmem>>
      %dma_wait3A_556 = arith.constant 0 : i32
      %dma_wait3A_557 = arith.constant 0 : i32
      %dma_wait3A_558 = tpu.memref_slice %arg2[%dma_wait3A_556, %dma_wait3A_557] : memref<1000000x64xf32, #tpu.memory_space<hbm>> -> memref<1000000x64xf32, #tpu.memory_space<hbm>>
      tpu.wait_indirect_dma semaphore(%arg8 : memref<!tpu.dma_semaphore, #tpu.memory_space<semaphore_mem>>) src(%dma_wait3A_558 : memref<1000000x64xf32, #tpu.memory_space<hbm>>) dst(%dma_wait3A_552 : memref<26x64xf32, #tpu.memory_space<vmem>>)
      %dma_wait3A_559 = arith.constant 0 : i32
      %dma_wait3A_560 = arith.constant 12 : i32
      %dma_wait3A_561 = arith.constant 0 : i32
      %dma_wait3A_562 = arith.constant 0 : i32
      %dma_wait3A_563 = tpu.memref_slice %arg6[%dma_wait3A_560, %dma_wait3A_561, %dma_wait3A_562] : memref<32x26x64xf32, #tpu.memory_space<vmem>> -> memref<1x26x64xf32, #tpu.memory_space<vmem>>
      %dma_wait3A_564 = tpu.memref_squeeze %dma_wait3A_563 : memref<1x26x64xf32, #tpu.memory_space<vmem>> -> memref<26x64xf32, #tpu.memory_space<vmem>>
      %dma_wait3A_565 = arith.constant 0 : i32
      %dma_wait3A_566 = tpu.memref_slice %arg5[%dma_wait3A_559, %dma_wait3A_565] : memref<512x26xi32, #tpu.memory_space<vmem>> -> memref<1x26xi32, #tpu.memory_space<vmem>>
      %dma_wait3A_567 = tpu.memref_squeeze %dma_wait3A_566 : memref<1x26xi32, #tpu.memory_space<vmem>> -> memref<26xi32, #tpu.memory_space<vmem>>
      %dma_wait3A_568 = arith.constant 0 : i32
      %dma_wait3A_569 = arith.constant 0 : i32
      %dma_wait3A_570 = tpu.memref_slice %arg2[%dma_wait3A_568, %dma_wait3A_569] : memref<1000000x64xf32, #tpu.memory_space<hbm>> -> memref<1000000x64xf32, #tpu.memory_space<hbm>>
      tpu.wait_indirect_dma semaphore(%arg8 : memref<!tpu.dma_semaphore, #tpu.memory_space<semaphore_mem>>) src(%dma_wait3A_570 : memref<1000000x64xf32, #tpu.memory_space<hbm>>) dst(%dma_wait3A_564 : memref<26x64xf32, #tpu.memory_space<vmem>>)
      %dma_wait3A_571 = arith.constant 0 : i32
      %dma_wait3A_572 = arith.constant 13 : i32
      %dma_wait3A_573 = arith.constant 0 : i32
      %dma_wait3A_574 = arith.constant 0 : i32
      %dma_wait3A_575 = tpu.memref_slice %arg6[%dma_wait3A_572, %dma_wait3A_573, %dma_wait3A_574] : memref<32x26x64xf32, #tpu.memory_space<vmem>> -> memref<1x26x64xf32, #tpu.memory_space<vmem>>
      %dma_wait3A_576 = tpu.memref_squeeze %dma_wait3A_575 : memref<1x26x64xf32, #tpu.memory_space<vmem>> -> memref<26x64xf32, #tpu.memory_space<vmem>>
      %dma_wait3A_577 = arith.constant 0 : i32
      %dma_wait3A_578 = tpu.memref_slice %arg5[%dma_wait3A_571, %dma_wait3A_577] : memref<512x26xi32, #tpu.memory_space<vmem>> -> memref<1x26xi32, #tpu.memory_space<vmem>>
      %dma_wait3A_579 = tpu.memref_squeeze %dma_wait3A_578 : memref<1x26xi32, #tpu.memory_space<vmem>> -> memref<26xi32, #tpu.memory_space<vmem>>
      %dma_wait3A_580 = arith.constant 0 : i32
      %dma_wait3A_581 = arith.constant 0 : i32
      %dma_wait3A_582 = tpu.memref_slice %arg2[%dma_wait3A_580, %dma_wait3A_581] : memref<1000000x64xf32, #tpu.memory_space<hbm>> -> memref<1000000x64xf32, #tpu.memory_space<hbm>>
      tpu.wait_indirect_dma semaphore(%arg8 : memref<!tpu.dma_semaphore, #tpu.memory_space<semaphore_mem>>) src(%dma_wait3A_582 : memref<1000000x64xf32, #tpu.memory_space<hbm>>) dst(%dma_wait3A_576 : memref<26x64xf32, #tpu.memory_space<vmem>>)
      %dma_wait3A_583 = arith.constant 0 : i32
      %dma_wait3A_584 = arith.constant 14 : i32
      %dma_wait3A_585 = arith.constant 0 : i32
      %dma_wait3A_586 = arith.constant 0 : i32
      %dma_wait3A_587 = tpu.memref_slice %arg6[%dma_wait3A_584, %dma_wait3A_585, %dma_wait3A_586] : memref<32x26x64xf32, #tpu.memory_space<vmem>> -> memref<1x26x64xf32, #tpu.memory_space<vmem>>
      %dma_wait3A_588 = tpu.memref_squeeze %dma_wait3A_587 : memref<1x26x64xf32, #tpu.memory_space<vmem>> -> memref<26x64xf32, #tpu.memory_space<vmem>>
      %dma_wait3A_589 = arith.constant 0 : i32
      %dma_wait3A_590 = tpu.memref_slice %arg5[%dma_wait3A_583, %dma_wait3A_589] : memref<512x26xi32, #tpu.memory_space<vmem>> -> memref<1x26xi32, #tpu.memory_space<vmem>>
      %dma_wait3A_591 = tpu.memref_squeeze %dma_wait3A_590 : memref<1x26xi32, #tpu.memory_space<vmem>> -> memref<26xi32, #tpu.memory_space<vmem>>
      %dma_wait3A_592 = arith.constant 0 : i32
      %dma_wait3A_593 = arith.constant 0 : i32
      %dma_wait3A_594 = tpu.memref_slice %arg2[%dma_wait3A_592, %dma_wait3A_593] : memref<1000000x64xf32, #tpu.memory_space<hbm>> -> memref<1000000x64xf32, #tpu.memory_space<hbm>>
      tpu.wait_indirect_dma semaphore(%arg8 : memref<!tpu.dma_semaphore, #tpu.memory_space<semaphore_mem>>) src(%dma_wait3A_594 : memref<1000000x64xf32, #tpu.memory_space<hbm>>) dst(%dma_wait3A_588 : memref<26x64xf32, #tpu.memory_space<vmem>>)
      %dma_wait3A_595 = arith.constant 0 : i32
      %dma_wait3A_596 = arith.constant 15 : i32
      %dma_wait3A_597 = arith.constant 0 : i32
      %dma_wait3A_598 = arith.constant 0 : i32
      %dma_wait3A_599 = tpu.memref_slice %arg6[%dma_wait3A_596, %dma_wait3A_597, %dma_wait3A_598] : memref<32x26x64xf32, #tpu.memory_space<vmem>> -> memref<1x26x64xf32, #tpu.memory_space<vmem>>
      %dma_wait3A_600 = tpu.memref_squeeze %dma_wait3A_599 : memref<1x26x64xf32, #tpu.memory_space<vmem>> -> memref<26x64xf32, #tpu.memory_space<vmem>>
      %dma_wait3A_601 = arith.constant 0 : i32
      %dma_wait3A_602 = tpu.memref_slice %arg5[%dma_wait3A_595, %dma_wait3A_601] : memref<512x26xi32, #tpu.memory_space<vmem>> -> memref<1x26xi32, #tpu.memory_space<vmem>>
      %dma_wait3A_603 = tpu.memref_squeeze %dma_wait3A_602 : memref<1x26xi32, #tpu.memory_space<vmem>> -> memref<26xi32, #tpu.memory_space<vmem>>
      %dma_wait3A_604 = arith.constant 0 : i32
      %dma_wait3A_605 = arith.constant 0 : i32
      %dma_wait3A_606 = tpu.memref_slice %arg2[%dma_wait3A_604, %dma_wait3A_605] : memref<1000000x64xf32, #tpu.memory_space<hbm>> -> memref<1000000x64xf32, #tpu.memory_space<hbm>>
      tpu.wait_indirect_dma semaphore(%arg8 : memref<!tpu.dma_semaphore, #tpu.memory_space<semaphore_mem>>) src(%dma_wait3A_606 : memref<1000000x64xf32, #tpu.memory_space<hbm>>) dst(%dma_wait3A_600 : memref<26x64xf32, #tpu.memory_space<vmem>>)
      %dma_wait3A_607 = arith.constant 0 : i32
      %dma_wait3A_608 = arith.constant 16 : i32
      %dma_wait3A_609 = arith.constant 0 : i32
      %dma_wait3A_610 = arith.constant 0 : i32
      %dma_wait3A_611 = tpu.memref_slice %arg6[%dma_wait3A_608, %dma_wait3A_609, %dma_wait3A_610] : memref<32x26x64xf32, #tpu.memory_space<vmem>> -> memref<1x26x64xf32, #tpu.memory_space<vmem>>
      %dma_wait3A_612 = tpu.memref_squeeze %dma_wait3A_611 : memref<1x26x64xf32, #tpu.memory_space<vmem>> -> memref<26x64xf32, #tpu.memory_space<vmem>>
      %dma_wait3A_613 = arith.constant 0 : i32
      %dma_wait3A_614 = tpu.memref_slice %arg5[%dma_wait3A_607, %dma_wait3A_613] : memref<512x26xi32, #tpu.memory_space<vmem>> -> memref<1x26xi32, #tpu.memory_space<vmem>>
      %dma_wait3A_615 = tpu.memref_squeeze %dma_wait3A_614 : memref<1x26xi32, #tpu.memory_space<vmem>> -> memref<26xi32, #tpu.memory_space<vmem>>
      %dma_wait3A_616 = arith.constant 0 : i32
      %dma_wait3A_617 = arith.constant 0 : i32
      %dma_wait3A_618 = tpu.memref_slice %arg2[%dma_wait3A_616, %dma_wait3A_617] : memref<1000000x64xf32, #tpu.memory_space<hbm>> -> memref<1000000x64xf32, #tpu.memory_space<hbm>>
      tpu.wait_indirect_dma semaphore(%arg8 : memref<!tpu.dma_semaphore, #tpu.memory_space<semaphore_mem>>) src(%dma_wait3A_618 : memref<1000000x64xf32, #tpu.memory_space<hbm>>) dst(%dma_wait3A_612 : memref<26x64xf32, #tpu.memory_space<vmem>>)
      %dma_wait3A_619 = arith.constant 0 : i32
      %dma_wait3A_620 = arith.constant 17 : i32
      %dma_wait3A_621 = arith.constant 0 : i32
      %dma_wait3A_622 = arith.constant 0 : i32
      %dma_wait3A_623 = tpu.memref_slice %arg6[%dma_wait3A_620, %dma_wait3A_621, %dma_wait3A_622] : memref<32x26x64xf32, #tpu.memory_space<vmem>> -> memref<1x26x64xf32, #tpu.memory_space<vmem>>
      %dma_wait3A_624 = tpu.memref_squeeze %dma_wait3A_623 : memref<1x26x64xf32, #tpu.memory_space<vmem>> -> memref<26x64xf32, #tpu.memory_space<vmem>>
      %dma_wait3A_625 = arith.constant 0 : i32
      %dma_wait3A_626 = tpu.memref_slice %arg5[%dma_wait3A_619, %dma_wait3A_625] : memref<512x26xi32, #tpu.memory_space<vmem>> -> memref<1x26xi32, #tpu.memory_space<vmem>>
      %dma_wait3A_627 = tpu.memref_squeeze %dma_wait3A_626 : memref<1x26xi32, #tpu.memory_space<vmem>> -> memref<26xi32, #tpu.memory_space<vmem>>
      %dma_wait3A_628 = arith.constant 0 : i32
      %dma_wait3A_629 = arith.constant 0 : i32
      %dma_wait3A_630 = tpu.memref_slice %arg2[%dma_wait3A_628, %dma_wait3A_629] : memref<1000000x64xf32, #tpu.memory_space<hbm>> -> memref<1000000x64xf32, #tpu.memory_space<hbm>>
      tpu.wait_indirect_dma semaphore(%arg8 : memref<!tpu.dma_semaphore, #tpu.memory_space<semaphore_mem>>) src(%dma_wait3A_630 : memref<1000000x64xf32, #tpu.memory_space<hbm>>) dst(%dma_wait3A_624 : memref<26x64xf32, #tpu.memory_space<vmem>>)
      %dma_wait3A_631 = arith.constant 0 : i32
      %dma_wait3A_632 = arith.constant 18 : i32
      %dma_wait3A_633 = arith.constant 0 : i32
      %dma_wait3A_634 = arith.constant 0 : i32
      %dma_wait3A_635 = tpu.memref_slice %arg6[%dma_wait3A_632, %dma_wait3A_633, %dma_wait3A_634] : memref<32x26x64xf32, #tpu.memory_space<vmem>> -> memref<1x26x64xf32, #tpu.memory_space<vmem>>
      %dma_wait3A_636 = tpu.memref_squeeze %dma_wait3A_635 : memref<1x26x64xf32, #tpu.memory_space<vmem>> -> memref<26x64xf32, #tpu.memory_space<vmem>>
      %dma_wait3A_637 = arith.constant 0 : i32
      %dma_wait3A_638 = tpu.memref_slice %arg5[%dma_wait3A_631, %dma_wait3A_637] : memref<512x26xi32, #tpu.memory_space<vmem>> -> memref<1x26xi32, #tpu.memory_space<vmem>>
      %dma_wait3A_639 = tpu.memref_squeeze %dma_wait3A_638 : memref<1x26xi32, #tpu.memory_space<vmem>> -> memref<26xi32, #tpu.memory_space<vmem>>
      %dma_wait3A_640 = arith.constant 0 : i32
      %dma_wait3A_641 = arith.constant 0 : i32
      %dma_wait3A_642 = tpu.memref_slice %arg2[%dma_wait3A_640, %dma_wait3A_641] : memref<1000000x64xf32, #tpu.memory_space<hbm>> -> memref<1000000x64xf32, #tpu.memory_space<hbm>>
      tpu.wait_indirect_dma semaphore(%arg8 : memref<!tpu.dma_semaphore, #tpu.memory_space<semaphore_mem>>) src(%dma_wait3A_642 : memref<1000000x64xf32, #tpu.memory_space<hbm>>) dst(%dma_wait3A_636 : memref<26x64xf32, #tpu.memory_space<vmem>>)
      %dma_wait3A_643 = arith.constant 0 : i32
      %dma_wait3A_644 = arith.constant 19 : i32
      %dma_wait3A_645 = arith.constant 0 : i32
      %dma_wait3A_646 = arith.constant 0 : i32
      %dma_wait3A_647 = tpu.memref_slice %arg6[%dma_wait3A_644, %dma_wait3A_645, %dma_wait3A_646] : memref<32x26x64xf32, #tpu.memory_space<vmem>> -> memref<1x26x64xf32, #tpu.memory_space<vmem>>
      %dma_wait3A_648 = tpu.memref_squeeze %dma_wait3A_647 : memref<1x26x64xf32, #tpu.memory_space<vmem>> -> memref<26x64xf32, #tpu.memory_space<vmem>>
      %dma_wait3A_649 = arith.constant 0 : i32
      %dma_wait3A_650 = tpu.memref_slice %arg5[%dma_wait3A_643, %dma_wait3A_649] : memref<512x26xi32, #tpu.memory_space<vmem>> -> memref<1x26xi32, #tpu.memory_space<vmem>>
      %dma_wait3A_651 = tpu.memref_squeeze %dma_wait3A_650 : memref<1x26xi32, #tpu.memory_space<vmem>> -> memref<26xi32, #tpu.memory_space<vmem>>
      %dma_wait3A_652 = arith.constant 0 : i32
      %dma_wait3A_653 = arith.constant 0 : i32
      %dma_wait3A_654 = tpu.memref_slice %arg2[%dma_wait3A_652, %dma_wait3A_653] : memref<1000000x64xf32, #tpu.memory_space<hbm>> -> memref<1000000x64xf32, #tpu.memory_space<hbm>>
      tpu.wait_indirect_dma semaphore(%arg8 : memref<!tpu.dma_semaphore, #tpu.memory_space<semaphore_mem>>) src(%dma_wait3A_654 : memref<1000000x64xf32, #tpu.memory_space<hbm>>) dst(%dma_wait3A_648 : memref<26x64xf32, #tpu.memory_space<vmem>>)
      %dma_wait3A_655 = arith.constant 0 : i32
      %dma_wait3A_656 = arith.constant 20 : i32
      %dma_wait3A_657 = arith.constant 0 : i32
      %dma_wait3A_658 = arith.constant 0 : i32
      %dma_wait3A_659 = tpu.memref_slice %arg6[%dma_wait3A_656, %dma_wait3A_657, %dma_wait3A_658] : memref<32x26x64xf32, #tpu.memory_space<vmem>> -> memref<1x26x64xf32, #tpu.memory_space<vmem>>
      %dma_wait3A_660 = tpu.memref_squeeze %dma_wait3A_659 : memref<1x26x64xf32, #tpu.memory_space<vmem>> -> memref<26x64xf32, #tpu.memory_space<vmem>>
      %dma_wait3A_661 = arith.constant 0 : i32
      %dma_wait3A_662 = tpu.memref_slice %arg5[%dma_wait3A_655, %dma_wait3A_661] : memref<512x26xi32, #tpu.memory_space<vmem>> -> memref<1x26xi32, #tpu.memory_space<vmem>>
      %dma_wait3A_663 = tpu.memref_squeeze %dma_wait3A_662 : memref<1x26xi32, #tpu.memory_space<vmem>> -> memref<26xi32, #tpu.memory_space<vmem>>
      %dma_wait3A_664 = arith.constant 0 : i32
      %dma_wait3A_665 = arith.constant 0 : i32
      %dma_wait3A_666 = tpu.memref_slice %arg2[%dma_wait3A_664, %dma_wait3A_665] : memref<1000000x64xf32, #tpu.memory_space<hbm>> -> memref<1000000x64xf32, #tpu.memory_space<hbm>>
      tpu.wait_indirect_dma semaphore(%arg8 : memref<!tpu.dma_semaphore, #tpu.memory_space<semaphore_mem>>) src(%dma_wait3A_666 : memref<1000000x64xf32, #tpu.memory_space<hbm>>) dst(%dma_wait3A_660 : memref<26x64xf32, #tpu.memory_space<vmem>>)
      %dma_wait3A_667 = arith.constant 0 : i32
      %dma_wait3A_668 = arith.constant 21 : i32
      %dma_wait3A_669 = arith.constant 0 : i32
      %dma_wait3A_670 = arith.constant 0 : i32
      %dma_wait3A_671 = tpu.memref_slice %arg6[%dma_wait3A_668, %dma_wait3A_669, %dma_wait3A_670] : memref<32x26x64xf32, #tpu.memory_space<vmem>> -> memref<1x26x64xf32, #tpu.memory_space<vmem>>
      %dma_wait3A_672 = tpu.memref_squeeze %dma_wait3A_671 : memref<1x26x64xf32, #tpu.memory_space<vmem>> -> memref<26x64xf32, #tpu.memory_space<vmem>>
      %dma_wait3A_673 = arith.constant 0 : i32
      %dma_wait3A_674 = tpu.memref_slice %arg5[%dma_wait3A_667, %dma_wait3A_673] : memref<512x26xi32, #tpu.memory_space<vmem>> -> memref<1x26xi32, #tpu.memory_space<vmem>>
      %dma_wait3A_675 = tpu.memref_squeeze %dma_wait3A_674 : memref<1x26xi32, #tpu.memory_space<vmem>> -> memref<26xi32, #tpu.memory_space<vmem>>
      %dma_wait3A_676 = arith.constant 0 : i32
      %dma_wait3A_677 = arith.constant 0 : i32
      %dma_wait3A_678 = tpu.memref_slice %arg2[%dma_wait3A_676, %dma_wait3A_677] : memref<1000000x64xf32, #tpu.memory_space<hbm>> -> memref<1000000x64xf32, #tpu.memory_space<hbm>>
      tpu.wait_indirect_dma semaphore(%arg8 : memref<!tpu.dma_semaphore, #tpu.memory_space<semaphore_mem>>) src(%dma_wait3A_678 : memref<1000000x64xf32, #tpu.memory_space<hbm>>) dst(%dma_wait3A_672 : memref<26x64xf32, #tpu.memory_space<vmem>>)
      %dma_wait3A_679 = arith.constant 0 : i32
      %dma_wait3A_680 = arith.constant 22 : i32
      %dma_wait3A_681 = arith.constant 0 : i32
      %dma_wait3A_682 = arith.constant 0 : i32
      %dma_wait3A_683 = tpu.memref_slice %arg6[%dma_wait3A_680, %dma_wait3A_681, %dma_wait3A_682] : memref<32x26x64xf32, #tpu.memory_space<vmem>> -> memref<1x26x64xf32, #tpu.memory_space<vmem>>
      %dma_wait3A_684 = tpu.memref_squeeze %dma_wait3A_683 : memref<1x26x64xf32, #tpu.memory_space<vmem>> -> memref<26x64xf32, #tpu.memory_space<vmem>>
      %dma_wait3A_685 = arith.constant 0 : i32
      %dma_wait3A_686 = tpu.memref_slice %arg5[%dma_wait3A_679, %dma_wait3A_685] : memref<512x26xi32, #tpu.memory_space<vmem>> -> memref<1x26xi32, #tpu.memory_space<vmem>>
      %dma_wait3A_687 = tpu.memref_squeeze %dma_wait3A_686 : memref<1x26xi32, #tpu.memory_space<vmem>> -> memref<26xi32, #tpu.memory_space<vmem>>
      %dma_wait3A_688 = arith.constant 0 : i32
      %dma_wait3A_689 = arith.constant 0 : i32
      %dma_wait3A_690 = tpu.memref_slice %arg2[%dma_wait3A_688, %dma_wait3A_689] : memref<1000000x64xf32, #tpu.memory_space<hbm>> -> memref<1000000x64xf32, #tpu.memory_space<hbm>>
      tpu.wait_indirect_dma semaphore(%arg8 : memref<!tpu.dma_semaphore, #tpu.memory_space<semaphore_mem>>) src(%dma_wait3A_690 : memref<1000000x64xf32, #tpu.memory_space<hbm>>) dst(%dma_wait3A_684 : memref<26x64xf32, #tpu.memory_space<vmem>>)
      %dma_wait3A_691 = arith.constant 0 : i32
      %dma_wait3A_692 = arith.constant 23 : i32
      %dma_wait3A_693 = arith.constant 0 : i32
      %dma_wait3A_694 = arith.constant 0 : i32
      %dma_wait3A_695 = tpu.memref_slice %arg6[%dma_wait3A_692, %dma_wait3A_693, %dma_wait3A_694] : memref<32x26x64xf32, #tpu.memory_space<vmem>> -> memref<1x26x64xf32, #tpu.memory_space<vmem>>
      %dma_wait3A_696 = tpu.memref_squeeze %dma_wait3A_695 : memref<1x26x64xf32, #tpu.memory_space<vmem>> -> memref<26x64xf32, #tpu.memory_space<vmem>>
      %dma_wait3A_697 = arith.constant 0 : i32
      %dma_wait3A_698 = tpu.memref_slice %arg5[%dma_wait3A_691, %dma_wait3A_697] : memref<512x26xi32, #tpu.memory_space<vmem>> -> memref<1x26xi32, #tpu.memory_space<vmem>>
      %dma_wait3A_699 = tpu.memref_squeeze %dma_wait3A_698 : memref<1x26xi32, #tpu.memory_space<vmem>> -> memref<26xi32, #tpu.memory_space<vmem>>
      %dma_wait3A_700 = arith.constant 0 : i32
      %dma_wait3A_701 = arith.constant 0 : i32
      %dma_wait3A_702 = tpu.memref_slice %arg2[%dma_wait3A_700, %dma_wait3A_701] : memref<1000000x64xf32, #tpu.memory_space<hbm>> -> memref<1000000x64xf32, #tpu.memory_space<hbm>>
      tpu.wait_indirect_dma semaphore(%arg8 : memref<!tpu.dma_semaphore, #tpu.memory_space<semaphore_mem>>) src(%dma_wait3A_702 : memref<1000000x64xf32, #tpu.memory_space<hbm>>) dst(%dma_wait3A_696 : memref<26x64xf32, #tpu.memory_space<vmem>>)
      %dma_wait3A_703 = arith.constant 0 : i32
      %dma_wait3A_704 = arith.constant 24 : i32
      %dma_wait3A_705 = arith.constant 0 : i32
      %dma_wait3A_706 = arith.constant 0 : i32
      %dma_wait3A_707 = tpu.memref_slice %arg6[%dma_wait3A_704, %dma_wait3A_705, %dma_wait3A_706] : memref<32x26x64xf32, #tpu.memory_space<vmem>> -> memref<1x26x64xf32, #tpu.memory_space<vmem>>
      %dma_wait3A_708 = tpu.memref_squeeze %dma_wait3A_707 : memref<1x26x64xf32, #tpu.memory_space<vmem>> -> memref<26x64xf32, #tpu.memory_space<vmem>>
      %dma_wait3A_709 = arith.constant 0 : i32
      %dma_wait3A_710 = tpu.memref_slice %arg5[%dma_wait3A_703, %dma_wait3A_709] : memref<512x26xi32, #tpu.memory_space<vmem>> -> memref<1x26xi32, #tpu.memory_space<vmem>>
      %dma_wait3A_711 = tpu.memref_squeeze %dma_wait3A_710 : memref<1x26xi32, #tpu.memory_space<vmem>> -> memref<26xi32, #tpu.memory_space<vmem>>
      %dma_wait3A_712 = arith.constant 0 : i32
      %dma_wait3A_713 = arith.constant 0 : i32
      %dma_wait3A_714 = tpu.memref_slice %arg2[%dma_wait3A_712, %dma_wait3A_713] : memref<1000000x64xf32, #tpu.memory_space<hbm>> -> memref<1000000x64xf32, #tpu.memory_space<hbm>>
      tpu.wait_indirect_dma semaphore(%arg8 : memref<!tpu.dma_semaphore, #tpu.memory_space<semaphore_mem>>) src(%dma_wait3A_714 : memref<1000000x64xf32, #tpu.memory_space<hbm>>) dst(%dma_wait3A_708 : memref<26x64xf32, #tpu.memory_space<vmem>>)
      %dma_wait3A_715 = arith.constant 0 : i32
      %dma_wait3A_716 = arith.constant 25 : i32
      %dma_wait3A_717 = arith.constant 0 : i32
      %dma_wait3A_718 = arith.constant 0 : i32
      %dma_wait3A_719 = tpu.memref_slice %arg6[%dma_wait3A_716, %dma_wait3A_717, %dma_wait3A_718] : memref<32x26x64xf32, #tpu.memory_space<vmem>> -> memref<1x26x64xf32, #tpu.memory_space<vmem>>
      %dma_wait3A_720 = tpu.memref_squeeze %dma_wait3A_719 : memref<1x26x64xf32, #tpu.memory_space<vmem>> -> memref<26x64xf32, #tpu.memory_space<vmem>>
      %dma_wait3A_721 = arith.constant 0 : i32
      %dma_wait3A_722 = tpu.memref_slice %arg5[%dma_wait3A_715, %dma_wait3A_721] : memref<512x26xi32, #tpu.memory_space<vmem>> -> memref<1x26xi32, #tpu.memory_space<vmem>>
      %dma_wait3A_723 = tpu.memref_squeeze %dma_wait3A_722 : memref<1x26xi32, #tpu.memory_space<vmem>> -> memref<26xi32, #tpu.memory_space<vmem>>
      %dma_wait3A_724 = arith.constant 0 : i32
      %dma_wait3A_725 = arith.constant 0 : i32
      %dma_wait3A_726 = tpu.memref_slice %arg2[%dma_wait3A_724, %dma_wait3A_725] : memref<1000000x64xf32, #tpu.memory_space<hbm>> -> memref<1000000x64xf32, #tpu.memory_space<hbm>>
      tpu.wait_indirect_dma semaphore(%arg8 : memref<!tpu.dma_semaphore, #tpu.memory_space<semaphore_mem>>) src(%dma_wait3A_726 : memref<1000000x64xf32, #tpu.memory_space<hbm>>) dst(%dma_wait3A_720 : memref<26x64xf32, #tpu.memory_space<vmem>>)
      %dma_wait3A_727 = arith.constant 0 : i32
      %dma_wait3A_728 = arith.constant 26 : i32
      %dma_wait3A_729 = arith.constant 0 : i32
      %dma_wait3A_730 = arith.constant 0 : i32
      %dma_wait3A_731 = tpu.memref_slice %arg6[%dma_wait3A_728, %dma_wait3A_729, %dma_wait3A_730] : memref<32x26x64xf32, #tpu.memory_space<vmem>> -> memref<1x26x64xf32, #tpu.memory_space<vmem>>
      %dma_wait3A_732 = tpu.memref_squeeze %dma_wait3A_731 : memref<1x26x64xf32, #tpu.memory_space<vmem>> -> memref<26x64xf32, #tpu.memory_space<vmem>>
      %dma_wait3A_733 = arith.constant 0 : i32
      %dma_wait3A_734 = tpu.memref_slice %arg5[%dma_wait3A_727, %dma_wait3A_733] : memref<512x26xi32, #tpu.memory_space<vmem>> -> memref<1x26xi32, #tpu.memory_space<vmem>>
      %dma_wait3A_735 = tpu.memref_squeeze %dma_wait3A_734 : memref<1x26xi32, #tpu.memory_space<vmem>> -> memref<26xi32, #tpu.memory_space<vmem>>
      %dma_wait3A_736 = arith.constant 0 : i32
      %dma_wait3A_737 = arith.constant 0 : i32
      %dma_wait3A_738 = tpu.memref_slice %arg2[%dma_wait3A_736, %dma_wait3A_737] : memref<1000000x64xf32, #tpu.memory_space<hbm>> -> memref<1000000x64xf32, #tpu.memory_space<hbm>>
      tpu.wait_indirect_dma semaphore(%arg8 : memref<!tpu.dma_semaphore, #tpu.memory_space<semaphore_mem>>) src(%dma_wait3A_738 : memref<1000000x64xf32, #tpu.memory_space<hbm>>) dst(%dma_wait3A_732 : memref<26x64xf32, #tpu.memory_space<vmem>>)
      %dma_wait3A_739 = arith.constant 0 : i32
      %dma_wait3A_740 = arith.constant 27 : i32
      %dma_wait3A_741 = arith.constant 0 : i32
      %dma_wait3A_742 = arith.constant 0 : i32
      %dma_wait3A_743 = tpu.memref_slice %arg6[%dma_wait3A_740, %dma_wait3A_741, %dma_wait3A_742] : memref<32x26x64xf32, #tpu.memory_space<vmem>> -> memref<1x26x64xf32, #tpu.memory_space<vmem>>
      %dma_wait3A_744 = tpu.memref_squeeze %dma_wait3A_743 : memref<1x26x64xf32, #tpu.memory_space<vmem>> -> memref<26x64xf32, #tpu.memory_space<vmem>>
      %dma_wait3A_745 = arith.constant 0 : i32
      %dma_wait3A_746 = tpu.memref_slice %arg5[%dma_wait3A_739, %dma_wait3A_745] : memref<512x26xi32, #tpu.memory_space<vmem>> -> memref<1x26xi32, #tpu.memory_space<vmem>>
      %dma_wait3A_747 = tpu.memref_squeeze %dma_wait3A_746 : memref<1x26xi32, #tpu.memory_space<vmem>> -> memref<26xi32, #tpu.memory_space<vmem>>
      %dma_wait3A_748 = arith.constant 0 : i32
      %dma_wait3A_749 = arith.constant 0 : i32
      %dma_wait3A_750 = tpu.memref_slice %arg2[%dma_wait3A_748, %dma_wait3A_749] : memref<1000000x64xf32, #tpu.memory_space<hbm>> -> memref<1000000x64xf32, #tpu.memory_space<hbm>>
      tpu.wait_indirect_dma semaphore(%arg8 : memref<!tpu.dma_semaphore, #tpu.memory_space<semaphore_mem>>) src(%dma_wait3A_750 : memref<1000000x64xf32, #tpu.memory_space<hbm>>) dst(%dma_wait3A_744 : memref<26x64xf32, #tpu.memory_space<vmem>>)
      %dma_wait3A_751 = arith.constant 0 : i32
      %dma_wait3A_752 = arith.constant 28 : i32
      %dma_wait3A_753 = arith.constant 0 : i32
      %dma_wait3A_754 = arith.constant 0 : i32
      %dma_wait3A_755 = tpu.memref_slice %arg6[%dma_wait3A_752, %dma_wait3A_753, %dma_wait3A_754] : memref<32x26x64xf32, #tpu.memory_space<vmem>> -> memref<1x26x64xf32, #tpu.memory_space<vmem>>
      %dma_wait3A_756 = tpu.memref_squeeze %dma_wait3A_755 : memref<1x26x64xf32, #tpu.memory_space<vmem>> -> memref<26x64xf32, #tpu.memory_space<vmem>>
      %dma_wait3A_757 = arith.constant 0 : i32
      %dma_wait3A_758 = tpu.memref_slice %arg5[%dma_wait3A_751, %dma_wait3A_757] : memref<512x26xi32, #tpu.memory_space<vmem>> -> memref<1x26xi32, #tpu.memory_space<vmem>>
      %dma_wait3A_759 = tpu.memref_squeeze %dma_wait3A_758 : memref<1x26xi32, #tpu.memory_space<vmem>> -> memref<26xi32, #tpu.memory_space<vmem>>
      %dma_wait3A_760 = arith.constant 0 : i32
      %dma_wait3A_761 = arith.constant 0 : i32
      %dma_wait3A_762 = tpu.memref_slice %arg2[%dma_wait3A_760, %dma_wait3A_761] : memref<1000000x64xf32, #tpu.memory_space<hbm>> -> memref<1000000x64xf32, #tpu.memory_space<hbm>>
      tpu.wait_indirect_dma semaphore(%arg8 : memref<!tpu.dma_semaphore, #tpu.memory_space<semaphore_mem>>) src(%dma_wait3A_762 : memref<1000000x64xf32, #tpu.memory_space<hbm>>) dst(%dma_wait3A_756 : memref<26x64xf32, #tpu.memory_space<vmem>>)
      %dma_wait3A_763 = arith.constant 0 : i32
      %dma_wait3A_764 = arith.constant 29 : i32
      %dma_wait3A_765 = arith.constant 0 : i32
      %dma_wait3A_766 = arith.constant 0 : i32
      %dma_wait3A_767 = tpu.memref_slice %arg6[%dma_wait3A_764, %dma_wait3A_765, %dma_wait3A_766] : memref<32x26x64xf32, #tpu.memory_space<vmem>> -> memref<1x26x64xf32, #tpu.memory_space<vmem>>
      %dma_wait3A_768 = tpu.memref_squeeze %dma_wait3A_767 : memref<1x26x64xf32, #tpu.memory_space<vmem>> -> memref<26x64xf32, #tpu.memory_space<vmem>>
      %dma_wait3A_769 = arith.constant 0 : i32
      %dma_wait3A_770 = tpu.memref_slice %arg5[%dma_wait3A_763, %dma_wait3A_769] : memref<512x26xi32, #tpu.memory_space<vmem>> -> memref<1x26xi32, #tpu.memory_space<vmem>>
      %dma_wait3A_771 = tpu.memref_squeeze %dma_wait3A_770 : memref<1x26xi32, #tpu.memory_space<vmem>> -> memref<26xi32, #tpu.memory_space<vmem>>
      %dma_wait3A_772 = arith.constant 0 : i32
      %dma_wait3A_773 = arith.constant 0 : i32
      %dma_wait3A_774 = tpu.memref_slice %arg2[%dma_wait3A_772, %dma_wait3A_773] : memref<1000000x64xf32, #tpu.memory_space<hbm>> -> memref<1000000x64xf32, #tpu.memory_space<hbm>>
      tpu.wait_indirect_dma semaphore(%arg8 : memref<!tpu.dma_semaphore, #tpu.memory_space<semaphore_mem>>) src(%dma_wait3A_774 : memref<1000000x64xf32, #tpu.memory_space<hbm>>) dst(%dma_wait3A_768 : memref<26x64xf32, #tpu.memory_space<vmem>>)
      %dma_wait3A_775 = arith.constant 0 : i32
      %dma_wait3A_776 = arith.constant 30 : i32
      %dma_wait3A_777 = arith.constant 0 : i32
      %dma_wait3A_778 = arith.constant 0 : i32
      %dma_wait3A_779 = tpu.memref_slice %arg6[%dma_wait3A_776, %dma_wait3A_777, %dma_wait3A_778] : memref<32x26x64xf32, #tpu.memory_space<vmem>> -> memref<1x26x64xf32, #tpu.memory_space<vmem>>
      %dma_wait3A_780 = tpu.memref_squeeze %dma_wait3A_779 : memref<1x26x64xf32, #tpu.memory_space<vmem>> -> memref<26x64xf32, #tpu.memory_space<vmem>>
      %dma_wait3A_781 = arith.constant 0 : i32
      %dma_wait3A_782 = tpu.memref_slice %arg5[%dma_wait3A_775, %dma_wait3A_781] : memref<512x26xi32, #tpu.memory_space<vmem>> -> memref<1x26xi32, #tpu.memory_space<vmem>>
      %dma_wait3A_783 = tpu.memref_squeeze %dma_wait3A_782 : memref<1x26xi32, #tpu.memory_space<vmem>> -> memref<26xi32, #tpu.memory_space<vmem>>
      %dma_wait3A_784 = arith.constant 0 : i32
      %dma_wait3A_785 = arith.constant 0 : i32
      %dma_wait3A_786 = tpu.memref_slice %arg2[%dma_wait3A_784, %dma_wait3A_785] : memref<1000000x64xf32, #tpu.memory_space<hbm>> -> memref<1000000x64xf32, #tpu.memory_space<hbm>>
      tpu.wait_indirect_dma semaphore(%arg8 : memref<!tpu.dma_semaphore, #tpu.memory_space<semaphore_mem>>) src(%dma_wait3A_786 : memref<1000000x64xf32, #tpu.memory_space<hbm>>) dst(%dma_wait3A_780 : memref<26x64xf32, #tpu.memory_space<vmem>>)
      %dma_wait3A_787 = arith.constant 0 : i32
      %dma_wait3A_788 = arith.constant 31 : i32
      %dma_wait3A_789 = arith.constant 0 : i32
      %dma_wait3A_790 = arith.constant 0 : i32
      %dma_wait3A_791 = tpu.memref_slice %arg6[%dma_wait3A_788, %dma_wait3A_789, %dma_wait3A_790] : memref<32x26x64xf32, #tpu.memory_space<vmem>> -> memref<1x26x64xf32, #tpu.memory_space<vmem>>
      %dma_wait3A_792 = tpu.memref_squeeze %dma_wait3A_791 : memref<1x26x64xf32, #tpu.memory_space<vmem>> -> memref<26x64xf32, #tpu.memory_space<vmem>>
      %dma_wait3A_793 = arith.constant 0 : i32
      %dma_wait3A_794 = tpu.memref_slice %arg5[%dma_wait3A_787, %dma_wait3A_793] : memref<512x26xi32, #tpu.memory_space<vmem>> -> memref<1x26xi32, #tpu.memory_space<vmem>>
      %dma_wait3A_795 = tpu.memref_squeeze %dma_wait3A_794 : memref<1x26xi32, #tpu.memory_space<vmem>> -> memref<26xi32, #tpu.memory_space<vmem>>
      %dma_wait3A_796 = arith.constant 0 : i32
      %dma_wait3A_797 = arith.constant 0 : i32
      %dma_wait3A_798 = tpu.memref_slice %arg2[%dma_wait3A_796, %dma_wait3A_797] : memref<1000000x64xf32, #tpu.memory_space<hbm>> -> memref<1000000x64xf32, #tpu.memory_space<hbm>>
      tpu.wait_indirect_dma semaphore(%arg8 : memref<!tpu.dma_semaphore, #tpu.memory_space<semaphore_mem>>) src(%dma_wait3A_798 : memref<1000000x64xf32, #tpu.memory_space<hbm>>) dst(%dma_wait3A_792 : memref<26x64xf32, #tpu.memory_space<vmem>>)
      %mul3A_799 = arith.constant 32 : i32
      %mul3A_800 = arith.muli %add3A_410, %mul3A_799 : i32
      %add3A_801 = arith.addi %mul3A_2, %mul3A_800 : i32
      %dma_start3A_802 = arith.constant 0 : i32
      %dma_start3A_803 = arith.constant 0 : i32
      %dma_start3A_804 = tpu.memref_slice %arg4[%add3A_801, %dma_start3A_802, %dma_start3A_803] : memref<16384x26x64xf32, #tpu.memory_space<hbm>> -> memref<32x26x64xf32, #tpu.memory_space<hbm>>
      %dma_start3A_805 = arith.constant 0 : i32
      %dma_start3A_806 = arith.constant 0 : i32
      %dma_start3A_807 = tpu.memref_slice %arg4[%add3A_801, %dma_start3A_805, %dma_start3A_806] : memref<16384x26x64xf32, #tpu.memory_space<hbm>> -> memref<32x26x64xf32, #tpu.memory_space<hbm>>
      tpu.enqueue_dma source(%arg6 : memref<32x26x64xf32, #tpu.memory_space<vmem>>) target(%dma_start3A_807 : memref<32x26x64xf32, #tpu.memory_space<hbm>>) target_semaphore(%arg10 : memref<!tpu.dma_semaphore, #tpu.memory_space<semaphore_mem>>)
      %mul3A_808 = arith.constant 2 : i32
      %mul3A_809 = arith.muli %scan3A_406, %mul3A_808 : i32
      %add3A_810 = arith.constant 1 : i32
      %add3A_811 = arith.addi %mul3A_809, %add3A_810 : i32
      %add3A_812 = arith.constant 1 : i32
      %add3A_813 = arith.addi %add3A_811, %add3A_812 : i32
      %lt3A_814 = arith.constant 16 : i32
      %lt3A_815 = arith.cmpi slt, %add3A_813, %lt3A_814 : i32
      %convert_element_type3A_816 = arith.extui %lt3A_815 : i1 to i32
      %cond3A_817 = arith.constant 0 : i32
      %cond3A_818 = arith.cmpi ne, %convert_element_type3A_816, %cond3A_817 : i32
      scf.if %cond3A_818 {
        %ge3A = arith.constant 1 : i32
        %ge3A_1212 = arith.cmpi sge, %add3A_811, %ge3A : i32
        %convert_element_type3A_1213 = arith.extui %ge3A_1212 : i1 to i32
        %cond3A_1214 = arith.constant 0 : i32
        %cond3A_1215 = arith.cmpi ne, %convert_element_type3A_1213, %cond3A_1214 : i32
        scf.if %cond3A_1215 {
          %add3A_1698 = arith.constant 0 : i32
          %add3A_1699 = arith.addi %mul3A_2, %add3A_1698 : i32
          %dma_wait3A_1700 = arith.constant 0 : i32
          %dma_wait3A_1701 = arith.constant 0 : i32
          %dma_wait3A_1702 = tpu.memref_slice %arg4[%add3A_1699, %dma_wait3A_1700, %dma_wait3A_1701] : memref<16384x26x64xf32, #tpu.memory_space<hbm>> -> memref<32x26x64xf32, #tpu.memory_space<hbm>>
          %dma_wait3A_1703 = arith.constant 0 : i32
          %dma_wait3A_1704 = arith.constant 0 : i32
          %dma_wait3A_1705 = tpu.memref_slice %arg4[%add3A_1699, %dma_wait3A_1703, %dma_wait3A_1704] : memref<16384x26x64xf32, #tpu.memory_space<hbm>> -> memref<32x26x64xf32, #tpu.memory_space<hbm>>
          tpu.wait_dma2 semaphore(%arg10 : memref<!tpu.dma_semaphore, #tpu.memory_space<semaphore_mem>>) src(%arg6 : memref<32x26x64xf32, #tpu.memory_space<vmem>>) dst(%dma_wait3A_1705 : memref<32x26x64xf32, #tpu.memory_space<hbm>>)
        } else {
        }
        %add3A_1216 = arith.constant 1 : i32
        %add3A_1217 = arith.addi %add3A_811, %add3A_1216 : i32
        %mul3A_1218 = arith.constant 32 : i32
        %mul3A_1219 = arith.muli %add3A_1217, %mul3A_1218 : i32
        %add3A_1220 = arith.constant 0 : i32
        %add3A_1221 = arith.addi %mul3A_1219, %add3A_1220 : i32
        %dma_start3A_1222 = arith.constant 0 : i32
        %dma_start3A_1223 = arith.constant 0 : i32
        %dma_start3A_1224 = arith.constant 0 : i32
        %dma_start3A_1225 = tpu.memref_slice %arg6[%dma_start3A_1222, %dma_start3A_1223, %dma_start3A_1224] : memref<32x26x64xf32, #tpu.memory_space<vmem>> -> memref<1x26x64xf32, #tpu.memory_space<vmem>>
        %dma_start3A_1226 = tpu.memref_squeeze %dma_start3A_1225 : memref<1x26x64xf32, #tpu.memory_space<vmem>> -> memref<26x64xf32, #tpu.memory_space<vmem>>
        %dma_start3A_1227 = arith.constant 0 : i32
        %dma_start3A_1228 = tpu.memref_slice %arg5[%add3A_1221, %dma_start3A_1227] : memref<512x26xi32, #tpu.memory_space<vmem>> -> memref<1x26xi32, #tpu.memory_space<vmem>>
        %dma_start3A_1229 = tpu.memref_squeeze %dma_start3A_1228 : memref<1x26xi32, #tpu.memory_space<vmem>> -> memref<26xi32, #tpu.memory_space<vmem>>
        %dma_start3A_1230 = arith.constant 0 : i32
        %dma_start3A_1231 = arith.constant 0 : i32
        %dma_start3A_1232 = tpu.memref_slice %arg2[%dma_start3A_1230, %dma_start3A_1231] : memref<1000000x64xf32, #tpu.memory_space<hbm>> -> memref<1000000x64xf32, #tpu.memory_space<hbm>>
        tpu.enqueue_indirect_dma source(%dma_start3A_1232 : memref<1000000x64xf32, #tpu.memory_space<hbm>>) target(%dma_start3A_1226 : memref<26x64xf32, #tpu.memory_space<vmem>>) offsets(%dma_start3A_1229 : memref<26xi32, #tpu.memory_space<vmem>>) semaphore(%arg8 : memref<!tpu.dma_semaphore, #tpu.memory_space<semaphore_mem>>)
        %mul3A_1233 = arith.constant 32 : i32
        %mul3A_1234 = arith.muli %add3A_1217, %mul3A_1233 : i32
        %add3A_1235 = arith.constant 1 : i32
        %add3A_1236 = arith.addi %mul3A_1234, %add3A_1235 : i32
        %dma_start3A_1237 = arith.constant 1 : i32
        %dma_start3A_1238 = arith.constant 0 : i32
        %dma_start3A_1239 = arith.constant 0 : i32
        %dma_start3A_1240 = tpu.memref_slice %arg6[%dma_start3A_1237, %dma_start3A_1238, %dma_start3A_1239] : memref<32x26x64xf32, #tpu.memory_space<vmem>> -> memref<1x26x64xf32, #tpu.memory_space<vmem>>
        %dma_start3A_1241 = tpu.memref_squeeze %dma_start3A_1240 : memref<1x26x64xf32, #tpu.memory_space<vmem>> -> memref<26x64xf32, #tpu.memory_space<vmem>>
        %dma_start3A_1242 = arith.constant 0 : i32
        %dma_start3A_1243 = tpu.memref_slice %arg5[%add3A_1236, %dma_start3A_1242] : memref<512x26xi32, #tpu.memory_space<vmem>> -> memref<1x26xi32, #tpu.memory_space<vmem>>
        %dma_start3A_1244 = tpu.memref_squeeze %dma_start3A_1243 : memref<1x26xi32, #tpu.memory_space<vmem>> -> memref<26xi32, #tpu.memory_space<vmem>>
        %dma_start3A_1245 = arith.constant 0 : i32
        %dma_start3A_1246 = arith.constant 0 : i32
        %dma_start3A_1247 = tpu.memref_slice %arg2[%dma_start3A_1245, %dma_start3A_1246] : memref<1000000x64xf32, #tpu.memory_space<hbm>> -> memref<1000000x64xf32, #tpu.memory_space<hbm>>
        tpu.enqueue_indirect_dma source(%dma_start3A_1247 : memref<1000000x64xf32, #tpu.memory_space<hbm>>) target(%dma_start3A_1241 : memref<26x64xf32, #tpu.memory_space<vmem>>) offsets(%dma_start3A_1244 : memref<26xi32, #tpu.memory_space<vmem>>) semaphore(%arg8 : memref<!tpu.dma_semaphore, #tpu.memory_space<semaphore_mem>>)
        %mul3A_1248 = arith.constant 32 : i32
        %mul3A_1249 = arith.muli %add3A_1217, %mul3A_1248 : i32
        %add3A_1250 = arith.constant 2 : i32
        %add3A_1251 = arith.addi %mul3A_1249, %add3A_1250 : i32
        %dma_start3A_1252 = arith.constant 2 : i32
        %dma_start3A_1253 = arith.constant 0 : i32
        %dma_start3A_1254 = arith.constant 0 : i32
        %dma_start3A_1255 = tpu.memref_slice %arg6[%dma_start3A_1252, %dma_start3A_1253, %dma_start3A_1254] : memref<32x26x64xf32, #tpu.memory_space<vmem>> -> memref<1x26x64xf32, #tpu.memory_space<vmem>>
        %dma_start3A_1256 = tpu.memref_squeeze %dma_start3A_1255 : memref<1x26x64xf32, #tpu.memory_space<vmem>> -> memref<26x64xf32, #tpu.memory_space<vmem>>
        %dma_start3A_1257 = arith.constant 0 : i32
        %dma_start3A_1258 = tpu.memref_slice %arg5[%add3A_1251, %dma_start3A_1257] : memref<512x26xi32, #tpu.memory_space<vmem>> -> memref<1x26xi32, #tpu.memory_space<vmem>>
        %dma_start3A_1259 = tpu.memref_squeeze %dma_start3A_1258 : memref<1x26xi32, #tpu.memory_space<vmem>> -> memref<26xi32, #tpu.memory_space<vmem>>
        %dma_start3A_1260 = arith.constant 0 : i32
        %dma_start3A_1261 = arith.constant 0 : i32
        %dma_start3A_1262 = tpu.memref_slice %arg2[%dma_start3A_1260, %dma_start3A_1261] : memref<1000000x64xf32, #tpu.memory_space<hbm>> -> memref<1000000x64xf32, #tpu.memory_space<hbm>>
        tpu.enqueue_indirect_dma source(%dma_start3A_1262 : memref<1000000x64xf32, #tpu.memory_space<hbm>>) target(%dma_start3A_1256 : memref<26x64xf32, #tpu.memory_space<vmem>>) offsets(%dma_start3A_1259 : memref<26xi32, #tpu.memory_space<vmem>>) semaphore(%arg8 : memref<!tpu.dma_semaphore, #tpu.memory_space<semaphore_mem>>)
        %mul3A_1263 = arith.constant 32 : i32
        %mul3A_1264 = arith.muli %add3A_1217, %mul3A_1263 : i32
        %add3A_1265 = arith.constant 3 : i32
        %add3A_1266 = arith.addi %mul3A_1264, %add3A_1265 : i32
        %dma_start3A_1267 = arith.constant 3 : i32
        %dma_start3A_1268 = arith.constant 0 : i32
        %dma_start3A_1269 = arith.constant 0 : i32
        %dma_start3A_1270 = tpu.memref_slice %arg6[%dma_start3A_1267, %dma_start3A_1268, %dma_start3A_1269] : memref<32x26x64xf32, #tpu.memory_space<vmem>> -> memref<1x26x64xf32, #tpu.memory_space<vmem>>
        %dma_start3A_1271 = tpu.memref_squeeze %dma_start3A_1270 : memref<1x26x64xf32, #tpu.memory_space<vmem>> -> memref<26x64xf32, #tpu.memory_space<vmem>>
        %dma_start3A_1272 = arith.constant 0 : i32
        %dma_start3A_1273 = tpu.memref_slice %arg5[%add3A_1266, %dma_start3A_1272] : memref<512x26xi32, #tpu.memory_space<vmem>> -> memref<1x26xi32, #tpu.memory_space<vmem>>
        %dma_start3A_1274 = tpu.memref_squeeze %dma_start3A_1273 : memref<1x26xi32, #tpu.memory_space<vmem>> -> memref<26xi32, #tpu.memory_space<vmem>>
        %dma_start3A_1275 = arith.constant 0 : i32
        %dma_start3A_1276 = arith.constant 0 : i32
        %dma_start3A_1277 = tpu.memref_slice %arg2[%dma_start3A_1275, %dma_start3A_1276] : memref<1000000x64xf32, #tpu.memory_space<hbm>> -> memref<1000000x64xf32, #tpu.memory_space<hbm>>
        tpu.enqueue_indirect_dma source(%dma_start3A_1277 : memref<1000000x64xf32, #tpu.memory_space<hbm>>) target(%dma_start3A_1271 : memref<26x64xf32, #tpu.memory_space<vmem>>) offsets(%dma_start3A_1274 : memref<26xi32, #tpu.memory_space<vmem>>) semaphore(%arg8 : memref<!tpu.dma_semaphore, #tpu.memory_space<semaphore_mem>>)
        %mul3A_1278 = arith.constant 32 : i32
        %mul3A_1279 = arith.muli %add3A_1217, %mul3A_1278 : i32
        %add3A_1280 = arith.constant 4 : i32
        %add3A_1281 = arith.addi %mul3A_1279, %add3A_1280 : i32
        %dma_start3A_1282 = arith.constant 4 : i32
        %dma_start3A_1283 = arith.constant 0 : i32
        %dma_start3A_1284 = arith.constant 0 : i32
        %dma_start3A_1285 = tpu.memref_slice %arg6[%dma_start3A_1282, %dma_start3A_1283, %dma_start3A_1284] : memref<32x26x64xf32, #tpu.memory_space<vmem>> -> memref<1x26x64xf32, #tpu.memory_space<vmem>>
        %dma_start3A_1286 = tpu.memref_squeeze %dma_start3A_1285 : memref<1x26x64xf32, #tpu.memory_space<vmem>> -> memref<26x64xf32, #tpu.memory_space<vmem>>
        %dma_start3A_1287 = arith.constant 0 : i32
        %dma_start3A_1288 = tpu.memref_slice %arg5[%add3A_1281, %dma_start3A_1287] : memref<512x26xi32, #tpu.memory_space<vmem>> -> memref<1x26xi32, #tpu.memory_space<vmem>>
        %dma_start3A_1289 = tpu.memref_squeeze %dma_start3A_1288 : memref<1x26xi32, #tpu.memory_space<vmem>> -> memref<26xi32, #tpu.memory_space<vmem>>
        %dma_start3A_1290 = arith.constant 0 : i32
        %dma_start3A_1291 = arith.constant 0 : i32
        %dma_start3A_1292 = tpu.memref_slice %arg2[%dma_start3A_1290, %dma_start3A_1291] : memref<1000000x64xf32, #tpu.memory_space<hbm>> -> memref<1000000x64xf32, #tpu.memory_space<hbm>>
        tpu.enqueue_indirect_dma source(%dma_start3A_1292 : memref<1000000x64xf32, #tpu.memory_space<hbm>>) target(%dma_start3A_1286 : memref<26x64xf32, #tpu.memory_space<vmem>>) offsets(%dma_start3A_1289 : memref<26xi32, #tpu.memory_space<vmem>>) semaphore(%arg8 : memref<!tpu.dma_semaphore, #tpu.memory_space<semaphore_mem>>)
        %mul3A_1293 = arith.constant 32 : i32
        %mul3A_1294 = arith.muli %add3A_1217, %mul3A_1293 : i32
        %add3A_1295 = arith.constant 5 : i32
        %add3A_1296 = arith.addi %mul3A_1294, %add3A_1295 : i32
        %dma_start3A_1297 = arith.constant 5 : i32
        %dma_start3A_1298 = arith.constant 0 : i32
        %dma_start3A_1299 = arith.constant 0 : i32
        %dma_start3A_1300 = tpu.memref_slice %arg6[%dma_start3A_1297, %dma_start3A_1298, %dma_start3A_1299] : memref<32x26x64xf32, #tpu.memory_space<vmem>> -> memref<1x26x64xf32, #tpu.memory_space<vmem>>
        %dma_start3A_1301 = tpu.memref_squeeze %dma_start3A_1300 : memref<1x26x64xf32, #tpu.memory_space<vmem>> -> memref<26x64xf32, #tpu.memory_space<vmem>>
        %dma_start3A_1302 = arith.constant 0 : i32
        %dma_start3A_1303 = tpu.memref_slice %arg5[%add3A_1296, %dma_start3A_1302] : memref<512x26xi32, #tpu.memory_space<vmem>> -> memref<1x26xi32, #tpu.memory_space<vmem>>
        %dma_start3A_1304 = tpu.memref_squeeze %dma_start3A_1303 : memref<1x26xi32, #tpu.memory_space<vmem>> -> memref<26xi32, #tpu.memory_space<vmem>>
        %dma_start3A_1305 = arith.constant 0 : i32
        %dma_start3A_1306 = arith.constant 0 : i32
        %dma_start3A_1307 = tpu.memref_slice %arg2[%dma_start3A_1305, %dma_start3A_1306] : memref<1000000x64xf32, #tpu.memory_space<hbm>> -> memref<1000000x64xf32, #tpu.memory_space<hbm>>
        tpu.enqueue_indirect_dma source(%dma_start3A_1307 : memref<1000000x64xf32, #tpu.memory_space<hbm>>) target(%dma_start3A_1301 : memref<26x64xf32, #tpu.memory_space<vmem>>) offsets(%dma_start3A_1304 : memref<26xi32, #tpu.memory_space<vmem>>) semaphore(%arg8 : memref<!tpu.dma_semaphore, #tpu.memory_space<semaphore_mem>>)
        %mul3A_1308 = arith.constant 32 : i32
        %mul3A_1309 = arith.muli %add3A_1217, %mul3A_1308 : i32
        %add3A_1310 = arith.constant 6 : i32
        %add3A_1311 = arith.addi %mul3A_1309, %add3A_1310 : i32
        %dma_start3A_1312 = arith.constant 6 : i32
        %dma_start3A_1313 = arith.constant 0 : i32
        %dma_start3A_1314 = arith.constant 0 : i32
        %dma_start3A_1315 = tpu.memref_slice %arg6[%dma_start3A_1312, %dma_start3A_1313, %dma_start3A_1314] : memref<32x26x64xf32, #tpu.memory_space<vmem>> -> memref<1x26x64xf32, #tpu.memory_space<vmem>>
        %dma_start3A_1316 = tpu.memref_squeeze %dma_start3A_1315 : memref<1x26x64xf32, #tpu.memory_space<vmem>> -> memref<26x64xf32, #tpu.memory_space<vmem>>
        %dma_start3A_1317 = arith.constant 0 : i32
        %dma_start3A_1318 = tpu.memref_slice %arg5[%add3A_1311, %dma_start3A_1317] : memref<512x26xi32, #tpu.memory_space<vmem>> -> memref<1x26xi32, #tpu.memory_space<vmem>>
        %dma_start3A_1319 = tpu.memref_squeeze %dma_start3A_1318 : memref<1x26xi32, #tpu.memory_space<vmem>> -> memref<26xi32, #tpu.memory_space<vmem>>
        %dma_start3A_1320 = arith.constant 0 : i32
        %dma_start3A_1321 = arith.constant 0 : i32
        %dma_start3A_1322 = tpu.memref_slice %arg2[%dma_start3A_1320, %dma_start3A_1321] : memref<1000000x64xf32, #tpu.memory_space<hbm>> -> memref<1000000x64xf32, #tpu.memory_space<hbm>>
        tpu.enqueue_indirect_dma source(%dma_start3A_1322 : memref<1000000x64xf32, #tpu.memory_space<hbm>>) target(%dma_start3A_1316 : memref<26x64xf32, #tpu.memory_space<vmem>>) offsets(%dma_start3A_1319 : memref<26xi32, #tpu.memory_space<vmem>>) semaphore(%arg8 : memref<!tpu.dma_semaphore, #tpu.memory_space<semaphore_mem>>)
        %mul3A_1323 = arith.constant 32 : i32
        %mul3A_1324 = arith.muli %add3A_1217, %mul3A_1323 : i32
        %add3A_1325 = arith.constant 7 : i32
        %add3A_1326 = arith.addi %mul3A_1324, %add3A_1325 : i32
        %dma_start3A_1327 = arith.constant 7 : i32
        %dma_start3A_1328 = arith.constant 0 : i32
        %dma_start3A_1329 = arith.constant 0 : i32
        %dma_start3A_1330 = tpu.memref_slice %arg6[%dma_start3A_1327, %dma_start3A_1328, %dma_start3A_1329] : memref<32x26x64xf32, #tpu.memory_space<vmem>> -> memref<1x26x64xf32, #tpu.memory_space<vmem>>
        %dma_start3A_1331 = tpu.memref_squeeze %dma_start3A_1330 : memref<1x26x64xf32, #tpu.memory_space<vmem>> -> memref<26x64xf32, #tpu.memory_space<vmem>>
        %dma_start3A_1332 = arith.constant 0 : i32
        %dma_start3A_1333 = tpu.memref_slice %arg5[%add3A_1326, %dma_start3A_1332] : memref<512x26xi32, #tpu.memory_space<vmem>> -> memref<1x26xi32, #tpu.memory_space<vmem>>
        %dma_start3A_1334 = tpu.memref_squeeze %dma_start3A_1333 : memref<1x26xi32, #tpu.memory_space<vmem>> -> memref<26xi32, #tpu.memory_space<vmem>>
        %dma_start3A_1335 = arith.constant 0 : i32
        %dma_start3A_1336 = arith.constant 0 : i32
        %dma_start3A_1337 = tpu.memref_slice %arg2[%dma_start3A_1335, %dma_start3A_1336] : memref<1000000x64xf32, #tpu.memory_space<hbm>> -> memref<1000000x64xf32, #tpu.memory_space<hbm>>
        tpu.enqueue_indirect_dma source(%dma_start3A_1337 : memref<1000000x64xf32, #tpu.memory_space<hbm>>) target(%dma_start3A_1331 : memref<26x64xf32, #tpu.memory_space<vmem>>) offsets(%dma_start3A_1334 : memref<26xi32, #tpu.memory_space<vmem>>) semaphore(%arg8 : memref<!tpu.dma_semaphore, #tpu.memory_space<semaphore_mem>>)
        %mul3A_1338 = arith.constant 32 : i32
        %mul3A_1339 = arith.muli %add3A_1217, %mul3A_1338 : i32
        %add3A_1340 = arith.constant 8 : i32
        %add3A_1341 = arith.addi %mul3A_1339, %add3A_1340 : i32
        %dma_start3A_1342 = arith.constant 8 : i32
        %dma_start3A_1343 = arith.constant 0 : i32
        %dma_start3A_1344 = arith.constant 0 : i32
        %dma_start3A_1345 = tpu.memref_slice %arg6[%dma_start3A_1342, %dma_start3A_1343, %dma_start3A_1344] : memref<32x26x64xf32, #tpu.memory_space<vmem>> -> memref<1x26x64xf32, #tpu.memory_space<vmem>>
        %dma_start3A_1346 = tpu.memref_squeeze %dma_start3A_1345 : memref<1x26x64xf32, #tpu.memory_space<vmem>> -> memref<26x64xf32, #tpu.memory_space<vmem>>
        %dma_start3A_1347 = arith.constant 0 : i32
        %dma_start3A_1348 = tpu.memref_slice %arg5[%add3A_1341, %dma_start3A_1347] : memref<512x26xi32, #tpu.memory_space<vmem>> -> memref<1x26xi32, #tpu.memory_space<vmem>>
        %dma_start3A_1349 = tpu.memref_squeeze %dma_start3A_1348 : memref<1x26xi32, #tpu.memory_space<vmem>> -> memref<26xi32, #tpu.memory_space<vmem>>
        %dma_start3A_1350 = arith.constant 0 : i32
        %dma_start3A_1351 = arith.constant 0 : i32
        %dma_start3A_1352 = tpu.memref_slice %arg2[%dma_start3A_1350, %dma_start3A_1351] : memref<1000000x64xf32, #tpu.memory_space<hbm>> -> memref<1000000x64xf32, #tpu.memory_space<hbm>>
        tpu.enqueue_indirect_dma source(%dma_start3A_1352 : memref<1000000x64xf32, #tpu.memory_space<hbm>>) target(%dma_start3A_1346 : memref<26x64xf32, #tpu.memory_space<vmem>>) offsets(%dma_start3A_1349 : memref<26xi32, #tpu.memory_space<vmem>>) semaphore(%arg8 : memref<!tpu.dma_semaphore, #tpu.memory_space<semaphore_mem>>)
        %mul3A_1353 = arith.constant 32 : i32
        %mul3A_1354 = arith.muli %add3A_1217, %mul3A_1353 : i32
        %add3A_1355 = arith.constant 9 : i32
        %add3A_1356 = arith.addi %mul3A_1354, %add3A_1355 : i32
        %dma_start3A_1357 = arith.constant 9 : i32
        %dma_start3A_1358 = arith.constant 0 : i32
        %dma_start3A_1359 = arith.constant 0 : i32
        %dma_start3A_1360 = tpu.memref_slice %arg6[%dma_start3A_1357, %dma_start3A_1358, %dma_start3A_1359] : memref<32x26x64xf32, #tpu.memory_space<vmem>> -> memref<1x26x64xf32, #tpu.memory_space<vmem>>
        %dma_start3A_1361 = tpu.memref_squeeze %dma_start3A_1360 : memref<1x26x64xf32, #tpu.memory_space<vmem>> -> memref<26x64xf32, #tpu.memory_space<vmem>>
        %dma_start3A_1362 = arith.constant 0 : i32
        %dma_start3A_1363 = tpu.memref_slice %arg5[%add3A_1356, %dma_start3A_1362] : memref<512x26xi32, #tpu.memory_space<vmem>> -> memref<1x26xi32, #tpu.memory_space<vmem>>
        %dma_start3A_1364 = tpu.memref_squeeze %dma_start3A_1363 : memref<1x26xi32, #tpu.memory_space<vmem>> -> memref<26xi32, #tpu.memory_space<vmem>>
        %dma_start3A_1365 = arith.constant 0 : i32
        %dma_start3A_1366 = arith.constant 0 : i32
        %dma_start3A_1367 = tpu.memref_slice %arg2[%dma_start3A_1365, %dma_start3A_1366] : memref<1000000x64xf32, #tpu.memory_space<hbm>> -> memref<1000000x64xf32, #tpu.memory_space<hbm>>
        tpu.enqueue_indirect_dma source(%dma_start3A_1367 : memref<1000000x64xf32, #tpu.memory_space<hbm>>) target(%dma_start3A_1361 : memref<26x64xf32, #tpu.memory_space<vmem>>) offsets(%dma_start3A_1364 : memref<26xi32, #tpu.memory_space<vmem>>) semaphore(%arg8 : memref<!tpu.dma_semaphore, #tpu.memory_space<semaphore_mem>>)
        %mul3A_1368 = arith.constant 32 : i32
        %mul3A_1369 = arith.muli %add3A_1217, %mul3A_1368 : i32
        %add3A_1370 = arith.constant 10 : i32
        %add3A_1371 = arith.addi %mul3A_1369, %add3A_1370 : i32
        %dma_start3A_1372 = arith.constant 10 : i32
        %dma_start3A_1373 = arith.constant 0 : i32
        %dma_start3A_1374 = arith.constant 0 : i32
        %dma_start3A_1375 = tpu.memref_slice %arg6[%dma_start3A_1372, %dma_start3A_1373, %dma_start3A_1374] : memref<32x26x64xf32, #tpu.memory_space<vmem>> -> memref<1x26x64xf32, #tpu.memory_space<vmem>>
        %dma_start3A_1376 = tpu.memref_squeeze %dma_start3A_1375 : memref<1x26x64xf32, #tpu.memory_space<vmem>> -> memref<26x64xf32, #tpu.memory_space<vmem>>
        %dma_start3A_1377 = arith.constant 0 : i32
        %dma_start3A_1378 = tpu.memref_slice %arg5[%add3A_1371, %dma_start3A_1377] : memref<512x26xi32, #tpu.memory_space<vmem>> -> memref<1x26xi32, #tpu.memory_space<vmem>>
        %dma_start3A_1379 = tpu.memref_squeeze %dma_start3A_1378 : memref<1x26xi32, #tpu.memory_space<vmem>> -> memref<26xi32, #tpu.memory_space<vmem>>
        %dma_start3A_1380 = arith.constant 0 : i32
        %dma_start3A_1381 = arith.constant 0 : i32
        %dma_start3A_1382 = tpu.memref_slice %arg2[%dma_start3A_1380, %dma_start3A_1381] : memref<1000000x64xf32, #tpu.memory_space<hbm>> -> memref<1000000x64xf32, #tpu.memory_space<hbm>>
        tpu.enqueue_indirect_dma source(%dma_start3A_1382 : memref<1000000x64xf32, #tpu.memory_space<hbm>>) target(%dma_start3A_1376 : memref<26x64xf32, #tpu.memory_space<vmem>>) offsets(%dma_start3A_1379 : memref<26xi32, #tpu.memory_space<vmem>>) semaphore(%arg8 : memref<!tpu.dma_semaphore, #tpu.memory_space<semaphore_mem>>)
        %mul3A_1383 = arith.constant 32 : i32
        %mul3A_1384 = arith.muli %add3A_1217, %mul3A_1383 : i32
        %add3A_1385 = arith.constant 11 : i32
        %add3A_1386 = arith.addi %mul3A_1384, %add3A_1385 : i32
        %dma_start3A_1387 = arith.constant 11 : i32
        %dma_start3A_1388 = arith.constant 0 : i32
        %dma_start3A_1389 = arith.constant 0 : i32
        %dma_start3A_1390 = tpu.memref_slice %arg6[%dma_start3A_1387, %dma_start3A_1388, %dma_start3A_1389] : memref<32x26x64xf32, #tpu.memory_space<vmem>> -> memref<1x26x64xf32, #tpu.memory_space<vmem>>
        %dma_start3A_1391 = tpu.memref_squeeze %dma_start3A_1390 : memref<1x26x64xf32, #tpu.memory_space<vmem>> -> memref<26x64xf32, #tpu.memory_space<vmem>>
        %dma_start3A_1392 = arith.constant 0 : i32
        %dma_start3A_1393 = tpu.memref_slice %arg5[%add3A_1386, %dma_start3A_1392] : memref<512x26xi32, #tpu.memory_space<vmem>> -> memref<1x26xi32, #tpu.memory_space<vmem>>
        %dma_start3A_1394 = tpu.memref_squeeze %dma_start3A_1393 : memref<1x26xi32, #tpu.memory_space<vmem>> -> memref<26xi32, #tpu.memory_space<vmem>>
        %dma_start3A_1395 = arith.constant 0 : i32
        %dma_start3A_1396 = arith.constant 0 : i32
        %dma_start3A_1397 = tpu.memref_slice %arg2[%dma_start3A_1395, %dma_start3A_1396] : memref<1000000x64xf32, #tpu.memory_space<hbm>> -> memref<1000000x64xf32, #tpu.memory_space<hbm>>
        tpu.enqueue_indirect_dma source(%dma_start3A_1397 : memref<1000000x64xf32, #tpu.memory_space<hbm>>) target(%dma_start3A_1391 : memref<26x64xf32, #tpu.memory_space<vmem>>) offsets(%dma_start3A_1394 : memref<26xi32, #tpu.memory_space<vmem>>) semaphore(%arg8 : memref<!tpu.dma_semaphore, #tpu.memory_space<semaphore_mem>>)
        %mul3A_1398 = arith.constant 32 : i32
        %mul3A_1399 = arith.muli %add3A_1217, %mul3A_1398 : i32
        %add3A_1400 = arith.constant 12 : i32
        %add3A_1401 = arith.addi %mul3A_1399, %add3A_1400 : i32
        %dma_start3A_1402 = arith.constant 12 : i32
        %dma_start3A_1403 = arith.constant 0 : i32
        %dma_start3A_1404 = arith.constant 0 : i32
        %dma_start3A_1405 = tpu.memref_slice %arg6[%dma_start3A_1402, %dma_start3A_1403, %dma_start3A_1404] : memref<32x26x64xf32, #tpu.memory_space<vmem>> -> memref<1x26x64xf32, #tpu.memory_space<vmem>>
        %dma_start3A_1406 = tpu.memref_squeeze %dma_start3A_1405 : memref<1x26x64xf32, #tpu.memory_space<vmem>> -> memref<26x64xf32, #tpu.memory_space<vmem>>
        %dma_start3A_1407 = arith.constant 0 : i32
        %dma_start3A_1408 = tpu.memref_slice %arg5[%add3A_1401, %dma_start3A_1407] : memref<512x26xi32, #tpu.memory_space<vmem>> -> memref<1x26xi32, #tpu.memory_space<vmem>>
        %dma_start3A_1409 = tpu.memref_squeeze %dma_start3A_1408 : memref<1x26xi32, #tpu.memory_space<vmem>> -> memref<26xi32, #tpu.memory_space<vmem>>
        %dma_start3A_1410 = arith.constant 0 : i32
        %dma_start3A_1411 = arith.constant 0 : i32
        %dma_start3A_1412 = tpu.memref_slice %arg2[%dma_start3A_1410, %dma_start3A_1411] : memref<1000000x64xf32, #tpu.memory_space<hbm>> -> memref<1000000x64xf32, #tpu.memory_space<hbm>>
        tpu.enqueue_indirect_dma source(%dma_start3A_1412 : memref<1000000x64xf32, #tpu.memory_space<hbm>>) target(%dma_start3A_1406 : memref<26x64xf32, #tpu.memory_space<vmem>>) offsets(%dma_start3A_1409 : memref<26xi32, #tpu.memory_space<vmem>>) semaphore(%arg8 : memref<!tpu.dma_semaphore, #tpu.memory_space<semaphore_mem>>)
        %mul3A_1413 = arith.constant 32 : i32
        %mul3A_1414 = arith.muli %add3A_1217, %mul3A_1413 : i32
        %add3A_1415 = arith.constant 13 : i32
        %add3A_1416 = arith.addi %mul3A_1414, %add3A_1415 : i32
        %dma_start3A_1417 = arith.constant 13 : i32
        %dma_start3A_1418 = arith.constant 0 : i32
        %dma_start3A_1419 = arith.constant 0 : i32
        %dma_start3A_1420 = tpu.memref_slice %arg6[%dma_start3A_1417, %dma_start3A_1418, %dma_start3A_1419] : memref<32x26x64xf32, #tpu.memory_space<vmem>> -> memref<1x26x64xf32, #tpu.memory_space<vmem>>
        %dma_start3A_1421 = tpu.memref_squeeze %dma_start3A_1420 : memref<1x26x64xf32, #tpu.memory_space<vmem>> -> memref<26x64xf32, #tpu.memory_space<vmem>>
        %dma_start3A_1422 = arith.constant 0 : i32
        %dma_start3A_1423 = tpu.memref_slice %arg5[%add3A_1416, %dma_start3A_1422] : memref<512x26xi32, #tpu.memory_space<vmem>> -> memref<1x26xi32, #tpu.memory_space<vmem>>
        %dma_start3A_1424 = tpu.memref_squeeze %dma_start3A_1423 : memref<1x26xi32, #tpu.memory_space<vmem>> -> memref<26xi32, #tpu.memory_space<vmem>>
        %dma_start3A_1425 = arith.constant 0 : i32
        %dma_start3A_1426 = arith.constant 0 : i32
        %dma_start3A_1427 = tpu.memref_slice %arg2[%dma_start3A_1425, %dma_start3A_1426] : memref<1000000x64xf32, #tpu.memory_space<hbm>> -> memref<1000000x64xf32, #tpu.memory_space<hbm>>
        tpu.enqueue_indirect_dma source(%dma_start3A_1427 : memref<1000000x64xf32, #tpu.memory_space<hbm>>) target(%dma_start3A_1421 : memref<26x64xf32, #tpu.memory_space<vmem>>) offsets(%dma_start3A_1424 : memref<26xi32, #tpu.memory_space<vmem>>) semaphore(%arg8 : memref<!tpu.dma_semaphore, #tpu.memory_space<semaphore_mem>>)
        %mul3A_1428 = arith.constant 32 : i32
        %mul3A_1429 = arith.muli %add3A_1217, %mul3A_1428 : i32
        %add3A_1430 = arith.constant 14 : i32
        %add3A_1431 = arith.addi %mul3A_1429, %add3A_1430 : i32
        %dma_start3A_1432 = arith.constant 14 : i32
        %dma_start3A_1433 = arith.constant 0 : i32
        %dma_start3A_1434 = arith.constant 0 : i32
        %dma_start3A_1435 = tpu.memref_slice %arg6[%dma_start3A_1432, %dma_start3A_1433, %dma_start3A_1434] : memref<32x26x64xf32, #tpu.memory_space<vmem>> -> memref<1x26x64xf32, #tpu.memory_space<vmem>>
        %dma_start3A_1436 = tpu.memref_squeeze %dma_start3A_1435 : memref<1x26x64xf32, #tpu.memory_space<vmem>> -> memref<26x64xf32, #tpu.memory_space<vmem>>
        %dma_start3A_1437 = arith.constant 0 : i32
        %dma_start3A_1438 = tpu.memref_slice %arg5[%add3A_1431, %dma_start3A_1437] : memref<512x26xi32, #tpu.memory_space<vmem>> -> memref<1x26xi32, #tpu.memory_space<vmem>>
        %dma_start3A_1439 = tpu.memref_squeeze %dma_start3A_1438 : memref<1x26xi32, #tpu.memory_space<vmem>> -> memref<26xi32, #tpu.memory_space<vmem>>
        %dma_start3A_1440 = arith.constant 0 : i32
        %dma_start3A_1441 = arith.constant 0 : i32
        %dma_start3A_1442 = tpu.memref_slice %arg2[%dma_start3A_1440, %dma_start3A_1441] : memref<1000000x64xf32, #tpu.memory_space<hbm>> -> memref<1000000x64xf32, #tpu.memory_space<hbm>>
        tpu.enqueue_indirect_dma source(%dma_start3A_1442 : memref<1000000x64xf32, #tpu.memory_space<hbm>>) target(%dma_start3A_1436 : memref<26x64xf32, #tpu.memory_space<vmem>>) offsets(%dma_start3A_1439 : memref<26xi32, #tpu.memory_space<vmem>>) semaphore(%arg8 : memref<!tpu.dma_semaphore, #tpu.memory_space<semaphore_mem>>)
        %mul3A_1443 = arith.constant 32 : i32
        %mul3A_1444 = arith.muli %add3A_1217, %mul3A_1443 : i32
        %add3A_1445 = arith.constant 15 : i32
        %add3A_1446 = arith.addi %mul3A_1444, %add3A_1445 : i32
        %dma_start3A_1447 = arith.constant 15 : i32
        %dma_start3A_1448 = arith.constant 0 : i32
        %dma_start3A_1449 = arith.constant 0 : i32
        %dma_start3A_1450 = tpu.memref_slice %arg6[%dma_start3A_1447, %dma_start3A_1448, %dma_start3A_1449] : memref<32x26x64xf32, #tpu.memory_space<vmem>> -> memref<1x26x64xf32, #tpu.memory_space<vmem>>
        %dma_start3A_1451 = tpu.memref_squeeze %dma_start3A_1450 : memref<1x26x64xf32, #tpu.memory_space<vmem>> -> memref<26x64xf32, #tpu.memory_space<vmem>>
        %dma_start3A_1452 = arith.constant 0 : i32
        %dma_start3A_1453 = tpu.memref_slice %arg5[%add3A_1446, %dma_start3A_1452] : memref<512x26xi32, #tpu.memory_space<vmem>> -> memref<1x26xi32, #tpu.memory_space<vmem>>
        %dma_start3A_1454 = tpu.memref_squeeze %dma_start3A_1453 : memref<1x26xi32, #tpu.memory_space<vmem>> -> memref<26xi32, #tpu.memory_space<vmem>>
        %dma_start3A_1455 = arith.constant 0 : i32
        %dma_start3A_1456 = arith.constant 0 : i32
        %dma_start3A_1457 = tpu.memref_slice %arg2[%dma_start3A_1455, %dma_start3A_1456] : memref<1000000x64xf32, #tpu.memory_space<hbm>> -> memref<1000000x64xf32, #tpu.memory_space<hbm>>
        tpu.enqueue_indirect_dma source(%dma_start3A_1457 : memref<1000000x64xf32, #tpu.memory_space<hbm>>) target(%dma_start3A_1451 : memref<26x64xf32, #tpu.memory_space<vmem>>) offsets(%dma_start3A_1454 : memref<26xi32, #tpu.memory_space<vmem>>) semaphore(%arg8 : memref<!tpu.dma_semaphore, #tpu.memory_space<semaphore_mem>>)
        %mul3A_1458 = arith.constant 32 : i32
        %mul3A_1459 = arith.muli %add3A_1217, %mul3A_1458 : i32
        %add3A_1460 = arith.constant 16 : i32
        %add3A_1461 = arith.addi %mul3A_1459, %add3A_1460 : i32
        %dma_start3A_1462 = arith.constant 16 : i32
        %dma_start3A_1463 = arith.constant 0 : i32
        %dma_start3A_1464 = arith.constant 0 : i32
        %dma_start3A_1465 = tpu.memref_slice %arg6[%dma_start3A_1462, %dma_start3A_1463, %dma_start3A_1464] : memref<32x26x64xf32, #tpu.memory_space<vmem>> -> memref<1x26x64xf32, #tpu.memory_space<vmem>>
        %dma_start3A_1466 = tpu.memref_squeeze %dma_start3A_1465 : memref<1x26x64xf32, #tpu.memory_space<vmem>> -> memref<26x64xf32, #tpu.memory_space<vmem>>
        %dma_start3A_1467 = arith.constant 0 : i32
        %dma_start3A_1468 = tpu.memref_slice %arg5[%add3A_1461, %dma_start3A_1467] : memref<512x26xi32, #tpu.memory_space<vmem>> -> memref<1x26xi32, #tpu.memory_space<vmem>>
        %dma_start3A_1469 = tpu.memref_squeeze %dma_start3A_1468 : memref<1x26xi32, #tpu.memory_space<vmem>> -> memref<26xi32, #tpu.memory_space<vmem>>
        %dma_start3A_1470 = arith.constant 0 : i32
        %dma_start3A_1471 = arith.constant 0 : i32
        %dma_start3A_1472 = tpu.memref_slice %arg2[%dma_start3A_1470, %dma_start3A_1471] : memref<1000000x64xf32, #tpu.memory_space<hbm>> -> memref<1000000x64xf32, #tpu.memory_space<hbm>>
        tpu.enqueue_indirect_dma source(%dma_start3A_1472 : memref<1000000x64xf32, #tpu.memory_space<hbm>>) target(%dma_start3A_1466 : memref<26x64xf32, #tpu.memory_space<vmem>>) offsets(%dma_start3A_1469 : memref<26xi32, #tpu.memory_space<vmem>>) semaphore(%arg8 : memref<!tpu.dma_semaphore, #tpu.memory_space<semaphore_mem>>)
        %mul3A_1473 = arith.constant 32 : i32
        %mul3A_1474 = arith.muli %add3A_1217, %mul3A_1473 : i32
        %add3A_1475 = arith.constant 17 : i32
        %add3A_1476 = arith.addi %mul3A_1474, %add3A_1475 : i32
        %dma_start3A_1477 = arith.constant 17 : i32
        %dma_start3A_1478 = arith.constant 0 : i32
        %dma_start3A_1479 = arith.constant 0 : i32
        %dma_start3A_1480 = tpu.memref_slice %arg6[%dma_start3A_1477, %dma_start3A_1478, %dma_start3A_1479] : memref<32x26x64xf32, #tpu.memory_space<vmem>> -> memref<1x26x64xf32, #tpu.memory_space<vmem>>
        %dma_start3A_1481 = tpu.memref_squeeze %dma_start3A_1480 : memref<1x26x64xf32, #tpu.memory_space<vmem>> -> memref<26x64xf32, #tpu.memory_space<vmem>>
        %dma_start3A_1482 = arith.constant 0 : i32
        %dma_start3A_1483 = tpu.memref_slice %arg5[%add3A_1476, %dma_start3A_1482] : memref<512x26xi32, #tpu.memory_space<vmem>> -> memref<1x26xi32, #tpu.memory_space<vmem>>
        %dma_start3A_1484 = tpu.memref_squeeze %dma_start3A_1483 : memref<1x26xi32, #tpu.memory_space<vmem>> -> memref<26xi32, #tpu.memory_space<vmem>>
        %dma_start3A_1485 = arith.constant 0 : i32
        %dma_start3A_1486 = arith.constant 0 : i32
        %dma_start3A_1487 = tpu.memref_slice %arg2[%dma_start3A_1485, %dma_start3A_1486] : memref<1000000x64xf32, #tpu.memory_space<hbm>> -> memref<1000000x64xf32, #tpu.memory_space<hbm>>
        tpu.enqueue_indirect_dma source(%dma_start3A_1487 : memref<1000000x64xf32, #tpu.memory_space<hbm>>) target(%dma_start3A_1481 : memref<26x64xf32, #tpu.memory_space<vmem>>) offsets(%dma_start3A_1484 : memref<26xi32, #tpu.memory_space<vmem>>) semaphore(%arg8 : memref<!tpu.dma_semaphore, #tpu.memory_space<semaphore_mem>>)
        %mul3A_1488 = arith.constant 32 : i32
        %mul3A_1489 = arith.muli %add3A_1217, %mul3A_1488 : i32
        %add3A_1490 = arith.constant 18 : i32
        %add3A_1491 = arith.addi %mul3A_1489, %add3A_1490 : i32
        %dma_start3A_1492 = arith.constant 18 : i32
        %dma_start3A_1493 = arith.constant 0 : i32
        %dma_start3A_1494 = arith.constant 0 : i32
        %dma_start3A_1495 = tpu.memref_slice %arg6[%dma_start3A_1492, %dma_start3A_1493, %dma_start3A_1494] : memref<32x26x64xf32, #tpu.memory_space<vmem>> -> memref<1x26x64xf32, #tpu.memory_space<vmem>>
        %dma_start3A_1496 = tpu.memref_squeeze %dma_start3A_1495 : memref<1x26x64xf32, #tpu.memory_space<vmem>> -> memref<26x64xf32, #tpu.memory_space<vmem>>
        %dma_start3A_1497 = arith.constant 0 : i32
        %dma_start3A_1498 = tpu.memref_slice %arg5[%add3A_1491, %dma_start3A_1497] : memref<512x26xi32, #tpu.memory_space<vmem>> -> memref<1x26xi32, #tpu.memory_space<vmem>>
        %dma_start3A_1499 = tpu.memref_squeeze %dma_start3A_1498 : memref<1x26xi32, #tpu.memory_space<vmem>> -> memref<26xi32, #tpu.memory_space<vmem>>
        %dma_start3A_1500 = arith.constant 0 : i32
        %dma_start3A_1501 = arith.constant 0 : i32
        %dma_start3A_1502 = tpu.memref_slice %arg2[%dma_start3A_1500, %dma_start3A_1501] : memref<1000000x64xf32, #tpu.memory_space<hbm>> -> memref<1000000x64xf32, #tpu.memory_space<hbm>>
        tpu.enqueue_indirect_dma source(%dma_start3A_1502 : memref<1000000x64xf32, #tpu.memory_space<hbm>>) target(%dma_start3A_1496 : memref<26x64xf32, #tpu.memory_space<vmem>>) offsets(%dma_start3A_1499 : memref<26xi32, #tpu.memory_space<vmem>>) semaphore(%arg8 : memref<!tpu.dma_semaphore, #tpu.memory_space<semaphore_mem>>)
        %mul3A_1503 = arith.constant 32 : i32
        %mul3A_1504 = arith.muli %add3A_1217, %mul3A_1503 : i32
        %add3A_1505 = arith.constant 19 : i32
        %add3A_1506 = arith.addi %mul3A_1504, %add3A_1505 : i32
        %dma_start3A_1507 = arith.constant 19 : i32
        %dma_start3A_1508 = arith.constant 0 : i32
        %dma_start3A_1509 = arith.constant 0 : i32
        %dma_start3A_1510 = tpu.memref_slice %arg6[%dma_start3A_1507, %dma_start3A_1508, %dma_start3A_1509] : memref<32x26x64xf32, #tpu.memory_space<vmem>> -> memref<1x26x64xf32, #tpu.memory_space<vmem>>
        %dma_start3A_1511 = tpu.memref_squeeze %dma_start3A_1510 : memref<1x26x64xf32, #tpu.memory_space<vmem>> -> memref<26x64xf32, #tpu.memory_space<vmem>>
        %dma_start3A_1512 = arith.constant 0 : i32
        %dma_start3A_1513 = tpu.memref_slice %arg5[%add3A_1506, %dma_start3A_1512] : memref<512x26xi32, #tpu.memory_space<vmem>> -> memref<1x26xi32, #tpu.memory_space<vmem>>
        %dma_start3A_1514 = tpu.memref_squeeze %dma_start3A_1513 : memref<1x26xi32, #tpu.memory_space<vmem>> -> memref<26xi32, #tpu.memory_space<vmem>>
        %dma_start3A_1515 = arith.constant 0 : i32
        %dma_start3A_1516 = arith.constant 0 : i32
        %dma_start3A_1517 = tpu.memref_slice %arg2[%dma_start3A_1515, %dma_start3A_1516] : memref<1000000x64xf32, #tpu.memory_space<hbm>> -> memref<1000000x64xf32, #tpu.memory_space<hbm>>
        tpu.enqueue_indirect_dma source(%dma_start3A_1517 : memref<1000000x64xf32, #tpu.memory_space<hbm>>) target(%dma_start3A_1511 : memref<26x64xf32, #tpu.memory_space<vmem>>) offsets(%dma_start3A_1514 : memref<26xi32, #tpu.memory_space<vmem>>) semaphore(%arg8 : memref<!tpu.dma_semaphore, #tpu.memory_space<semaphore_mem>>)
        %mul3A_1518 = arith.constant 32 : i32
        %mul3A_1519 = arith.muli %add3A_1217, %mul3A_1518 : i32
        %add3A_1520 = arith.constant 20 : i32
        %add3A_1521 = arith.addi %mul3A_1519, %add3A_1520 : i32
        %dma_start3A_1522 = arith.constant 20 : i32
        %dma_start3A_1523 = arith.constant 0 : i32
        %dma_start3A_1524 = arith.constant 0 : i32
        %dma_start3A_1525 = tpu.memref_slice %arg6[%dma_start3A_1522, %dma_start3A_1523, %dma_start3A_1524] : memref<32x26x64xf32, #tpu.memory_space<vmem>> -> memref<1x26x64xf32, #tpu.memory_space<vmem>>
        %dma_start3A_1526 = tpu.memref_squeeze %dma_start3A_1525 : memref<1x26x64xf32, #tpu.memory_space<vmem>> -> memref<26x64xf32, #tpu.memory_space<vmem>>
        %dma_start3A_1527 = arith.constant 0 : i32
        %dma_start3A_1528 = tpu.memref_slice %arg5[%add3A_1521, %dma_start3A_1527] : memref<512x26xi32, #tpu.memory_space<vmem>> -> memref<1x26xi32, #tpu.memory_space<vmem>>
        %dma_start3A_1529 = tpu.memref_squeeze %dma_start3A_1528 : memref<1x26xi32, #tpu.memory_space<vmem>> -> memref<26xi32, #tpu.memory_space<vmem>>
        %dma_start3A_1530 = arith.constant 0 : i32
        %dma_start3A_1531 = arith.constant 0 : i32
        %dma_start3A_1532 = tpu.memref_slice %arg2[%dma_start3A_1530, %dma_start3A_1531] : memref<1000000x64xf32, #tpu.memory_space<hbm>> -> memref<1000000x64xf32, #tpu.memory_space<hbm>>
        tpu.enqueue_indirect_dma source(%dma_start3A_1532 : memref<1000000x64xf32, #tpu.memory_space<hbm>>) target(%dma_start3A_1526 : memref<26x64xf32, #tpu.memory_space<vmem>>) offsets(%dma_start3A_1529 : memref<26xi32, #tpu.memory_space<vmem>>) semaphore(%arg8 : memref<!tpu.dma_semaphore, #tpu.memory_space<semaphore_mem>>)
        %mul3A_1533 = arith.constant 32 : i32
        %mul3A_1534 = arith.muli %add3A_1217, %mul3A_1533 : i32
        %add3A_1535 = arith.constant 21 : i32
        %add3A_1536 = arith.addi %mul3A_1534, %add3A_1535 : i32
        %dma_start3A_1537 = arith.constant 21 : i32
        %dma_start3A_1538 = arith.constant 0 : i32
        %dma_start3A_1539 = arith.constant 0 : i32
        %dma_start3A_1540 = tpu.memref_slice %arg6[%dma_start3A_1537, %dma_start3A_1538, %dma_start3A_1539] : memref<32x26x64xf32, #tpu.memory_space<vmem>> -> memref<1x26x64xf32, #tpu.memory_space<vmem>>
        %dma_start3A_1541 = tpu.memref_squeeze %dma_start3A_1540 : memref<1x26x64xf32, #tpu.memory_space<vmem>> -> memref<26x64xf32, #tpu.memory_space<vmem>>
        %dma_start3A_1542 = arith.constant 0 : i32
        %dma_start3A_1543 = tpu.memref_slice %arg5[%add3A_1536, %dma_start3A_1542] : memref<512x26xi32, #tpu.memory_space<vmem>> -> memref<1x26xi32, #tpu.memory_space<vmem>>
        %dma_start3A_1544 = tpu.memref_squeeze %dma_start3A_1543 : memref<1x26xi32, #tpu.memory_space<vmem>> -> memref<26xi32, #tpu.memory_space<vmem>>
        %dma_start3A_1545 = arith.constant 0 : i32
        %dma_start3A_1546 = arith.constant 0 : i32
        %dma_start3A_1547 = tpu.memref_slice %arg2[%dma_start3A_1545, %dma_start3A_1546] : memref<1000000x64xf32, #tpu.memory_space<hbm>> -> memref<1000000x64xf32, #tpu.memory_space<hbm>>
        tpu.enqueue_indirect_dma source(%dma_start3A_1547 : memref<1000000x64xf32, #tpu.memory_space<hbm>>) target(%dma_start3A_1541 : memref<26x64xf32, #tpu.memory_space<vmem>>) offsets(%dma_start3A_1544 : memref<26xi32, #tpu.memory_space<vmem>>) semaphore(%arg8 : memref<!tpu.dma_semaphore, #tpu.memory_space<semaphore_mem>>)
        %mul3A_1548 = arith.constant 32 : i32
        %mul3A_1549 = arith.muli %add3A_1217, %mul3A_1548 : i32
        %add3A_1550 = arith.constant 22 : i32
        %add3A_1551 = arith.addi %mul3A_1549, %add3A_1550 : i32
        %dma_start3A_1552 = arith.constant 22 : i32
        %dma_start3A_1553 = arith.constant 0 : i32
        %dma_start3A_1554 = arith.constant 0 : i32
        %dma_start3A_1555 = tpu.memref_slice %arg6[%dma_start3A_1552, %dma_start3A_1553, %dma_start3A_1554] : memref<32x26x64xf32, #tpu.memory_space<vmem>> -> memref<1x26x64xf32, #tpu.memory_space<vmem>>
        %dma_start3A_1556 = tpu.memref_squeeze %dma_start3A_1555 : memref<1x26x64xf32, #tpu.memory_space<vmem>> -> memref<26x64xf32, #tpu.memory_space<vmem>>
        %dma_start3A_1557 = arith.constant 0 : i32
        %dma_start3A_1558 = tpu.memref_slice %arg5[%add3A_1551, %dma_start3A_1557] : memref<512x26xi32, #tpu.memory_space<vmem>> -> memref<1x26xi32, #tpu.memory_space<vmem>>
        %dma_start3A_1559 = tpu.memref_squeeze %dma_start3A_1558 : memref<1x26xi32, #tpu.memory_space<vmem>> -> memref<26xi32, #tpu.memory_space<vmem>>
        %dma_start3A_1560 = arith.constant 0 : i32
        %dma_start3A_1561 = arith.constant 0 : i32
        %dma_start3A_1562 = tpu.memref_slice %arg2[%dma_start3A_1560, %dma_start3A_1561] : memref<1000000x64xf32, #tpu.memory_space<hbm>> -> memref<1000000x64xf32, #tpu.memory_space<hbm>>
        tpu.enqueue_indirect_dma source(%dma_start3A_1562 : memref<1000000x64xf32, #tpu.memory_space<hbm>>) target(%dma_start3A_1556 : memref<26x64xf32, #tpu.memory_space<vmem>>) offsets(%dma_start3A_1559 : memref<26xi32, #tpu.memory_space<vmem>>) semaphore(%arg8 : memref<!tpu.dma_semaphore, #tpu.memory_space<semaphore_mem>>)
        %mul3A_1563 = arith.constant 32 : i32
        %mul3A_1564 = arith.muli %add3A_1217, %mul3A_1563 : i32
        %add3A_1565 = arith.constant 23 : i32
        %add3A_1566 = arith.addi %mul3A_1564, %add3A_1565 : i32
        %dma_start3A_1567 = arith.constant 23 : i32
        %dma_start3A_1568 = arith.constant 0 : i32
        %dma_start3A_1569 = arith.constant 0 : i32
        %dma_start3A_1570 = tpu.memref_slice %arg6[%dma_start3A_1567, %dma_start3A_1568, %dma_start3A_1569] : memref<32x26x64xf32, #tpu.memory_space<vmem>> -> memref<1x26x64xf32, #tpu.memory_space<vmem>>
        %dma_start3A_1571 = tpu.memref_squeeze %dma_start3A_1570 : memref<1x26x64xf32, #tpu.memory_space<vmem>> -> memref<26x64xf32, #tpu.memory_space<vmem>>
        %dma_start3A_1572 = arith.constant 0 : i32
        %dma_start3A_1573 = tpu.memref_slice %arg5[%add3A_1566, %dma_start3A_1572] : memref<512x26xi32, #tpu.memory_space<vmem>> -> memref<1x26xi32, #tpu.memory_space<vmem>>
        %dma_start3A_1574 = tpu.memref_squeeze %dma_start3A_1573 : memref<1x26xi32, #tpu.memory_space<vmem>> -> memref<26xi32, #tpu.memory_space<vmem>>
        %dma_start3A_1575 = arith.constant 0 : i32
        %dma_start3A_1576 = arith.constant 0 : i32
        %dma_start3A_1577 = tpu.memref_slice %arg2[%dma_start3A_1575, %dma_start3A_1576] : memref<1000000x64xf32, #tpu.memory_space<hbm>> -> memref<1000000x64xf32, #tpu.memory_space<hbm>>
        tpu.enqueue_indirect_dma source(%dma_start3A_1577 : memref<1000000x64xf32, #tpu.memory_space<hbm>>) target(%dma_start3A_1571 : memref<26x64xf32, #tpu.memory_space<vmem>>) offsets(%dma_start3A_1574 : memref<26xi32, #tpu.memory_space<vmem>>) semaphore(%arg8 : memref<!tpu.dma_semaphore, #tpu.memory_space<semaphore_mem>>)
        %mul3A_1578 = arith.constant 32 : i32
        %mul3A_1579 = arith.muli %add3A_1217, %mul3A_1578 : i32
        %add3A_1580 = arith.constant 24 : i32
        %add3A_1581 = arith.addi %mul3A_1579, %add3A_1580 : i32
        %dma_start3A_1582 = arith.constant 24 : i32
        %dma_start3A_1583 = arith.constant 0 : i32
        %dma_start3A_1584 = arith.constant 0 : i32
        %dma_start3A_1585 = tpu.memref_slice %arg6[%dma_start3A_1582, %dma_start3A_1583, %dma_start3A_1584] : memref<32x26x64xf32, #tpu.memory_space<vmem>> -> memref<1x26x64xf32, #tpu.memory_space<vmem>>
        %dma_start3A_1586 = tpu.memref_squeeze %dma_start3A_1585 : memref<1x26x64xf32, #tpu.memory_space<vmem>> -> memref<26x64xf32, #tpu.memory_space<vmem>>
        %dma_start3A_1587 = arith.constant 0 : i32
        %dma_start3A_1588 = tpu.memref_slice %arg5[%add3A_1581, %dma_start3A_1587] : memref<512x26xi32, #tpu.memory_space<vmem>> -> memref<1x26xi32, #tpu.memory_space<vmem>>
        %dma_start3A_1589 = tpu.memref_squeeze %dma_start3A_1588 : memref<1x26xi32, #tpu.memory_space<vmem>> -> memref<26xi32, #tpu.memory_space<vmem>>
        %dma_start3A_1590 = arith.constant 0 : i32
        %dma_start3A_1591 = arith.constant 0 : i32
        %dma_start3A_1592 = tpu.memref_slice %arg2[%dma_start3A_1590, %dma_start3A_1591] : memref<1000000x64xf32, #tpu.memory_space<hbm>> -> memref<1000000x64xf32, #tpu.memory_space<hbm>>
        tpu.enqueue_indirect_dma source(%dma_start3A_1592 : memref<1000000x64xf32, #tpu.memory_space<hbm>>) target(%dma_start3A_1586 : memref<26x64xf32, #tpu.memory_space<vmem>>) offsets(%dma_start3A_1589 : memref<26xi32, #tpu.memory_space<vmem>>) semaphore(%arg8 : memref<!tpu.dma_semaphore, #tpu.memory_space<semaphore_mem>>)
        %mul3A_1593 = arith.constant 32 : i32
        %mul3A_1594 = arith.muli %add3A_1217, %mul3A_1593 : i32
        %add3A_1595 = arith.constant 25 : i32
        %add3A_1596 = arith.addi %mul3A_1594, %add3A_1595 : i32
        %dma_start3A_1597 = arith.constant 25 : i32
        %dma_start3A_1598 = arith.constant 0 : i32
        %dma_start3A_1599 = arith.constant 0 : i32
        %dma_start3A_1600 = tpu.memref_slice %arg6[%dma_start3A_1597, %dma_start3A_1598, %dma_start3A_1599] : memref<32x26x64xf32, #tpu.memory_space<vmem>> -> memref<1x26x64xf32, #tpu.memory_space<vmem>>
        %dma_start3A_1601 = tpu.memref_squeeze %dma_start3A_1600 : memref<1x26x64xf32, #tpu.memory_space<vmem>> -> memref<26x64xf32, #tpu.memory_space<vmem>>
        %dma_start3A_1602 = arith.constant 0 : i32
        %dma_start3A_1603 = tpu.memref_slice %arg5[%add3A_1596, %dma_start3A_1602] : memref<512x26xi32, #tpu.memory_space<vmem>> -> memref<1x26xi32, #tpu.memory_space<vmem>>
        %dma_start3A_1604 = tpu.memref_squeeze %dma_start3A_1603 : memref<1x26xi32, #tpu.memory_space<vmem>> -> memref<26xi32, #tpu.memory_space<vmem>>
        %dma_start3A_1605 = arith.constant 0 : i32
        %dma_start3A_1606 = arith.constant 0 : i32
        %dma_start3A_1607 = tpu.memref_slice %arg2[%dma_start3A_1605, %dma_start3A_1606] : memref<1000000x64xf32, #tpu.memory_space<hbm>> -> memref<1000000x64xf32, #tpu.memory_space<hbm>>
        tpu.enqueue_indirect_dma source(%dma_start3A_1607 : memref<1000000x64xf32, #tpu.memory_space<hbm>>) target(%dma_start3A_1601 : memref<26x64xf32, #tpu.memory_space<vmem>>) offsets(%dma_start3A_1604 : memref<26xi32, #tpu.memory_space<vmem>>) semaphore(%arg8 : memref<!tpu.dma_semaphore, #tpu.memory_space<semaphore_mem>>)
        %mul3A_1608 = arith.constant 32 : i32
        %mul3A_1609 = arith.muli %add3A_1217, %mul3A_1608 : i32
        %add3A_1610 = arith.constant 26 : i32
        %add3A_1611 = arith.addi %mul3A_1609, %add3A_1610 : i32
        %dma_start3A_1612 = arith.constant 26 : i32
        %dma_start3A_1613 = arith.constant 0 : i32
        %dma_start3A_1614 = arith.constant 0 : i32
        %dma_start3A_1615 = tpu.memref_slice %arg6[%dma_start3A_1612, %dma_start3A_1613, %dma_start3A_1614] : memref<32x26x64xf32, #tpu.memory_space<vmem>> -> memref<1x26x64xf32, #tpu.memory_space<vmem>>
        %dma_start3A_1616 = tpu.memref_squeeze %dma_start3A_1615 : memref<1x26x64xf32, #tpu.memory_space<vmem>> -> memref<26x64xf32, #tpu.memory_space<vmem>>
        %dma_start3A_1617 = arith.constant 0 : i32
        %dma_start3A_1618 = tpu.memref_slice %arg5[%add3A_1611, %dma_start3A_1617] : memref<512x26xi32, #tpu.memory_space<vmem>> -> memref<1x26xi32, #tpu.memory_space<vmem>>
        %dma_start3A_1619 = tpu.memref_squeeze %dma_start3A_1618 : memref<1x26xi32, #tpu.memory_space<vmem>> -> memref<26xi32, #tpu.memory_space<vmem>>
        %dma_start3A_1620 = arith.constant 0 : i32
        %dma_start3A_1621 = arith.constant 0 : i32
        %dma_start3A_1622 = tpu.memref_slice %arg2[%dma_start3A_1620, %dma_start3A_1621] : memref<1000000x64xf32, #tpu.memory_space<hbm>> -> memref<1000000x64xf32, #tpu.memory_space<hbm>>
        tpu.enqueue_indirect_dma source(%dma_start3A_1622 : memref<1000000x64xf32, #tpu.memory_space<hbm>>) target(%dma_start3A_1616 : memref<26x64xf32, #tpu.memory_space<vmem>>) offsets(%dma_start3A_1619 : memref<26xi32, #tpu.memory_space<vmem>>) semaphore(%arg8 : memref<!tpu.dma_semaphore, #tpu.memory_space<semaphore_mem>>)
        %mul3A_1623 = arith.constant 32 : i32
        %mul3A_1624 = arith.muli %add3A_1217, %mul3A_1623 : i32
        %add3A_1625 = arith.constant 27 : i32
        %add3A_1626 = arith.addi %mul3A_1624, %add3A_1625 : i32
        %dma_start3A_1627 = arith.constant 27 : i32
        %dma_start3A_1628 = arith.constant 0 : i32
        %dma_start3A_1629 = arith.constant 0 : i32
        %dma_start3A_1630 = tpu.memref_slice %arg6[%dma_start3A_1627, %dma_start3A_1628, %dma_start3A_1629] : memref<32x26x64xf32, #tpu.memory_space<vmem>> -> memref<1x26x64xf32, #tpu.memory_space<vmem>>
        %dma_start3A_1631 = tpu.memref_squeeze %dma_start3A_1630 : memref<1x26x64xf32, #tpu.memory_space<vmem>> -> memref<26x64xf32, #tpu.memory_space<vmem>>
        %dma_start3A_1632 = arith.constant 0 : i32
        %dma_start3A_1633 = tpu.memref_slice %arg5[%add3A_1626, %dma_start3A_1632] : memref<512x26xi32, #tpu.memory_space<vmem>> -> memref<1x26xi32, #tpu.memory_space<vmem>>
        %dma_start3A_1634 = tpu.memref_squeeze %dma_start3A_1633 : memref<1x26xi32, #tpu.memory_space<vmem>> -> memref<26xi32, #tpu.memory_space<vmem>>
        %dma_start3A_1635 = arith.constant 0 : i32
        %dma_start3A_1636 = arith.constant 0 : i32
        %dma_start3A_1637 = tpu.memref_slice %arg2[%dma_start3A_1635, %dma_start3A_1636] : memref<1000000x64xf32, #tpu.memory_space<hbm>> -> memref<1000000x64xf32, #tpu.memory_space<hbm>>
        tpu.enqueue_indirect_dma source(%dma_start3A_1637 : memref<1000000x64xf32, #tpu.memory_space<hbm>>) target(%dma_start3A_1631 : memref<26x64xf32, #tpu.memory_space<vmem>>) offsets(%dma_start3A_1634 : memref<26xi32, #tpu.memory_space<vmem>>) semaphore(%arg8 : memref<!tpu.dma_semaphore, #tpu.memory_space<semaphore_mem>>)
        %mul3A_1638 = arith.constant 32 : i32
        %mul3A_1639 = arith.muli %add3A_1217, %mul3A_1638 : i32
        %add3A_1640 = arith.constant 28 : i32
        %add3A_1641 = arith.addi %mul3A_1639, %add3A_1640 : i32
        %dma_start3A_1642 = arith.constant 28 : i32
        %dma_start3A_1643 = arith.constant 0 : i32
        %dma_start3A_1644 = arith.constant 0 : i32
        %dma_start3A_1645 = tpu.memref_slice %arg6[%dma_start3A_1642, %dma_start3A_1643, %dma_start3A_1644] : memref<32x26x64xf32, #tpu.memory_space<vmem>> -> memref<1x26x64xf32, #tpu.memory_space<vmem>>
        %dma_start3A_1646 = tpu.memref_squeeze %dma_start3A_1645 : memref<1x26x64xf32, #tpu.memory_space<vmem>> -> memref<26x64xf32, #tpu.memory_space<vmem>>
        %dma_start3A_1647 = arith.constant 0 : i32
        %dma_start3A_1648 = tpu.memref_slice %arg5[%add3A_1641, %dma_start3A_1647] : memref<512x26xi32, #tpu.memory_space<vmem>> -> memref<1x26xi32, #tpu.memory_space<vmem>>
        %dma_start3A_1649 = tpu.memref_squeeze %dma_start3A_1648 : memref<1x26xi32, #tpu.memory_space<vmem>> -> memref<26xi32, #tpu.memory_space<vmem>>
        %dma_start3A_1650 = arith.constant 0 : i32
        %dma_start3A_1651 = arith.constant 0 : i32
        %dma_start3A_1652 = tpu.memref_slice %arg2[%dma_start3A_1650, %dma_start3A_1651] : memref<1000000x64xf32, #tpu.memory_space<hbm>> -> memref<1000000x64xf32, #tpu.memory_space<hbm>>
        tpu.enqueue_indirect_dma source(%dma_start3A_1652 : memref<1000000x64xf32, #tpu.memory_space<hbm>>) target(%dma_start3A_1646 : memref<26x64xf32, #tpu.memory_space<vmem>>) offsets(%dma_start3A_1649 : memref<26xi32, #tpu.memory_space<vmem>>) semaphore(%arg8 : memref<!tpu.dma_semaphore, #tpu.memory_space<semaphore_mem>>)
        %mul3A_1653 = arith.constant 32 : i32
        %mul3A_1654 = arith.muli %add3A_1217, %mul3A_1653 : i32
        %add3A_1655 = arith.constant 29 : i32
        %add3A_1656 = arith.addi %mul3A_1654, %add3A_1655 : i32
        %dma_start3A_1657 = arith.constant 29 : i32
        %dma_start3A_1658 = arith.constant 0 : i32
        %dma_start3A_1659 = arith.constant 0 : i32
        %dma_start3A_1660 = tpu.memref_slice %arg6[%dma_start3A_1657, %dma_start3A_1658, %dma_start3A_1659] : memref<32x26x64xf32, #tpu.memory_space<vmem>> -> memref<1x26x64xf32, #tpu.memory_space<vmem>>
        %dma_start3A_1661 = tpu.memref_squeeze %dma_start3A_1660 : memref<1x26x64xf32, #tpu.memory_space<vmem>> -> memref<26x64xf32, #tpu.memory_space<vmem>>
        %dma_start3A_1662 = arith.constant 0 : i32
        %dma_start3A_1663 = tpu.memref_slice %arg5[%add3A_1656, %dma_start3A_1662] : memref<512x26xi32, #tpu.memory_space<vmem>> -> memref<1x26xi32, #tpu.memory_space<vmem>>
        %dma_start3A_1664 = tpu.memref_squeeze %dma_start3A_1663 : memref<1x26xi32, #tpu.memory_space<vmem>> -> memref<26xi32, #tpu.memory_space<vmem>>
        %dma_start3A_1665 = arith.constant 0 : i32
        %dma_start3A_1666 = arith.constant 0 : i32
        %dma_start3A_1667 = tpu.memref_slice %arg2[%dma_start3A_1665, %dma_start3A_1666] : memref<1000000x64xf32, #tpu.memory_space<hbm>> -> memref<1000000x64xf32, #tpu.memory_space<hbm>>
        tpu.enqueue_indirect_dma source(%dma_start3A_1667 : memref<1000000x64xf32, #tpu.memory_space<hbm>>) target(%dma_start3A_1661 : memref<26x64xf32, #tpu.memory_space<vmem>>) offsets(%dma_start3A_1664 : memref<26xi32, #tpu.memory_space<vmem>>) semaphore(%arg8 : memref<!tpu.dma_semaphore, #tpu.memory_space<semaphore_mem>>)
        %mul3A_1668 = arith.constant 32 : i32
        %mul3A_1669 = arith.muli %add3A_1217, %mul3A_1668 : i32
        %add3A_1670 = arith.constant 30 : i32
        %add3A_1671 = arith.addi %mul3A_1669, %add3A_1670 : i32
        %dma_start3A_1672 = arith.constant 30 : i32
        %dma_start3A_1673 = arith.constant 0 : i32
        %dma_start3A_1674 = arith.constant 0 : i32
        %dma_start3A_1675 = tpu.memref_slice %arg6[%dma_start3A_1672, %dma_start3A_1673, %dma_start3A_1674] : memref<32x26x64xf32, #tpu.memory_space<vmem>> -> memref<1x26x64xf32, #tpu.memory_space<vmem>>
        %dma_start3A_1676 = tpu.memref_squeeze %dma_start3A_1675 : memref<1x26x64xf32, #tpu.memory_space<vmem>> -> memref<26x64xf32, #tpu.memory_space<vmem>>
        %dma_start3A_1677 = arith.constant 0 : i32
        %dma_start3A_1678 = tpu.memref_slice %arg5[%add3A_1671, %dma_start3A_1677] : memref<512x26xi32, #tpu.memory_space<vmem>> -> memref<1x26xi32, #tpu.memory_space<vmem>>
        %dma_start3A_1679 = tpu.memref_squeeze %dma_start3A_1678 : memref<1x26xi32, #tpu.memory_space<vmem>> -> memref<26xi32, #tpu.memory_space<vmem>>
        %dma_start3A_1680 = arith.constant 0 : i32
        %dma_start3A_1681 = arith.constant 0 : i32
        %dma_start3A_1682 = tpu.memref_slice %arg2[%dma_start3A_1680, %dma_start3A_1681] : memref<1000000x64xf32, #tpu.memory_space<hbm>> -> memref<1000000x64xf32, #tpu.memory_space<hbm>>
        tpu.enqueue_indirect_dma source(%dma_start3A_1682 : memref<1000000x64xf32, #tpu.memory_space<hbm>>) target(%dma_start3A_1676 : memref<26x64xf32, #tpu.memory_space<vmem>>) offsets(%dma_start3A_1679 : memref<26xi32, #tpu.memory_space<vmem>>) semaphore(%arg8 : memref<!tpu.dma_semaphore, #tpu.memory_space<semaphore_mem>>)
        %mul3A_1683 = arith.constant 32 : i32
        %mul3A_1684 = arith.muli %add3A_1217, %mul3A_1683 : i32
        %add3A_1685 = arith.constant 31 : i32
        %add3A_1686 = arith.addi %mul3A_1684, %add3A_1685 : i32
        %dma_start3A_1687 = arith.constant 31 : i32
        %dma_start3A_1688 = arith.constant 0 : i32
        %dma_start3A_1689 = arith.constant 0 : i32
        %dma_start3A_1690 = tpu.memref_slice %arg6[%dma_start3A_1687, %dma_start3A_1688, %dma_start3A_1689] : memref<32x26x64xf32, #tpu.memory_space<vmem>> -> memref<1x26x64xf32, #tpu.memory_space<vmem>>
        %dma_start3A_1691 = tpu.memref_squeeze %dma_start3A_1690 : memref<1x26x64xf32, #tpu.memory_space<vmem>> -> memref<26x64xf32, #tpu.memory_space<vmem>>
        %dma_start3A_1692 = arith.constant 0 : i32
        %dma_start3A_1693 = tpu.memref_slice %arg5[%add3A_1686, %dma_start3A_1692] : memref<512x26xi32, #tpu.memory_space<vmem>> -> memref<1x26xi32, #tpu.memory_space<vmem>>
        %dma_start3A_1694 = tpu.memref_squeeze %dma_start3A_1693 : memref<1x26xi32, #tpu.memory_space<vmem>> -> memref<26xi32, #tpu.memory_space<vmem>>
        %dma_start3A_1695 = arith.constant 0 : i32
        %dma_start3A_1696 = arith.constant 0 : i32
        %dma_start3A_1697 = tpu.memref_slice %arg2[%dma_start3A_1695, %dma_start3A_1696] : memref<1000000x64xf32, #tpu.memory_space<hbm>> -> memref<1000000x64xf32, #tpu.memory_space<hbm>>
        tpu.enqueue_indirect_dma source(%dma_start3A_1697 : memref<1000000x64xf32, #tpu.memory_space<hbm>>) target(%dma_start3A_1691 : memref<26x64xf32, #tpu.memory_space<vmem>>) offsets(%dma_start3A_1694 : memref<26xi32, #tpu.memory_space<vmem>>) semaphore(%arg8 : memref<!tpu.dma_semaphore, #tpu.memory_space<semaphore_mem>>)
      } else {
      }
      %dma_wait3A_819 = arith.constant 0 : i32
      %dma_wait3A_820 = arith.constant 0 : i32
      %dma_wait3A_821 = arith.constant 0 : i32
      %dma_wait3A_822 = arith.constant 0 : i32
      %dma_wait3A_823 = tpu.memref_slice %arg7[%dma_wait3A_820, %dma_wait3A_821, %dma_wait3A_822] : memref<32x26x64xf32, #tpu.memory_space<vmem>> -> memref<1x26x64xf32, #tpu.memory_space<vmem>>
      %dma_wait3A_824 = tpu.memref_squeeze %dma_wait3A_823 : memref<1x26x64xf32, #tpu.memory_space<vmem>> -> memref<26x64xf32, #tpu.memory_space<vmem>>
      %dma_wait3A_825 = arith.constant 0 : i32
      %dma_wait3A_826 = tpu.memref_slice %arg5[%dma_wait3A_819, %dma_wait3A_825] : memref<512x26xi32, #tpu.memory_space<vmem>> -> memref<1x26xi32, #tpu.memory_space<vmem>>
      %dma_wait3A_827 = tpu.memref_squeeze %dma_wait3A_826 : memref<1x26xi32, #tpu.memory_space<vmem>> -> memref<26xi32, #tpu.memory_space<vmem>>
      %dma_wait3A_828 = arith.constant 0 : i32
      %dma_wait3A_829 = arith.constant 0 : i32
      %dma_wait3A_830 = tpu.memref_slice %arg2[%dma_wait3A_828, %dma_wait3A_829] : memref<1000000x64xf32, #tpu.memory_space<hbm>> -> memref<1000000x64xf32, #tpu.memory_space<hbm>>
      tpu.wait_indirect_dma semaphore(%arg9 : memref<!tpu.dma_semaphore, #tpu.memory_space<semaphore_mem>>) src(%dma_wait3A_830 : memref<1000000x64xf32, #tpu.memory_space<hbm>>) dst(%dma_wait3A_824 : memref<26x64xf32, #tpu.memory_space<vmem>>)
      %dma_wait3A_831 = arith.constant 0 : i32
      %dma_wait3A_832 = arith.constant 1 : i32
      %dma_wait3A_833 = arith.constant 0 : i32
      %dma_wait3A_834 = arith.constant 0 : i32
      %dma_wait3A_835 = tpu.memref_slice %arg7[%dma_wait3A_832, %dma_wait3A_833, %dma_wait3A_834] : memref<32x26x64xf32, #tpu.memory_space<vmem>> -> memref<1x26x64xf32, #tpu.memory_space<vmem>>
      %dma_wait3A_836 = tpu.memref_squeeze %dma_wait3A_835 : memref<1x26x64xf32, #tpu.memory_space<vmem>> -> memref<26x64xf32, #tpu.memory_space<vmem>>
      %dma_wait3A_837 = arith.constant 0 : i32
      %dma_wait3A_838 = tpu.memref_slice %arg5[%dma_wait3A_831, %dma_wait3A_837] : memref<512x26xi32, #tpu.memory_space<vmem>> -> memref<1x26xi32, #tpu.memory_space<vmem>>
      %dma_wait3A_839 = tpu.memref_squeeze %dma_wait3A_838 : memref<1x26xi32, #tpu.memory_space<vmem>> -> memref<26xi32, #tpu.memory_space<vmem>>
      %dma_wait3A_840 = arith.constant 0 : i32
      %dma_wait3A_841 = arith.constant 0 : i32
      %dma_wait3A_842 = tpu.memref_slice %arg2[%dma_wait3A_840, %dma_wait3A_841] : memref<1000000x64xf32, #tpu.memory_space<hbm>> -> memref<1000000x64xf32, #tpu.memory_space<hbm>>
      tpu.wait_indirect_dma semaphore(%arg9 : memref<!tpu.dma_semaphore, #tpu.memory_space<semaphore_mem>>) src(%dma_wait3A_842 : memref<1000000x64xf32, #tpu.memory_space<hbm>>) dst(%dma_wait3A_836 : memref<26x64xf32, #tpu.memory_space<vmem>>)
      %dma_wait3A_843 = arith.constant 0 : i32
      %dma_wait3A_844 = arith.constant 2 : i32
      %dma_wait3A_845 = arith.constant 0 : i32
      %dma_wait3A_846 = arith.constant 0 : i32
      %dma_wait3A_847 = tpu.memref_slice %arg7[%dma_wait3A_844, %dma_wait3A_845, %dma_wait3A_846] : memref<32x26x64xf32, #tpu.memory_space<vmem>> -> memref<1x26x64xf32, #tpu.memory_space<vmem>>
      %dma_wait3A_848 = tpu.memref_squeeze %dma_wait3A_847 : memref<1x26x64xf32, #tpu.memory_space<vmem>> -> memref<26x64xf32, #tpu.memory_space<vmem>>
      %dma_wait3A_849 = arith.constant 0 : i32
      %dma_wait3A_850 = tpu.memref_slice %arg5[%dma_wait3A_843, %dma_wait3A_849] : memref<512x26xi32, #tpu.memory_space<vmem>> -> memref<1x26xi32, #tpu.memory_space<vmem>>
      %dma_wait3A_851 = tpu.memref_squeeze %dma_wait3A_850 : memref<1x26xi32, #tpu.memory_space<vmem>> -> memref<26xi32, #tpu.memory_space<vmem>>
      %dma_wait3A_852 = arith.constant 0 : i32
      %dma_wait3A_853 = arith.constant 0 : i32
      %dma_wait3A_854 = tpu.memref_slice %arg2[%dma_wait3A_852, %dma_wait3A_853] : memref<1000000x64xf32, #tpu.memory_space<hbm>> -> memref<1000000x64xf32, #tpu.memory_space<hbm>>
      tpu.wait_indirect_dma semaphore(%arg9 : memref<!tpu.dma_semaphore, #tpu.memory_space<semaphore_mem>>) src(%dma_wait3A_854 : memref<1000000x64xf32, #tpu.memory_space<hbm>>) dst(%dma_wait3A_848 : memref<26x64xf32, #tpu.memory_space<vmem>>)
      %dma_wait3A_855 = arith.constant 0 : i32
      %dma_wait3A_856 = arith.constant 3 : i32
      %dma_wait3A_857 = arith.constant 0 : i32
      %dma_wait3A_858 = arith.constant 0 : i32
      %dma_wait3A_859 = tpu.memref_slice %arg7[%dma_wait3A_856, %dma_wait3A_857, %dma_wait3A_858] : memref<32x26x64xf32, #tpu.memory_space<vmem>> -> memref<1x26x64xf32, #tpu.memory_space<vmem>>
      %dma_wait3A_860 = tpu.memref_squeeze %dma_wait3A_859 : memref<1x26x64xf32, #tpu.memory_space<vmem>> -> memref<26x64xf32, #tpu.memory_space<vmem>>
      %dma_wait3A_861 = arith.constant 0 : i32
      %dma_wait3A_862 = tpu.memref_slice %arg5[%dma_wait3A_855, %dma_wait3A_861] : memref<512x26xi32, #tpu.memory_space<vmem>> -> memref<1x26xi32, #tpu.memory_space<vmem>>
      %dma_wait3A_863 = tpu.memref_squeeze %dma_wait3A_862 : memref<1x26xi32, #tpu.memory_space<vmem>> -> memref<26xi32, #tpu.memory_space<vmem>>
      %dma_wait3A_864 = arith.constant 0 : i32
      %dma_wait3A_865 = arith.constant 0 : i32
      %dma_wait3A_866 = tpu.memref_slice %arg2[%dma_wait3A_864, %dma_wait3A_865] : memref<1000000x64xf32, #tpu.memory_space<hbm>> -> memref<1000000x64xf32, #tpu.memory_space<hbm>>
      tpu.wait_indirect_dma semaphore(%arg9 : memref<!tpu.dma_semaphore, #tpu.memory_space<semaphore_mem>>) src(%dma_wait3A_866 : memref<1000000x64xf32, #tpu.memory_space<hbm>>) dst(%dma_wait3A_860 : memref<26x64xf32, #tpu.memory_space<vmem>>)
      %dma_wait3A_867 = arith.constant 0 : i32
      %dma_wait3A_868 = arith.constant 4 : i32
      %dma_wait3A_869 = arith.constant 0 : i32
      %dma_wait3A_870 = arith.constant 0 : i32
      %dma_wait3A_871 = tpu.memref_slice %arg7[%dma_wait3A_868, %dma_wait3A_869, %dma_wait3A_870] : memref<32x26x64xf32, #tpu.memory_space<vmem>> -> memref<1x26x64xf32, #tpu.memory_space<vmem>>
      %dma_wait3A_872 = tpu.memref_squeeze %dma_wait3A_871 : memref<1x26x64xf32, #tpu.memory_space<vmem>> -> memref<26x64xf32, #tpu.memory_space<vmem>>
      %dma_wait3A_873 = arith.constant 0 : i32
      %dma_wait3A_874 = tpu.memref_slice %arg5[%dma_wait3A_867, %dma_wait3A_873] : memref<512x26xi32, #tpu.memory_space<vmem>> -> memref<1x26xi32, #tpu.memory_space<vmem>>
      %dma_wait3A_875 = tpu.memref_squeeze %dma_wait3A_874 : memref<1x26xi32, #tpu.memory_space<vmem>> -> memref<26xi32, #tpu.memory_space<vmem>>
      %dma_wait3A_876 = arith.constant 0 : i32
      %dma_wait3A_877 = arith.constant 0 : i32
      %dma_wait3A_878 = tpu.memref_slice %arg2[%dma_wait3A_876, %dma_wait3A_877] : memref<1000000x64xf32, #tpu.memory_space<hbm>> -> memref<1000000x64xf32, #tpu.memory_space<hbm>>
      tpu.wait_indirect_dma semaphore(%arg9 : memref<!tpu.dma_semaphore, #tpu.memory_space<semaphore_mem>>) src(%dma_wait3A_878 : memref<1000000x64xf32, #tpu.memory_space<hbm>>) dst(%dma_wait3A_872 : memref<26x64xf32, #tpu.memory_space<vmem>>)
      %dma_wait3A_879 = arith.constant 0 : i32
      %dma_wait3A_880 = arith.constant 5 : i32
      %dma_wait3A_881 = arith.constant 0 : i32
      %dma_wait3A_882 = arith.constant 0 : i32
      %dma_wait3A_883 = tpu.memref_slice %arg7[%dma_wait3A_880, %dma_wait3A_881, %dma_wait3A_882] : memref<32x26x64xf32, #tpu.memory_space<vmem>> -> memref<1x26x64xf32, #tpu.memory_space<vmem>>
      %dma_wait3A_884 = tpu.memref_squeeze %dma_wait3A_883 : memref<1x26x64xf32, #tpu.memory_space<vmem>> -> memref<26x64xf32, #tpu.memory_space<vmem>>
      %dma_wait3A_885 = arith.constant 0 : i32
      %dma_wait3A_886 = tpu.memref_slice %arg5[%dma_wait3A_879, %dma_wait3A_885] : memref<512x26xi32, #tpu.memory_space<vmem>> -> memref<1x26xi32, #tpu.memory_space<vmem>>
      %dma_wait3A_887 = tpu.memref_squeeze %dma_wait3A_886 : memref<1x26xi32, #tpu.memory_space<vmem>> -> memref<26xi32, #tpu.memory_space<vmem>>
      %dma_wait3A_888 = arith.constant 0 : i32
      %dma_wait3A_889 = arith.constant 0 : i32
      %dma_wait3A_890 = tpu.memref_slice %arg2[%dma_wait3A_888, %dma_wait3A_889] : memref<1000000x64xf32, #tpu.memory_space<hbm>> -> memref<1000000x64xf32, #tpu.memory_space<hbm>>
      tpu.wait_indirect_dma semaphore(%arg9 : memref<!tpu.dma_semaphore, #tpu.memory_space<semaphore_mem>>) src(%dma_wait3A_890 : memref<1000000x64xf32, #tpu.memory_space<hbm>>) dst(%dma_wait3A_884 : memref<26x64xf32, #tpu.memory_space<vmem>>)
      %dma_wait3A_891 = arith.constant 0 : i32
      %dma_wait3A_892 = arith.constant 6 : i32
      %dma_wait3A_893 = arith.constant 0 : i32
      %dma_wait3A_894 = arith.constant 0 : i32
      %dma_wait3A_895 = tpu.memref_slice %arg7[%dma_wait3A_892, %dma_wait3A_893, %dma_wait3A_894] : memref<32x26x64xf32, #tpu.memory_space<vmem>> -> memref<1x26x64xf32, #tpu.memory_space<vmem>>
      %dma_wait3A_896 = tpu.memref_squeeze %dma_wait3A_895 : memref<1x26x64xf32, #tpu.memory_space<vmem>> -> memref<26x64xf32, #tpu.memory_space<vmem>>
      %dma_wait3A_897 = arith.constant 0 : i32
      %dma_wait3A_898 = tpu.memref_slice %arg5[%dma_wait3A_891, %dma_wait3A_897] : memref<512x26xi32, #tpu.memory_space<vmem>> -> memref<1x26xi32, #tpu.memory_space<vmem>>
      %dma_wait3A_899 = tpu.memref_squeeze %dma_wait3A_898 : memref<1x26xi32, #tpu.memory_space<vmem>> -> memref<26xi32, #tpu.memory_space<vmem>>
      %dma_wait3A_900 = arith.constant 0 : i32
      %dma_wait3A_901 = arith.constant 0 : i32
      %dma_wait3A_902 = tpu.memref_slice %arg2[%dma_wait3A_900, %dma_wait3A_901] : memref<1000000x64xf32, #tpu.memory_space<hbm>> -> memref<1000000x64xf32, #tpu.memory_space<hbm>>
      tpu.wait_indirect_dma semaphore(%arg9 : memref<!tpu.dma_semaphore, #tpu.memory_space<semaphore_mem>>) src(%dma_wait3A_902 : memref<1000000x64xf32, #tpu.memory_space<hbm>>) dst(%dma_wait3A_896 : memref<26x64xf32, #tpu.memory_space<vmem>>)
      %dma_wait3A_903 = arith.constant 0 : i32
      %dma_wait3A_904 = arith.constant 7 : i32
      %dma_wait3A_905 = arith.constant 0 : i32
      %dma_wait3A_906 = arith.constant 0 : i32
      %dma_wait3A_907 = tpu.memref_slice %arg7[%dma_wait3A_904, %dma_wait3A_905, %dma_wait3A_906] : memref<32x26x64xf32, #tpu.memory_space<vmem>> -> memref<1x26x64xf32, #tpu.memory_space<vmem>>
      %dma_wait3A_908 = tpu.memref_squeeze %dma_wait3A_907 : memref<1x26x64xf32, #tpu.memory_space<vmem>> -> memref<26x64xf32, #tpu.memory_space<vmem>>
      %dma_wait3A_909 = arith.constant 0 : i32
      %dma_wait3A_910 = tpu.memref_slice %arg5[%dma_wait3A_903, %dma_wait3A_909] : memref<512x26xi32, #tpu.memory_space<vmem>> -> memref<1x26xi32, #tpu.memory_space<vmem>>
      %dma_wait3A_911 = tpu.memref_squeeze %dma_wait3A_910 : memref<1x26xi32, #tpu.memory_space<vmem>> -> memref<26xi32, #tpu.memory_space<vmem>>
      %dma_wait3A_912 = arith.constant 0 : i32
      %dma_wait3A_913 = arith.constant 0 : i32
      %dma_wait3A_914 = tpu.memref_slice %arg2[%dma_wait3A_912, %dma_wait3A_913] : memref<1000000x64xf32, #tpu.memory_space<hbm>> -> memref<1000000x64xf32, #tpu.memory_space<hbm>>
      tpu.wait_indirect_dma semaphore(%arg9 : memref<!tpu.dma_semaphore, #tpu.memory_space<semaphore_mem>>) src(%dma_wait3A_914 : memref<1000000x64xf32, #tpu.memory_space<hbm>>) dst(%dma_wait3A_908 : memref<26x64xf32, #tpu.memory_space<vmem>>)
      %dma_wait3A_915 = arith.constant 0 : i32
      %dma_wait3A_916 = arith.constant 8 : i32
      %dma_wait3A_917 = arith.constant 0 : i32
      %dma_wait3A_918 = arith.constant 0 : i32
      %dma_wait3A_919 = tpu.memref_slice %arg7[%dma_wait3A_916, %dma_wait3A_917, %dma_wait3A_918] : memref<32x26x64xf32, #tpu.memory_space<vmem>> -> memref<1x26x64xf32, #tpu.memory_space<vmem>>
      %dma_wait3A_920 = tpu.memref_squeeze %dma_wait3A_919 : memref<1x26x64xf32, #tpu.memory_space<vmem>> -> memref<26x64xf32, #tpu.memory_space<vmem>>
      %dma_wait3A_921 = arith.constant 0 : i32
      %dma_wait3A_922 = tpu.memref_slice %arg5[%dma_wait3A_915, %dma_wait3A_921] : memref<512x26xi32, #tpu.memory_space<vmem>> -> memref<1x26xi32, #tpu.memory_space<vmem>>
      %dma_wait3A_923 = tpu.memref_squeeze %dma_wait3A_922 : memref<1x26xi32, #tpu.memory_space<vmem>> -> memref<26xi32, #tpu.memory_space<vmem>>
      %dma_wait3A_924 = arith.constant 0 : i32
      %dma_wait3A_925 = arith.constant 0 : i32
      %dma_wait3A_926 = tpu.memref_slice %arg2[%dma_wait3A_924, %dma_wait3A_925] : memref<1000000x64xf32, #tpu.memory_space<hbm>> -> memref<1000000x64xf32, #tpu.memory_space<hbm>>
      tpu.wait_indirect_dma semaphore(%arg9 : memref<!tpu.dma_semaphore, #tpu.memory_space<semaphore_mem>>) src(%dma_wait3A_926 : memref<1000000x64xf32, #tpu.memory_space<hbm>>) dst(%dma_wait3A_920 : memref<26x64xf32, #tpu.memory_space<vmem>>)
      %dma_wait3A_927 = arith.constant 0 : i32
      %dma_wait3A_928 = arith.constant 9 : i32
      %dma_wait3A_929 = arith.constant 0 : i32
      %dma_wait3A_930 = arith.constant 0 : i32
      %dma_wait3A_931 = tpu.memref_slice %arg7[%dma_wait3A_928, %dma_wait3A_929, %dma_wait3A_930] : memref<32x26x64xf32, #tpu.memory_space<vmem>> -> memref<1x26x64xf32, #tpu.memory_space<vmem>>
      %dma_wait3A_932 = tpu.memref_squeeze %dma_wait3A_931 : memref<1x26x64xf32, #tpu.memory_space<vmem>> -> memref<26x64xf32, #tpu.memory_space<vmem>>
      %dma_wait3A_933 = arith.constant 0 : i32
      %dma_wait3A_934 = tpu.memref_slice %arg5[%dma_wait3A_927, %dma_wait3A_933] : memref<512x26xi32, #tpu.memory_space<vmem>> -> memref<1x26xi32, #tpu.memory_space<vmem>>
      %dma_wait3A_935 = tpu.memref_squeeze %dma_wait3A_934 : memref<1x26xi32, #tpu.memory_space<vmem>> -> memref<26xi32, #tpu.memory_space<vmem>>
      %dma_wait3A_936 = arith.constant 0 : i32
      %dma_wait3A_937 = arith.constant 0 : i32
      %dma_wait3A_938 = tpu.memref_slice %arg2[%dma_wait3A_936, %dma_wait3A_937] : memref<1000000x64xf32, #tpu.memory_space<hbm>> -> memref<1000000x64xf32, #tpu.memory_space<hbm>>
      tpu.wait_indirect_dma semaphore(%arg9 : memref<!tpu.dma_semaphore, #tpu.memory_space<semaphore_mem>>) src(%dma_wait3A_938 : memref<1000000x64xf32, #tpu.memory_space<hbm>>) dst(%dma_wait3A_932 : memref<26x64xf32, #tpu.memory_space<vmem>>)
      %dma_wait3A_939 = arith.constant 0 : i32
      %dma_wait3A_940 = arith.constant 10 : i32
      %dma_wait3A_941 = arith.constant 0 : i32
      %dma_wait3A_942 = arith.constant 0 : i32
      %dma_wait3A_943 = tpu.memref_slice %arg7[%dma_wait3A_940, %dma_wait3A_941, %dma_wait3A_942] : memref<32x26x64xf32, #tpu.memory_space<vmem>> -> memref<1x26x64xf32, #tpu.memory_space<vmem>>
      %dma_wait3A_944 = tpu.memref_squeeze %dma_wait3A_943 : memref<1x26x64xf32, #tpu.memory_space<vmem>> -> memref<26x64xf32, #tpu.memory_space<vmem>>
      %dma_wait3A_945 = arith.constant 0 : i32
      %dma_wait3A_946 = tpu.memref_slice %arg5[%dma_wait3A_939, %dma_wait3A_945] : memref<512x26xi32, #tpu.memory_space<vmem>> -> memref<1x26xi32, #tpu.memory_space<vmem>>
      %dma_wait3A_947 = tpu.memref_squeeze %dma_wait3A_946 : memref<1x26xi32, #tpu.memory_space<vmem>> -> memref<26xi32, #tpu.memory_space<vmem>>
      %dma_wait3A_948 = arith.constant 0 : i32
      %dma_wait3A_949 = arith.constant 0 : i32
      %dma_wait3A_950 = tpu.memref_slice %arg2[%dma_wait3A_948, %dma_wait3A_949] : memref<1000000x64xf32, #tpu.memory_space<hbm>> -> memref<1000000x64xf32, #tpu.memory_space<hbm>>
      tpu.wait_indirect_dma semaphore(%arg9 : memref<!tpu.dma_semaphore, #tpu.memory_space<semaphore_mem>>) src(%dma_wait3A_950 : memref<1000000x64xf32, #tpu.memory_space<hbm>>) dst(%dma_wait3A_944 : memref<26x64xf32, #tpu.memory_space<vmem>>)
      %dma_wait3A_951 = arith.constant 0 : i32
      %dma_wait3A_952 = arith.constant 11 : i32
      %dma_wait3A_953 = arith.constant 0 : i32
      %dma_wait3A_954 = arith.constant 0 : i32
      %dma_wait3A_955 = tpu.memref_slice %arg7[%dma_wait3A_952, %dma_wait3A_953, %dma_wait3A_954] : memref<32x26x64xf32, #tpu.memory_space<vmem>> -> memref<1x26x64xf32, #tpu.memory_space<vmem>>
      %dma_wait3A_956 = tpu.memref_squeeze %dma_wait3A_955 : memref<1x26x64xf32, #tpu.memory_space<vmem>> -> memref<26x64xf32, #tpu.memory_space<vmem>>
      %dma_wait3A_957 = arith.constant 0 : i32
      %dma_wait3A_958 = tpu.memref_slice %arg5[%dma_wait3A_951, %dma_wait3A_957] : memref<512x26xi32, #tpu.memory_space<vmem>> -> memref<1x26xi32, #tpu.memory_space<vmem>>
      %dma_wait3A_959 = tpu.memref_squeeze %dma_wait3A_958 : memref<1x26xi32, #tpu.memory_space<vmem>> -> memref<26xi32, #tpu.memory_space<vmem>>
      %dma_wait3A_960 = arith.constant 0 : i32
      %dma_wait3A_961 = arith.constant 0 : i32
      %dma_wait3A_962 = tpu.memref_slice %arg2[%dma_wait3A_960, %dma_wait3A_961] : memref<1000000x64xf32, #tpu.memory_space<hbm>> -> memref<1000000x64xf32, #tpu.memory_space<hbm>>
      tpu.wait_indirect_dma semaphore(%arg9 : memref<!tpu.dma_semaphore, #tpu.memory_space<semaphore_mem>>) src(%dma_wait3A_962 : memref<1000000x64xf32, #tpu.memory_space<hbm>>) dst(%dma_wait3A_956 : memref<26x64xf32, #tpu.memory_space<vmem>>)
      %dma_wait3A_963 = arith.constant 0 : i32
      %dma_wait3A_964 = arith.constant 12 : i32
      %dma_wait3A_965 = arith.constant 0 : i32
      %dma_wait3A_966 = arith.constant 0 : i32
      %dma_wait3A_967 = tpu.memref_slice %arg7[%dma_wait3A_964, %dma_wait3A_965, %dma_wait3A_966] : memref<32x26x64xf32, #tpu.memory_space<vmem>> -> memref<1x26x64xf32, #tpu.memory_space<vmem>>
      %dma_wait3A_968 = tpu.memref_squeeze %dma_wait3A_967 : memref<1x26x64xf32, #tpu.memory_space<vmem>> -> memref<26x64xf32, #tpu.memory_space<vmem>>
      %dma_wait3A_969 = arith.constant 0 : i32
      %dma_wait3A_970 = tpu.memref_slice %arg5[%dma_wait3A_963, %dma_wait3A_969] : memref<512x26xi32, #tpu.memory_space<vmem>> -> memref<1x26xi32, #tpu.memory_space<vmem>>
      %dma_wait3A_971 = tpu.memref_squeeze %dma_wait3A_970 : memref<1x26xi32, #tpu.memory_space<vmem>> -> memref<26xi32, #tpu.memory_space<vmem>>
      %dma_wait3A_972 = arith.constant 0 : i32
      %dma_wait3A_973 = arith.constant 0 : i32
      %dma_wait3A_974 = tpu.memref_slice %arg2[%dma_wait3A_972, %dma_wait3A_973] : memref<1000000x64xf32, #tpu.memory_space<hbm>> -> memref<1000000x64xf32, #tpu.memory_space<hbm>>
      tpu.wait_indirect_dma semaphore(%arg9 : memref<!tpu.dma_semaphore, #tpu.memory_space<semaphore_mem>>) src(%dma_wait3A_974 : memref<1000000x64xf32, #tpu.memory_space<hbm>>) dst(%dma_wait3A_968 : memref<26x64xf32, #tpu.memory_space<vmem>>)
      %dma_wait3A_975 = arith.constant 0 : i32
      %dma_wait3A_976 = arith.constant 13 : i32
      %dma_wait3A_977 = arith.constant 0 : i32
      %dma_wait3A_978 = arith.constant 0 : i32
      %dma_wait3A_979 = tpu.memref_slice %arg7[%dma_wait3A_976, %dma_wait3A_977, %dma_wait3A_978] : memref<32x26x64xf32, #tpu.memory_space<vmem>> -> memref<1x26x64xf32, #tpu.memory_space<vmem>>
      %dma_wait3A_980 = tpu.memref_squeeze %dma_wait3A_979 : memref<1x26x64xf32, #tpu.memory_space<vmem>> -> memref<26x64xf32, #tpu.memory_space<vmem>>
      %dma_wait3A_981 = arith.constant 0 : i32
      %dma_wait3A_982 = tpu.memref_slice %arg5[%dma_wait3A_975, %dma_wait3A_981] : memref<512x26xi32, #tpu.memory_space<vmem>> -> memref<1x26xi32, #tpu.memory_space<vmem>>
      %dma_wait3A_983 = tpu.memref_squeeze %dma_wait3A_982 : memref<1x26xi32, #tpu.memory_space<vmem>> -> memref<26xi32, #tpu.memory_space<vmem>>
      %dma_wait3A_984 = arith.constant 0 : i32
      %dma_wait3A_985 = arith.constant 0 : i32
      %dma_wait3A_986 = tpu.memref_slice %arg2[%dma_wait3A_984, %dma_wait3A_985] : memref<1000000x64xf32, #tpu.memory_space<hbm>> -> memref<1000000x64xf32, #tpu.memory_space<hbm>>
      tpu.wait_indirect_dma semaphore(%arg9 : memref<!tpu.dma_semaphore, #tpu.memory_space<semaphore_mem>>) src(%dma_wait3A_986 : memref<1000000x64xf32, #tpu.memory_space<hbm>>) dst(%dma_wait3A_980 : memref<26x64xf32, #tpu.memory_space<vmem>>)
      %dma_wait3A_987 = arith.constant 0 : i32
      %dma_wait3A_988 = arith.constant 14 : i32
      %dma_wait3A_989 = arith.constant 0 : i32
      %dma_wait3A_990 = arith.constant 0 : i32
      %dma_wait3A_991 = tpu.memref_slice %arg7[%dma_wait3A_988, %dma_wait3A_989, %dma_wait3A_990] : memref<32x26x64xf32, #tpu.memory_space<vmem>> -> memref<1x26x64xf32, #tpu.memory_space<vmem>>
      %dma_wait3A_992 = tpu.memref_squeeze %dma_wait3A_991 : memref<1x26x64xf32, #tpu.memory_space<vmem>> -> memref<26x64xf32, #tpu.memory_space<vmem>>
      %dma_wait3A_993 = arith.constant 0 : i32
      %dma_wait3A_994 = tpu.memref_slice %arg5[%dma_wait3A_987, %dma_wait3A_993] : memref<512x26xi32, #tpu.memory_space<vmem>> -> memref<1x26xi32, #tpu.memory_space<vmem>>
      %dma_wait3A_995 = tpu.memref_squeeze %dma_wait3A_994 : memref<1x26xi32, #tpu.memory_space<vmem>> -> memref<26xi32, #tpu.memory_space<vmem>>
      %dma_wait3A_996 = arith.constant 0 : i32
      %dma_wait3A_997 = arith.constant 0 : i32
      %dma_wait3A_998 = tpu.memref_slice %arg2[%dma_wait3A_996, %dma_wait3A_997] : memref<1000000x64xf32, #tpu.memory_space<hbm>> -> memref<1000000x64xf32, #tpu.memory_space<hbm>>
      tpu.wait_indirect_dma semaphore(%arg9 : memref<!tpu.dma_semaphore, #tpu.memory_space<semaphore_mem>>) src(%dma_wait3A_998 : memref<1000000x64xf32, #tpu.memory_space<hbm>>) dst(%dma_wait3A_992 : memref<26x64xf32, #tpu.memory_space<vmem>>)
      %dma_wait3A_999 = arith.constant 0 : i32
      %dma_wait3A_1000 = arith.constant 15 : i32
      %dma_wait3A_1001 = arith.constant 0 : i32
      %dma_wait3A_1002 = arith.constant 0 : i32
      %dma_wait3A_1003 = tpu.memref_slice %arg7[%dma_wait3A_1000, %dma_wait3A_1001, %dma_wait3A_1002] : memref<32x26x64xf32, #tpu.memory_space<vmem>> -> memref<1x26x64xf32, #tpu.memory_space<vmem>>
      %dma_wait3A_1004 = tpu.memref_squeeze %dma_wait3A_1003 : memref<1x26x64xf32, #tpu.memory_space<vmem>> -> memref<26x64xf32, #tpu.memory_space<vmem>>
      %dma_wait3A_1005 = arith.constant 0 : i32
      %dma_wait3A_1006 = tpu.memref_slice %arg5[%dma_wait3A_999, %dma_wait3A_1005] : memref<512x26xi32, #tpu.memory_space<vmem>> -> memref<1x26xi32, #tpu.memory_space<vmem>>
      %dma_wait3A_1007 = tpu.memref_squeeze %dma_wait3A_1006 : memref<1x26xi32, #tpu.memory_space<vmem>> -> memref<26xi32, #tpu.memory_space<vmem>>
      %dma_wait3A_1008 = arith.constant 0 : i32
      %dma_wait3A_1009 = arith.constant 0 : i32
      %dma_wait3A_1010 = tpu.memref_slice %arg2[%dma_wait3A_1008, %dma_wait3A_1009] : memref<1000000x64xf32, #tpu.memory_space<hbm>> -> memref<1000000x64xf32, #tpu.memory_space<hbm>>
      tpu.wait_indirect_dma semaphore(%arg9 : memref<!tpu.dma_semaphore, #tpu.memory_space<semaphore_mem>>) src(%dma_wait3A_1010 : memref<1000000x64xf32, #tpu.memory_space<hbm>>) dst(%dma_wait3A_1004 : memref<26x64xf32, #tpu.memory_space<vmem>>)
      %dma_wait3A_1011 = arith.constant 0 : i32
      %dma_wait3A_1012 = arith.constant 16 : i32
      %dma_wait3A_1013 = arith.constant 0 : i32
      %dma_wait3A_1014 = arith.constant 0 : i32
      %dma_wait3A_1015 = tpu.memref_slice %arg7[%dma_wait3A_1012, %dma_wait3A_1013, %dma_wait3A_1014] : memref<32x26x64xf32, #tpu.memory_space<vmem>> -> memref<1x26x64xf32, #tpu.memory_space<vmem>>
      %dma_wait3A_1016 = tpu.memref_squeeze %dma_wait3A_1015 : memref<1x26x64xf32, #tpu.memory_space<vmem>> -> memref<26x64xf32, #tpu.memory_space<vmem>>
      %dma_wait3A_1017 = arith.constant 0 : i32
      %dma_wait3A_1018 = tpu.memref_slice %arg5[%dma_wait3A_1011, %dma_wait3A_1017] : memref<512x26xi32, #tpu.memory_space<vmem>> -> memref<1x26xi32, #tpu.memory_space<vmem>>
      %dma_wait3A_1019 = tpu.memref_squeeze %dma_wait3A_1018 : memref<1x26xi32, #tpu.memory_space<vmem>> -> memref<26xi32, #tpu.memory_space<vmem>>
      %dma_wait3A_1020 = arith.constant 0 : i32
      %dma_wait3A_1021 = arith.constant 0 : i32
      %dma_wait3A_1022 = tpu.memref_slice %arg2[%dma_wait3A_1020, %dma_wait3A_1021] : memref<1000000x64xf32, #tpu.memory_space<hbm>> -> memref<1000000x64xf32, #tpu.memory_space<hbm>>
      tpu.wait_indirect_dma semaphore(%arg9 : memref<!tpu.dma_semaphore, #tpu.memory_space<semaphore_mem>>) src(%dma_wait3A_1022 : memref<1000000x64xf32, #tpu.memory_space<hbm>>) dst(%dma_wait3A_1016 : memref<26x64xf32, #tpu.memory_space<vmem>>)
      %dma_wait3A_1023 = arith.constant 0 : i32
      %dma_wait3A_1024 = arith.constant 17 : i32
      %dma_wait3A_1025 = arith.constant 0 : i32
      %dma_wait3A_1026 = arith.constant 0 : i32
      %dma_wait3A_1027 = tpu.memref_slice %arg7[%dma_wait3A_1024, %dma_wait3A_1025, %dma_wait3A_1026] : memref<32x26x64xf32, #tpu.memory_space<vmem>> -> memref<1x26x64xf32, #tpu.memory_space<vmem>>
      %dma_wait3A_1028 = tpu.memref_squeeze %dma_wait3A_1027 : memref<1x26x64xf32, #tpu.memory_space<vmem>> -> memref<26x64xf32, #tpu.memory_space<vmem>>
      %dma_wait3A_1029 = arith.constant 0 : i32
      %dma_wait3A_1030 = tpu.memref_slice %arg5[%dma_wait3A_1023, %dma_wait3A_1029] : memref<512x26xi32, #tpu.memory_space<vmem>> -> memref<1x26xi32, #tpu.memory_space<vmem>>
      %dma_wait3A_1031 = tpu.memref_squeeze %dma_wait3A_1030 : memref<1x26xi32, #tpu.memory_space<vmem>> -> memref<26xi32, #tpu.memory_space<vmem>>
      %dma_wait3A_1032 = arith.constant 0 : i32
      %dma_wait3A_1033 = arith.constant 0 : i32
      %dma_wait3A_1034 = tpu.memref_slice %arg2[%dma_wait3A_1032, %dma_wait3A_1033] : memref<1000000x64xf32, #tpu.memory_space<hbm>> -> memref<1000000x64xf32, #tpu.memory_space<hbm>>
      tpu.wait_indirect_dma semaphore(%arg9 : memref<!tpu.dma_semaphore, #tpu.memory_space<semaphore_mem>>) src(%dma_wait3A_1034 : memref<1000000x64xf32, #tpu.memory_space<hbm>>) dst(%dma_wait3A_1028 : memref<26x64xf32, #tpu.memory_space<vmem>>)
      %dma_wait3A_1035 = arith.constant 0 : i32
      %dma_wait3A_1036 = arith.constant 18 : i32
      %dma_wait3A_1037 = arith.constant 0 : i32
      %dma_wait3A_1038 = arith.constant 0 : i32
      %dma_wait3A_1039 = tpu.memref_slice %arg7[%dma_wait3A_1036, %dma_wait3A_1037, %dma_wait3A_1038] : memref<32x26x64xf32, #tpu.memory_space<vmem>> -> memref<1x26x64xf32, #tpu.memory_space<vmem>>
      %dma_wait3A_1040 = tpu.memref_squeeze %dma_wait3A_1039 : memref<1x26x64xf32, #tpu.memory_space<vmem>> -> memref<26x64xf32, #tpu.memory_space<vmem>>
      %dma_wait3A_1041 = arith.constant 0 : i32
      %dma_wait3A_1042 = tpu.memref_slice %arg5[%dma_wait3A_1035, %dma_wait3A_1041] : memref<512x26xi32, #tpu.memory_space<vmem>> -> memref<1x26xi32, #tpu.memory_space<vmem>>
      %dma_wait3A_1043 = tpu.memref_squeeze %dma_wait3A_1042 : memref<1x26xi32, #tpu.memory_space<vmem>> -> memref<26xi32, #tpu.memory_space<vmem>>
      %dma_wait3A_1044 = arith.constant 0 : i32
      %dma_wait3A_1045 = arith.constant 0 : i32
      %dma_wait3A_1046 = tpu.memref_slice %arg2[%dma_wait3A_1044, %dma_wait3A_1045] : memref<1000000x64xf32, #tpu.memory_space<hbm>> -> memref<1000000x64xf32, #tpu.memory_space<hbm>>
      tpu.wait_indirect_dma semaphore(%arg9 : memref<!tpu.dma_semaphore, #tpu.memory_space<semaphore_mem>>) src(%dma_wait3A_1046 : memref<1000000x64xf32, #tpu.memory_space<hbm>>) dst(%dma_wait3A_1040 : memref<26x64xf32, #tpu.memory_space<vmem>>)
      %dma_wait3A_1047 = arith.constant 0 : i32
      %dma_wait3A_1048 = arith.constant 19 : i32
      %dma_wait3A_1049 = arith.constant 0 : i32
      %dma_wait3A_1050 = arith.constant 0 : i32
      %dma_wait3A_1051 = tpu.memref_slice %arg7[%dma_wait3A_1048, %dma_wait3A_1049, %dma_wait3A_1050] : memref<32x26x64xf32, #tpu.memory_space<vmem>> -> memref<1x26x64xf32, #tpu.memory_space<vmem>>
      %dma_wait3A_1052 = tpu.memref_squeeze %dma_wait3A_1051 : memref<1x26x64xf32, #tpu.memory_space<vmem>> -> memref<26x64xf32, #tpu.memory_space<vmem>>
      %dma_wait3A_1053 = arith.constant 0 : i32
      %dma_wait3A_1054 = tpu.memref_slice %arg5[%dma_wait3A_1047, %dma_wait3A_1053] : memref<512x26xi32, #tpu.memory_space<vmem>> -> memref<1x26xi32, #tpu.memory_space<vmem>>
      %dma_wait3A_1055 = tpu.memref_squeeze %dma_wait3A_1054 : memref<1x26xi32, #tpu.memory_space<vmem>> -> memref<26xi32, #tpu.memory_space<vmem>>
      %dma_wait3A_1056 = arith.constant 0 : i32
      %dma_wait3A_1057 = arith.constant 0 : i32
      %dma_wait3A_1058 = tpu.memref_slice %arg2[%dma_wait3A_1056, %dma_wait3A_1057] : memref<1000000x64xf32, #tpu.memory_space<hbm>> -> memref<1000000x64xf32, #tpu.memory_space<hbm>>
      tpu.wait_indirect_dma semaphore(%arg9 : memref<!tpu.dma_semaphore, #tpu.memory_space<semaphore_mem>>) src(%dma_wait3A_1058 : memref<1000000x64xf32, #tpu.memory_space<hbm>>) dst(%dma_wait3A_1052 : memref<26x64xf32, #tpu.memory_space<vmem>>)
      %dma_wait3A_1059 = arith.constant 0 : i32
      %dma_wait3A_1060 = arith.constant 20 : i32
      %dma_wait3A_1061 = arith.constant 0 : i32
      %dma_wait3A_1062 = arith.constant 0 : i32
      %dma_wait3A_1063 = tpu.memref_slice %arg7[%dma_wait3A_1060, %dma_wait3A_1061, %dma_wait3A_1062] : memref<32x26x64xf32, #tpu.memory_space<vmem>> -> memref<1x26x64xf32, #tpu.memory_space<vmem>>
      %dma_wait3A_1064 = tpu.memref_squeeze %dma_wait3A_1063 : memref<1x26x64xf32, #tpu.memory_space<vmem>> -> memref<26x64xf32, #tpu.memory_space<vmem>>
      %dma_wait3A_1065 = arith.constant 0 : i32
      %dma_wait3A_1066 = tpu.memref_slice %arg5[%dma_wait3A_1059, %dma_wait3A_1065] : memref<512x26xi32, #tpu.memory_space<vmem>> -> memref<1x26xi32, #tpu.memory_space<vmem>>
      %dma_wait3A_1067 = tpu.memref_squeeze %dma_wait3A_1066 : memref<1x26xi32, #tpu.memory_space<vmem>> -> memref<26xi32, #tpu.memory_space<vmem>>
      %dma_wait3A_1068 = arith.constant 0 : i32
      %dma_wait3A_1069 = arith.constant 0 : i32
      %dma_wait3A_1070 = tpu.memref_slice %arg2[%dma_wait3A_1068, %dma_wait3A_1069] : memref<1000000x64xf32, #tpu.memory_space<hbm>> -> memref<1000000x64xf32, #tpu.memory_space<hbm>>
      tpu.wait_indirect_dma semaphore(%arg9 : memref<!tpu.dma_semaphore, #tpu.memory_space<semaphore_mem>>) src(%dma_wait3A_1070 : memref<1000000x64xf32, #tpu.memory_space<hbm>>) dst(%dma_wait3A_1064 : memref<26x64xf32, #tpu.memory_space<vmem>>)
      %dma_wait3A_1071 = arith.constant 0 : i32
      %dma_wait3A_1072 = arith.constant 21 : i32
      %dma_wait3A_1073 = arith.constant 0 : i32
      %dma_wait3A_1074 = arith.constant 0 : i32
      %dma_wait3A_1075 = tpu.memref_slice %arg7[%dma_wait3A_1072, %dma_wait3A_1073, %dma_wait3A_1074] : memref<32x26x64xf32, #tpu.memory_space<vmem>> -> memref<1x26x64xf32, #tpu.memory_space<vmem>>
      %dma_wait3A_1076 = tpu.memref_squeeze %dma_wait3A_1075 : memref<1x26x64xf32, #tpu.memory_space<vmem>> -> memref<26x64xf32, #tpu.memory_space<vmem>>
      %dma_wait3A_1077 = arith.constant 0 : i32
      %dma_wait3A_1078 = tpu.memref_slice %arg5[%dma_wait3A_1071, %dma_wait3A_1077] : memref<512x26xi32, #tpu.memory_space<vmem>> -> memref<1x26xi32, #tpu.memory_space<vmem>>
      %dma_wait3A_1079 = tpu.memref_squeeze %dma_wait3A_1078 : memref<1x26xi32, #tpu.memory_space<vmem>> -> memref<26xi32, #tpu.memory_space<vmem>>
      %dma_wait3A_1080 = arith.constant 0 : i32
      %dma_wait3A_1081 = arith.constant 0 : i32
      %dma_wait3A_1082 = tpu.memref_slice %arg2[%dma_wait3A_1080, %dma_wait3A_1081] : memref<1000000x64xf32, #tpu.memory_space<hbm>> -> memref<1000000x64xf32, #tpu.memory_space<hbm>>
      tpu.wait_indirect_dma semaphore(%arg9 : memref<!tpu.dma_semaphore, #tpu.memory_space<semaphore_mem>>) src(%dma_wait3A_1082 : memref<1000000x64xf32, #tpu.memory_space<hbm>>) dst(%dma_wait3A_1076 : memref<26x64xf32, #tpu.memory_space<vmem>>)
      %dma_wait3A_1083 = arith.constant 0 : i32
      %dma_wait3A_1084 = arith.constant 22 : i32
      %dma_wait3A_1085 = arith.constant 0 : i32
      %dma_wait3A_1086 = arith.constant 0 : i32
      %dma_wait3A_1087 = tpu.memref_slice %arg7[%dma_wait3A_1084, %dma_wait3A_1085, %dma_wait3A_1086] : memref<32x26x64xf32, #tpu.memory_space<vmem>> -> memref<1x26x64xf32, #tpu.memory_space<vmem>>
      %dma_wait3A_1088 = tpu.memref_squeeze %dma_wait3A_1087 : memref<1x26x64xf32, #tpu.memory_space<vmem>> -> memref<26x64xf32, #tpu.memory_space<vmem>>
      %dma_wait3A_1089 = arith.constant 0 : i32
      %dma_wait3A_1090 = tpu.memref_slice %arg5[%dma_wait3A_1083, %dma_wait3A_1089] : memref<512x26xi32, #tpu.memory_space<vmem>> -> memref<1x26xi32, #tpu.memory_space<vmem>>
      %dma_wait3A_1091 = tpu.memref_squeeze %dma_wait3A_1090 : memref<1x26xi32, #tpu.memory_space<vmem>> -> memref<26xi32, #tpu.memory_space<vmem>>
      %dma_wait3A_1092 = arith.constant 0 : i32
      %dma_wait3A_1093 = arith.constant 0 : i32
      %dma_wait3A_1094 = tpu.memref_slice %arg2[%dma_wait3A_1092, %dma_wait3A_1093] : memref<1000000x64xf32, #tpu.memory_space<hbm>> -> memref<1000000x64xf32, #tpu.memory_space<hbm>>
      tpu.wait_indirect_dma semaphore(%arg9 : memref<!tpu.dma_semaphore, #tpu.memory_space<semaphore_mem>>) src(%dma_wait3A_1094 : memref<1000000x64xf32, #tpu.memory_space<hbm>>) dst(%dma_wait3A_1088 : memref<26x64xf32, #tpu.memory_space<vmem>>)
      %dma_wait3A_1095 = arith.constant 0 : i32
      %dma_wait3A_1096 = arith.constant 23 : i32
      %dma_wait3A_1097 = arith.constant 0 : i32
      %dma_wait3A_1098 = arith.constant 0 : i32
      %dma_wait3A_1099 = tpu.memref_slice %arg7[%dma_wait3A_1096, %dma_wait3A_1097, %dma_wait3A_1098] : memref<32x26x64xf32, #tpu.memory_space<vmem>> -> memref<1x26x64xf32, #tpu.memory_space<vmem>>
      %dma_wait3A_1100 = tpu.memref_squeeze %dma_wait3A_1099 : memref<1x26x64xf32, #tpu.memory_space<vmem>> -> memref<26x64xf32, #tpu.memory_space<vmem>>
      %dma_wait3A_1101 = arith.constant 0 : i32
      %dma_wait3A_1102 = tpu.memref_slice %arg5[%dma_wait3A_1095, %dma_wait3A_1101] : memref<512x26xi32, #tpu.memory_space<vmem>> -> memref<1x26xi32, #tpu.memory_space<vmem>>
      %dma_wait3A_1103 = tpu.memref_squeeze %dma_wait3A_1102 : memref<1x26xi32, #tpu.memory_space<vmem>> -> memref<26xi32, #tpu.memory_space<vmem>>
      %dma_wait3A_1104 = arith.constant 0 : i32
      %dma_wait3A_1105 = arith.constant 0 : i32
      %dma_wait3A_1106 = tpu.memref_slice %arg2[%dma_wait3A_1104, %dma_wait3A_1105] : memref<1000000x64xf32, #tpu.memory_space<hbm>> -> memref<1000000x64xf32, #tpu.memory_space<hbm>>
      tpu.wait_indirect_dma semaphore(%arg9 : memref<!tpu.dma_semaphore, #tpu.memory_space<semaphore_mem>>) src(%dma_wait3A_1106 : memref<1000000x64xf32, #tpu.memory_space<hbm>>) dst(%dma_wait3A_1100 : memref<26x64xf32, #tpu.memory_space<vmem>>)
      %dma_wait3A_1107 = arith.constant 0 : i32
      %dma_wait3A_1108 = arith.constant 24 : i32
      %dma_wait3A_1109 = arith.constant 0 : i32
      %dma_wait3A_1110 = arith.constant 0 : i32
      %dma_wait3A_1111 = tpu.memref_slice %arg7[%dma_wait3A_1108, %dma_wait3A_1109, %dma_wait3A_1110] : memref<32x26x64xf32, #tpu.memory_space<vmem>> -> memref<1x26x64xf32, #tpu.memory_space<vmem>>
      %dma_wait3A_1112 = tpu.memref_squeeze %dma_wait3A_1111 : memref<1x26x64xf32, #tpu.memory_space<vmem>> -> memref<26x64xf32, #tpu.memory_space<vmem>>
      %dma_wait3A_1113 = arith.constant 0 : i32
      %dma_wait3A_1114 = tpu.memref_slice %arg5[%dma_wait3A_1107, %dma_wait3A_1113] : memref<512x26xi32, #tpu.memory_space<vmem>> -> memref<1x26xi32, #tpu.memory_space<vmem>>
      %dma_wait3A_1115 = tpu.memref_squeeze %dma_wait3A_1114 : memref<1x26xi32, #tpu.memory_space<vmem>> -> memref<26xi32, #tpu.memory_space<vmem>>
      %dma_wait3A_1116 = arith.constant 0 : i32
      %dma_wait3A_1117 = arith.constant 0 : i32
      %dma_wait3A_1118 = tpu.memref_slice %arg2[%dma_wait3A_1116, %dma_wait3A_1117] : memref<1000000x64xf32, #tpu.memory_space<hbm>> -> memref<1000000x64xf32, #tpu.memory_space<hbm>>
      tpu.wait_indirect_dma semaphore(%arg9 : memref<!tpu.dma_semaphore, #tpu.memory_space<semaphore_mem>>) src(%dma_wait3A_1118 : memref<1000000x64xf32, #tpu.memory_space<hbm>>) dst(%dma_wait3A_1112 : memref<26x64xf32, #tpu.memory_space<vmem>>)
      %dma_wait3A_1119 = arith.constant 0 : i32
      %dma_wait3A_1120 = arith.constant 25 : i32
      %dma_wait3A_1121 = arith.constant 0 : i32
      %dma_wait3A_1122 = arith.constant 0 : i32
      %dma_wait3A_1123 = tpu.memref_slice %arg7[%dma_wait3A_1120, %dma_wait3A_1121, %dma_wait3A_1122] : memref<32x26x64xf32, #tpu.memory_space<vmem>> -> memref<1x26x64xf32, #tpu.memory_space<vmem>>
      %dma_wait3A_1124 = tpu.memref_squeeze %dma_wait3A_1123 : memref<1x26x64xf32, #tpu.memory_space<vmem>> -> memref<26x64xf32, #tpu.memory_space<vmem>>
      %dma_wait3A_1125 = arith.constant 0 : i32
      %dma_wait3A_1126 = tpu.memref_slice %arg5[%dma_wait3A_1119, %dma_wait3A_1125] : memref<512x26xi32, #tpu.memory_space<vmem>> -> memref<1x26xi32, #tpu.memory_space<vmem>>
      %dma_wait3A_1127 = tpu.memref_squeeze %dma_wait3A_1126 : memref<1x26xi32, #tpu.memory_space<vmem>> -> memref<26xi32, #tpu.memory_space<vmem>>
      %dma_wait3A_1128 = arith.constant 0 : i32
      %dma_wait3A_1129 = arith.constant 0 : i32
      %dma_wait3A_1130 = tpu.memref_slice %arg2[%dma_wait3A_1128, %dma_wait3A_1129] : memref<1000000x64xf32, #tpu.memory_space<hbm>> -> memref<1000000x64xf32, #tpu.memory_space<hbm>>
      tpu.wait_indirect_dma semaphore(%arg9 : memref<!tpu.dma_semaphore, #tpu.memory_space<semaphore_mem>>) src(%dma_wait3A_1130 : memref<1000000x64xf32, #tpu.memory_space<hbm>>) dst(%dma_wait3A_1124 : memref<26x64xf32, #tpu.memory_space<vmem>>)
      %dma_wait3A_1131 = arith.constant 0 : i32
      %dma_wait3A_1132 = arith.constant 26 : i32
      %dma_wait3A_1133 = arith.constant 0 : i32
      %dma_wait3A_1134 = arith.constant 0 : i32
      %dma_wait3A_1135 = tpu.memref_slice %arg7[%dma_wait3A_1132, %dma_wait3A_1133, %dma_wait3A_1134] : memref<32x26x64xf32, #tpu.memory_space<vmem>> -> memref<1x26x64xf32, #tpu.memory_space<vmem>>
      %dma_wait3A_1136 = tpu.memref_squeeze %dma_wait3A_1135 : memref<1x26x64xf32, #tpu.memory_space<vmem>> -> memref<26x64xf32, #tpu.memory_space<vmem>>
      %dma_wait3A_1137 = arith.constant 0 : i32
      %dma_wait3A_1138 = tpu.memref_slice %arg5[%dma_wait3A_1131, %dma_wait3A_1137] : memref<512x26xi32, #tpu.memory_space<vmem>> -> memref<1x26xi32, #tpu.memory_space<vmem>>
      %dma_wait3A_1139 = tpu.memref_squeeze %dma_wait3A_1138 : memref<1x26xi32, #tpu.memory_space<vmem>> -> memref<26xi32, #tpu.memory_space<vmem>>
      %dma_wait3A_1140 = arith.constant 0 : i32
      %dma_wait3A_1141 = arith.constant 0 : i32
      %dma_wait3A_1142 = tpu.memref_slice %arg2[%dma_wait3A_1140, %dma_wait3A_1141] : memref<1000000x64xf32, #tpu.memory_space<hbm>> -> memref<1000000x64xf32, #tpu.memory_space<hbm>>
      tpu.wait_indirect_dma semaphore(%arg9 : memref<!tpu.dma_semaphore, #tpu.memory_space<semaphore_mem>>) src(%dma_wait3A_1142 : memref<1000000x64xf32, #tpu.memory_space<hbm>>) dst(%dma_wait3A_1136 : memref<26x64xf32, #tpu.memory_space<vmem>>)
      %dma_wait3A_1143 = arith.constant 0 : i32
      %dma_wait3A_1144 = arith.constant 27 : i32
      %dma_wait3A_1145 = arith.constant 0 : i32
      %dma_wait3A_1146 = arith.constant 0 : i32
      %dma_wait3A_1147 = tpu.memref_slice %arg7[%dma_wait3A_1144, %dma_wait3A_1145, %dma_wait3A_1146] : memref<32x26x64xf32, #tpu.memory_space<vmem>> -> memref<1x26x64xf32, #tpu.memory_space<vmem>>
      %dma_wait3A_1148 = tpu.memref_squeeze %dma_wait3A_1147 : memref<1x26x64xf32, #tpu.memory_space<vmem>> -> memref<26x64xf32, #tpu.memory_space<vmem>>
      %dma_wait3A_1149 = arith.constant 0 : i32
      %dma_wait3A_1150 = tpu.memref_slice %arg5[%dma_wait3A_1143, %dma_wait3A_1149] : memref<512x26xi32, #tpu.memory_space<vmem>> -> memref<1x26xi32, #tpu.memory_space<vmem>>
      %dma_wait3A_1151 = tpu.memref_squeeze %dma_wait3A_1150 : memref<1x26xi32, #tpu.memory_space<vmem>> -> memref<26xi32, #tpu.memory_space<vmem>>
      %dma_wait3A_1152 = arith.constant 0 : i32
      %dma_wait3A_1153 = arith.constant 0 : i32
      %dma_wait3A_1154 = tpu.memref_slice %arg2[%dma_wait3A_1152, %dma_wait3A_1153] : memref<1000000x64xf32, #tpu.memory_space<hbm>> -> memref<1000000x64xf32, #tpu.memory_space<hbm>>
      tpu.wait_indirect_dma semaphore(%arg9 : memref<!tpu.dma_semaphore, #tpu.memory_space<semaphore_mem>>) src(%dma_wait3A_1154 : memref<1000000x64xf32, #tpu.memory_space<hbm>>) dst(%dma_wait3A_1148 : memref<26x64xf32, #tpu.memory_space<vmem>>)
      %dma_wait3A_1155 = arith.constant 0 : i32
      %dma_wait3A_1156 = arith.constant 28 : i32
      %dma_wait3A_1157 = arith.constant 0 : i32
      %dma_wait3A_1158 = arith.constant 0 : i32
      %dma_wait3A_1159 = tpu.memref_slice %arg7[%dma_wait3A_1156, %dma_wait3A_1157, %dma_wait3A_1158] : memref<32x26x64xf32, #tpu.memory_space<vmem>> -> memref<1x26x64xf32, #tpu.memory_space<vmem>>
      %dma_wait3A_1160 = tpu.memref_squeeze %dma_wait3A_1159 : memref<1x26x64xf32, #tpu.memory_space<vmem>> -> memref<26x64xf32, #tpu.memory_space<vmem>>
      %dma_wait3A_1161 = arith.constant 0 : i32
      %dma_wait3A_1162 = tpu.memref_slice %arg5[%dma_wait3A_1155, %dma_wait3A_1161] : memref<512x26xi32, #tpu.memory_space<vmem>> -> memref<1x26xi32, #tpu.memory_space<vmem>>
      %dma_wait3A_1163 = tpu.memref_squeeze %dma_wait3A_1162 : memref<1x26xi32, #tpu.memory_space<vmem>> -> memref<26xi32, #tpu.memory_space<vmem>>
      %dma_wait3A_1164 = arith.constant 0 : i32
      %dma_wait3A_1165 = arith.constant 0 : i32
      %dma_wait3A_1166 = tpu.memref_slice %arg2[%dma_wait3A_1164, %dma_wait3A_1165] : memref<1000000x64xf32, #tpu.memory_space<hbm>> -> memref<1000000x64xf32, #tpu.memory_space<hbm>>
      tpu.wait_indirect_dma semaphore(%arg9 : memref<!tpu.dma_semaphore, #tpu.memory_space<semaphore_mem>>) src(%dma_wait3A_1166 : memref<1000000x64xf32, #tpu.memory_space<hbm>>) dst(%dma_wait3A_1160 : memref<26x64xf32, #tpu.memory_space<vmem>>)
      %dma_wait3A_1167 = arith.constant 0 : i32
      %dma_wait3A_1168 = arith.constant 29 : i32
      %dma_wait3A_1169 = arith.constant 0 : i32
      %dma_wait3A_1170 = arith.constant 0 : i32
      %dma_wait3A_1171 = tpu.memref_slice %arg7[%dma_wait3A_1168, %dma_wait3A_1169, %dma_wait3A_1170] : memref<32x26x64xf32, #tpu.memory_space<vmem>> -> memref<1x26x64xf32, #tpu.memory_space<vmem>>
      %dma_wait3A_1172 = tpu.memref_squeeze %dma_wait3A_1171 : memref<1x26x64xf32, #tpu.memory_space<vmem>> -> memref<26x64xf32, #tpu.memory_space<vmem>>
      %dma_wait3A_1173 = arith.constant 0 : i32
      %dma_wait3A_1174 = tpu.memref_slice %arg5[%dma_wait3A_1167, %dma_wait3A_1173] : memref<512x26xi32, #tpu.memory_space<vmem>> -> memref<1x26xi32, #tpu.memory_space<vmem>>
      %dma_wait3A_1175 = tpu.memref_squeeze %dma_wait3A_1174 : memref<1x26xi32, #tpu.memory_space<vmem>> -> memref<26xi32, #tpu.memory_space<vmem>>
      %dma_wait3A_1176 = arith.constant 0 : i32
      %dma_wait3A_1177 = arith.constant 0 : i32
      %dma_wait3A_1178 = tpu.memref_slice %arg2[%dma_wait3A_1176, %dma_wait3A_1177] : memref<1000000x64xf32, #tpu.memory_space<hbm>> -> memref<1000000x64xf32, #tpu.memory_space<hbm>>
      tpu.wait_indirect_dma semaphore(%arg9 : memref<!tpu.dma_semaphore, #tpu.memory_space<semaphore_mem>>) src(%dma_wait3A_1178 : memref<1000000x64xf32, #tpu.memory_space<hbm>>) dst(%dma_wait3A_1172 : memref<26x64xf32, #tpu.memory_space<vmem>>)
      %dma_wait3A_1179 = arith.constant 0 : i32
      %dma_wait3A_1180 = arith.constant 30 : i32
      %dma_wait3A_1181 = arith.constant 0 : i32
      %dma_wait3A_1182 = arith.constant 0 : i32
      %dma_wait3A_1183 = tpu.memref_slice %arg7[%dma_wait3A_1180, %dma_wait3A_1181, %dma_wait3A_1182] : memref<32x26x64xf32, #tpu.memory_space<vmem>> -> memref<1x26x64xf32, #tpu.memory_space<vmem>>
      %dma_wait3A_1184 = tpu.memref_squeeze %dma_wait3A_1183 : memref<1x26x64xf32, #tpu.memory_space<vmem>> -> memref<26x64xf32, #tpu.memory_space<vmem>>
      %dma_wait3A_1185 = arith.constant 0 : i32
      %dma_wait3A_1186 = tpu.memref_slice %arg5[%dma_wait3A_1179, %dma_wait3A_1185] : memref<512x26xi32, #tpu.memory_space<vmem>> -> memref<1x26xi32, #tpu.memory_space<vmem>>
      %dma_wait3A_1187 = tpu.memref_squeeze %dma_wait3A_1186 : memref<1x26xi32, #tpu.memory_space<vmem>> -> memref<26xi32, #tpu.memory_space<vmem>>
      %dma_wait3A_1188 = arith.constant 0 : i32
      %dma_wait3A_1189 = arith.constant 0 : i32
      %dma_wait3A_1190 = tpu.memref_slice %arg2[%dma_wait3A_1188, %dma_wait3A_1189] : memref<1000000x64xf32, #tpu.memory_space<hbm>> -> memref<1000000x64xf32, #tpu.memory_space<hbm>>
      tpu.wait_indirect_dma semaphore(%arg9 : memref<!tpu.dma_semaphore, #tpu.memory_space<semaphore_mem>>) src(%dma_wait3A_1190 : memref<1000000x64xf32, #tpu.memory_space<hbm>>) dst(%dma_wait3A_1184 : memref<26x64xf32, #tpu.memory_space<vmem>>)
      %dma_wait3A_1191 = arith.constant 0 : i32
      %dma_wait3A_1192 = arith.constant 31 : i32
      %dma_wait3A_1193 = arith.constant 0 : i32
      %dma_wait3A_1194 = arith.constant 0 : i32
      %dma_wait3A_1195 = tpu.memref_slice %arg7[%dma_wait3A_1192, %dma_wait3A_1193, %dma_wait3A_1194] : memref<32x26x64xf32, #tpu.memory_space<vmem>> -> memref<1x26x64xf32, #tpu.memory_space<vmem>>
      %dma_wait3A_1196 = tpu.memref_squeeze %dma_wait3A_1195 : memref<1x26x64xf32, #tpu.memory_space<vmem>> -> memref<26x64xf32, #tpu.memory_space<vmem>>
      %dma_wait3A_1197 = arith.constant 0 : i32
      %dma_wait3A_1198 = tpu.memref_slice %arg5[%dma_wait3A_1191, %dma_wait3A_1197] : memref<512x26xi32, #tpu.memory_space<vmem>> -> memref<1x26xi32, #tpu.memory_space<vmem>>
      %dma_wait3A_1199 = tpu.memref_squeeze %dma_wait3A_1198 : memref<1x26xi32, #tpu.memory_space<vmem>> -> memref<26xi32, #tpu.memory_space<vmem>>
      %dma_wait3A_1200 = arith.constant 0 : i32
      %dma_wait3A_1201 = arith.constant 0 : i32
      %dma_wait3A_1202 = tpu.memref_slice %arg2[%dma_wait3A_1200, %dma_wait3A_1201] : memref<1000000x64xf32, #tpu.memory_space<hbm>> -> memref<1000000x64xf32, #tpu.memory_space<hbm>>
      tpu.wait_indirect_dma semaphore(%arg9 : memref<!tpu.dma_semaphore, #tpu.memory_space<semaphore_mem>>) src(%dma_wait3A_1202 : memref<1000000x64xf32, #tpu.memory_space<hbm>>) dst(%dma_wait3A_1196 : memref<26x64xf32, #tpu.memory_space<vmem>>)
      %mul3A_1203 = arith.constant 32 : i32
      %mul3A_1204 = arith.muli %add3A_811, %mul3A_1203 : i32
      %add3A_1205 = arith.addi %mul3A_2, %mul3A_1204 : i32
      %dma_start3A_1206 = arith.constant 0 : i32
      %dma_start3A_1207 = arith.constant 0 : i32
      %dma_start3A_1208 = tpu.memref_slice %arg4[%add3A_1205, %dma_start3A_1206, %dma_start3A_1207] : memref<16384x26x64xf32, #tpu.memory_space<hbm>> -> memref<32x26x64xf32, #tpu.memory_space<hbm>>
      %dma_start3A_1209 = arith.constant 0 : i32
      %dma_start3A_1210 = arith.constant 0 : i32
      %dma_start3A_1211 = tpu.memref_slice %arg4[%add3A_1205, %dma_start3A_1209, %dma_start3A_1210] : memref<16384x26x64xf32, #tpu.memory_space<hbm>> -> memref<32x26x64xf32, #tpu.memory_space<hbm>>
      tpu.enqueue_dma source(%arg7 : memref<32x26x64xf32, #tpu.memory_space<vmem>>) target(%dma_start3A_1211 : memref<32x26x64xf32, #tpu.memory_space<hbm>>) target_semaphore(%arg11 : memref<!tpu.dma_semaphore, #tpu.memory_space<semaphore_mem>>)
    }
    %scan3A_390 = arith.constant 8 : i32
    %add3A_391 = arith.constant 0 : i32
    %add3A_392 = arith.addi %mul3A_2, %add3A_391 : i32
    %dma_wait3A = arith.constant 0 : i32
    %dma_wait3A_393 = arith.constant 0 : i32
    %dma_wait3A_394 = tpu.memref_slice %arg4[%add3A_392, %dma_wait3A, %dma_wait3A_393] : memref<16384x26x64xf32, #tpu.memory_space<hbm>> -> memref<32x26x64xf32, #tpu.memory_space<hbm>>
    %dma_wait3A_395 = arith.constant 0 : i32
    %dma_wait3A_396 = arith.constant 0 : i32
    %dma_wait3A_397 = tpu.memref_slice %arg4[%add3A_392, %dma_wait3A_395, %dma_wait3A_396] : memref<16384x26x64xf32, #tpu.memory_space<hbm>> -> memref<32x26x64xf32, #tpu.memory_space<hbm>>
    tpu.wait_dma2 semaphore(%arg10 : memref<!tpu.dma_semaphore, #tpu.memory_space<semaphore_mem>>) src(%arg6 : memref<32x26x64xf32, #tpu.memory_space<vmem>>) dst(%dma_wait3A_397 : memref<32x26x64xf32, #tpu.memory_space<hbm>>)
    %add3A_398 = arith.constant 0 : i32
    %add3A_399 = arith.addi %mul3A_2, %add3A_398 : i32
    %dma_wait3A_400 = arith.constant 0 : i32
    %dma_wait3A_401 = arith.constant 0 : i32
    %dma_wait3A_402 = tpu.memref_slice %arg4[%add3A_399, %dma_wait3A_400, %dma_wait3A_401] : memref<16384x26x64xf32, #tpu.memory_space<hbm>> -> memref<32x26x64xf32, #tpu.memory_space<hbm>>
    %dma_wait3A_403 = arith.constant 0 : i32
    %dma_wait3A_404 = arith.constant 0 : i32
    %dma_wait3A_405 = tpu.memref_slice %arg4[%add3A_399, %dma_wait3A_403, %dma_wait3A_404] : memref<16384x26x64xf32, #tpu.memory_space<hbm>> -> memref<32x26x64xf32, #tpu.memory_space<hbm>>
    tpu.wait_dma2 semaphore(%arg11 : memref<!tpu.dma_semaphore, #tpu.memory_space<semaphore_mem>>) src(%arg7 : memref<32x26x64xf32, #tpu.memory_space<vmem>>) dst(%dma_wait3A_405 : memref<32x26x64xf32, #tpu.memory_space<hbm>>)
    return
  }
}

</mosaic_0001>

<sc_bundles>
// kernel: kernel.3.cloned.1.call-start
scs
__scs_entry_jumppad:
0x0: {  	(pc) =	sbr.rel $0x88, $3  }
0x1: {  	(tag) =	ssettag $0x0;
	lr =	simm.s32 $0x1  }
0x2: {  	[smem:$0x3F9F] =	sst lr;
	_ =	strace $0xD0000000  }
0x3: {  	_ = 	snop  }
0x4: {  	_ = 	snop  }
0x5: {  	_ = 	snop  }
0x6: {  	_ = 	snop  }
0x7: {  	_ = 	snop  }
__scs_overlays_trampoline_lowered:
0x8: {  	[smem:$0x3FAE] =	sst s0  }
0x9: {  	[smem:$0x3FAF] =	sst s1  }
0xa: {  	[smem:$0x3FB0] =	sst s2  }
0xb: {  	[smem:$0x3FB1] =	sst s3  }
0xc: {  	[smem:$0x3FB2] =	sst s4  }
0xd: {  	[smem:$0x3FB3] =	sst s5  }
0xe: {  	[smem:$0x3FB4] =	sst s6  }
0xf: {  	[smem:$0x3FB5] =	sst s7  }
0x10: {  	[smem:$0x3FB6] =	sst s8  }
0x11: {  	[smem:$0x3FB7] =	sst s9;
	s0 =	simm.s32 @!p0 $0x0  }
0x12: {  	s1 =	sld [smem:$0x3F9D];
	s0 =	simm.s32 @p0 $0x1  }
0x13: {  	[smem:$0x3FB8] =	sst s0;
	s0 =	simm.s32 @!p1 $0x0  }
0x14: {  	s2 =	sld [smem:$0x3F9C];
	s0 =	simm.s32 @p1 $0x1  }
0x15: {  	[smem:$0x3FB9] =	sst s0;
	s0 =	simm.s32 @!p2 $0x0  }
0x16: {  	s3 =	sld [smem:$0x3FDB];
	s0 =	simm.s32 @p2 $0x1  }
0x17: {  	s4 =	simm.s32 $0x1BF5;
	[smem:$0x3FBB] =	sst s0  }
0x18: {  	s0 =	sld [smem:$0x3F9E];
	_ =	swait.ge [sflag:s4], $0x0  }
0x19: {  	s7 =	sld [smem:$0x3F9F]  }
0x1a: {  	s8 =	sadd.s32 $0xFFFFE003, lr  }
0x1b: {  	s9 =	sadd.s32 $0xFFFFFEF7, lr;
	s5 =	simm.s32 $0xFFFFFFFF;
	p2 =	slt.u32 s8, $0xFFFFF086  }
0x1c: {  	p1 =	slt.u32 s9, $0xF7A;
	s5 =	simm.s32 @!p2 $0x0  }
0x1d: {  	s5 =	simm.s32 @p1 $0x1;
	p0 =	seq.s32 s7, s2  }
0x1e: {  	s7 =	smul.u32 @!p0 $0xF7A, s2;
	p2 =	seq.s32 @!p0 s5, $0x0  }
0x1f: {  	s9 =	smul.u32 $0xF7A, s1;
	s8 =	simm.s32 @!p0 $0x1BF5;
	p2 =	por !p2, p0  }
0x20: {  	[sflag:s8] =	ssyncset.s32 @!p0 $0xFFFFF086;
	s6 =	sadd.s32 @!p0 s3, s7;
	s7 =	simm.s32 @!p0 $0x108  }
0x21: {  	s3 =	sadd.s32 s3, s9;
	s6 =	sadd.s32 @!p0 $0x88, s6;
	s7 =	simm.s32 @p2 $0x1082  }
0x22: {  	[simem:s7], [sflag:s8] =	dma.local @!p0 [hbm:s6], $0xF7A  }
0x23: {  	s9 =	sor.u32 $0xD0000000, s2;
	s6 =	simm.s32 $0x108;
	_ =	swait.ge @!p0 [sflag:s8], $0x0  }
0x24: {  	s3 =	sadd.s32 $0x88, s3;
	s6 =	simm.s32 @!p1 $0x1082;
	[sflag:s4] =	ssyncset.s32 $0xFFFFF086  }
0x25: {  	[simem:s6], [sflag:s4] =	dma.local [hbm:s3], $0xF7A  }
0x26: {  	[smem:$0x3F9F] =	sst s1;
	(tag) =	ssettag s2;
	_ =	strace s9  }
0x27: {  	s1 =	sld [smem:$0x3FAF]  }
0x28: {  	s2 =	sld [smem:$0x3FB0]  }
0x29: {  	s4 =	sld [smem:$0x3FB2]  }
0x2a: {  	p0 =	seq.s32 s5, $0x0;
	s5 =	sld [smem:$0x3FB3]  }
0x2b: {  	s6 =	sld [smem:$0x3FB4]  }
0x2c: {  	s7 =	sld [smem:$0x3FB5]  }
0x2d: {  	s3 =	simm.s32 $0x108;
	s8 =	sld [smem:$0x3FB6]  }
0x2e: {  	s3 =	simm.s32 @!p0 $0x1082;
	s9 =	sld [smem:$0x3FB7]  }
0x2f: {  	lr =	sadd.s32 s0, s3;
	s0 =	sld [smem:$0x3FAE]  }
0x30: {  	s3 =	sld [smem:$0x3FB1]  }
0x31: {  	[smem:$0x3FBA] =	sst s10  }
0x32: {  	s10 =	sld [smem:$0x3FB8];
	_ =	sdelay $0x3  }
0x33: {  	p0 =	seq.s32 s10, $0x1;
	s10 =	sld [smem:$0x3FBA];
	_ =	sdelay $0x3  }
0x34: {  	[smem:$0x3FBA] =	sst s10  }
0x35: {  	s10 =	sld [smem:$0x3FB9];
	_ =	sdelay $0x3  }
0x36: {  	p1 =	seq.s32 s10, $0x1;
	s10 =	sld [smem:$0x3FBA];
	_ =	sdelay $0x3  }
0x37: {  	[smem:$0x3FBA] =	sst s10  }
0x38: {  	s10 =	sld [smem:$0x3FBB]  }
0x39: {  	_ = 	snop;
	(pc) =	sbr.ind lr, $3  }
0x3a: {  	_ = 	snop  }
0x3b: {  	_ = 	snop  }
0x3c: {  	p2 =	seq.s32 s10, $0x1;
	s10 =	sld [smem:$0x3FBA]  }
0x3d: {  	_ =	shalt  }
0x3e: {  	_ =	shalt  }
0x3f: {  	_ =	shalt  }
0x40: {  	_ =	shalt  }
0x41: {  	_ =	shalt  }
0x42: {  	_ =	shalt  }
0x43: {  	_ =	shalt  }
0x44: {  	_ =	shalt  }
0x45: {  	_ =	shalt  }
0x46: {  	_ =	shalt  }
0x47: {  	_ =	shalt  }
0x48: {  	_ =	shalt  }
0x49: {  	_ =	shalt  }
0x4a: {  	_ =	shalt  }
0x4b: {  	_ =	shalt  }
0x4c: {  	_ =	shalt  }
0x4d: {  	_ =	shalt  }
0x4e: {  	_ =	shalt  }
0x4f: {  	_ =	shalt  }
0x50: {  	_ =	shalt  }
0x51: {  	_ =	shalt  }
0x52: {  	_ =	shalt  }
0x53: {  	_ =	shalt  }
0x54: {  	_ =	shalt  }
0x55: {  	_ =	shalt  }
0x56: {  	_ =	shalt  }
0x57: {  	_ =	shalt  }
0x58: {  	_ =	shalt  }
0x59: {  	_ =	shalt  }
0x5a: {  	_ =	shalt  }
0x5b: {  	_ =	shalt  }
0x5c: {  	_ =	shalt  }
0x5d: {  	_ =	shalt  }
0x5e: {  	_ =	shalt  }
0x5f: {  	_ =	shalt  }
0x60: {  	_ =	shalt  }
0x61: {  	_ =	shalt  }
0x62: {  	_ =	shalt  }
0x63: {  	_ =	shalt  }
0x64: {  	_ =	shalt  }
0x65: {  	_ =	shalt  }
0x66: {  	_ =	shalt  }
0x67: {  	_ =	shalt  }
0x68: {  	_ =	shalt  }
0x69: {  	_ =	shalt  }
0x6a: {  	_ =	shalt  }
0x6b: {  	_ =	shalt  }
0x6c: {  	_ =	shalt  }
0x6d: {  	_ =	shalt  }
0x6e: {  	_ =	shalt  }
0x6f: {  	_ =	shalt  }
0x70: {  	_ =	shalt  }
0x71: {  	_ =	shalt  }
0x72: {  	_ =	shalt  }
0x73: {  	_ =	shalt  }
0x74: {  	_ =	shalt  }
0x75: {  	_ =	shalt  }
0x76: {  	_ =	shalt  }
0x77: {  	_ =	shalt  }
0x78: {  	_ =	shalt  }
0x79: {  	_ =	shalt  }
0x7a: {  	_ =	shalt  }
0x7b: {  	_ =	shalt  }
0x7c: {  	_ =	shalt  }
0x7d: {  	_ =	shalt  }
0x7e: {  	_ =	shalt  }
0x7f: {  	_ =	shalt  }
0x80: {  	_ =	shalt  }
0x81: {  	_ =	shalt  }
0x82: {  	_ =	shalt  }
0x83: {  	_ =	shalt  }
0x84: {  	_ =	shalt  }
0x85: {  	_ =	shalt  }
0x86: {  	_ =	shalt  }
0x87: {  	_ =	shalt  }
.Lfunc_end0:
.L_simem_size_0:
called_computation.1_lowered:
.L_overlay_start_0:
0x88: {  	s2 =	sld [smem:$0x3FD9]  }
0x89: {  	s3 =	sld [smem:$0x3FFE];
	_ =	sdelay $0x1  }
0x8a: {  	s1 =	srdreg.scid  }
0x8b: {  	s0 =	sand.u32 $0x1, s1  }
0x8c: {  	s17 =	sshll.u32 s0, $0xA;
	s2 =	sadd.s32 s3, s2  }
0x8d: {  	s2 =	sadd.s32 s2, s17  }
0x8e: {  	[smem:$0x3FC6] =	sst s2  }
0x8f: {  	_ = 	snop  }
0x90: {  	s2 =	sld [smem:$0x3FD0];
	(tm) =	ssettm $0x1  }
0x91: {  	s18 =	sld [smem:$0x3FFB];
	_ =	sdelay $0x3  }
0x92: {  	_ =	strace s18  }
0x93: {  	s3 =	sld [smem:$0x3FFC];
	_ =	sdelay $0x3  }
0x94: {  	_ =	strace s3  }
0x95: {  	s3 =	sld [smem:$0x3FFD];
	_ =	sdelay $0x3  }
0x96: {  	_ =	strace s3  }
0x97: {  	_ =	strace $0x8FFFFFFF  }
0x98: {  	s19 =	sld [smem:$0x3FDB];
	_ =	sdelay $0x1  }
0x99: {  	s4 =	simm.s32 $_scs_section_size  }
0x9a: {  	s5 =	simm.s32 $_size__tile_overlayer_lowered;
	s6 =	simm.s32 $_tile_overlayer_lowered  }
0x9b: {  	s22 =	simm.s32 $0x1BFF;
	s21 =	sshll.u32 s6, $0x1;
	s3 =	sadd.s32 s4, s19  }
0x9c: {  	s7 =	simm.s32 $0x0;
	s20 =	sshll.u32 s5, $0x1;
	s5 =	sadd.s32 s21, s3  }
0x9d: {  	[timem:s7], [sflag:s22] =	dma.local [hbm:s5], s20  }
0x9e: {  	_ =	swait.ge [sflag:s22], s20  }
0x9f: {  	s4 =	ssub.s32 $0x0, s20;
	[sflag:s22] =	ssyncset.done $0x0  }
0xa0: {  	[sflag:s22] =	ssyncadd.s32 s4;
	_ =	sdelay $0x1  }
0xa1: {  	s23 =	simm.s32 $0x1B8B  }
0xa2: {  	_ =	swait.ge [sflag:s23], $0x1  }
0xa3: {  	[sflag:s23] =	ssyncset.done $0x0  }
0xa4: {  	s25 =	simm.s32 $0x1B8E;
	s24 =	sld [smem:$0x3FFE];
	[sflag:s23] =	ssyncadd.s32 $0xFFFFFFFF  }
0xa5: {  	s26 =	simm.s32 $execute0_lowered;
	[smem:$0x3FD2] =	sst s25  }
0xa6: {  	s5 =	sshll.u32 s26, $0x1;
	_ =	strace $0x80000046;
	[dreg:$0x1] =	wrdreg $0xFFFFFFFF  }
0xa7: {  	s28 =	simm.s32 $_size_execute0_lowered;
	s3 =	sadd.s32 s3, s5;
	[dreg:$0x0] =	wrdreg $0x0  }
0xa8: {  	s5 =	sshll.u32 s28, $0x1;
	[dreg:$0x2] =	wrdreg s3  }
0xa9: {  	[dreg:$0x3] =	wrdreg s5  }
0xaa: {  	[dreg:$0x4] =	wrdreg $0xC0  }
0xab: {  	_ =	task [dreg:s7], $0x5FFFF  }
0xac: {  	[dreg:$0x1] =	wrdreg $0xFFFFFFFF  }
0xad: {  	[dreg:$0x0] =	wrdreg $0x60  }
0xae: {  	[dreg:$0x2] =	wrdreg s24  }
0xaf: {  	[dreg:$0x3] =	wrdreg s2  }
0xb0: {  	[dreg:$0x4] =	wrdreg $0x9  }
0xb1: {  	_ =	task.clear_ibuf [dreg:s7], $0x5FFFF;
	_ =	strace $0x90000046  }
0xb2: {  	s29 =	simm.s32 $0x9;
	_ =	strace $0x80000048  }
0xb3: {  	_ =	swait.ge [sflag:s29], $0x1  }
0xb4: {  	[sflag:s29] =	ssyncadd.s32 $0xFFFFFFFF  }
0xb5: {  	_ =	strace $0x90000048  }
0xb6: {  	_ =	sfence  }
0xb7: {  	s30 =	sld [smem:$0x0];
	_ =	sdelay $0x2  }
0xb8: {  	s31 =	sshll.u32 s1, $0xD;
	s1 =	sshrl.u32 s1, $0x2  }
0xb9: {  	s3 =	sand.u32 $0x4000, s31;
	s1 =	sadd.s32 s1, s30  }
0xba: {  	s0 =	sor.u32 s3, s0;
	s1 =	sshll.u32 s1, $0x11  }
0xbb: {  	s0 =	sor.u32 s1, s0  }
0xbc: {  	s0 =	sadd.s32 $0x8F2B, s0  }
0xbd: {  	[sflag:s0] =	ssyncadd.remote.s32 $0x1  }
0xbe: {  	_ =	sfence.sel $0xFFFF  }
0xbf: {  	[dreg:$0x0] =	wrdreg $0xFFFFFFFF;
	(pc) =	sbr.abs _section_cstart, $3  }
0xc0: {  	[dreg:$0x1] =	wrdreg $0xFFFFFFFF  }
0xc1: {  	_ =	task.clear_ibuf [dreg:s7], $0x2FFFF;
	_ =	strace $0x9FFFFFFF  }
0xc2: {  	(tm) =	ssettm $0x7FFFFFFF  }
0xc3: {  	_ =	shalt  }
tec
execute0_lowered:
.L_overlay_start_1:
0x0: {  	(tag) =	ssettag $0x1  }
0x1: {  	s0 =	rddreg [dreg:$0x0]  }
0x2: {  	s1 =	rddreg [dreg:$0x1];
	s2 =	simm.s32 $0x0  }
0x3: {  	s4 =	srdreg.scid;
	s8 =	stileid.u32;
	s9 =	simm.s32 $0x4000  }
0x4: {  	s19 =	simm.s32 $0x11000;
	s20 =	simm.s32 $0x16B00;
	s29 =	simm.s32 $0x17180  }
0x5: {  	s16 =	simm.s32 $0x17800;
	s11 =	simm.s32 $0x1A580;
	s13 =	simm.s32 $0x1AC00  }
0x6: {  	s15 =	simm.s32 $0x1B280;
	s17 =	simm.s32 $0x1B900;
	s21 =	simm.s32 $0x1BF80  }
0x7: {  	s23 =	simm.s32 $0x1C600;
	s28 =	simm.s32 $0x1D300;
	s30 =	simm.s32 $0x1D980  }
0x8: {  	s10 =	simm.s32 $0x2;
	s14 =	simm.s32 $0x3;
	s22 =	simm.s32 $0x0  }
0x9: {  	[smem:$0x7FF] =	sst s2;
	s3 =	sadd.s32 $0xF42E00, s0;
	s4 =	sand.u32 $0x1, s4  }
0xa: {  	s5 =	sshll.u32 s8, $0xC;
	s8 =	smul.u32 $0x34000, s8;
	_ =	strace $0x80000047  }
0xb: {  	s6 =	sshll.u32 s4, $0xB;
	s7 =	ssub.s32 $0x2, s4;
	s4 =	smul.u32 $0x1A000, s4  }
0xc: {  	s5 =	sor.u32 s6, s5;
	s24 =	sshrl.u32 s7, $0x1;
	s1 =	sadd.s32 s8, s1  }
0xd: {  	s8 =	simm.s32 $0x1A;
	s6 =	simm.s32 $0x19880;
	s0 =	sadd.s32 s5, s0  }
.Ltmp0:
0xe: {  	s25 =	ssub.s32 s7, s24;
	s31 =	sadd.s32 s4, s1;
	(pc) =	sbr.rel .LBB2_1-.Ltmp0, $4  }
0xf: {  	s1 =	simm.s32 $0x17E80;
	s24 =	simm.s32 $0x18500;
	s4 =	simm.s32 $0x18B80  }
0x10: {  	s5 =	simm.s32 $0x19200;
	s0 =	sadd.s32 $0xA00, s0;
	[dreg:$0x5] =	wrdreg s31  }
0x11: {  	s7 =	simm.s32 $0x19F00;
	s26 =	smax.u32 s25, $0x1;
	[dreg:$0x3] =	wrdreg s0  }
0x12: {  	s25 =	simm.s32 $0x1CC80;
	[dreg:$0x4] =	wrdreg s26;
	s0 =	simm.s32 $0x1  }
.LBB2_5:
0x13: {  	_ =	swait.ge [sflag:s14], $0xD000  }
0x14: {  	[sflag:s14] =	ssyncset.done $0x0  }
0x15: {  	s12 =	simm.s32 $0x4;
	[sflag:s14] =	ssyncadd.s32 $0xFFFF3000  }
0x16: {  	_ =	swait.ge [sflag:s12], $0xD000  }
0x17: {  	s22 =	rddreg [dreg:$0x6]  }
0x18: {  	s18 =	rddreg [dreg:$0x4];
	s22 =	sadd.s32 $0x1, s22  }
0x19: {  	p0 =	sne.s32 s22, s18  }
.Ltmp1:
0x1a: {  	_ = 	snop;
	(pc) =	sbr.rel @!p0 .LBB2_6-.Ltmp1, $3  }
0x1b: {  	_ =	sdelay $0x1  }
0x1c: {  	[sflag:s12] =	ssyncset.done $0x0  }
0x1d: {  	[sflag:s12] =	ssyncadd.s32 $0xFFFF3000  }
.LBB2_1:
0x1e: {  	[dreg:$0x6] =	wrdreg s22  }
0x1f: {  	s18 =	rddreg [dreg:$0x3];
	s26 =	simm.s32 $0x5  }
0x20: {  	[tilespmem:s2], [sflag:$0x5] =	stream.linear.gather [hbm4b:s18+s2], $0x4000, $0x38;
	[tilespmem:$0x1E000] =	vst v63  }
0x21: {  	_ =	swait.ge [sflag:s26], $0x4000  }
0x22: {  	[sflag:s26] =	ssyncset.done $0x0  }
0x23: {  	[sflag:s26] =	ssyncadd.s32 $0xFFFFC000  }
0x24: {  	[tilespmem:s9], [sflag:$0x1] =	stream.indirect.gather [hbm4b:s3+s8], $0x40, s2, s8, $0xb8;
	[tilespmem:$0x1E000] =	vst v63  }
0x25: {  	s31 =	simm.s32 $0x20;
	s12 =	simm.s32 $0x4680  }
0x26: {  	[tilespmem:s12], [sflag:$0x1] =	stream.indirect.gather [hbm4b:s3+s8], $0x40, s31, s8, $0xb8;
	[tilespmem:$0x1E000] =	vst v63  }
0x27: {  	s22 =	simm.s32 $0x4D00;
	s18 =	simm.s32 $0x40  }
0x28: {  	[tilespmem:s22], [sflag:$0x1] =	stream.indirect.gather [hbm4b:s3+s8], $0x40, s18, s8, $0xb8;
	[tilespmem:$0x1E000] =	vst v63  }
0x29: {  	s26 =	simm.s32 $0x60;
	s31 =	simm.s32 $0x5380  }
0x2a: {  	[tilespmem:s31], [sflag:$0x1] =	stream.indirect.gather [hbm4b:s3+s8], $0x40, s26, s8, $0xb8;
	[tilespmem:$0x1E000] =	vst v63  }
0x2b: {  	s18 =	simm.s32 $0x80;
	s22 =	simm.s32 $0x5A00  }
0x2c: {  	[tilespmem:s22], [sflag:$0x1] =	stream.indirect.gather [hbm4b:s3+s8], $0x40, s18, s8, $0xb8;
	[tilespmem:$0x1E000] =	vst v63  }
0x2d: {  	s26 =	simm.s32 $0xA0;
	s31 =	simm.s32 $0x6080  }
0x2e: {  	[tilespmem:s31], [sflag:$0x1] =	stream.indirect.gather [hbm4b:s3+s8], $0x40, s26, s8, $0xb8;
	[tilespmem:$0x1E000] =	vst v63  }
0x2f: {  	s18 =	simm.s32 $0xC0;
	s22 =	simm.s32 $0x6700  }
0x30: {  	[tilespmem:s22], [sflag:$0x1] =	stream.indirect.gather [hbm4b:s3+s8], $0x40, s18, s8, $0xb8;
	[tilespmem:$0x1E000] =	vst v63  }
0x31: {  	s26 =	simm.s32 $0xE0;
	s31 =	simm.s32 $0x6D80  }
0x32: {  	[tilespmem:s31], [sflag:$0x1] =	stream.indirect.gather [hbm4b:s3+s8], $0x40, s26, s8, $0xb8;
	[tilespmem:$0x1E000] =	vst v63  }
0x33: {  	s18 =	simm.s32 $0x100;
	s22 =	simm.s32 $0x7400  }
0x34: {  	[tilespmem:s22], [sflag:$0x1] =	stream.indirect.gather [hbm4b:s3+s8], $0x40, s18, s8, $0xb8;
	[tilespmem:$0x1E000] =	vst v63  }
0x35: {  	s26 =	simm.s32 $0x120;
	s31 =	simm.s32 $0x7A80  }
0x36: {  	[tilespmem:s31], [sflag:$0x1] =	stream.indirect.gather [hbm4b:s3+s8], $0x40, s26, s8, $0xb8;
	[tilespmem:$0x1E000] =	vst v63  }
0x37: {  	s18 =	simm.s32 $0x140;
	s22 =	simm.s32 $0x8100  }
0x38: {  	[tilespmem:s22], [sflag:$0x1] =	stream.indirect.gather [hbm4b:s3+s8], $0x40, s18, s8, $0xb8;
	[tilespmem:$0x1E000] =	vst v63  }
0x39: {  	s26 =	simm.s32 $0x160;
	s31 =	simm.s32 $0x8780  }
0x3a: {  	[tilespmem:s31], [sflag:$0x1] =	stream.indirect.gather [hbm4b:s3+s8], $0x40, s26, s8, $0xb8;
	[tilespmem:$0x1E000] =	vst v63  }
0x3b: {  	s18 =	simm.s32 $0x180;
	s22 =	simm.s32 $0x8E00  }
0x3c: {  	[tilespmem:s22], [sflag:$0x1] =	stream.indirect.gather [hbm4b:s3+s8], $0x40, s18, s8, $0xb8;
	[tilespmem:$0x1E000] =	vst v63  }
0x3d: {  	s26 =	simm.s32 $0x1A0;
	s31 =	simm.s32 $0x9480  }
0x3e: {  	[tilespmem:s31], [sflag:$0x1] =	stream.indirect.gather [hbm4b:s3+s8], $0x40, s26, s8, $0xb8;
	[tilespmem:$0x1E000] =	vst v63  }
0x3f: {  	s18 =	simm.s32 $0x1C0;
	s22 =	simm.s32 $0x9B00  }
0x40: {  	[tilespmem:s22], [sflag:$0x1] =	stream.indirect.gather [hbm4b:s3+s8], $0x40, s18, s8, $0xb8;
	[tilespmem:$0x1E000] =	vst v63  }
0x41: {  	s26 =	simm.s32 $0x1E0;
	s31 =	simm.s32 $0xA180  }
0x42: {  	[tilespmem:s31], [sflag:$0x1] =	stream.indirect.gather [hbm4b:s3+s8], $0x40, s26, s8, $0xb8;
	[tilespmem:$0x1E000] =	vst v63  }
0x43: {  	s18 =	simm.s32 $0x200;
	s22 =	simm.s32 $0xA800  }
0x44: {  	[tilespmem:s22], [sflag:$0x1] =	stream.indirect.gather [hbm4b:s3+s8], $0x40, s18, s8, $0xb8;
	[tilespmem:$0x1E000] =	vst v63  }
0x45: {  	s26 =	simm.s32 $0x220;
	s31 =	simm.s32 $0xAE80  }
0x46: {  	[tilespmem:s31], [sflag:$0x1] =	stream.indirect.gather [hbm4b:s3+s8], $0x40, s26, s8, $0xb8;
	[tilespmem:$0x1E000] =	vst v63  }
0x47: {  	s18 =	simm.s32 $0x240;
	s22 =	simm.s32 $0xB500  }
0x48: {  	[tilespmem:s22], [sflag:$0x1] =	stream.indirect.gather [hbm4b:s3+s8], $0x40, s18, s8, $0xb8;
	[tilespmem:$0x1E000] =	vst v63  }
0x49: {  	s26 =	simm.s32 $0x260;
	s31 =	simm.s32 $0xBB80  }
0x4a: {  	[tilespmem:s31], [sflag:$0x1] =	stream.indirect.gather [hbm4b:s3+s8], $0x40, s26, s8, $0xb8;
	[tilespmem:$0x1E000] =	vst v63  }
0x4b: {  	s18 =	simm.s32 $0x280;
	s22 =	simm.s32 $0xC200  }
0x4c: {  	[tilespmem:s22], [sflag:$0x1] =	stream.indirect.gather [hbm4b:s3+s8], $0x40, s18, s8, $0xb8;
	[tilespmem:$0x1E000] =	vst v63  }
0x4d: {  	s26 =	simm.s32 $0x2A0;
	s31 =	simm.s32 $0xC880  }
0x4e: {  	[tilespmem:s31], [sflag:$0x1] =	stream.indirect.gather [hbm4b:s3+s8], $0x40, s26, s8, $0xb8;
	[tilespmem:$0x1E000] =	vst v63  }
0x4f: {  	s18 =	simm.s32 $0x2C0;
	s22 =	simm.s32 $0xCF00  }
0x50: {  	[tilespmem:s22], [sflag:$0x1] =	stream.indirect.gather [hbm4b:s3+s8], $0x40, s18, s8, $0xb8;
	[tilespmem:$0x1E000] =	vst v63  }
0x51: {  	s26 =	simm.s32 $0x2E0;
	s31 =	simm.s32 $0xD580  }
0x52: {  	[tilespmem:s31], [sflag:$0x1] =	stream.indirect.gather [hbm4b:s3+s8], $0x40, s26, s8, $0xb8;
	[tilespmem:$0x1E000] =	vst v63  }
0x53: {  	s18 =	simm.s32 $0x300;
	s22 =	simm.s32 $0xDC00  }
0x54: {  	[tilespmem:s22], [sflag:$0x1] =	stream.indirect.gather [hbm4b:s3+s8], $0x40, s18, s8, $0xb8;
	[tilespmem:$0x1E000] =	vst v63  }
0x55: {  	s26 =	simm.s32 $0x320;
	s31 =	simm.s32 $0xE280  }
0x56: {  	[tilespmem:s31], [sflag:$0x1] =	stream.indirect.gather [hbm4b:s3+s8], $0x40, s26, s8, $0xb8;
	[tilespmem:$0x1E000] =	vst v63  }
0x57: {  	s18 =	simm.s32 $0x340;
	s22 =	simm.s32 $0xE900  }
0x58: {  	[tilespmem:s22], [sflag:$0x1] =	stream.indirect.gather [hbm4b:s3+s8], $0x40, s18, s8, $0xb8;
	[tilespmem:$0x1E000] =	vst v63  }
0x59: {  	s26 =	simm.s32 $0x360;
	s31 =	simm.s32 $0xEF80  }
0x5a: {  	[tilespmem:s31], [sflag:$0x1] =	stream.indirect.gather [hbm4b:s3+s8], $0x40, s26, s8, $0xb8;
	[tilespmem:$0x1E000] =	vst v63  }
0x5b: {  	s18 =	simm.s32 $0x380;
	s22 =	simm.s32 $0xF600  }
0x5c: {  	[tilespmem:s22], [sflag:$0x1] =	stream.indirect.gather [hbm4b:s3+s8], $0x40, s18, s8, $0xb8;
	[tilespmem:$0x1E000] =	vst v63  }
0x5d: {  	s26 =	simm.s32 $0x3A0;
	s31 =	simm.s32 $0xFC80  }
0x5e: {  	[tilespmem:s31], [sflag:$0x1] =	stream.indirect.gather [hbm4b:s3+s8], $0x40, s26, s8, $0xb8;
	[tilespmem:$0x1E000] =	vst v63  }
.Ltmp2:
0x5f: {  	_ = 	snop;
	(pc) =	sbr.rel .LBB2_2-.Ltmp2, $4  }
0x60: {  	s18 =	simm.s32 $0x3C0;
	s22 =	simm.s32 $0x10300;
	s26 =	simm.s32 $0x3E0  }
0x61: {  	[tilespmem:s22], [sflag:$0x1] =	stream.indirect.gather [hbm4b:s3+s8], $0x40, s18, s8, $0xb8;
	[tilespmem:$0x1E000] =	vst v63  }
0x62: {  	s31 =	simm.s32 $0x10980;
	s18 =	rddreg [dreg:$0x5];
	s22 =	simm.s32 $0x0  }
0x63: {  	[tilespmem:s31], [sflag:$0x1] =	stream.indirect.gather [hbm4b:s3+s8], $0x40, s26, s8, $0xb8;
	[tilespmem:$0x1E000] =	vst v63  }
.LBB2_4:
0x64: {  	_ =	swait.ge [sflag:s10], $0x680  }
0x65: {  	[sflag:s10] =	ssyncset.done $0x0  }
0x66: {  	[sflag:s10] =	ssyncadd.s32 $0xFFFFF980  }
0x67: {  	_ =	swait.ge [sflag:s10], $0x680  }
0x68: {  	[sflag:s10] =	ssyncset.done $0x0  }
0x69: {  	[sflag:s10] =	ssyncadd.s32 $0xFFFFF980  }
0x6a: {  	_ =	swait.ge [sflag:s10], $0x680  }
0x6b: {  	[sflag:s10] =	ssyncset.done $0x0  }
0x6c: {  	[sflag:s10] =	ssyncadd.s32 $0xFFFFF980  }
0x6d: {  	_ =	swait.ge [sflag:s10], $0x680  }
0x6e: {  	[sflag:s10] =	ssyncset.done $0x0  }
0x6f: {  	[sflag:s10] =	ssyncadd.s32 $0xFFFFF980  }
0x70: {  	_ =	swait.ge [sflag:s10], $0x680  }
0x71: {  	[sflag:s10] =	ssyncset.done $0x0  }
0x72: {  	[sflag:s10] =	ssyncadd.s32 $0xFFFFF980  }
0x73: {  	_ =	swait.ge [sflag:s10], $0x680  }
0x74: {  	[sflag:s10] =	ssyncset.done $0x0  }
0x75: {  	[sflag:s10] =	ssyncadd.s32 $0xFFFFF980  }
0x76: {  	_ =	swait.ge [sflag:s10], $0x680  }
0x77: {  	[sflag:s10] =	ssyncset.done $0x0  }
0x78: {  	[sflag:s10] =	ssyncadd.s32 $0xFFFFF980  }
0x79: {  	_ =	swait.ge [sflag:s10], $0x680  }
0x7a: {  	[sflag:s10] =	ssyncset.done $0x0  }
0x7b: {  	[sflag:s10] =	ssyncadd.s32 $0xFFFFF980  }
0x7c: {  	_ =	swait.ge [sflag:s10], $0x680  }
0x7d: {  	[sflag:s10] =	ssyncset.done $0x0  }
0x7e: {  	[sflag:s10] =	ssyncadd.s32 $0xFFFFF980  }
0x7f: {  	_ =	swait.ge [sflag:s10], $0x680  }
0x80: {  	[sflag:s10] =	ssyncset.done $0x0  }
0x81: {  	[sflag:s10] =	ssyncadd.s32 $0xFFFFF980  }
0x82: {  	_ =	swait.ge [sflag:s10], $0x680  }
0x83: {  	[sflag:s10] =	ssyncset.done $0x0  }
0x84: {  	[sflag:s10] =	ssyncadd.s32 $0xFFFFF980  }
0x85: {  	_ =	swait.ge [sflag:s10], $0x680  }
0x86: {  	[sflag:s10] =	ssyncset.done $0x0  }
0x87: {  	[sflag:s10] =	ssyncadd.s32 $0xFFFFF980  }
0x88: {  	_ =	swait.ge [sflag:s10], $0x680  }
0x89: {  	[sflag:s10] =	ssyncset.done $0x0  }
0x8a: {  	[sflag:s10] =	ssyncadd.s32 $0xFFFFF980  }
0x8b: {  	_ =	swait.ge [sflag:s10], $0x680  }
0x8c: {  	[sflag:s10] =	ssyncset.done $0x0  }
0x8d: {  	[sflag:s10] =	ssyncadd.s32 $0xFFFFF980  }
0x8e: {  	_ =	swait.ge [sflag:s10], $0x680  }
0x8f: {  	[sflag:s10] =	ssyncset.done $0x0  }
0x90: {  	[sflag:s10] =	ssyncadd.s32 $0xFFFFF980  }
0x91: {  	_ =	swait.ge [sflag:s10], $0x680  }
0x92: {  	[sflag:s10] =	ssyncset.done $0x0  }
0x93: {  	[sflag:s10] =	ssyncadd.s32 $0xFFFFF980  }
0x94: {  	_ =	swait.ge [sflag:s10], $0x680  }
0x95: {  	[sflag:s10] =	ssyncset.done $0x0  }
0x96: {  	[sflag:s10] =	ssyncadd.s32 $0xFFFFF980  }
0x97: {  	_ =	swait.ge [sflag:s10], $0x680  }
0x98: {  	[sflag:s10] =	ssyncset.done $0x0  }
0x99: {  	[sflag:s10] =	ssyncadd.s32 $0xFFFFF980  }
0x9a: {  	_ =	swait.ge [sflag:s10], $0x680  }
0x9b: {  	[sflag:s10] =	ssyncset.done $0x0  }
0x9c: {  	[sflag:s10] =	ssyncadd.s32 $0xFFFFF980  }
0x9d: {  	_ =	swait.ge [sflag:s10], $0x680  }
0x9e: {  	[sflag:s10] =	ssyncset.done $0x0  }
0x9f: {  	[sflag:s10] =	ssyncadd.s32 $0xFFFFF980  }
0xa0: {  	_ =	swait.ge [sflag:s10], $0x680  }
0xa1: {  	[sflag:s10] =	ssyncset.done $0x0  }
0xa2: {  	[sflag:s10] =	ssyncadd.s32 $0xFFFFF980  }
0xa3: {  	_ =	swait.ge [sflag:s10], $0x680  }
0xa4: {  	[sflag:s10] =	ssyncset.done $0x0  }
0xa5: {  	[sflag:s10] =	ssyncadd.s32 $0xFFFFF980  }
0xa6: {  	_ =	swait.ge [sflag:s10], $0x680  }
0xa7: {  	[sflag:s10] =	ssyncset.done $0x0  }
0xa8: {  	[sflag:s10] =	ssyncadd.s32 $0xFFFFF980  }
0xa9: {  	_ =	swait.ge [sflag:s10], $0x680  }
0xaa: {  	[sflag:s10] =	ssyncset.done $0x0  }
0xab: {  	[sflag:s10] =	ssyncadd.s32 $0xFFFFF980  }
0xac: {  	_ =	swait.ge [sflag:s10], $0x680  }
0xad: {  	[sflag:s10] =	ssyncset.done $0x0  }
0xae: {  	[sflag:s10] =	ssyncadd.s32 $0xFFFFF980  }
0xaf: {  	_ =	swait.ge [sflag:s10], $0x680  }
0xb0: {  	[sflag:s10] =	ssyncset.done $0x0  }
0xb1: {  	[sflag:s10] =	ssyncadd.s32 $0xFFFFF980  }
0xb2: {  	_ =	swait.ge [sflag:s10], $0x680  }
0xb3: {  	[sflag:s10] =	ssyncset.done $0x0  }
0xb4: {  	[sflag:s10] =	ssyncadd.s32 $0xFFFFF980  }
0xb5: {  	_ =	swait.ge [sflag:s10], $0x680  }
0xb6: {  	[sflag:s10] =	ssyncset.done $0x0  }
0xb7: {  	[sflag:s10] =	ssyncadd.s32 $0xFFFFF980  }
0xb8: {  	_ =	swait.ge [sflag:s10], $0x680  }
0xb9: {  	[sflag:s10] =	ssyncset.done $0x0  }
0xba: {  	[sflag:s10] =	ssyncadd.s32 $0xFFFFF980  }
0xbb: {  	_ =	swait.ge [sflag:s10], $0x680  }
0xbc: {  	[sflag:s10] =	ssyncset.done $0x0  }
0xbd: {  	[sflag:s10] =	ssyncadd.s32 $0xFFFFF980  }
0xbe: {  	s22 =	sadd.s32 $0x2000, s22;
	_ =	swait.ge [sflag:s10], $0x680  }
0xbf: {  	p0 =	sne.s32 s22, $0x10000;
	[sflag:s10] =	ssyncset.done $0x0  }
.Ltmp3:
0xc0: {  	[sflag:s10] =	ssyncadd.s32 $0xFFFFF980;
	(pc) =	sbr.rel @!p0 .LBB2_5-.Ltmp3, $4  }
0xc1: {  	_ =	swait.ge [sflag:s10], $0x680  }
0xc2: {  	[sflag:s10] =	ssyncset.done $0x0  }
0xc3: {  	s26 =	sadd.s32 $0x1A00, s18;
	s18 =	sadd.s32 $0x3400, s18;
	[sflag:s10] =	ssyncadd.s32 $0xFFFFF980  }
0xc4: {  	[hbm4b:s26+s2] =	stream.linear.scatter [tilespmem:s19], [sflag:$0x4], $0xD000, $0x38;
	[tilespmem:$0x1E000] =	vst v63  }
.LBB2_2:
0xc5: {  	p0 =	seq.s32 s22, $0x0  }
0xc6: {  	s31 =	simm.s32 @!p0 $0x4  }
0xc7: {  	_ =	swait.ge @!p0 [sflag:s31], $0xD000  }
0xc8: {  	s26 =	sshra.s32 s22, $0x2;
	[sflag:s31] =	ssyncset.done @!p0 $0x0  }
0xc9: {  	s12 =	sadd.s32 $0x400, s26;
	[sflag:s31] =	ssyncadd.s32 @!p0 $0xFFFF3000  }
0xca: {  	[tilespmem:s19], [sflag:$0x2] =	stream.indirect.gather [hbm4b:s3+s8], $0x40, s12, s8, $0xb8;
	[tilespmem:$0x1E000] =	vst v63  }
0xcb: {  	s31 =	sadd.s32 $0x420, s26;
	s12 =	simm.s32 $0x11680  }
0xcc: {  	[tilespmem:s12], [sflag:$0x2] =	stream.indirect.gather [hbm4b:s3+s8], $0x40, s31, s8, $0xb8;
	[tilespmem:$0x1E000] =	vst v63  }
0xcd: {  	s31 =	sadd.s32 $0x440, s26;
	s12 =	simm.s32 $0x11D00  }
0xce: {  	[tilespmem:s12], [sflag:$0x2] =	stream.indirect.gather [hbm4b:s3+s8], $0x40, s31, s8, $0xb8;
	[tilespmem:$0x1E000] =	vst v63  }
0xcf: {  	s31 =	sadd.s32 $0x460, s26;
	s12 =	simm.s32 $0x12380  }
0xd0: {  	[tilespmem:s12], [sflag:$0x2] =	stream.indirect.gather [hbm4b:s3+s8], $0x40, s31, s8, $0xb8;
	[tilespmem:$0x1E000] =	vst v63  }
0xd1: {  	s31 =	sadd.s32 $0x480, s26;
	s12 =	simm.s32 $0x12A00  }
0xd2: {  	[tilespmem:s12], [sflag:$0x2] =	stream.indirect.gather [hbm4b:s3+s8], $0x40, s31, s8, $0xb8;
	[tilespmem:$0x1E000] =	vst v63  }
0xd3: {  	s31 =	sadd.s32 $0x4A0, s26;
	s12 =	simm.s32 $0x13080  }
0xd4: {  	[tilespmem:s12], [sflag:$0x2] =	stream.indirect.gather [hbm4b:s3+s8], $0x40, s31, s8, $0xb8;
	[tilespmem:$0x1E000] =	vst v63  }
0xd5: {  	s31 =	sadd.s32 $0x4C0, s26;
	s12 =	simm.s32 $0x13700  }
0xd6: {  	[tilespmem:s12], [sflag:$0x2] =	stream.indirect.gather [hbm4b:s3+s8], $0x40, s31, s8, $0xb8;
	[tilespmem:$0x1E000] =	vst v63  }
0xd7: {  	s31 =	sadd.s32 $0x4E0, s26;
	s12 =	simm.s32 $0x13D80  }
0xd8: {  	[tilespmem:s12], [sflag:$0x2] =	stream.indirect.gather [hbm4b:s3+s8], $0x40, s31, s8, $0xb8;
	[tilespmem:$0x1E000] =	vst v63  }
0xd9: {  	s31 =	sadd.s32 $0x500, s26;
	s12 =	simm.s32 $0x14400  }
0xda: {  	[tilespmem:s12], [sflag:$0x2] =	stream.indirect.gather [hbm4b:s3+s8], $0x40, s31, s8, $0xb8;
	[tilespmem:$0x1E000] =	vst v63  }
0xdb: {  	s31 =	sadd.s32 $0x520, s26;
	s12 =	simm.s32 $0x14A80  }
0xdc: {  	[tilespmem:s12], [sflag:$0x2] =	stream.indirect.gather [hbm4b:s3+s8], $0x40, s31, s8, $0xb8;
	[tilespmem:$0x1E000] =	vst v63  }
0xdd: {  	s31 =	sadd.s32 $0x540, s26;
	s12 =	simm.s32 $0x15100  }
0xde: {  	[tilespmem:s12], [sflag:$0x2] =	stream.indirect.gather [hbm4b:s3+s8], $0x40, s31, s8, $0xb8;
	[tilespmem:$0x1E000] =	vst v63  }
0xdf: {  	s31 =	sadd.s32 $0x560, s26;
	s12 =	simm.s32 $0x15780  }
0xe0: {  	[tilespmem:s12], [sflag:$0x2] =	stream.indirect.gather [hbm4b:s3+s8], $0x40, s31, s8, $0xb8;
	[tilespmem:$0x1E000] =	vst v63  }
0xe1: {  	s31 =	sadd.s32 $0x580, s26;
	s12 =	simm.s32 $0x15E00  }
0xe2: {  	[tilespmem:s12], [sflag:$0x2] =	stream.indirect.gather [hbm4b:s3+s8], $0x40, s31, s8, $0xb8;
	[tilespmem:$0x1E000] =	vst v63  }
0xe3: {  	s31 =	sadd.s32 $0x5A0, s26;
	s12 =	simm.s32 $0x16480  }
0xe4: {  	[tilespmem:s12], [sflag:$0x2] =	stream.indirect.gather [hbm4b:s3+s8], $0x40, s31, s8, $0xb8;
	[tilespmem:$0x1E000] =	vst v63  }
0xe5: {  	s12 =	sadd.s32 $0x5C0, s26  }
0xe6: {  	[tilespmem:s20], [sflag:$0x2] =	stream.indirect.gather [hbm4b:s3+s8], $0x40, s12, s8, $0xb8;
	[tilespmem:$0x1E000] =	vst v63  }
0xe7: {  	s12 =	sadd.s32 $0x5E0, s26  }
0xe8: {  	[tilespmem:s29], [sflag:$0x2] =	stream.indirect.gather [hbm4b:s3+s8], $0x40, s12, s8, $0xb8;
	[tilespmem:$0x1E000] =	vst v63  }
0xe9: {  	s12 =	sadd.s32 $0x600, s26  }
0xea: {  	[tilespmem:s16], [sflag:$0x2] =	stream.indirect.gather [hbm4b:s3+s8], $0x40, s12, s8, $0xb8;
	[tilespmem:$0x1E000] =	vst v63  }
0xeb: {  	s12 =	sadd.s32 $0x620, s26  }
0xec: {  	[tilespmem:s1], [sflag:$0x2] =	stream.indirect.gather [hbm4b:s3+s8], $0x40, s12, s8, $0xb8;
	[tilespmem:$0x1E000] =	vst v63  }
0xed: {  	s12 =	sadd.s32 $0x640, s26  }
0xee: {  	[tilespmem:s24], [sflag:$0x2] =	stream.indirect.gather [hbm4b:s3+s8], $0x40, s12, s8, $0xb8;
	[tilespmem:$0x1E000] =	vst v63  }
0xef: {  	s12 =	sadd.s32 $0x660, s26  }
0xf0: {  	[tilespmem:s4], [sflag:$0x2] =	stream.indirect.gather [hbm4b:s3+s8], $0x40, s12, s8, $0xb8;
	[tilespmem:$0x1E000] =	vst v63  }
0xf1: {  	s12 =	sadd.s32 $0x680, s26  }
0xf2: {  	[tilespmem:s5], [sflag:$0x2] =	stream.indirect.gather [hbm4b:s3+s8], $0x40, s12, s8, $0xb8;
	[tilespmem:$0x1E000] =	vst v63  }
0xf3: {  	s12 =	sadd.s32 $0x6A0, s26  }
0xf4: {  	[tilespmem:s6], [sflag:$0x2] =	stream.indirect.gather [hbm4b:s3+s8], $0x40, s12, s8, $0xb8;
	[tilespmem:$0x1E000] =	vst v63  }
0xf5: {  	s12 =	sadd.s32 $0x6C0, s26  }
0xf6: {  	[tilespmem:s7], [sflag:$0x2] =	stream.indirect.gather [hbm4b:s3+s8], $0x40, s12, s8, $0xb8;
	[tilespmem:$0x1E000] =	vst v63  }
0xf7: {  	s12 =	sadd.s32 $0x6E0, s26  }
0xf8: {  	[tilespmem:s11], [sflag:$0x2] =	stream.indirect.gather [hbm4b:s3+s8], $0x40, s12, s8, $0xb8;
	[tilespmem:$0x1E000] =	vst v63  }
0xf9: {  	s12 =	sadd.s32 $0x700, s26  }
0xfa: {  	[tilespmem:s13], [sflag:$0x2] =	stream.indirect.gather [hbm4b:s3+s8], $0x40, s12, s8, $0xb8;
	[tilespmem:$0x1E000] =	vst v63  }
0xfb: {  	s12 =	sadd.s32 $0x720, s26  }
0xfc: {  	[tilespmem:s15], [sflag:$0x2] =	stream.indirect.gather [hbm4b:s3+s8], $0x40, s12, s8, $0xb8;
	[tilespmem:$0x1E000] =	vst v63  }
0xfd: {  	s12 =	sadd.s32 $0x740, s26  }
0xfe: {  	[tilespmem:s17], [sflag:$0x2] =	stream.indirect.gather [hbm4b:s3+s8], $0x40, s12, s8, $0xb8;
	[tilespmem:$0x1E000] =	vst v63  }
0xff: {  	s12 =	sadd.s32 $0x760, s26  }
0x100: {  	[tilespmem:s21], [sflag:$0x2] =	stream.indirect.gather [hbm4b:s3+s8], $0x40, s12, s8, $0xb8;
	[tilespmem:$0x1E000] =	vst v63  }
0x101: {  	s12 =	sadd.s32 $0x780, s26  }
0x102: {  	[tilespmem:s23], [sflag:$0x2] =	stream.indirect.gather [hbm4b:s3+s8], $0x40, s12, s8, $0xb8;
	[tilespmem:$0x1E000] =	vst v63  }
0x103: {  	s12 =	sadd.s32 $0x7A0, s26  }
0x104: {  	[tilespmem:s25], [sflag:$0x2] =	stream.indirect.gather [hbm4b:s3+s8], $0x40, s12, s8, $0xb8;
	[tilespmem:$0x1E000] =	vst v63  }
0x105: {  	s12 =	sadd.s32 $0x7C0, s26  }
0x106: {  	[tilespmem:s28], [sflag:$0x2] =	stream.indirect.gather [hbm4b:s3+s8], $0x40, s12, s8, $0xb8;
	[tilespmem:$0x1E000] =	vst v63  }
0x107: {  	s12 =	sadd.s32 $0x7E0, s26  }
0x108: {  	[tilespmem:s30], [sflag:$0x2] =	stream.indirect.gather [hbm4b:s3+s8], $0x40, s12, s8, $0xb8;
	[tilespmem:$0x1E000] =	vst v63  }
0x109: {  	_ =	swait.ge [sflag:s0], $0x680  }
0x10a: {  	[sflag:s0] =	ssyncset.done $0x0  }
0x10b: {  	[sflag:s0] =	ssyncadd.s32 $0xFFFFF980  }
0x10c: {  	_ =	swait.ge [sflag:s0], $0x680  }
0x10d: {  	[sflag:s0] =	ssyncset.done $0x0  }
0x10e: {  	[sflag:s0] =	ssyncadd.s32 $0xFFFFF980  }
0x10f: {  	_ =	swait.ge [sflag:s0], $0x680  }
0x110: {  	[sflag:s0] =	ssyncset.done $0x0  }
0x111: {  	[sflag:s0] =	ssyncadd.s32 $0xFFFFF980  }
0x112: {  	_ =	swait.ge [sflag:s0], $0x680  }
0x113: {  	[sflag:s0] =	ssyncset.done $0x0  }
0x114: {  	[sflag:s0] =	ssyncadd.s32 $0xFFFFF980  }
0x115: {  	_ =	swait.ge [sflag:s0], $0x680  }
0x116: {  	[sflag:s0] =	ssyncset.done $0x0  }
0x117: {  	[sflag:s0] =	ssyncadd.s32 $0xFFFFF980  }
0x118: {  	_ =	swait.ge [sflag:s0], $0x680  }
0x119: {  	[sflag:s0] =	ssyncset.done $0x0  }
0x11a: {  	[sflag:s0] =	ssyncadd.s32 $0xFFFFF980  }
0x11b: {  	_ =	swait.ge [sflag:s0], $0x680  }
0x11c: {  	[sflag:s0] =	ssyncset.done $0x0  }
0x11d: {  	[sflag:s0] =	ssyncadd.s32 $0xFFFFF980  }
0x11e: {  	_ =	swait.ge [sflag:s0], $0x680  }
0x11f: {  	[sflag:s0] =	ssyncset.done $0x0  }
0x120: {  	[sflag:s0] =	ssyncadd.s32 $0xFFFFF980  }
0x121: {  	_ =	swait.ge [sflag:s0], $0x680  }
0x122: {  	[sflag:s0] =	ssyncset.done $0x0  }
0x123: {  	[sflag:s0] =	ssyncadd.s32 $0xFFFFF980  }
0x124: {  	_ =	swait.ge [sflag:s0], $0x680  }
0x125: {  	[sflag:s0] =	ssyncset.done $0x0  }
0x126: {  	[sflag:s0] =	ssyncadd.s32 $0xFFFFF980  }
0x127: {  	_ =	swait.ge [sflag:s0], $0x680  }
0x128: {  	[sflag:s0] =	ssyncset.done $0x0  }
0x129: {  	[sflag:s0] =	ssyncadd.s32 $0xFFFFF980  }
0x12a: {  	_ =	swait.ge [sflag:s0], $0x680  }
0x12b: {  	[sflag:s0] =	ssyncset.done $0x0  }
0x12c: {  	[sflag:s0] =	ssyncadd.s32 $0xFFFFF980  }
0x12d: {  	_ =	swait.ge [sflag:s0], $0x680  }
0x12e: {  	[sflag:s0] =	ssyncset.done $0x0  }
0x12f: {  	[sflag:s0] =	ssyncadd.s32 $0xFFFFF980  }
0x130: {  	_ =	swait.ge [sflag:s0], $0x680  }
0x131: {  	[sflag:s0] =	ssyncset.done $0x0  }
0x132: {  	[sflag:s0] =	ssyncadd.s32 $0xFFFFF980  }
0x133: {  	_ =	swait.ge [sflag:s0], $0x680  }
0x134: {  	[sflag:s0] =	ssyncset.done $0x0  }
0x135: {  	[sflag:s0] =	ssyncadd.s32 $0xFFFFF980  }
0x136: {  	_ =	swait.ge [sflag:s0], $0x680  }
0x137: {  	[sflag:s0] =	ssyncset.done $0x0  }
0x138: {  	[sflag:s0] =	ssyncadd.s32 $0xFFFFF980  }
0x139: {  	_ =	swait.ge [sflag:s0], $0x680  }
0x13a: {  	[sflag:s0] =	ssyncset.done $0x0  }
0x13b: {  	[sflag:s0] =	ssyncadd.s32 $0xFFFFF980  }
0x13c: {  	_ =	swait.ge [sflag:s0], $0x680  }
0x13d: {  	[sflag:s0] =	ssyncset.done $0x0  }
0x13e: {  	[sflag:s0] =	ssyncadd.s32 $0xFFFFF980  }
0x13f: {  	_ =	swait.ge [sflag:s0], $0x680  }
0x140: {  	[sflag:s0] =	ssyncset.done $0x0  }
0x141: {  	[sflag:s0] =	ssyncadd.s32 $0xFFFFF980  }
0x142: {  	_ =	swait.ge [sflag:s0], $0x680  }
0x143: {  	[sflag:s0] =	ssyncset.done $0x0  }
0x144: {  	[sflag:s0] =	ssyncadd.s32 $0xFFFFF980  }
0x145: {  	_ =	swait.ge [sflag:s0], $0x680  }
0x146: {  	[sflag:s0] =	ssyncset.done $0x0  }
0x147: {  	[sflag:s0] =	ssyncadd.s32 $0xFFFFF980  }
0x148: {  	_ =	swait.ge [sflag:s0], $0x680  }
0x149: {  	[sflag:s0] =	ssyncset.done $0x0  }
0x14a: {  	[sflag:s0] =	ssyncadd.s32 $0xFFFFF980  }
0x14b: {  	_ =	swait.ge [sflag:s0], $0x680  }
0x14c: {  	[sflag:s0] =	ssyncset.done $0x0  }
0x14d: {  	[sflag:s0] =	ssyncadd.s32 $0xFFFFF980  }
0x14e: {  	_ =	swait.ge [sflag:s0], $0x680  }
0x14f: {  	[sflag:s0] =	ssyncset.done $0x0  }
0x150: {  	[sflag:s0] =	ssyncadd.s32 $0xFFFFF980  }
0x151: {  	_ =	swait.ge [sflag:s0], $0x680  }
0x152: {  	[sflag:s0] =	ssyncset.done $0x0  }
0x153: {  	[sflag:s0] =	ssyncadd.s32 $0xFFFFF980  }
0x154: {  	_ =	swait.ge [sflag:s0], $0x680  }
0x155: {  	[sflag:s0] =	ssyncset.done $0x0  }
0x156: {  	[sflag:s0] =	ssyncadd.s32 $0xFFFFF980  }
0x157: {  	_ =	swait.ge [sflag:s0], $0x680  }
0x158: {  	[sflag:s0] =	ssyncset.done $0x0  }
0x159: {  	[sflag:s0] =	ssyncadd.s32 $0xFFFFF980  }
0x15a: {  	_ =	swait.ge [sflag:s0], $0x680  }
0x15b: {  	[sflag:s0] =	ssyncset.done $0x0  }
0x15c: {  	[sflag:s0] =	ssyncadd.s32 $0xFFFFF980  }
0x15d: {  	_ =	swait.ge [sflag:s0], $0x680  }
0x15e: {  	[sflag:s0] =	ssyncset.done $0x0  }
0x15f: {  	[sflag:s0] =	ssyncadd.s32 $0xFFFFF980  }
0x160: {  	_ =	swait.ge [sflag:s0], $0x680  }
0x161: {  	[sflag:s0] =	ssyncset.done $0x0  }
0x162: {  	[sflag:s0] =	ssyncadd.s32 $0xFFFFF980  }
0x163: {  	_ =	swait.ge [sflag:s0], $0x680  }
0x164: {  	p0 =	seq.s32 s22, $0xE000;
	[sflag:s0] =	ssyncset.done $0x0  }
.Ltmp4:
0x165: {  	[sflag:s0] =	ssyncadd.s32 $0xFFFFF980;
	(pc) =	sbr.rel @p0 .LBB2_4-.Ltmp4, $4  }
0x166: {  	_ =	swait.ge [sflag:s0], $0x680  }
0x167: {  	[sflag:s0] =	ssyncset.done $0x0  }
0x168: {  	[sflag:s0] =	ssyncadd.s32 $0xFFFFF980  }
0x169: {  	[hbm4b:s18+s2] =	stream.linear.scatter [tilespmem:s9], [sflag:$0x3], $0xD000, $0x38;
	[tilespmem:$0x1E000] =	vst v63  }
0x16a: {  	_ =	swait.ge [sflag:s14], $0xD000  }
0x16b: {  	[sflag:s14] =	ssyncset.done $0x0  }
0x16c: {  	s31 =	sadd.s32 $0x800, s26;
	[sflag:s14] =	ssyncadd.s32 $0xFFFF3000  }
0x16d: {  	[tilespmem:s9], [sflag:$0x1] =	stream.indirect.gather [hbm4b:s3+s8], $0x40, s31, s8, $0xb8;
	[tilespmem:$0x1E000] =	vst v63  }
0x16e: {  	s12 =	simm.s32 $0x4680;
	s31 =	sadd.s32 $0x820, s26  }
0x16f: {  	[tilespmem:s12], [sflag:$0x1] =	stream.indirect.gather [hbm4b:s3+s8], $0x40, s31, s8, $0xb8;
	[tilespmem:$0x1E000] =	vst v63  }
0x170: {  	s31 =	sadd.s32 $0x840, s26;
	s12 =	simm.s32 $0x4D00  }
0x171: {  	[tilespmem:s12], [sflag:$0x1] =	stream.indirect.gather [hbm4b:s3+s8], $0x40, s31, s8, $0xb8;
	[tilespmem:$0x1E000] =	vst v63  }
0x172: {  	s31 =	sadd.s32 $0x860, s26;
	s12 =	simm.s32 $0x5380  }
0x173: {  	[tilespmem:s12], [sflag:$0x1] =	stream.indirect.gather [hbm4b:s3+s8], $0x40, s31, s8, $0xb8;
	[tilespmem:$0x1E000] =	vst v63  }
0x174: {  	s31 =	sadd.s32 $0x880, s26;
	s12 =	simm.s32 $0x5A00  }
0x175: {  	[tilespmem:s12], [sflag:$0x1] =	stream.indirect.gather [hbm4b:s3+s8], $0x40, s31, s8, $0xb8;
	[tilespmem:$0x1E000] =	vst v63  }
0x176: {  	s31 =	sadd.s32 $0x8A0, s26;
	s12 =	simm.s32 $0x6080  }
0x177: {  	[tilespmem:s12], [sflag:$0x1] =	stream.indirect.gather [hbm4b:s3+s8], $0x40, s31, s8, $0xb8;
	[tilespmem:$0x1E000] =	vst v63  }
0x178: {  	s31 =	sadd.s32 $0x8C0, s26;
	s12 =	simm.s32 $0x6700  }
0x179: {  	[tilespmem:s12], [sflag:$0x1] =	stream.indirect.gather [hbm4b:s3+s8], $0x40, s31, s8, $0xb8;
	[tilespmem:$0x1E000] =	vst v63  }
0x17a: {  	s31 =	sadd.s32 $0x8E0, s26;
	s12 =	simm.s32 $0x6D80  }
0x17b: {  	[tilespmem:s12], [sflag:$0x1] =	stream.indirect.gather [hbm4b:s3+s8], $0x40, s31, s8, $0xb8;
	[tilespmem:$0x1E000] =	vst v63  }
0x17c: {  	s31 =	sadd.s32 $0x900, s26;
	s12 =	simm.s32 $0x7400  }
0x17d: {  	[tilespmem:s12], [sflag:$0x1] =	stream.indirect.gather [hbm4b:s3+s8], $0x40, s31, s8, $0xb8;
	[tilespmem:$0x1E000] =	vst v63  }
0x17e: {  	s31 =	sadd.s32 $0x920, s26;
	s12 =	simm.s32 $0x7A80  }
0x17f: {  	[tilespmem:s12], [sflag:$0x1] =	stream.indirect.gather [hbm4b:s3+s8], $0x40, s31, s8, $0xb8;
	[tilespmem:$0x1E000] =	vst v63  }
0x180: {  	s31 =	sadd.s32 $0x940, s26;
	s12 =	simm.s32 $0x8100  }
0x181: {  	[tilespmem:s12], [sflag:$0x1] =	stream.indirect.gather [hbm4b:s3+s8], $0x40, s31, s8, $0xb8;
	[tilespmem:$0x1E000] =	vst v63  }
0x182: {  	s31 =	sadd.s32 $0x960, s26;
	s12 =	simm.s32 $0x8780  }
0x183: {  	[tilespmem:s12], [sflag:$0x1] =	stream.indirect.gather [hbm4b:s3+s8], $0x40, s31, s8, $0xb8;
	[tilespmem:$0x1E000] =	vst v63  }
0x184: {  	s31 =	sadd.s32 $0x980, s26;
	s12 =	simm.s32 $0x8E00  }
0x185: {  	[tilespmem:s12], [sflag:$0x1] =	stream.indirect.gather [hbm4b:s3+s8], $0x40, s31, s8, $0xb8;
	[tilespmem:$0x1E000] =	vst v63  }
0x186: {  	s31 =	sadd.s32 $0x9A0, s26;
	s12 =	simm.s32 $0x9480  }
0x187: {  	[tilespmem:s12], [sflag:$0x1] =	stream.indirect.gather [hbm4b:s3+s8], $0x40, s31, s8, $0xb8;
	[tilespmem:$0x1E000] =	vst v63  }
0x188: {  	s31 =	sadd.s32 $0x9C0, s26;
	s12 =	simm.s32 $0x9B00  }
0x189: {  	[tilespmem:s12], [sflag:$0x1] =	stream.indirect.gather [hbm4b:s3+s8], $0x40, s31, s8, $0xb8;
	[tilespmem:$0x1E000] =	vst v63  }
0x18a: {  	s31 =	sadd.s32 $0x9E0, s26;
	s12 =	simm.s32 $0xA180  }
0x18b: {  	[tilespmem:s12], [sflag:$0x1] =	stream.indirect.gather [hbm4b:s3+s8], $0x40, s31, s8, $0xb8;
	[tilespmem:$0x1E000] =	vst v63  }
0x18c: {  	s31 =	sadd.s32 $0xA00, s26;
	s12 =	simm.s32 $0xA800  }
0x18d: {  	[tilespmem:s12], [sflag:$0x1] =	stream.indirect.gather [hbm4b:s3+s8], $0x40, s31, s8, $0xb8;
	[tilespmem:$0x1E000] =	vst v63  }
0x18e: {  	s31 =	sadd.s32 $0xA20, s26;
	s12 =	simm.s32 $0xAE80  }
0x18f: {  	[tilespmem:s12], [sflag:$0x1] =	stream.indirect.gather [hbm4b:s3+s8], $0x40, s31, s8, $0xb8;
	[tilespmem:$0x1E000] =	vst v63  }
0x190: {  	s31 =	sadd.s32 $0xA40, s26;
	s12 =	simm.s32 $0xB500  }
0x191: {  	[tilespmem:s12], [sflag:$0x1] =	stream.indirect.gather [hbm4b:s3+s8], $0x40, s31, s8, $0xb8;
	[tilespmem:$0x1E000] =	vst v63  }
0x192: {  	s31 =	sadd.s32 $0xA60, s26;
	s12 =	simm.s32 $0xBB80  }
0x193: {  	[tilespmem:s12], [sflag:$0x1] =	stream.indirect.gather [hbm4b:s3+s8], $0x40, s31, s8, $0xb8;
	[tilespmem:$0x1E000] =	vst v63  }
0x194: {  	s31 =	sadd.s32 $0xA80, s26;
	s12 =	simm.s32 $0xC200  }
0x195: {  	[tilespmem:s12], [sflag:$0x1] =	stream.indirect.gather [hbm4b:s3+s8], $0x40, s31, s8, $0xb8;
	[tilespmem:$0x1E000] =	vst v63  }
0x196: {  	s31 =	sadd.s32 $0xAA0, s26;
	s12 =	simm.s32 $0xC880  }
0x197: {  	[tilespmem:s12], [sflag:$0x1] =	stream.indirect.gather [hbm4b:s3+s8], $0x40, s31, s8, $0xb8;
	[tilespmem:$0x1E000] =	vst v63  }
0x198: {  	s31 =	sadd.s32 $0xAC0, s26;
	s12 =	simm.s32 $0xCF00  }
0x199: {  	[tilespmem:s12], [sflag:$0x1] =	stream.indirect.gather [hbm4b:s3+s8], $0x40, s31, s8, $0xb8;
	[tilespmem:$0x1E000] =	vst v63  }
0x19a: {  	s31 =	sadd.s32 $0xAE0, s26;
	s12 =	simm.s32 $0xD580  }
0x19b: {  	[tilespmem:s12], [sflag:$0x1] =	stream.indirect.gather [hbm4b:s3+s8], $0x40, s31, s8, $0xb8;
	[tilespmem:$0x1E000] =	vst v63  }
0x19c: {  	s31 =	sadd.s32 $0xB00, s26;
	s12 =	simm.s32 $0xDC00  }
0x19d: {  	[tilespmem:s12], [sflag:$0x1] =	stream.indirect.gather [hbm4b:s3+s8], $0x40, s31, s8, $0xb8;
	[tilespmem:$0x1E000] =	vst v63  }
0x19e: {  	s31 =	sadd.s32 $0xB20, s26;
	s12 =	simm.s32 $0xE280  }
0x19f: {  	[tilespmem:s12], [sflag:$0x1] =	stream.indirect.gather [hbm4b:s3+s8], $0x40, s31, s8, $0xb8;
	[tilespmem:$0x1E000] =	vst v63  }
0x1a0: {  	s31 =	sadd.s32 $0xB40, s26;
	s12 =	simm.s32 $0xE900  }
0x1a1: {  	[tilespmem:s12], [sflag:$0x1] =	stream.indirect.gather [hbm4b:s3+s8], $0x40, s31, s8, $0xb8;
	[tilespmem:$0x1E000] =	vst v63  }
0x1a2: {  	s31 =	sadd.s32 $0xB60, s26;
	s12 =	simm.s32 $0xEF80  }
0x1a3: {  	[tilespmem:s12], [sflag:$0x1] =	stream.indirect.gather [hbm4b:s3+s8], $0x40, s31, s8, $0xb8;
	[tilespmem:$0x1E000] =	vst v63  }
0x1a4: {  	s31 =	sadd.s32 $0xB80, s26;
	s12 =	simm.s32 $0xF600  }
0x1a5: {  	[tilespmem:s12], [sflag:$0x1] =	stream.indirect.gather [hbm4b:s3+s8], $0x40, s31, s8, $0xb8;
	[tilespmem:$0x1E000] =	vst v63  }
0x1a6: {  	s31 =	sadd.s32 $0xBA0, s26;
	s12 =	simm.s32 $0xFC80  }
0x1a7: {  	[tilespmem:s12], [sflag:$0x1] =	stream.indirect.gather [hbm4b:s3+s8], $0x40, s31, s8, $0xb8;
	[tilespmem:$0x1E000] =	vst v63  }
.Ltmp5:
0x1a8: {  	_ = 	snop;
	(pc) =	sbr.rel .LBB2_4-.Ltmp5, $4  }
0x1a9: {  	s31 =	sadd.s32 $0xBC0, s26;
	s12 =	simm.s32 $0x10300  }
0x1aa: {  	[tilespmem:s12], [sflag:$0x1] =	stream.indirect.gather [hbm4b:s3+s8], $0x40, s31, s8, $0xb8;
	[tilespmem:$0x1E000] =	vst v63  }
0x1ab: {  	s12 =	sadd.s32 $0xBE0, s26;
	s31 =	simm.s32 $0x10980  }
0x1ac: {  	[tilespmem:s31], [sflag:$0x1] =	stream.indirect.gather [hbm4b:s3+s8], $0x40, s12, s8, $0xb8;
	[tilespmem:$0x1E000] =	vst v63  }
.LBB2_6:
0x1ad: {  	_ =	sfence.sel $0x180000  }
0x1ae: {  	[bflag:$0x0] =	sbarrier.arrive $0xFFFF  }
0x1af: {  	_ =	strace $0x90000047  }
0x1b0: {  	s0 =	stileid.u32;
	[bflag:$0x2] =	sbarrier.arrive $0xFFFF  }
0x1b1: {  	p0 =	sne.s32 s0, $0x0;
	s0 =	rddreg [dreg:$0x2]  }
0x1b2: {  	s0 =	sadd.s32 @!p0 $0x100000, s0  }
0x1b3: {  	[sflag:s0] =	ssyncadd.tile.s32 @!p0 $0x1;
	_ =	shalt  }
.Lfunc_end2:
_tile_overlayer_lowered:
.L_overlay_start_2:
0x1b4: {  	(tag) =	ssettag $0x2  }
0x1b5: {  	s0 =	rddreg [dreg:$0x0];
	s2 =	stileid.u32  }
0x1b6: {  	s1 =	rddreg [dreg:$0x1];
	p0 =	sne.s32 s2, $0x0  }
0x1b7: {  	s3 =	rddreg [dreg:$0x2];
	[bflag:$0x3] =	sbarrier.arrive $0xFFFF;
	s2 =	simm.s32 @!p0 $0x1C05  }
0x1b8: {  	[timem:s3], [sflag:s2] =	dma.local @!p0 [hbm:s0], s1  }
0x1b9: {  	s0 =	simm.s32 @!p0 $0x5  }
0x1ba: {  	_ =	swait.ge @!p0 [sflag:s0], s1  }
0x1bb: {  	s1 =	ssub.s32 @!p0 $0x0, s1;
	[sflag:s0] =	ssyncset.done @!p0 $0x0  }
0x1bc: {  	[sflag:s0] =	ssyncadd.s32 @!p0 s1  }
0x1bd: {  	[bflag:$0x3] =	sbarrier.arrive $0xFFFF  }
0x1be: {  	_ =	shalt  }

// kernel: sparse-core-data-format-call.cloned.1.call-start
scs
called_computation_lowered:
.L_overlay_start_0:
0x0: {  	s2 =	sld [smem:$0x3FD9]  }
0x1: {  	s3 =	sld [smem:$0x3FFE];
	_ =	sdelay $0x1  }
0x2: {  	s1 =	srdreg.scid  }
0x3: {  	s0 =	sand.u32 $0x1, s1  }
0x4: {  	s18 =	sshll.u32 s0, $0xA;
	s2 =	sadd.s32 s3, s2  }
0x5: {  	s2 =	sadd.s32 s2, s18  }
0x6: {  	[smem:$0x3FC6] =	sst s2  }
0x7: {  	_ = 	snop  }
0x8: {  	s2 =	sld [smem:$0x3FD0];
	(tm) =	ssettm $0x1  }
0x9: {  	s19 =	sld [smem:$0x3FFB];
	_ =	sdelay $0x3  }
0xa: {  	_ =	strace s19  }
0xb: {  	s3 =	sld [smem:$0x3FFC];
	_ =	sdelay $0x3  }
0xc: {  	_ =	strace s3  }
0xd: {  	s3 =	sld [smem:$0x3FFD];
	_ =	sdelay $0x3  }
0xe: {  	_ =	strace s3  }
0xf: {  	_ =	strace $0x8FFFFFFF  }
0x10: {  	s20 =	sld [smem:$0x3FDB];
	_ =	sdelay $0x1  }
0x11: {  	s4 =	simm.s32 $_scs_section_size  }
0x12: {  	s5 =	simm.s32 $_size__tile_overlayer_lowered;
	s6 =	simm.s32 $_tile_overlayer_lowered  }
0x13: {  	s23 =	simm.s32 $0x1BFF;
	s22 =	sshll.u32 s6, $0x1;
	s3 =	sadd.s32 s4, s20  }
0x14: {  	s7 =	simm.s32 $0x0;
	s21 =	sshll.u32 s5, $0x1;
	s5 =	sadd.s32 s22, s3  }
0x15: {  	[timem:s7], [sflag:s23] =	dma.local [hbm:s5], s21  }
0x16: {  	_ =	swait.ge [sflag:s23], s21  }
0x17: {  	s4 =	ssub.s32 $0x0, s21;
	[sflag:s23] =	ssyncset.done $0x0  }
0x18: {  	[sflag:s23] =	ssyncadd.s32 s4;
	_ =	sdelay $0x1  }
0x19: {  	s24 =	simm.s32 $0x1B8B  }
0x1a: {  	_ =	swait.ge [sflag:s24], $0x1  }
0x1b: {  	[sflag:s24] =	ssyncset.done $0x0  }
0x1c: {  	s26 =	simm.s32 $0x1B8E;
	s25 =	sld [smem:$0x3FFE];
	[sflag:s24] =	ssyncadd.s32 $0xFFFFFFFF  }
0x1d: {  	s27 =	simm.s32 $execute0_lowered;
	[smem:$0x3FD2] =	sst s26  }
0x1e: {  	s5 =	sshll.u32 s27, $0x1;
	_ =	strace $0x80000049;
	[dreg:$0x1] =	wrdreg $0xFFFFFFFF  }
0x1f: {  	s28 =	simm.s32 $_size_execute0_lowered;
	s3 =	sadd.s32 s3, s5;
	[dreg:$0x0] =	wrdreg $0x0  }
0x20: {  	s5 =	sshll.u32 s28, $0x1;
	[dreg:$0x2] =	wrdreg s3  }
0x21: {  	[dreg:$0x3] =	wrdreg s5  }
0x22: {  	[dreg:$0x4] =	wrdreg $0xC0  }
0x23: {  	_ =	task [dreg:s7], $0x5FFFF  }
0x24: {  	[dreg:$0x1] =	wrdreg $0xFFFFFFFF  }
0x25: {  	[dreg:$0x0] =	wrdreg $0x60  }
0x26: {  	[dreg:$0x2] =	wrdreg s25  }
0x27: {  	[dreg:$0x3] =	wrdreg s2  }
0x28: {  	[dreg:$0x4] =	wrdreg $0x9  }
0x29: {  	_ =	task.clear_ibuf [dreg:s7], $0x5FFFF;
	_ =	strace $0x90000049  }
0x2a: {  	s29 =	simm.s32 $0x9;
	_ =	strace $0x8000004B  }
0x2b: {  	_ =	swait.ge [sflag:s29], $0x1  }
0x2c: {  	[sflag:s29] =	ssyncadd.s32 $0xFFFFFFFF  }
0x2d: {  	_ =	strace $0x9000004B  }
0x2e: {  	_ =	sfence  }
0x2f: {  	s30 =	sld [smem:$0x0];
	_ =	sdelay $0x2  }
0x30: {  	s31 =	sshll.u32 s1, $0xD;
	s1 =	sshrl.u32 s1, $0x2  }
0x31: {  	s3 =	sand.u32 $0x4000, s31;
	s1 =	sadd.s32 s1, s30  }
0x32: {  	s0 =	sor.u32 s3, s0;
	s1 =	sshll.u32 s1, $0x11  }
0x33: {  	s0 =	sor.u32 s1, s0  }
0x34: {  	s0 =	sadd.s32 $0x8F2B, s0  }
0x35: {  	[sflag:s0] =	ssyncadd.remote.s32 $0x1  }
0x36: {  	_ =	sfence.sel $0xFFFF  }
0x37: {  	[dreg:$0x0] =	wrdreg $0xFFFFFFFF;
	(pc) =	sbr.abs _section_cstart, $3  }
0x38: {  	[dreg:$0x1] =	wrdreg $0xFFFFFFFF  }
0x39: {  	_ =	task.clear_ibuf [dreg:s7], $0x2FFFF;
	_ =	strace $0x9FFFFFFF  }
0x3a: {  	(tm) =	ssettm $0x7FFFFFFF  }
0x3b: {  	_ =	shalt  }
tec
execute0_lowered:
.L_overlay_start_1:
0x0: {  	(tag) =	ssettag $0x1  }
0x1: {  	s0 =	srdreg.scid  }
0x2: {  	s1 =	sshll.u32 s0, $0x4  }
0x3: {  	s0 =	stileid.u32;
	s1 =	sand.u32 $0x10, s1  }
0x4: {  	s1 =	sor.u32 s0, s1  }
0x5: {  	s6 =	rddreg [dreg:$0x0];
	s4 =	simm.s32 $0x1;
	s2 =	sshll.u32 s1, $0x7  }
0x6: {  	s7 =	simm.s32 $0x2;
	s12 =	simm.s32 $0x0;
	s1 =	ssub.s32 $0x4000, s2  }
0x7: {  	s8 =	simm.s32 $0x20000;
	s13 =	simm.s32 $0x0;
	s3 =	sand.u32 $0xF80, s1  }
0x8: {  	s9 =	simm.s32 $0x0;
	s5 =	sshrl.u32 s1, $0xC;
	p0 =	sne.s32 s3, $0x0  }
.Ltmp0:
0x9: {  	s1 =	rddreg [dreg:$0x2];
	s4 =	simm.s32 @!p0 $0x0;
	(pc) =	sbr.rel .LBB1_1-.Ltmp0, $4  }
0xa: {  	s11 =	simm.s32 $0x0;
	s3 =	rddreg [dreg:$0x1];
	s5 =	sadd.s32 s4, s5  }
0xb: {  	_ =	strace $0x8000004A;
	s4 =	simm.s32 $0x1;
	s5 =	smul.u32 $0x1A, s5  }
0xc: {  	s6 =	sadd.s32 $0xA00, s6;
	s10 =	smov.u32 s2;
	[sflag:s4] =	ssyncpa.u1 $0x0  }
0xd: {  	p0 =	por $0x0, $0x0;
	[sflag:s7] =	ssyncpa.u1 $0x0;
	s7 =	sor.u32 $0x1, s5  }
.LBB1_4:
0xe: {  	s16 =	sshll.u32 s13, $0x3;
	s17 =	sand.u32 $0x78, s13  }
0xf: {  	s30 =	sand.u32 $0x1F800, s13;
	s12 =	sshll.u32 s12, $0x11;
	s16 =	sand.u32 $0x3C00, s16  }
0x10: {  	[tilespmem:s15+$0x810 ss:$0x81] =	vst.msk $0xffff, v2;
	s31 =	sand.u32 $0x7, s13;
	s16 =	sor.u32 s17, s16;
	s17 =	sadd.s32 s3, s30  }
0x11: {  	[tilespmem:s15+$0x1020 ss:$0x81] =	vst.msk $0xffff, v0;
	s13 =	sshll.u32 s31, $0x12;
	s12 =	sadd.s32 s12, s17;
	s16 =	sshrl.u32 s16, $0x3  }
0x12: {  	[tilespmem:s15+$0x0 ss:$0x81] =	vst.msk $0xffff, v1;
	s13 =	sor.u32 $0x400, s13;
	s12 =	sadd.s32 s16, s12  }
0x13: {  	[hbm4b:s12+s13] =	stream.strided.scatter [tilespmem:s14], [sflag:$0x2], $0x2000, s8, s13, $0x20;
	[tilespmem:$0x8080] =	vst v63  }
.LBB1_5:
0x14: {  	s14 =	sadd.s32 $0x1, s9  }
0x15: {  	s12 =	sadd.s32 $0x1000, s10;
	s16 =	smov.u32 s10;
	p2 =	sgt.s32 s14, $0x19  }
0x16: {  	s16 =	smov.u32 @p2 s12  }
0x17: {  	s14 =	simm.s32 @p2 $0x0;
	p2 =	sgt.s32 s16, $0x3FFF  }
0x18: {  	s16 =	smov.u32 @p2 s2;
	p2 =	sne.s32 s11, s7  }
.Ltmp1:
0x19: {  	p1 =	slt.u32 s11, $0x2;
	(pc) =	sbr.rel @!p2 .LBB1_6-.Ltmp1, $4  }
0x1a: {  	s15 =	simm.s32 @!p1 $0x2  }
0x1b: {  	s13 =	smov.u32 s10;
	p0 =	por !p0, !p0;
	_ =	swait.ge @!p1 [sflag:s15], $0x2000  }
0x1c: {  	s12 =	smov.u32 s9;
	[sflag:s15] =	ssyncset.done @!p1 $0x0;
	s9 =	smov.u32 s14  }
0x1d: {  	s11 =	sadd.s32 $0x1, s11;
	[sflag:s15] =	ssyncadd.s32 @!p1 $0xFFFFE000;
	s10 =	smov.u32 s16  }
.LBB1_1:
0x1e: {  	p1 =	sge.u32 s11, s5  }
0x1f: {  	s31 =	sadd.s32 $0xFFFFFFFF, s11;
	s14 =	sxor.u32 @!p1 $0xFFFFFFFF, s11  }
0x20: {  	s15 =	sshll.u32 @!p1 s10, $0x9;
	s16 =	sshll.u32 @!p1 s9, $0x4;
	s17 =	simm.s32 @!p1 $0x1000  }
0x21: {  	s14 =	sshll.u32 @!p1 s14, $0xD;
	s16 =	sand.u32 @!p1 $0x1F0, s16;
	s15 =	sadd.s32 @!p1 s6, s15  }
0x22: {  	s14 =	sand.u32 @!p1 $0x2000, s14;
	s15 =	sadd.s32 @!p1 s16, s15;
	s16 =	simm.s32 @!p1 $0x40  }
0x23: {  	[tilespmem:s14], [sflag:$0x1] =	stream.strided.gather @!p1 [hbm4b:s15+s16], $0x2000, s17, s16, $0x38;
	[tilespmem:$0x8080] =	vst v63  }
0x24: {  	p1 =	sge.u32 s31, s5  }
.Ltmp2:
0x25: {  	_ = 	snop;
	(pc) =	sbr.rel @p1 .LBB1_5-.Ltmp2, $1  }
0x26: {  	_ =	sdelay $0x3  }
0x27: {  	s14 =	simm.s32 $0x1  }
0x28: {  	_ =	swait.ge [sflag:s4], $0x2000;
	s14 =	simm.s32 @!p0 $0x0  }
0x29: {  	[sflag:s4] =	ssyncset.done $0x0;
	s15 =	sshll.u32 s14, $0xD  }
0x2a: {  	[sflag:s4] =	ssyncadd.s32 $0xFFFFE000;
	s18 =	sor.u32 $0x20, s15  }
0x2b: {  	s14 =	smul.u32 $0x8100, s14;
	v3 =	vld [tilespmem:s18+$0x10]  }
0x2c: {  	s30 =	sand.u32 $0x1, s11;
	v2 =	vld [tilespmem:s18+$0xFFFFFFF0]  }
0x2d: {  	s15 =	smul.u32 $0x8100, s30;
	s14 =	sshrl.u32 s14, $0x2;
	v0 =	vld [tilespmem:s18+$0x0]  }
0x2e: {  	v1 =	vld [tilespmem:s18+$0xFFFFFFE0];
	s16 =	sor.u32 $0x4000, s14  }
0x2f: {  	s31 =	sshrl.u32 s15, $0x2;
	s15 =	sadd.s32 $0x0, s16  }
0x30: {  	s17 =	simm.s32 $0x4;
	s18 =	sadd.s32 $0x40, s18;
	s14 =	sor.u32 $0x4000, s31;
	[tilespmem:s15+$0x1830 ss:$0x81] =	vst.msk $0xffff, v3  }
.LBB1_3:
0x31: {  	v3 =	vld [tilespmem:s18+$0x10];
	p1 =	sne.s32 s17, $0x1FC;
	[tilespmem:s15+$0x810 ss:$0x81] =	vst.msk $0xffff, v2;
	s19 =	smov.u32 s17;
	s17 =	sadd.s32 $0x4, s17  }
.Ltmp3:
0x32: {  	v2 =	vld [tilespmem:s18+$0xFFFFFFF0];
	[tilespmem:s15+$0x1020 ss:$0x81] =	vst.msk $0xffff, v0;
	(pc) =	sbr.rel @p1 .LBB1_3-.Ltmp3, $4  }
0x33: {  	v0 =	vld [tilespmem:s18+$0x0];
	[tilespmem:s15+$0x0 ss:$0x81] =	vst.msk $0xffff, v1  }
0x34: {  	s15 =	sshra.s32 s19, $0x2;
	v1 =	vld [tilespmem:s18+$0xFFFFFFE0]  }
0x35: {  	s15 =	sadd.s32 s15, s16  }
0x36: {  	s18 =	sadd.s32 $0x40, s18;
	[tilespmem:s15+$0x1830 ss:$0x81] =	vst.msk $0xffff, v3  }
.Ltmp4:
0x37: {  	_ = 	snop;
	(pc) =	sbr.rel .LBB1_4-.Ltmp4, $1  }
0x38: {  	_ =	sdelay $0x3  }
.LBB1_6:
0x39: {  	_ =	sfence.sel $0x180000  }
0x3a: {  	s2 =	simm.s32 $0x1;
	[bflag:$0x0] =	sbarrier.arrive $0xFFFF  }
0x3b: {  	s31 =	simm.s32 $0x2;
	[sflag:s2] =	ssyncpa.u1 $0x1  }
0x3c: {  	[sflag:s31] =	ssyncpa.u1 $0x1  }
0x3d: {  	p0 =	sne.s32 s0, $0x0;
	_ =	strace $0x9000004A  }
0x3e: {  	s0 =	sadd.s32 @!p0 $0x100000, s1;
	[bflag:$0x2] =	sbarrier.arrive $0xFFFF  }
0x3f: {  	[sflag:s0] =	ssyncadd.tile.s32 @!p0 $0x1;
	_ =	shalt  }
.Lfunc_end1:
_tile_overlayer_lowered:
.L_overlay_start_2:
0x40: {  	(tag) =	ssettag $0x2  }
0x41: {  	s0 =	rddreg [dreg:$0x0];
	s2 =	stileid.u32  }
0x42: {  	s1 =	rddreg [dreg:$0x1];
	p0 =	sne.s32 s2, $0x0  }
0x43: {  	s3 =	rddreg [dreg:$0x2];
	[bflag:$0x3] =	sbarrier.arrive $0xFFFF;
	s2 =	simm.s32 @!p0 $0x1C01  }
0x44: {  	[timem:s3], [sflag:s2] =	dma.local @!p0 [hbm:s0], s1  }
0x45: {  	s0 =	simm.s32 @!p0 $0x1  }
0x46: {  	_ =	swait.ge @!p0 [sflag:s0], s1  }
0x47: {  	s1 =	ssub.s32 @!p0 $0x0, s1;
	[sflag:s0] =	ssyncset.done @!p0 $0x0  }
0x48: {  	[sflag:s0] =	ssyncadd.s32 @!p0 s1  }
0x49: {  	[bflag:$0x3] =	sbarrier.arrive $0xFFFF  }
0x4a: {  	_ =	shalt  }

</sc_bundles>
